<compile_context>
chip_gen: v7x
topology: tpu7x:2x2x1
jax: 0.10.2.dev20260603
libtpu: 0.0.44.dev20260713+nightly
codegen_flags: <defaults>
</compile_context>

<pallas_src>
import dataclasses
import functools

import jax
import jax.numpy as jnp
from jax import lax
from jax.experimental import pallas as pl
from jax.experimental.pallas import tpu as pltpu
from jax.experimental.pallas import tpu_sc as plsc

N = 10000
E = 320000
D = 128
OUT = 4

NPAD = 10240
EPAD = 327680
NCORES = 2
NSUB = 16
NW = NCORES * NSUB
E_PER_W = EPAD // NW
CHUNK = 64
N_CHUNKS = E_PER_W // CHUNK
ROWS_PER_SUB = NPAD // NSUB
ZROWS = 64


def _sc_mesh():
    return plsc.VectorSubcoreMesh(core_axis_name="c", subcore_axis_name="s")


def _sc_compiler_params():
    cp = pltpu.CompilerParams()
    if "needs_layout_passes" in pltpu.CompilerParams.__dataclass_fields__:
        cp = dataclasses.replace(cp, needs_layout_passes=False)
    return cp


CROWS = NPAD // D
CSUBS = CROWS // 8
NGROUP = CHUNK // 16
IB = 2048
NIB = E_PER_W // IB
NC2 = IB // CHUNK
RING = 4
NIB0 = 6
NIB1 = 4


def _make_segment_sum(with_counts):
    out_type = jax.ShapeDtypeStruct((NCORES * NPAD, D), jnp.float32)
    if with_counts:
        out_type = (out_type,
                    jax.ShapeDtypeStruct((NCORES * CROWS, D), jnp.float32))
    scratch = [
        pltpu.VMEM_SHARED((NPAD, D), jnp.float32),
        pltpu.VMEM((IB,), jnp.int32),
        pltpu.VMEM((IB,), jnp.int32),
        pltpu.VMEM((CHUNK, D), jnp.float32),
        pltpu.VMEM((CHUNK, D), jnp.float32),
        pltpu.VMEM((CHUNK, D), jnp.float32),
        pltpu.VMEM((CHUNK, D), jnp.float32),
        pltpu.VMEM((CHUNK,), jnp.int32),
        pltpu.VMEM((CHUNK,), jnp.int32),
        pltpu.SemaphoreType.DMA,
        pltpu.SemaphoreType.DMA,
        pltpu.SemaphoreType.DMA,
        pltpu.SemaphoreType.DMA,
        pltpu.SemaphoreType.DMA,
    ]
    if with_counts:
        scratch += [
            pltpu.VMEM_SHARED((CROWS, D), jnp.float32),
            pltpu.VMEM((CHUNK, D), jnp.float32),
            pltpu.VMEM((CHUNK,), jnp.int32),
        ]

    def body(refs):
        if with_counts:
            (x_hbm, src_hbm, dst_hbm, zeros_hbm, tidx_hbm, sum_out, cnt_out,
             acc_sh, sblk_v, dblk_v, rows0_v, rows1_v, rows2_v, rows3_v,
             dstc0_v, dstc1_v, sem0, sem1, sem2, sem3, ssem,
             cnt_sh, crows_v, cidx_v) = refs
        else:
            (x_hbm, src_hbm, dst_hbm, zeros_hbm, tidx_hbm, sum_out,
             acc_sh, sblk_v, dblk_v, rows0_v, rows1_v, rows2_v, rows3_v,
             dstc0_v, dstc1_v, sem0, sem1, sem2, sem3, ssem) = refs
        cid = lax.axis_index("c")
        sid = lax.axis_index("s")
        wid = sid * NCORES + cid
        it16 = lax.iota(jnp.int32, 16)
        ones16 = jnp.ones((16,), jnp.float32)
        zeros16 = jnp.zeros((16,), jnp.float32)

        pltpu.sync_copy(zeros_hbm, rows0_v)
        if with_counts:
            pltpu.sync_copy(zeros_hbm, crows_v)

        row0 = sid * ROWS_PER_SUB

        @pl.loop(0, ROWS_PER_SUB, step=ZROWS)
        def _(r):
            pltpu.sync_copy(rows0_v, acc_sh.at[pl.ds(row0 + r, ZROWS)])

        if with_counts:
            @pl.when(sid < CSUBS)
            def _():
                pltpu.sync_copy(rows0_v.at[pl.ds(0, 8)],
                                cnt_sh.at[pl.ds(sid * 8, 8)])

        plsc.subcore_barrier()

        bufs = (rows0_v, rows1_v, rows2_v, rows3_v)
        sems = (sem0, sem1, sem2, sem3)
        dstcs = (dstc0_v, dstc1_v)

        def g_issue(c, buf, sem):
            pltpu.async_copy(
                x_hbm.at[sblk_v.at[pl.ds(c * CHUNK, CHUNK)]], buf, sem)

        def g_wait(buf, sem):
            pltpu.make_async_copy(
                x_hbm.at[sblk_v.at[pl.ds(0, CHUNK)]], buf, sem).wait()

        def s_wait():
            pltpu.make_async_copy(rows0_v, acc_sh.at[dstc0_v], ssem).wait()

        def process(c, buf, p):
            dstc = dstcs[p]
            for g in range(NGROUP):
                d16 = dblk_v[pl.ds(c * CHUNK + g * 16, 16)]
                dstc[pl.ds(g * 16, 16)] = d16
                if with_counts:
                    col = lax.bitwise_and(d16, D - 1)
                    row = it16 + (g * 16)
                    plsc.store_scatter(crows_v, [row, col], ones16)
                    cidx_v[pl.ds(g * 16, 16)] = lax.shift_right_logical(d16, 7)
            s_wait()
            pltpu.async_copy(buf, acc_sh.at[dstc], ssem, add=True)
            if with_counts:
                pltpu.sync_copy(crows_v, cnt_sh.at[cidx_v], add=True)
                for g in range(NGROUP):
                    d16 = dblk_v[pl.ds(c * CHUNK + g * 16, 16)]
                    col = lax.bitwise_and(d16, D - 1)
                    row = it16 + (g * 16)
                    plsc.store_scatter(crows_v, [row, col], zeros16)

        nib = jnp.where(cid == 0, NIB0, NIB1)
        ebase = jnp.where(cid == 0, sid * (NIB0 * IB),
                          NSUB * NIB0 * IB + sid * (NIB1 * IB))

        pltpu.sync_copy(tidx_hbm, dstc0_v)
        pltpu.async_copy(rows0_v, acc_sh.at[dstc0_v], ssem, add=True)

        @pl.loop(0, nib)
        def _(bi):
            boff = ebase + bi * IB
            pltpu.sync_copy(src_hbm.at[pl.ds(boff, IB)], sblk_v)
            pltpu.sync_copy(dst_hbm.at[pl.ds(boff, IB)], dblk_v)

            for j in range(RING - 1):
                g_issue(j, bufs[j], sems[j])

            @pl.loop(0, NC2 - RING, step=RING)
            def _(c0):
                for j in range(RING):
                    g_wait(bufs[j], sems[j])
                    process(c0 + j, bufs[j], j % 2)
                    g_issue(c0 + j + RING - 1,
                            bufs[(j + RING - 1) % RING], sems[(j + RING - 1) % RING])

            c0 = NC2 - RING
            for j in range(RING):
                g_wait(bufs[j], sems[j])
                process(c0 + j, bufs[j], j % 2)
                if c0 + j + RING - 1 < NC2:
                    g_issue(c0 + j + RING - 1,
                            bufs[(j + RING - 1) % RING], sems[(j + RING - 1) % RING])

        s_wait()
        plsc.subcore_barrier()

        out0 = cid * NPAD + row0

        @pl.loop(0, ROWS_PER_SUB, step=ZROWS)
        def _(r):
            pltpu.sync_copy(acc_sh.at[pl.ds(row0 + r, ZROWS)],
                            sum_out.at[pl.ds(out0 + r, ZROWS)])

        if with_counts:
            @pl.when(sid < CSUBS)
            def _():
                pltpu.sync_copy(
                    cnt_sh.at[pl.ds(sid * 8, 8)],
                    cnt_out.at[pl.ds(cid * CROWS + sid * 8, 8)])

    @functools.partial(
        pl.kernel,
        mesh=_sc_mesh(),
        out_type=out_type,
        compiler_params=_sc_compiler_params(),
        scratch_types=scratch,
    )
    def k(*refs):
        body(refs)

    def run(x_pad, src, dst):
        return k(x_pad, src, dst, jnp.zeros((ZROWS, D), jnp.float32),
                 jnp.full((CHUNK,), NPAD - 1, jnp.int32))

    return run


def _segment_sum_counts(x_pad, src, dst):
    return _make_segment_sum(True)(x_pad, src, dst)


def _segment_sum_only(x_pad, src, dst):
    return _make_segment_sum(False)(x_pad, src, dst)


BLK = 512
GRID = NPAD // BLK


def _tc_layer_body(p0, p1, c0, c1, x, wl, wr, bl, g, b):
    s = p0[...] + p1[...]
    c = c0[...] + c1[...]
    mean = s / jnp.maximum(c, 1.0)
    h = lax.dot_general(mean, wl[...], (((1,), (1,)), ((), ())),
                        precision=lax.Precision.HIGHEST,
                        preferred_element_type=jnp.float32)
    h = h + lax.dot_general(x[...], wr[...], (((1,), (1,)), ((), ())),
                            precision=lax.Precision.HIGHEST,
                            preferred_element_type=jnp.float32)
    h = h + bl[...]
    m = jnp.mean(h, axis=1, keepdims=True)
    v = jnp.mean((h - m) * (h - m), axis=1, keepdims=True)
    h = (h - m) * lax.rsqrt(v + 1e-5) * g[...] + b[...]
    return jnp.maximum(h, 0.0)


def _tc_layer(sums, cnt2, x_pad, Wl, bl, Wr, g, b):
    def body(p0_r, p1_r, c0_r, c1_r, x_r, wl_r, wr_r, bl_r, g_r, b_r, o_r):
        o_r[...] = _tc_layer_body(p0_r, p1_r, c0_r, c1_r, x_r,
                                  wl_r, wr_r, bl_r, g_r, b_r)

    row_spec = pl.BlockSpec((BLK, D), lambda i: (i, 0))
    w_spec = pl.BlockSpec((D, D), lambda i: (0, 0))
    v_spec = pl.BlockSpec((1, D), lambda i: (0, 0))
    return pl.pallas_call(
        body,
        grid=(GRID,),
        in_specs=[
            pl.BlockSpec((BLK, D), lambda i: (i, 0)),
            pl.BlockSpec((BLK, D), lambda i: (i + GRID, 0)),
            pl.BlockSpec((BLK, 1), lambda i: (i, 0)),
            pl.BlockSpec((BLK, 1), lambda i: (i + GRID, 0)),
            row_spec, w_spec, w_spec, v_spec, v_spec, v_spec,
        ],
        out_specs=row_spec,
        out_shape=jax.ShapeDtypeStruct((NPAD, D), jnp.float32),
    )(sums, sums, cnt2, cnt2, x_pad, Wl, Wr,
      bl.reshape(1, D), g.reshape(1, D), b.reshape(1, D))


def _tc_layer_head(sums, cnt2, x_pad, Wl, bl, Wr, g, b, WhP, bhP):
    def body(p0_r, p1_r, c0_r, c1_r, x_r, wl_r, wr_r, bl_r, g_r, b_r,
             wh_r, bh_r, o_r):
        h = _tc_layer_body(p0_r, p1_r, c0_r, c1_r, x_r,
                           wl_r, wr_r, bl_r, g_r, b_r)
        o_r[...] = lax.dot_general(h, wh_r[...], (((1,), (1,)), ((), ())),
                                   precision=lax.Precision.HIGHEST,
                                   preferred_element_type=jnp.float32) + bh_r[...]

    row_spec = pl.BlockSpec((BLK, D), lambda i: (i, 0))
    w_spec = pl.BlockSpec((D, D), lambda i: (0, 0))
    v_spec = pl.BlockSpec((1, D), lambda i: (0, 0))
    return pl.pallas_call(
        body,
        grid=(GRID,),
        in_specs=[
            pl.BlockSpec((BLK, D), lambda i: (i, 0)),
            pl.BlockSpec((BLK, D), lambda i: (i + GRID, 0)),
            pl.BlockSpec((BLK, 1), lambda i: (i, 0)),
            pl.BlockSpec((BLK, 1), lambda i: (i + GRID, 0)),
            row_spec, w_spec, w_spec, v_spec, v_spec, v_spec,
            w_spec, v_spec,
        ],
        out_specs=row_spec,
        out_shape=jax.ShapeDtypeStruct((NPAD, D), jnp.float32),
    )(sums, sums, cnt2, cnt2, x_pad, Wl, Wr,
      bl.reshape(1, D), g.reshape(1, D), b.reshape(1, D), WhP, bhP)


def kernel(x, edge_index, W1l, b1l, W1r, ln1_g, ln1_b,
           W2l, b2l, W2r, ln2_g, ln2_b, Wh, bh):
    src = jnp.concatenate([edge_index[0], jnp.zeros((EPAD - E,), jnp.int32)])
    pad_dst = N + jnp.arange(EPAD - E, dtype=jnp.int32) % (NPAD - N)
    dst = jnp.concatenate([edge_index[1], pad_dst])
    x_pad = jnp.pad(x, ((0, NPAD - N), (0, 0)))

    sums1, cnts = _segment_sum_counts(x_pad, src, dst)
    cnt2 = cnts.reshape(NCORES * NPAD, 1)
    h1 = _tc_layer(sums1, cnt2, x_pad, W1l, b1l, W1r, ln1_g, ln1_b)
    sums2 = _segment_sum_only(h1, src, dst)
    WhP = jnp.zeros((D, D), jnp.float32).at[:OUT].set(Wh)
    bhP = jnp.zeros((1, D), jnp.float32).at[0, :OUT].set(bh)
    out = _tc_layer_head(sums2, cnt2, h1, W2l, b2l, W2r, ln2_g, ln2_b, WhP, bhP)
    return out[:N, :OUT]

# --- scband reference (transcript-rebuilt; emitter-appended) ---
"""Pipeline reference for scband-graph-sage-pi-72181220377205 (READ-ONLY COPY).

The authoritative reference and input builder live on the scoring server;
editing this copy changes nothing except your own understanding.
"""

import jax, jax.numpy as jnp
import numpy as np

N = 10000
E = 320000
D = 128
H = 128
OUT = 4


def _glorot(key, shape):
    fan_in, fan_out = shape[1], shape[0]
    limit = np.sqrt(6.0 / (fan_in + fan_out))
    return jax.random.uniform(key, shape, minval=-limit, maxval=limit, dtype=jnp.float32)


def setup_inputs(seed: int = 0) -> dict:
    key = jax.random.key(seed)
    ks = jax.random.split(key, 12)
    x = jax.random.normal(ks[0], (N, D), dtype=jnp.float32)
    edge_index = jax.random.randint(ks[1], (2, E), 0, N, dtype=jnp.int32)
    return {
        "x": x,
        "edge_index": edge_index,
        "W1l": _glorot(ks[2], (H, D)), "b1l": jnp.zeros((H,), jnp.float32), "W1r": _glorot(ks[3], (H, D)),
        "ln1_g": jnp.ones((H,), jnp.float32), "ln1_b": jnp.zeros((H,), jnp.float32),
        "W2l": _glorot(ks[4], (H, H)), "b2l": jnp.zeros((H,), jnp.float32), "W2r": _glorot(ks[5], (H, H)),
        "ln2_g": jnp.ones((H,), jnp.float32), "ln2_b": jnp.zeros((H,), jnp.float32),
        "Wh": _glorot(ks[6], (OUT, H)), "bh": jnp.zeros((OUT,), jnp.float32),
    }


def _sage_conv(x, edge_index, Wl, bl, Wr):
    # PyG SAGEConv (mean aggr, root_weight=True): out = lin_l(mean_j x_j) + lin_r(x_i)
    src = edge_index[0]
    dst = edge_index[1]
    msg = jnp.take(x, src, axis=0)
    summed = jax.ops.segment_sum(msg, dst, num_segments=N)
    cnt = jax.ops.segment_sum(jnp.ones((edge_index.shape[1],), dtype=x.dtype), dst, num_segments=N)
    mean = summed / jnp.clip(cnt, 1.0)[:, None]
    return mean @ Wl.T + bl + x @ Wr.T


def _layer_norm(x, g, b):
    m = jnp.mean(x, axis=-1, keepdims=True)
    v = jnp.var(x, axis=-1, keepdims=True)
    return (x - m) / jnp.sqrt(v + 1e-5) * g + b


def reference(x, edge_index, W1l, b1l, W1r, ln1_g, ln1_b, W2l, b2l, W2r, ln2_g, ln2_b, Wh, bh):
    h = _sage_conv(x, edge_index, W1l, b1l, W1r)
    h = _layer_norm(h, ln1_g, ln1_b)
    h = jax.nn.relu(h)
    # dropout is identity in eval mode
    h = _sage_conv(h, edge_index, W2l, b2l, W2r)
    h = _layer_norm(h, ln2_g, ln2_b)
    h = jax.nn.relu(h)
    return h @ Wh.T + bh

if __name__ == "__main__":
    import jax
    _d = setup_inputs()
    print(jax.jit(kernel)(*tuple(_d.values())))

</pallas_src>

<mosaic_0001>
#map = affine_map<(d0, d1) -> (0, 0)>
#map1 = affine_map<(d0, d1) -> (0)>
module attributes {stable_mosaic.version = 14 : i64} {
  func.func @k(%arg0: i32, %arg1: i32, %arg2: memref<10240x128xf32, #tpu.memory_space<hbm>>, %arg3: memref<327680xi32, #tpu.memory_space<hbm>>, %arg4: memref<327680xi32, #tpu.memory_space<hbm>>, %arg5: memref<64x128xf32, #tpu.memory_space<hbm>>, %arg6: memref<64xi32, #tpu.memory_space<hbm>>, %arg7: memref<20480x128xf32, #tpu.memory_space<hbm>>, %arg8: memref<10240x128xf32, #tpu.memory_space<vmem_shared>>, %arg9: memref<2048xi32, #tpu.memory_space<vmem>>, %arg10: memref<2048xi32, #tpu.memory_space<vmem>>, %arg11: memref<64x128xf32, #tpu.memory_space<vmem>>, %arg12: memref<64x128xf32, #tpu.memory_space<vmem>>, %arg13: memref<64x128xf32, #tpu.memory_space<vmem>>, %arg14: memref<64x128xf32, #tpu.memory_space<vmem>>, %arg15: memref<64xi32, #tpu.memory_space<vmem>>, %arg16: memref<64xi32, #tpu.memory_space<vmem>>, %arg17: memref<!tpu.dma_semaphore, #tpu.memory_space<semaphore_mem>>, %arg18: memref<!tpu.dma_semaphore, #tpu.memory_space<semaphore_mem>>, %arg19: memref<!tpu.dma_semaphore, #tpu.memory_space<semaphore_mem>>, %arg20: memref<!tpu.dma_semaphore, #tpu.memory_space<semaphore_mem>>, %arg21: memref<!tpu.dma_semaphore, #tpu.memory_space<semaphore_mem>>) attributes {dimension_semantics = [#tpu.dimension_semantics<core_parallel>, #tpu.dimension_semantics<subcore_parallel>], iteration_bounds = array<i64: 2, 16>, scalar_prefetch = 0 : i64, scratch_operands = 14 : i64, tpu.core_type = #tpu.core_type<sc_vector_subcore>, window_params = [{transform_indices = #map}, {transform_indices = #map1}, {transform_indices = #map1}, {transform_indices = #map}, {transform_indices = #map1}, {transform_indices = #map}]} {
    %mul3A = arith.constant 2 : i32
    %mul3A_0 = arith.muli %arg1, %mul3A : i32
    %add3A = arith.addi %mul3A_0, %arg0 : i32
    %iota3A = tpu.iota {dimensions = array<i32: 0>} : vector<16xi32>
    %broadcast_in_dim3A = arith.constant 1.000000e+00 : f32
    %broadcast_in_dim3A_1 = vector.broadcast %broadcast_in_dim3A : f32 to vector<16xf32>
    %broadcast_in_dim3A_2 = arith.constant 0.000000e+00 : f32
    %broadcast_in_dim3A_3 = vector.broadcast %broadcast_in_dim3A_2 : f32 to vector<16xf32>
    "tpu.region"() ({
      %run_scoped3A = tpu.sem_alloc : memref<!tpu.dma_semaphore, #tpu.memory_space<semaphore_mem>>
      tpu.enqueue_dma source(%arg5 : memref<64x128xf32, #tpu.memory_space<hbm>>) target(%arg11 : memref<64x128xf32, #tpu.memory_space<vmem>>) target_semaphore(%run_scoped3A : memref<!tpu.dma_semaphore, #tpu.memory_space<semaphore_mem>>)
      tpu.wait_dma2 semaphore(%run_scoped3A : memref<!tpu.dma_semaphore, #tpu.memory_space<semaphore_mem>>) src(%arg5 : memref<64x128xf32, #tpu.memory_space<hbm>>) dst(%arg11 : memref<64x128xf32, #tpu.memory_space<vmem>>)
      tpu.yield
    }) : () -> ()
    %mul3A_4 = arith.constant 640 : i32
    %mul3A_5 = arith.muli %arg1, %mul3A_4 : i32
    %scan3A = arith.constant 0 : i32
    %scan3A_6 = arith.constant 10 : i32
    %scan3A_7 = arith.addi %scan3A, %scan3A_6 : i32
    %scan3A_8 = arith.constant 1 : i32
    scf.for %scan3A_50 = %scan3A to %scan3A_7 step %scan3A_8  : i32 {
      %mul3A_51 = arith.constant 64 : i32
      %mul3A_52 = arith.muli %scan3A_50, %mul3A_51 : i32
      %add3A_53 = arith.constant 0 : i32
      %add3A_54 = arith.addi %add3A_53, %mul3A_52 : i32
      %add3A_55 = arith.addi %mul3A_5, %add3A_54 : i32
      "tpu.region"() ({
        %run_scoped3A = tpu.sem_alloc : memref<!tpu.dma_semaphore, #tpu.memory_space<semaphore_mem>>
        %dma_start3A_56 = arith.constant 0 : i32
        %dma_start3A_57 = tpu.memref_slice %arg8[%add3A_55, %dma_start3A_56] : memref<10240x128xf32, #tpu.memory_space<vmem_shared>> -> memref<64x128xf32, #tpu.memory_space<vmem_shared>>
        %dma_start3A_58 = arith.constant 0 : i32
        %dma_start3A_59 = tpu.memref_slice %arg8[%add3A_55, %dma_start3A_58] : memref<10240x128xf32, #tpu.memory_space<vmem_shared>> -> memref<64x128xf32, #tpu.memory_space<vmem_shared>>
        tpu.enqueue_dma source(%arg11 : memref<64x128xf32, #tpu.memory_space<vmem>>) target(%dma_start3A_59 : memref<64x128xf32, #tpu.memory_space<vmem_shared>>) target_semaphore(%run_scoped3A : memref<!tpu.dma_semaphore, #tpu.memory_space<semaphore_mem>>)
        %dma_wait3A_60 = arith.constant 0 : i32
        %dma_wait3A_61 = tpu.memref_slice %arg8[%add3A_55, %dma_wait3A_60] : memref<10240x128xf32, #tpu.memory_space<vmem_shared>> -> memref<64x128xf32, #tpu.memory_space<vmem_shared>>
        %dma_wait3A_62 = arith.constant 0 : i32
        %dma_wait3A_63 = tpu.memref_slice %arg8[%add3A_55, %dma_wait3A_62] : memref<10240x128xf32, #tpu.memory_space<vmem_shared>> -> memref<64x128xf32, #tpu.memory_space<vmem_shared>>
        tpu.wait_dma2 semaphore(%run_scoped3A : memref<!tpu.dma_semaphore, #tpu.memory_space<semaphore_mem>>) src(%arg11 : memref<64x128xf32, #tpu.memory_space<vmem>>) dst(%dma_wait3A_63 : memref<64x128xf32, #tpu.memory_space<vmem_shared>>)
        tpu.yield
      }) : () -> ()
    }
    %scan3A_9 = arith.constant 10 : i32
    %barrier3A = arith.constant 0 : index
    tpu.barrier barrier_id(%barrier3A)
    %eq3A = arith.constant 0 : i32
    %eq3A_10 = arith.cmpi eq, %arg0, %eq3A : i32
    %jit3A = arith.constant 6 : i32
    %jit3A_11 = arith.constant 4 : i32
    %select_n3A = arith.select %eq3A_10, %jit3A, %jit3A_11 : i32
    %eq3A_12 = arith.constant 0 : i32
    %eq3A_13 = arith.cmpi eq, %arg0, %eq3A_12 : i32
    %mul3A_14 = arith.constant 12288 : i32
    %mul3A_15 = arith.muli %arg1, %mul3A_14 : i32
    %mul3A_16 = arith.constant 8192 : i32
    %mul3A_17 = arith.muli %arg1, %mul3A_16 : i32
    %add3A_18 = arith.constant 196608 : i32
    %add3A_19 = arith.addi %add3A_18, %mul3A_17 : i32
    %select_n3A_20 = arith.select %eq3A_13, %mul3A_15, %add3A_19 : i32
    "tpu.region"() ({
      %run_scoped3A = tpu.sem_alloc : memref<!tpu.dma_semaphore, #tpu.memory_space<semaphore_mem>>
      tpu.enqueue_dma source(%arg6 : memref<64xi32, #tpu.memory_space<hbm>>) target(%arg15 : memref<64xi32, #tpu.memory_space<vmem>>) target_semaphore(%run_scoped3A : memref<!tpu.dma_semaphore, #tpu.memory_space<semaphore_mem>>)
      tpu.wait_dma2 semaphore(%run_scoped3A : memref<!tpu.dma_semaphore, #tpu.memory_space<semaphore_mem>>) src(%arg6 : memref<64xi32, #tpu.memory_space<hbm>>) dst(%arg15 : memref<64xi32, #tpu.memory_space<vmem>>)
      tpu.yield
    }) : () -> ()
    %dma_start3A = arith.constant 0 : i32
    %dma_start3A_21 = arith.constant 0 : i32
    %dma_start3A_22 = tpu.memref_slice %arg8[%dma_start3A, %dma_start3A_21] : memref<10240x128xf32, #tpu.memory_space<vmem_shared>> -> memref<10240x128xf32, #tpu.memory_space<vmem_shared>>
    tpu.enqueue_indirect_dma source(%arg11 : memref<64x128xf32, #tpu.memory_space<vmem>>) target(%dma_start3A_22 : memref<10240x128xf32, #tpu.memory_space<vmem_shared>>) offsets(%arg15 : memref<64xi32, #tpu.memory_space<vmem>>) semaphore(%arg21 : memref<!tpu.dma_semaphore, #tpu.memory_space<semaphore_mem>>) {add = true}
    %sub3A = arith.constant 0 : i32
    %sub3A_23 = arith.subi %select_n3A, %sub3A : i32
    %sub3A_24 = arith.constant 1 : i32
    %sub3A_25 = arith.constant 1 : i32
    %sub3A_26 = arith.subi %sub3A_24, %sub3A_25 : i32
    %add3A_27 = arith.addi %sub3A_23, %sub3A_26 : i32
    %div3A = arith.constant 1 : i32
    %div3A_28 = arith.divsi %add3A_27, %div3A : i32
    %while3A = arith.constant 1 : i32
    %while3A_29 = arith.constant 0 : i32
    %while3A_30 = arith.constant 0 : i32
    %while3A_31 = arith.subi %div3A_28, %while3A_30 : i32
    %while3A_32 = arith.addi %while3A_30, %while3A_31 : i32
    %while3A_33 = arith.constant 1 : i32
    %while3A_34 = arith.divsi %while3A_31, %while3A_33 : i32
    %while3A_35 = arith.muli %while3A_34, %while3A_33 : i32
    %while3A_36 = arith.addi %while3A_30, %while3A_35 : i32
    %while3A_37 = arith.constant 1 : i32
    scf.for %while3A_50 = %while3A_30 to %while3A_36 step %while3A_37  : i32 {
      %mul3A_51 = arith.muli %while3A_50, %while3A : i32
      %add3A_52 = arith.addi %while3A_29, %mul3A_51 : i32
      %mul3A_53 = arith.constant 2048 : i32
      %mul3A_54 = arith.muli %add3A_52, %mul3A_53 : i32
      %add3A_55 = arith.addi %select_n3A_20, %mul3A_54 : i32
      "tpu.region"() ({
        %run_scoped3A = tpu.sem_alloc : memref<!tpu.dma_semaphore, #tpu.memory_space<semaphore_mem>>
        %dma_start3A_187 = tpu.memref_slice %arg3[%add3A_55] : memref<327680xi32, #tpu.memory_space<hbm>> -> memref<2048xi32, #tpu.memory_space<hbm>>
        %dma_start3A_188 = tpu.memref_slice %arg3[%add3A_55] : memref<327680xi32, #tpu.memory_space<hbm>> -> memref<2048xi32, #tpu.memory_space<hbm>>
        tpu.enqueue_dma source(%dma_start3A_188 : memref<2048xi32, #tpu.memory_space<hbm>>) target(%arg9 : memref<2048xi32, #tpu.memory_space<vmem>>) target_semaphore(%run_scoped3A : memref<!tpu.dma_semaphore, #tpu.memory_space<semaphore_mem>>)
        %dma_wait3A_189 = tpu.memref_slice %arg3[%add3A_55] : memref<327680xi32, #tpu.memory_space<hbm>> -> memref<2048xi32, #tpu.memory_space<hbm>>
        %dma_wait3A_190 = tpu.memref_slice %arg3[%add3A_55] : memref<327680xi32, #tpu.memory_space<hbm>> -> memref<2048xi32, #tpu.memory_space<hbm>>
        tpu.wait_dma2 semaphore(%run_scoped3A : memref<!tpu.dma_semaphore, #tpu.memory_space<semaphore_mem>>) src(%dma_wait3A_190 : memref<2048xi32, #tpu.memory_space<hbm>>) dst(%arg9 : memref<2048xi32, #tpu.memory_space<vmem>>)
        tpu.yield
      }) : () -> ()
      "tpu.region"() ({
        %run_scoped3A = tpu.sem_alloc : memref<!tpu.dma_semaphore, #tpu.memory_space<semaphore_mem>>
        %dma_start3A_187 = tpu.memref_slice %arg4[%add3A_55] : memref<327680xi32, #tpu.memory_space<hbm>> -> memref<2048xi32, #tpu.memory_space<hbm>>
        %dma_start3A_188 = tpu.memref_slice %arg4[%add3A_55] : memref<327680xi32, #tpu.memory_space<hbm>> -> memref<2048xi32, #tpu.memory_space<hbm>>
        tpu.enqueue_dma source(%dma_start3A_188 : memref<2048xi32, #tpu.memory_space<hbm>>) target(%arg10 : memref<2048xi32, #tpu.memory_space<vmem>>) target_semaphore(%run_scoped3A : memref<!tpu.dma_semaphore, #tpu.memory_space<semaphore_mem>>)
        %dma_wait3A_189 = tpu.memref_slice %arg4[%add3A_55] : memref<327680xi32, #tpu.memory_space<hbm>> -> memref<2048xi32, #tpu.memory_space<hbm>>
        %dma_wait3A_190 = tpu.memref_slice %arg4[%add3A_55] : memref<327680xi32, #tpu.memory_space<hbm>> -> memref<2048xi32, #tpu.memory_space<hbm>>
        tpu.wait_dma2 semaphore(%run_scoped3A : memref<!tpu.dma_semaphore, #tpu.memory_space<semaphore_mem>>) src(%dma_wait3A_190 : memref<2048xi32, #tpu.memory_space<hbm>>) dst(%arg10 : memref<2048xi32, #tpu.memory_space<vmem>>)
        tpu.yield
      }) : () -> ()
      %dma_start3A_56 = arith.constant 0 : i32
      %dma_start3A_57 = tpu.memref_slice %arg9[%dma_start3A_56] : memref<2048xi32, #tpu.memory_space<vmem>> -> memref<64xi32, #tpu.memory_space<vmem>>
      %dma_start3A_58 = arith.constant 0 : i32
      %dma_start3A_59 = arith.constant 0 : i32
      %dma_start3A_60 = tpu.memref_slice %arg2[%dma_start3A_58, %dma_start3A_59] : memref<10240x128xf32, #tpu.memory_space<hbm>> -> memref<10240x128xf32, #tpu.memory_space<hbm>>
      tpu.enqueue_indirect_dma source(%dma_start3A_60 : memref<10240x128xf32, #tpu.memory_space<hbm>>) target(%arg11 : memref<64x128xf32, #tpu.memory_space<vmem>>) offsets(%dma_start3A_57 : memref<64xi32, #tpu.memory_space<vmem>>) semaphore(%arg17 : memref<!tpu.dma_semaphore, #tpu.memory_space<semaphore_mem>>)
      %dma_start3A_61 = arith.constant 64 : i32
      %dma_start3A_62 = tpu.memref_slice %arg9[%dma_start3A_61] : memref<2048xi32, #tpu.memory_space<vmem>> -> memref<64xi32, #tpu.memory_space<vmem>>
      %dma_start3A_63 = arith.constant 0 : i32
      %dma_start3A_64 = arith.constant 0 : i32
      %dma_start3A_65 = tpu.memref_slice %arg2[%dma_start3A_63, %dma_start3A_64] : memref<10240x128xf32, #tpu.memory_space<hbm>> -> memref<10240x128xf32, #tpu.memory_space<hbm>>
      tpu.enqueue_indirect_dma source(%dma_start3A_65 : memref<10240x128xf32, #tpu.memory_space<hbm>>) target(%arg12 : memref<64x128xf32, #tpu.memory_space<vmem>>) offsets(%dma_start3A_62 : memref<64xi32, #tpu.memory_space<vmem>>) semaphore(%arg18 : memref<!tpu.dma_semaphore, #tpu.memory_space<semaphore_mem>>)
      %dma_start3A_66 = arith.constant 128 : i32
      %dma_start3A_67 = tpu.memref_slice %arg9[%dma_start3A_66] : memref<2048xi32, #tpu.memory_space<vmem>> -> memref<64xi32, #tpu.memory_space<vmem>>
      %dma_start3A_68 = arith.constant 0 : i32
      %dma_start3A_69 = arith.constant 0 : i32
      %dma_start3A_70 = tpu.memref_slice %arg2[%dma_start3A_68, %dma_start3A_69] : memref<10240x128xf32, #tpu.memory_space<hbm>> -> memref<10240x128xf32, #tpu.memory_space<hbm>>
      tpu.enqueue_indirect_dma source(%dma_start3A_70 : memref<10240x128xf32, #tpu.memory_space<hbm>>) target(%arg13 : memref<64x128xf32, #tpu.memory_space<vmem>>) offsets(%dma_start3A_67 : memref<64xi32, #tpu.memory_space<vmem>>) semaphore(%arg19 : memref<!tpu.dma_semaphore, #tpu.memory_space<semaphore_mem>>)
      %scan3A_71 = arith.constant 0 : i32
      %scan3A_72 = arith.constant 7 : i32
      %scan3A_73 = arith.addi %scan3A_71, %scan3A_72 : i32
      %scan3A_74 = arith.constant 1 : i32
      scf.for %scan3A_187 = %scan3A_71 to %scan3A_73 step %scan3A_74  : i32 {
        %mul3A_188 = arith.constant 4 : i32
        %mul3A_189 = arith.muli %scan3A_187, %mul3A_188 : i32
        %add3A_190 = arith.constant 0 : i32
        %add3A_191 = arith.addi %add3A_190, %mul3A_189 : i32
        %dma_wait3A_192 = arith.constant 0 : i32
        %dma_wait3A_193 = tpu.memref_slice %arg9[%dma_wait3A_192] : memref<2048xi32, #tpu.memory_space<vmem>> -> memref<64xi32, #tpu.memory_space<vmem>>
        %dma_wait3A_194 = arith.constant 0 : i32
        %dma_wait3A_195 = arith.constant 0 : i32
        %dma_wait3A_196 = tpu.memref_slice %arg2[%dma_wait3A_194, %dma_wait3A_195] : memref<10240x128xf32, #tpu.memory_space<hbm>> -> memref<10240x128xf32, #tpu.memory_space<hbm>>
        tpu.wait_indirect_dma semaphore(%arg17 : memref<!tpu.dma_semaphore, #tpu.memory_space<semaphore_mem>>) src(%dma_wait3A_196 : memref<10240x128xf32, #tpu.memory_space<hbm>>) dst(%arg11 : memref<64x128xf32, #tpu.memory_space<vmem>>)
        %add3A_197 = arith.constant 0 : i32
        %add3A_198 = arith.addi %add3A_191, %add3A_197 : i32
        %mul3A_199 = arith.constant 64 : i32
        %mul3A_200 = arith.muli %add3A_198, %mul3A_199 : i32
        %add3A_201 = arith.constant 0 : i32
        %add3A_202 = arith.addi %mul3A_200, %add3A_201 : i32
        %get3A_203 = arith.index_cast %add3A_202 : i32 to index
        %get3A_204 = tpu.vector_load %arg10[%get3A_203] {strides = array<i32>} : memref<2048xi32, #tpu.memory_space<vmem>>, vector<16xi32>,
        %swap3A_205 = arith.constant 0 : index
        %swap3A_206 = tpu.vector_load %arg15[%swap3A_205] {strides = array<i32>} : memref<64xi32, #tpu.memory_space<vmem>>, vector<16xi32>,
        tpu.vector_store %arg15[%swap3A_205], %get3A_204 {strides = array<i32>} : memref<64xi32, #tpu.memory_space<vmem>>, vector<16xi32>,
        %mul3A_207 = arith.constant 64 : i32
        %mul3A_208 = arith.muli %add3A_198, %mul3A_207 : i32
        %add3A_209 = arith.constant 16 : i32
        %add3A_210 = arith.addi %mul3A_208, %add3A_209 : i32
        %get3A_211 = arith.index_cast %add3A_210 : i32 to index
        %get3A_212 = tpu.vector_load %arg10[%get3A_211] {strides = array<i32>} : memref<2048xi32, #tpu.memory_space<vmem>>, vector<16xi32>,
        %swap3A_213 = arith.constant 16 : index
        %swap3A_214 = tpu.vector_load %arg15[%swap3A_213] {strides = array<i32>} : memref<64xi32, #tpu.memory_space<vmem>>, vector<16xi32>,
        tpu.vector_store %arg15[%swap3A_213], %get3A_212 {strides = array<i32>} : memref<64xi32, #tpu.memory_space<vmem>>, vector<16xi32>,
        %mul3A_215 = arith.constant 64 : i32
        %mul3A_216 = arith.muli %add3A_198, %mul3A_215 : i32
        %add3A_217 = arith.constant 32 : i32
        %add3A_218 = arith.addi %mul3A_216, %add3A_217 : i32
        %get3A_219 = arith.index_cast %add3A_218 : i32 to index
        %get3A_220 = tpu.vector_load %arg10[%get3A_219] {strides = array<i32>} : memref<2048xi32, #tpu.memory_space<vmem>>, vector<16xi32>,
        %swap3A_221 = arith.constant 32 : index
        %swap3A_222 = tpu.vector_load %arg15[%swap3A_221] {strides = array<i32>} : memref<64xi32, #tpu.memory_space<vmem>>, vector<16xi32>,
        tpu.vector_store %arg15[%swap3A_221], %get3A_220 {strides = array<i32>} : memref<64xi32, #tpu.memory_space<vmem>>, vector<16xi32>,
        %mul3A_223 = arith.constant 64 : i32
        %mul3A_224 = arith.muli %add3A_198, %mul3A_223 : i32
        %add3A_225 = arith.constant 48 : i32
        %add3A_226 = arith.addi %mul3A_224, %add3A_225 : i32
        %get3A_227 = arith.index_cast %add3A_226 : i32 to index
        %get3A_228 = tpu.vector_load %arg10[%get3A_227] {strides = array<i32>} : memref<2048xi32, #tpu.memory_space<vmem>>, vector<16xi32>,
        %swap3A_229 = arith.constant 48 : index
        %swap3A_230 = tpu.vector_load %arg15[%swap3A_229] {strides = array<i32>} : memref<64xi32, #tpu.memory_space<vmem>>, vector<16xi32>,
        tpu.vector_store %arg15[%swap3A_229], %get3A_228 {strides = array<i32>} : memref<64xi32, #tpu.memory_space<vmem>>, vector<16xi32>,
        %dma_wait3A_231 = arith.constant 0 : i32
        %dma_wait3A_232 = arith.constant 0 : i32
        %dma_wait3A_233 = tpu.memref_slice %arg8[%dma_wait3A_231, %dma_wait3A_232] : memref<10240x128xf32, #tpu.memory_space<vmem_shared>> -> memref<10240x128xf32, #tpu.memory_space<vmem_shared>>
        tpu.wait_indirect_dma semaphore(%arg21 : memref<!tpu.dma_semaphore, #tpu.memory_space<semaphore_mem>>) src(%arg11 : memref<64x128xf32, #tpu.memory_space<vmem>>) dst(%dma_wait3A_233 : memref<10240x128xf32, #tpu.memory_space<vmem_shared>>)
        %dma_start3A_234 = arith.constant 0 : i32
        %dma_start3A_235 = arith.constant 0 : i32
        %dma_start3A_236 = tpu.memref_slice %arg8[%dma_start3A_234, %dma_start3A_235] : memref<10240x128xf32, #tpu.memory_space<vmem_shared>> -> memref<10240x128xf32, #tpu.memory_space<vmem_shared>>
        tpu.enqueue_indirect_dma source(%arg11 : memref<64x128xf32, #tpu.memory_space<vmem>>) target(%dma_start3A_236 : memref<10240x128xf32, #tpu.memory_space<vmem_shared>>) offsets(%arg15 : memref<64xi32, #tpu.memory_space<vmem>>) semaphore(%arg21 : memref<!tpu.dma_semaphore, #tpu.memory_space<semaphore_mem>>) {add = true}
        %add3A_237 = arith.constant 0 : i32
        %add3A_238 = arith.addi %add3A_191, %add3A_237 : i32
        %add3A_239 = arith.constant 4 : i32
        %add3A_240 = arith.addi %add3A_238, %add3A_239 : i32
        %sub3A_241 = arith.constant 1 : i32
        %sub3A_242 = arith.subi %add3A_240, %sub3A_241 : i32
        %mul3A_243 = arith.constant 64 : i32
        %mul3A_244 = arith.muli %sub3A_242, %mul3A_243 : i32
        %dma_start3A_245 = tpu.memref_slice %arg9[%mul3A_244] : memref<2048xi32, #tpu.memory_space<vmem>> -> memref<64xi32, #tpu.memory_space<vmem>>
        %dma_start3A_246 = arith.constant 0 : i32
        %dma_start3A_247 = arith.constant 0 : i32
        %dma_start3A_248 = tpu.memref_slice %arg2[%dma_start3A_246, %dma_start3A_247] : memref<10240x128xf32, #tpu.memory_space<hbm>> -> memref<10240x128xf32, #tpu.memory_space<hbm>>
        tpu.enqueue_indirect_dma source(%dma_start3A_248 : memref<10240x128xf32, #tpu.memory_space<hbm>>) target(%arg14 : memref<64x128xf32, #tpu.memory_space<vmem>>) offsets(%dma_start3A_245 : memref<64xi32, #tpu.memory_space<vmem>>) semaphore(%arg20 : memref<!tpu.dma_semaphore, #tpu.memory_space<semaphore_mem>>)
        %dma_wait3A_249 = arith.constant 0 : i32
        %dma_wait3A_250 = tpu.memref_slice %arg9[%dma_wait3A_249] : memref<2048xi32, #tpu.memory_space<vmem>> -> memref<64xi32, #tpu.memory_space<vmem>>
        %dma_wait3A_251 = arith.constant 0 : i32
        %dma_wait3A_252 = arith.constant 0 : i32
        %dma_wait3A_253 = tpu.memref_slice %arg2[%dma_wait3A_251, %dma_wait3A_252] : memref<10240x128xf32, #tpu.memory_space<hbm>> -> memref<10240x128xf32, #tpu.memory_space<hbm>>
        tpu.wait_indirect_dma semaphore(%arg18 : memref<!tpu.dma_semaphore, #tpu.memory_space<semaphore_mem>>) src(%dma_wait3A_253 : memref<10240x128xf32, #tpu.memory_space<hbm>>) dst(%arg12 : memref<64x128xf32, #tpu.memory_space<vmem>>)
        %add3A_254 = arith.constant 1 : i32
        %add3A_255 = arith.addi %add3A_191, %add3A_254 : i32
        %mul3A_256 = arith.constant 64 : i32
        %mul3A_257 = arith.muli %add3A_255, %mul3A_256 : i32
        %add3A_258 = arith.constant 0 : i32
        %add3A_259 = arith.addi %mul3A_257, %add3A_258 : i32
        %get3A_260 = arith.index_cast %add3A_259 : i32 to index
        %get3A_261 = tpu.vector_load %arg10[%get3A_260] {strides = array<i32>} : memref<2048xi32, #tpu.memory_space<vmem>>, vector<16xi32>,
        %swap3A_262 = arith.constant 0 : index
        %swap3A_263 = tpu.vector_load %arg16[%swap3A_262] {strides = array<i32>} : memref<64xi32, #tpu.memory_space<vmem>>, vector<16xi32>,
        tpu.vector_store %arg16[%swap3A_262], %get3A_261 {strides = array<i32>} : memref<64xi32, #tpu.memory_space<vmem>>, vector<16xi32>,
        %mul3A_264 = arith.constant 64 : i32
        %mul3A_265 = arith.muli %add3A_255, %mul3A_264 : i32
        %add3A_266 = arith.constant 16 : i32
        %add3A_267 = arith.addi %mul3A_265, %add3A_266 : i32
        %get3A_268 = arith.index_cast %add3A_267 : i32 to index
        %get3A_269 = tpu.vector_load %arg10[%get3A_268] {strides = array<i32>} : memref<2048xi32, #tpu.memory_space<vmem>>, vector<16xi32>,
        %swap3A_270 = arith.constant 16 : index
        %swap3A_271 = tpu.vector_load %arg16[%swap3A_270] {strides = array<i32>} : memref<64xi32, #tpu.memory_space<vmem>>, vector<16xi32>,
        tpu.vector_store %arg16[%swap3A_270], %get3A_269 {strides = array<i32>} : memref<64xi32, #tpu.memory_space<vmem>>, vector<16xi32>,
        %mul3A_272 = arith.constant 64 : i32
        %mul3A_273 = arith.muli %add3A_255, %mul3A_272 : i32
        %add3A_274 = arith.constant 32 : i32
        %add3A_275 = arith.addi %mul3A_273, %add3A_274 : i32
        %get3A_276 = arith.index_cast %add3A_275 : i32 to index
        %get3A_277 = tpu.vector_load %arg10[%get3A_276] {strides = array<i32>} : memref<2048xi32, #tpu.memory_space<vmem>>, vector<16xi32>,
        %swap3A_278 = arith.constant 32 : index
        %swap3A_279 = tpu.vector_load %arg16[%swap3A_278] {strides = array<i32>} : memref<64xi32, #tpu.memory_space<vmem>>, vector<16xi32>,
        tpu.vector_store %arg16[%swap3A_278], %get3A_277 {strides = array<i32>} : memref<64xi32, #tpu.memory_space<vmem>>, vector<16xi32>,
        %mul3A_280 = arith.constant 64 : i32
        %mul3A_281 = arith.muli %add3A_255, %mul3A_280 : i32
        %add3A_282 = arith.constant 48 : i32
        %add3A_283 = arith.addi %mul3A_281, %add3A_282 : i32
        %get3A_284 = arith.index_cast %add3A_283 : i32 to index
        %get3A_285 = tpu.vector_load %arg10[%get3A_284] {strides = array<i32>} : memref<2048xi32, #tpu.memory_space<vmem>>, vector<16xi32>,
        %swap3A_286 = arith.constant 48 : index
        %swap3A_287 = tpu.vector_load %arg16[%swap3A_286] {strides = array<i32>} : memref<64xi32, #tpu.memory_space<vmem>>, vector<16xi32>,
        tpu.vector_store %arg16[%swap3A_286], %get3A_285 {strides = array<i32>} : memref<64xi32, #tpu.memory_space<vmem>>, vector<16xi32>,
        %dma_wait3A_288 = arith.constant 0 : i32
        %dma_wait3A_289 = arith.constant 0 : i32
        %dma_wait3A_290 = tpu.memref_slice %arg8[%dma_wait3A_288, %dma_wait3A_289] : memref<10240x128xf32, #tpu.memory_space<vmem_shared>> -> memref<10240x128xf32, #tpu.memory_space<vmem_shared>>
        tpu.wait_indirect_dma semaphore(%arg21 : memref<!tpu.dma_semaphore, #tpu.memory_space<semaphore_mem>>) src(%arg11 : memref<64x128xf32, #tpu.memory_space<vmem>>) dst(%dma_wait3A_290 : memref<10240x128xf32, #tpu.memory_space<vmem_shared>>)
        %dma_start3A_291 = arith.constant 0 : i32
        %dma_start3A_292 = arith.constant 0 : i32
        %dma_start3A_293 = tpu.memref_slice %arg8[%dma_start3A_291, %dma_start3A_292] : memref<10240x128xf32, #tpu.memory_space<vmem_shared>> -> memref<10240x128xf32, #tpu.memory_space<vmem_shared>>
        tpu.enqueue_indirect_dma source(%arg12 : memref<64x128xf32, #tpu.memory_space<vmem>>) target(%dma_start3A_293 : memref<10240x128xf32, #tpu.memory_space<vmem_shared>>) offsets(%arg16 : memref<64xi32, #tpu.memory_space<vmem>>) semaphore(%arg21 : memref<!tpu.dma_semaphore, #tpu.memory_space<semaphore_mem>>) {add = true}
        %add3A_294 = arith.constant 1 : i32
        %add3A_295 = arith.addi %add3A_191, %add3A_294 : i32
        %add3A_296 = arith.constant 4 : i32
        %add3A_297 = arith.addi %add3A_295, %add3A_296 : i32
        %sub3A_298 = arith.constant 1 : i32
        %sub3A_299 = arith.subi %add3A_297, %sub3A_298 : i32
        %mul3A_300 = arith.constant 64 : i32
        %mul3A_301 = arith.muli %sub3A_299, %mul3A_300 : i32
        %dma_start3A_302 = tpu.memref_slice %arg9[%mul3A_301] : memref<2048xi32, #tpu.memory_space<vmem>> -> memref<64xi32, #tpu.memory_space<vmem>>
        %dma_start3A_303 = arith.constant 0 : i32
        %dma_start3A_304 = arith.constant 0 : i32
        %dma_start3A_305 = tpu.memref_slice %arg2[%dma_start3A_303, %dma_start3A_304] : memref<10240x128xf32, #tpu.memory_space<hbm>> -> memref<10240x128xf32, #tpu.memory_space<hbm>>
        tpu.enqueue_indirect_dma source(%dma_start3A_305 : memref<10240x128xf32, #tpu.memory_space<hbm>>) target(%arg11 : memref<64x128xf32, #tpu.memory_space<vmem>>) offsets(%dma_start3A_302 : memref<64xi32, #tpu.memory_space<vmem>>) semaphore(%arg17 : memref<!tpu.dma_semaphore, #tpu.memory_space<semaphore_mem>>)
        %dma_wait3A_306 = arith.constant 0 : i32
        %dma_wait3A_307 = tpu.memref_slice %arg9[%dma_wait3A_306] : memref<2048xi32, #tpu.memory_space<vmem>> -> memref<64xi32, #tpu.memory_space<vmem>>
        %dma_wait3A_308 = arith.constant 0 : i32
        %dma_wait3A_309 = arith.constant 0 : i32
        %dma_wait3A_310 = tpu.memref_slice %arg2[%dma_wait3A_308, %dma_wait3A_309] : memref<10240x128xf32, #tpu.memory_space<hbm>> -> memref<10240x128xf32, #tpu.memory_space<hbm>>
        tpu.wait_indirect_dma semaphore(%arg19 : memref<!tpu.dma_semaphore, #tpu.memory_space<semaphore_mem>>) src(%dma_wait3A_310 : memref<10240x128xf32, #tpu.memory_space<hbm>>) dst(%arg13 : memref<64x128xf32, #tpu.memory_space<vmem>>)
        %add3A_311 = arith.constant 2 : i32
        %add3A_312 = arith.addi %add3A_191, %add3A_311 : i32
        %mul3A_313 = arith.constant 64 : i32
        %mul3A_314 = arith.muli %add3A_312, %mul3A_313 : i32
        %add3A_315 = arith.constant 0 : i32
        %add3A_316 = arith.addi %mul3A_314, %add3A_315 : i32
        %get3A_317 = arith.index_cast %add3A_316 : i32 to index
        %get3A_318 = tpu.vector_load %arg10[%get3A_317] {strides = array<i32>} : memref<2048xi32, #tpu.memory_space<vmem>>, vector<16xi32>,
        %swap3A_319 = arith.constant 0 : index
        %swap3A_320 = tpu.vector_load %arg15[%swap3A_319] {strides = array<i32>} : memref<64xi32, #tpu.memory_space<vmem>>, vector<16xi32>,
        tpu.vector_store %arg15[%swap3A_319], %get3A_318 {strides = array<i32>} : memref<64xi32, #tpu.memory_space<vmem>>, vector<16xi32>,
        %mul3A_321 = arith.constant 64 : i32
        %mul3A_322 = arith.muli %add3A_312, %mul3A_321 : i32
        %add3A_323 = arith.constant 16 : i32
        %add3A_324 = arith.addi %mul3A_322, %add3A_323 : i32
        %get3A_325 = arith.index_cast %add3A_324 : i32 to index
        %get3A_326 = tpu.vector_load %arg10[%get3A_325] {strides = array<i32>} : memref<2048xi32, #tpu.memory_space<vmem>>, vector<16xi32>,
        %swap3A_327 = arith.constant 16 : index
        %swap3A_328 = tpu.vector_load %arg15[%swap3A_327] {strides = array<i32>} : memref<64xi32, #tpu.memory_space<vmem>>, vector<16xi32>,
        tpu.vector_store %arg15[%swap3A_327], %get3A_326 {strides = array<i32>} : memref<64xi32, #tpu.memory_space<vmem>>, vector<16xi32>,
        %mul3A_329 = arith.constant 64 : i32
        %mul3A_330 = arith.muli %add3A_312, %mul3A_329 : i32
        %add3A_331 = arith.constant 32 : i32
        %add3A_332 = arith.addi %mul3A_330, %add3A_331 : i32
        %get3A_333 = arith.index_cast %add3A_332 : i32 to index
        %get3A_334 = tpu.vector_load %arg10[%get3A_333] {strides = array<i32>} : memref<2048xi32, #tpu.memory_space<vmem>>, vector<16xi32>,
        %swap3A_335 = arith.constant 32 : index
        %swap3A_336 = tpu.vector_load %arg15[%swap3A_335] {strides = array<i32>} : memref<64xi32, #tpu.memory_space<vmem>>, vector<16xi32>,
        tpu.vector_store %arg15[%swap3A_335], %get3A_334 {strides = array<i32>} : memref<64xi32, #tpu.memory_space<vmem>>, vector<16xi32>,
        %mul3A_337 = arith.constant 64 : i32
        %mul3A_338 = arith.muli %add3A_312, %mul3A_337 : i32
        %add3A_339 = arith.constant 48 : i32
        %add3A_340 = arith.addi %mul3A_338, %add3A_339 : i32
        %get3A_341 = arith.index_cast %add3A_340 : i32 to index
        %get3A_342 = tpu.vector_load %arg10[%get3A_341] {strides = array<i32>} : memref<2048xi32, #tpu.memory_space<vmem>>, vector<16xi32>,
        %swap3A_343 = arith.constant 48 : index
        %swap3A_344 = tpu.vector_load %arg15[%swap3A_343] {strides = array<i32>} : memref<64xi32, #tpu.memory_space<vmem>>, vector<16xi32>,
        tpu.vector_store %arg15[%swap3A_343], %get3A_342 {strides = array<i32>} : memref<64xi32, #tpu.memory_space<vmem>>, vector<16xi32>,
        %dma_wait3A_345 = arith.constant 0 : i32
        %dma_wait3A_346 = arith.constant 0 : i32
        %dma_wait3A_347 = tpu.memref_slice %arg8[%dma_wait3A_345, %dma_wait3A_346] : memref<10240x128xf32, #tpu.memory_space<vmem_shared>> -> memref<10240x128xf32, #tpu.memory_space<vmem_shared>>
        tpu.wait_indirect_dma semaphore(%arg21 : memref<!tpu.dma_semaphore, #tpu.memory_space<semaphore_mem>>) src(%arg11 : memref<64x128xf32, #tpu.memory_space<vmem>>) dst(%dma_wait3A_347 : memref<10240x128xf32, #tpu.memory_space<vmem_shared>>)
        %dma_start3A_348 = arith.constant 0 : i32
        %dma_start3A_349 = arith.constant 0 : i32
        %dma_start3A_350 = tpu.memref_slice %arg8[%dma_start3A_348, %dma_start3A_349] : memref<10240x128xf32, #tpu.memory_space<vmem_shared>> -> memref<10240x128xf32, #tpu.memory_space<vmem_shared>>
        tpu.enqueue_indirect_dma source(%arg13 : memref<64x128xf32, #tpu.memory_space<vmem>>) target(%dma_start3A_350 : memref<10240x128xf32, #tpu.memory_space<vmem_shared>>) offsets(%arg15 : memref<64xi32, #tpu.memory_space<vmem>>) semaphore(%arg21 : memref<!tpu.dma_semaphore, #tpu.memory_space<semaphore_mem>>) {add = true}
        %add3A_351 = arith.constant 2 : i32
        %add3A_352 = arith.addi %add3A_191, %add3A_351 : i32
        %add3A_353 = arith.constant 4 : i32
        %add3A_354 = arith.addi %add3A_352, %add3A_353 : i32
        %sub3A_355 = arith.constant 1 : i32
        %sub3A_356 = arith.subi %add3A_354, %sub3A_355 : i32
        %mul3A_357 = arith.constant 64 : i32
        %mul3A_358 = arith.muli %sub3A_356, %mul3A_357 : i32
        %dma_start3A_359 = tpu.memref_slice %arg9[%mul3A_358] : memref<2048xi32, #tpu.memory_space<vmem>> -> memref<64xi32, #tpu.memory_space<vmem>>
        %dma_start3A_360 = arith.constant 0 : i32
        %dma_start3A_361 = arith.constant 0 : i32
        %dma_start3A_362 = tpu.memref_slice %arg2[%dma_start3A_360, %dma_start3A_361] : memref<10240x128xf32, #tpu.memory_space<hbm>> -> memref<10240x128xf32, #tpu.memory_space<hbm>>
        tpu.enqueue_indirect_dma source(%dma_start3A_362 : memref<10240x128xf32, #tpu.memory_space<hbm>>) target(%arg12 : memref<64x128xf32, #tpu.memory_space<vmem>>) offsets(%dma_start3A_359 : memref<64xi32, #tpu.memory_space<vmem>>) semaphore(%arg18 : memref<!tpu.dma_semaphore, #tpu.memory_space<semaphore_mem>>)
        %dma_wait3A_363 = arith.constant 0 : i32
        %dma_wait3A_364 = tpu.memref_slice %arg9[%dma_wait3A_363] : memref<2048xi32, #tpu.memory_space<vmem>> -> memref<64xi32, #tpu.memory_space<vmem>>
        %dma_wait3A_365 = arith.constant 0 : i32
        %dma_wait3A_366 = arith.constant 0 : i32
        %dma_wait3A_367 = tpu.memref_slice %arg2[%dma_wait3A_365, %dma_wait3A_366] : memref<10240x128xf32, #tpu.memory_space<hbm>> -> memref<10240x128xf32, #tpu.memory_space<hbm>>
        tpu.wait_indirect_dma semaphore(%arg20 : memref<!tpu.dma_semaphore, #tpu.memory_space<semaphore_mem>>) src(%dma_wait3A_367 : memref<10240x128xf32, #tpu.memory_space<hbm>>) dst(%arg14 : memref<64x128xf32, #tpu.memory_space<vmem>>)
        %add3A_368 = arith.constant 3 : i32
        %add3A_369 = arith.addi %add3A_191, %add3A_368 : i32
        %mul3A_370 = arith.constant 64 : i32
        %mul3A_371 = arith.muli %add3A_369, %mul3A_370 : i32
        %add3A_372 = arith.constant 0 : i32
        %add3A_373 = arith.addi %mul3A_371, %add3A_372 : i32
        %get3A_374 = arith.index_cast %add3A_373 : i32 to index
        %get3A_375 = tpu.vector_load %arg10[%get3A_374] {strides = array<i32>} : memref<2048xi32, #tpu.memory_space<vmem>>, vector<16xi32>,
        %swap3A_376 = arith.constant 0 : index
        %swap3A_377 = tpu.vector_load %arg16[%swap3A_376] {strides = array<i32>} : memref<64xi32, #tpu.memory_space<vmem>>, vector<16xi32>,
        tpu.vector_store %arg16[%swap3A_376], %get3A_375 {strides = array<i32>} : memref<64xi32, #tpu.memory_space<vmem>>, vector<16xi32>,
        %mul3A_378 = arith.constant 64 : i32
        %mul3A_379 = arith.muli %add3A_369, %mul3A_378 : i32
        %add3A_380 = arith.constant 16 : i32
        %add3A_381 = arith.addi %mul3A_379, %add3A_380 : i32
        %get3A_382 = arith.index_cast %add3A_381 : i32 to index
        %get3A_383 = tpu.vector_load %arg10[%get3A_382] {strides = array<i32>} : memref<2048xi32, #tpu.memory_space<vmem>>, vector<16xi32>,
        %swap3A_384 = arith.constant 16 : index
        %swap3A_385 = tpu.vector_load %arg16[%swap3A_384] {strides = array<i32>} : memref<64xi32, #tpu.memory_space<vmem>>, vector<16xi32>,
        tpu.vector_store %arg16[%swap3A_384], %get3A_383 {strides = array<i32>} : memref<64xi32, #tpu.memory_space<vmem>>, vector<16xi32>,
        %mul3A_386 = arith.constant 64 : i32
        %mul3A_387 = arith.muli %add3A_369, %mul3A_386 : i32
        %add3A_388 = arith.constant 32 : i32
        %add3A_389 = arith.addi %mul3A_387, %add3A_388 : i32
        %get3A_390 = arith.index_cast %add3A_389 : i32 to index
        %get3A_391 = tpu.vector_load %arg10[%get3A_390] {strides = array<i32>} : memref<2048xi32, #tpu.memory_space<vmem>>, vector<16xi32>,
        %swap3A_392 = arith.constant 32 : index
        %swap3A_393 = tpu.vector_load %arg16[%swap3A_392] {strides = array<i32>} : memref<64xi32, #tpu.memory_space<vmem>>, vector<16xi32>,
        tpu.vector_store %arg16[%swap3A_392], %get3A_391 {strides = array<i32>} : memref<64xi32, #tpu.memory_space<vmem>>, vector<16xi32>,
        %mul3A_394 = arith.constant 64 : i32
        %mul3A_395 = arith.muli %add3A_369, %mul3A_394 : i32
        %add3A_396 = arith.constant 48 : i32
        %add3A_397 = arith.addi %mul3A_395, %add3A_396 : i32
        %get3A_398 = arith.index_cast %add3A_397 : i32 to index
        %get3A_399 = tpu.vector_load %arg10[%get3A_398] {strides = array<i32>} : memref<2048xi32, #tpu.memory_space<vmem>>, vector<16xi32>,
        %swap3A_400 = arith.constant 48 : index
        %swap3A_401 = tpu.vector_load %arg16[%swap3A_400] {strides = array<i32>} : memref<64xi32, #tpu.memory_space<vmem>>, vector<16xi32>,
        tpu.vector_store %arg16[%swap3A_400], %get3A_399 {strides = array<i32>} : memref<64xi32, #tpu.memory_space<vmem>>, vector<16xi32>,
        %dma_wait3A_402 = arith.constant 0 : i32
        %dma_wait3A_403 = arith.constant 0 : i32
        %dma_wait3A_404 = tpu.memref_slice %arg8[%dma_wait3A_402, %dma_wait3A_403] : memref<10240x128xf32, #tpu.memory_space<vmem_shared>> -> memref<10240x128xf32, #tpu.memory_space<vmem_shared>>
        tpu.wait_indirect_dma semaphore(%arg21 : memref<!tpu.dma_semaphore, #tpu.memory_space<semaphore_mem>>) src(%arg11 : memref<64x128xf32, #tpu.memory_space<vmem>>) dst(%dma_wait3A_404 : memref<10240x128xf32, #tpu.memory_space<vmem_shared>>)
        %dma_start3A_405 = arith.constant 0 : i32
        %dma_start3A_406 = arith.constant 0 : i32
        %dma_start3A_407 = tpu.memref_slice %arg8[%dma_start3A_405, %dma_start3A_406] : memref<10240x128xf32, #tpu.memory_space<vmem_shared>> -> memref<10240x128xf32, #tpu.memory_space<vmem_shared>>
        tpu.enqueue_indirect_dma source(%arg14 : memref<64x128xf32, #tpu.memory_space<vmem>>) target(%dma_start3A_407 : memref<10240x128xf32, #tpu.memory_space<vmem_shared>>) offsets(%arg16 : memref<64xi32, #tpu.memory_space<vmem>>) semaphore(%arg21 : memref<!tpu.dma_semaphore, #tpu.memory_space<semaphore_mem>>) {add = true}
        %add3A_408 = arith.constant 3 : i32
        %add3A_409 = arith.addi %add3A_191, %add3A_408 : i32
        %add3A_410 = arith.constant 4 : i32
        %add3A_411 = arith.addi %add3A_409, %add3A_410 : i32
        %sub3A_412 = arith.constant 1 : i32
        %sub3A_413 = arith.subi %add3A_411, %sub3A_412 : i32
        %mul3A_414 = arith.constant 64 : i32
        %mul3A_415 = arith.muli %sub3A_413, %mul3A_414 : i32
        %dma_start3A_416 = tpu.memref_slice %arg9[%mul3A_415] : memref<2048xi32, #tpu.memory_space<vmem>> -> memref<64xi32, #tpu.memory_space<vmem>>
        %dma_start3A_417 = arith.constant 0 : i32
        %dma_start3A_418 = arith.constant 0 : i32
        %dma_start3A_419 = tpu.memref_slice %arg2[%dma_start3A_417, %dma_start3A_418] : memref<10240x128xf32, #tpu.memory_space<hbm>> -> memref<10240x128xf32, #tpu.memory_space<hbm>>
        tpu.enqueue_indirect_dma source(%dma_start3A_419 : memref<10240x128xf32, #tpu.memory_space<hbm>>) target(%arg13 : memref<64x128xf32, #tpu.memory_space<vmem>>) offsets(%dma_start3A_416 : memref<64xi32, #tpu.memory_space<vmem>>) semaphore(%arg19 : memref<!tpu.dma_semaphore, #tpu.memory_space<semaphore_mem>>)
      }
      %scan3A_75 = arith.constant 7 : i32
      %dma_wait3A_76 = arith.constant 0 : i32
      %dma_wait3A_77 = tpu.memref_slice %arg9[%dma_wait3A_76] : memref<2048xi32, #tpu.memory_space<vmem>> -> memref<64xi32, #tpu.memory_space<vmem>>
      %dma_wait3A_78 = arith.constant 0 : i32
      %dma_wait3A_79 = arith.constant 0 : i32
      %dma_wait3A_80 = tpu.memref_slice %arg2[%dma_wait3A_78, %dma_wait3A_79] : memref<10240x128xf32, #tpu.memory_space<hbm>> -> memref<10240x128xf32, #tpu.memory_space<hbm>>
      tpu.wait_indirect_dma semaphore(%arg17 : memref<!tpu.dma_semaphore, #tpu.memory_space<semaphore_mem>>) src(%dma_wait3A_80 : memref<10240x128xf32, #tpu.memory_space<hbm>>) dst(%arg11 : memref<64x128xf32, #tpu.memory_space<vmem>>)
      %get3A = arith.constant 1792 : index
      %get3A_81 = tpu.vector_load %arg10[%get3A] {strides = array<i32>} : memref<2048xi32, #tpu.memory_space<vmem>>, vector<16xi32>,
      %swap3A = arith.constant 0 : index
      %swap3A_82 = tpu.vector_load %arg15[%swap3A] {strides = array<i32>} : memref<64xi32, #tpu.memory_space<vmem>>, vector<16xi32>,
      tpu.vector_store %arg15[%swap3A], %get3A_81 {strides = array<i32>} : memref<64xi32, #tpu.memory_space<vmem>>, vector<16xi32>,
      %get3A_83 = arith.constant 1808 : index
      %get3A_84 = tpu.vector_load %arg10[%get3A_83] {strides = array<i32>} : memref<2048xi32, #tpu.memory_space<vmem>>, vector<16xi32>,
      %swap3A_85 = arith.constant 16 : index
      %swap3A_86 = tpu.vector_load %arg15[%swap3A_85] {strides = array<i32>} : memref<64xi32, #tpu.memory_space<vmem>>, vector<16xi32>,
      tpu.vector_store %arg15[%swap3A_85], %get3A_84 {strides = array<i32>} : memref<64xi32, #tpu.memory_space<vmem>>, vector<16xi32>,
      %get3A_87 = arith.constant 1824 : index
      %get3A_88 = tpu.vector_load %arg10[%get3A_87] {strides = array<i32>} : memref<2048xi32, #tpu.memory_space<vmem>>, vector<16xi32>,
      %swap3A_89 = arith.constant 32 : index
      %swap3A_90 = tpu.vector_load %arg15[%swap3A_89] {strides = array<i32>} : memref<64xi32, #tpu.memory_space<vmem>>, vector<16xi32>,
      tpu.vector_store %arg15[%swap3A_89], %get3A_88 {strides = array<i32>} : memref<64xi32, #tpu.memory_space<vmem>>, vector<16xi32>,
      %get3A_91 = arith.constant 1840 : index
      %get3A_92 = tpu.vector_load %arg10[%get3A_91] {strides = array<i32>} : memref<2048xi32, #tpu.memory_space<vmem>>, vector<16xi32>,
      %swap3A_93 = arith.constant 48 : index
      %swap3A_94 = tpu.vector_load %arg15[%swap3A_93] {strides = array<i32>} : memref<64xi32, #tpu.memory_space<vmem>>, vector<16xi32>,
      tpu.vector_store %arg15[%swap3A_93], %get3A_92 {strides = array<i32>} : memref<64xi32, #tpu.memory_space<vmem>>, vector<16xi32>,
      %dma_wait3A_95 = arith.constant 0 : i32
      %dma_wait3A_96 = arith.constant 0 : i32
      %dma_wait3A_97 = tpu.memref_slice %arg8[%dma_wait3A_95, %dma_wait3A_96] : memref<10240x128xf32, #tpu.memory_space<vmem_shared>> -> memref<10240x128xf32, #tpu.memory_space<vmem_shared>>
      tpu.wait_indirect_dma semaphore(%arg21 : memref<!tpu.dma_semaphore, #tpu.memory_space<semaphore_mem>>) src(%arg11 : memref<64x128xf32, #tpu.memory_space<vmem>>) dst(%dma_wait3A_97 : memref<10240x128xf32, #tpu.memory_space<vmem_shared>>)
      %dma_start3A_98 = arith.constant 0 : i32
      %dma_start3A_99 = arith.constant 0 : i32
      %dma_start3A_100 = tpu.memref_slice %arg8[%dma_start3A_98, %dma_start3A_99] : memref<10240x128xf32, #tpu.memory_space<vmem_shared>> -> memref<10240x128xf32, #tpu.memory_space<vmem_shared>>
      tpu.enqueue_indirect_dma source(%arg11 : memref<64x128xf32, #tpu.memory_space<vmem>>) target(%dma_start3A_100 : memref<10240x128xf32, #tpu.memory_space<vmem_shared>>) offsets(%arg15 : memref<64xi32, #tpu.memory_space<vmem>>) semaphore(%arg21 : memref<!tpu.dma_semaphore, #tpu.memory_space<semaphore_mem>>) {add = true}
      %dma_start3A_101 = arith.constant 1984 : i32
      %dma_start3A_102 = tpu.memref_slice %arg9[%dma_start3A_101] : memref<2048xi32, #tpu.memory_space<vmem>> -> memref<64xi32, #tpu.memory_space<vmem>>
      %dma_start3A_103 = arith.constant 0 : i32
      %dma_start3A_104 = arith.constant 0 : i32
      %dma_start3A_105 = tpu.memref_slice %arg2[%dma_start3A_103, %dma_start3A_104] : memref<10240x128xf32, #tpu.memory_space<hbm>> -> memref<10240x128xf32, #tpu.memory_space<hbm>>
      tpu.enqueue_indirect_dma source(%dma_start3A_105 : memref<10240x128xf32, #tpu.memory_space<hbm>>) target(%arg14 : memref<64x128xf32, #tpu.memory_space<vmem>>) offsets(%dma_start3A_102 : memref<64xi32, #tpu.memory_space<vmem>>) semaphore(%arg20 : memref<!tpu.dma_semaphore, #tpu.memory_space<semaphore_mem>>)
      %dma_wait3A_106 = arith.constant 0 : i32
      %dma_wait3A_107 = tpu.memref_slice %arg9[%dma_wait3A_106] : memref<2048xi32, #tpu.memory_space<vmem>> -> memref<64xi32, #tpu.memory_space<vmem>>
      %dma_wait3A_108 = arith.constant 0 : i32
      %dma_wait3A_109 = arith.constant 0 : i32
      %dma_wait3A_110 = tpu.memref_slice %arg2[%dma_wait3A_108, %dma_wait3A_109] : memref<10240x128xf32, #tpu.memory_space<hbm>> -> memref<10240x128xf32, #tpu.memory_space<hbm>>
      tpu.wait_indirect_dma semaphore(%arg18 : memref<!tpu.dma_semaphore, #tpu.memory_space<semaphore_mem>>) src(%dma_wait3A_110 : memref<10240x128xf32, #tpu.memory_space<hbm>>) dst(%arg12 : memref<64x128xf32, #tpu.memory_space<vmem>>)
      %get3A_111 = arith.constant 1856 : index
      %get3A_112 = tpu.vector_load %arg10[%get3A_111] {strides = array<i32>} : memref<2048xi32, #tpu.memory_space<vmem>>, vector<16xi32>,
      %swap3A_113 = arith.constant 0 : index
      %swap3A_114 = tpu.vector_load %arg16[%swap3A_113] {strides = array<i32>} : memref<64xi32, #tpu.memory_space<vmem>>, vector<16xi32>,
      tpu.vector_store %arg16[%swap3A_113], %get3A_112 {strides = array<i32>} : memref<64xi32, #tpu.memory_space<vmem>>, vector<16xi32>,
      %get3A_115 = arith.constant 1872 : index
      %get3A_116 = tpu.vector_load %arg10[%get3A_115] {strides = array<i32>} : memref<2048xi32, #tpu.memory_space<vmem>>, vector<16xi32>,
      %swap3A_117 = arith.constant 16 : index
      %swap3A_118 = tpu.vector_load %arg16[%swap3A_117] {strides = array<i32>} : memref<64xi32, #tpu.memory_space<vmem>>, vector<16xi32>,
      tpu.vector_store %arg16[%swap3A_117], %get3A_116 {strides = array<i32>} : memref<64xi32, #tpu.memory_space<vmem>>, vector<16xi32>,
      %get3A_119 = arith.constant 1888 : index
      %get3A_120 = tpu.vector_load %arg10[%get3A_119] {strides = array<i32>} : memref<2048xi32, #tpu.memory_space<vmem>>, vector<16xi32>,
      %swap3A_121 = arith.constant 32 : index
      %swap3A_122 = tpu.vector_load %arg16[%swap3A_121] {strides = array<i32>} : memref<64xi32, #tpu.memory_space<vmem>>, vector<16xi32>,
      tpu.vector_store %arg16[%swap3A_121], %get3A_120 {strides = array<i32>} : memref<64xi32, #tpu.memory_space<vmem>>, vector<16xi32>,
      %get3A_123 = arith.constant 1904 : index
      %get3A_124 = tpu.vector_load %arg10[%get3A_123] {strides = array<i32>} : memref<2048xi32, #tpu.memory_space<vmem>>, vector<16xi32>,
      %swap3A_125 = arith.constant 48 : index
      %swap3A_126 = tpu.vector_load %arg16[%swap3A_125] {strides = array<i32>} : memref<64xi32, #tpu.memory_space<vmem>>, vector<16xi32>,
      tpu.vector_store %arg16[%swap3A_125], %get3A_124 {strides = array<i32>} : memref<64xi32, #tpu.memory_space<vmem>>, vector<16xi32>,
      %dma_wait3A_127 = arith.constant 0 : i32
      %dma_wait3A_128 = arith.constant 0 : i32
      %dma_wait3A_129 = tpu.memref_slice %arg8[%dma_wait3A_127, %dma_wait3A_128] : memref<10240x128xf32, #tpu.memory_space<vmem_shared>> -> memref<10240x128xf32, #tpu.memory_space<vmem_shared>>
      tpu.wait_indirect_dma semaphore(%arg21 : memref<!tpu.dma_semaphore, #tpu.memory_space<semaphore_mem>>) src(%arg11 : memref<64x128xf32, #tpu.memory_space<vmem>>) dst(%dma_wait3A_129 : memref<10240x128xf32, #tpu.memory_space<vmem_shared>>)
      %dma_start3A_130 = arith.constant 0 : i32
      %dma_start3A_131 = arith.constant 0 : i32
      %dma_start3A_132 = tpu.memref_slice %arg8[%dma_start3A_130, %dma_start3A_131] : memref<10240x128xf32, #tpu.memory_space<vmem_shared>> -> memref<10240x128xf32, #tpu.memory_space<vmem_shared>>
      tpu.enqueue_indirect_dma source(%arg12 : memref<64x128xf32, #tpu.memory_space<vmem>>) target(%dma_start3A_132 : memref<10240x128xf32, #tpu.memory_space<vmem_shared>>) offsets(%arg16 : memref<64xi32, #tpu.memory_space<vmem>>) semaphore(%arg21 : memref<!tpu.dma_semaphore, #tpu.memory_space<semaphore_mem>>) {add = true}
      %dma_wait3A_133 = arith.constant 0 : i32
      %dma_wait3A_134 = tpu.memref_slice %arg9[%dma_wait3A_133] : memref<2048xi32, #tpu.memory_space<vmem>> -> memref<64xi32, #tpu.memory_space<vmem>>
      %dma_wait3A_135 = arith.constant 0 : i32
      %dma_wait3A_136 = arith.constant 0 : i32
      %dma_wait3A_137 = tpu.memref_slice %arg2[%dma_wait3A_135, %dma_wait3A_136] : memref<10240x128xf32, #tpu.memory_space<hbm>> -> memref<10240x128xf32, #tpu.memory_space<hbm>>
      tpu.wait_indirect_dma semaphore(%arg19 : memref<!tpu.dma_semaphore, #tpu.memory_space<semaphore_mem>>) src(%dma_wait3A_137 : memref<10240x128xf32, #tpu.memory_space<hbm>>) dst(%arg13 : memref<64x128xf32, #tpu.memory_space<vmem>>)
      %get3A_138 = arith.constant 1920 : index
      %get3A_139 = tpu.vector_load %arg10[%get3A_138] {strides = array<i32>} : memref<2048xi32, #tpu.memory_space<vmem>>, vector<16xi32>,
      %swap3A_140 = arith.constant 0 : index
      %swap3A_141 = tpu.vector_load %arg15[%swap3A_140] {strides = array<i32>} : memref<64xi32, #tpu.memory_space<vmem>>, vector<16xi32>,
      tpu.vector_store %arg15[%swap3A_140], %get3A_139 {strides = array<i32>} : memref<64xi32, #tpu.memory_space<vmem>>, vector<16xi32>,
      %get3A_142 = arith.constant 1936 : index
      %get3A_143 = tpu.vector_load %arg10[%get3A_142] {strides = array<i32>} : memref<2048xi32, #tpu.memory_space<vmem>>, vector<16xi32>,
      %swap3A_144 = arith.constant 16 : index
      %swap3A_145 = tpu.vector_load %arg15[%swap3A_144] {strides = array<i32>} : memref<64xi32, #tpu.memory_space<vmem>>, vector<16xi32>,
      tpu.vector_store %arg15[%swap3A_144], %get3A_143 {strides = array<i32>} : memref<64xi32, #tpu.memory_space<vmem>>, vector<16xi32>,
      %get3A_146 = arith.constant 1952 : index
      %get3A_147 = tpu.vector_load %arg10[%get3A_146] {strides = array<i32>} : memref<2048xi32, #tpu.memory_space<vmem>>, vector<16xi32>,
      %swap3A_148 = arith.constant 32 : index
      %swap3A_149 = tpu.vector_load %arg15[%swap3A_148] {strides = array<i32>} : memref<64xi32, #tpu.memory_space<vmem>>, vector<16xi32>,
      tpu.vector_store %arg15[%swap3A_148], %get3A_147 {strides = array<i32>} : memref<64xi32, #tpu.memory_space<vmem>>, vector<16xi32>,
      %get3A_150 = arith.constant 1968 : index
      %get3A_151 = tpu.vector_load %arg10[%get3A_150] {strides = array<i32>} : memref<2048xi32, #tpu.memory_space<vmem>>, vector<16xi32>,
      %swap3A_152 = arith.constant 48 : index
      %swap3A_153 = tpu.vector_load %arg15[%swap3A_152] {strides = array<i32>} : memref<64xi32, #tpu.memory_space<vmem>>, vector<16xi32>,
      tpu.vector_store %arg15[%swap3A_152], %get3A_151 {strides = array<i32>} : memref<64xi32, #tpu.memory_space<vmem>>, vector<16xi32>,
      %dma_wait3A_154 = arith.constant 0 : i32
      %dma_wait3A_155 = arith.constant 0 : i32
      %dma_wait3A_156 = tpu.memref_slice %arg8[%dma_wait3A_154, %dma_wait3A_155] : memref<10240x128xf32, #tpu.memory_space<vmem_shared>> -> memref<10240x128xf32, #tpu.memory_space<vmem_shared>>
      tpu.wait_indirect_dma semaphore(%arg21 : memref<!tpu.dma_semaphore, #tpu.memory_space<semaphore_mem>>) src(%arg11 : memref<64x128xf32, #tpu.memory_space<vmem>>) dst(%dma_wait3A_156 : memref<10240x128xf32, #tpu.memory_space<vmem_shared>>)
      %dma_start3A_157 = arith.constant 0 : i32
      %dma_start3A_158 = arith.constant 0 : i32
      %dma_start3A_159 = tpu.memref_slice %arg8[%dma_start3A_157, %dma_start3A_158] : memref<10240x128xf32, #tpu.memory_space<vmem_shared>> -> memref<10240x128xf32, #tpu.memory_space<vmem_shared>>
      tpu.enqueue_indirect_dma source(%arg13 : memref<64x128xf32, #tpu.memory_space<vmem>>) target(%dma_start3A_159 : memref<10240x128xf32, #tpu.memory_space<vmem_shared>>) offsets(%arg15 : memref<64xi32, #tpu.memory_space<vmem>>) semaphore(%arg21 : memref<!tpu.dma_semaphore, #tpu.memory_space<semaphore_mem>>) {add = true}
      %dma_wait3A_160 = arith.constant 0 : i32
      %dma_wait3A_161 = tpu.memref_slice %arg9[%dma_wait3A_160] : memref<2048xi32, #tpu.memory_space<vmem>> -> memref<64xi32, #tpu.memory_space<vmem>>
      %dma_wait3A_162 = arith.constant 0 : i32
      %dma_wait3A_163 = arith.constant 0 : i32
      %dma_wait3A_164 = tpu.memref_slice %arg2[%dma_wait3A_162, %dma_wait3A_163] : memref<10240x128xf32, #tpu.memory_space<hbm>> -> memref<10240x128xf32, #tpu.memory_space<hbm>>
      tpu.wait_indirect_dma semaphore(%arg20 : memref<!tpu.dma_semaphore, #tpu.memory_space<semaphore_mem>>) src(%dma_wait3A_164 : memref<10240x128xf32, #tpu.memory_space<hbm>>) dst(%arg14 : memref<64x128xf32, #tpu.memory_space<vmem>>)
      %get3A_165 = arith.constant 1984 : index
      %get3A_166 = tpu.vector_load %arg10[%get3A_165] {strides = array<i32>} : memref<2048xi32, #tpu.memory_space<vmem>>, vector<16xi32>,
      %swap3A_167 = arith.constant 0 : index
      %swap3A_168 = tpu.vector_load %arg16[%swap3A_167] {strides = array<i32>} : memref<64xi32, #tpu.memory_space<vmem>>, vector<16xi32>,
      tpu.vector_store %arg16[%swap3A_167], %get3A_166 {strides = array<i32>} : memref<64xi32, #tpu.memory_space<vmem>>, vector<16xi32>,
      %get3A_169 = arith.constant 2000 : index
      %get3A_170 = tpu.vector_load %arg10[%get3A_169] {strides = array<i32>} : memref<2048xi32, #tpu.memory_space<vmem>>, vector<16xi32>,
      %swap3A_171 = arith.constant 16 : index
      %swap3A_172 = tpu.vector_load %arg16[%swap3A_171] {strides = array<i32>} : memref<64xi32, #tpu.memory_space<vmem>>, vector<16xi32>,
      tpu.vector_store %arg16[%swap3A_171], %get3A_170 {strides = array<i32>} : memref<64xi32, #tpu.memory_space<vmem>>, vector<16xi32>,
      %get3A_173 = arith.constant 2016 : index
      %get3A_174 = tpu.vector_load %arg10[%get3A_173] {strides = array<i32>} : memref<2048xi32, #tpu.memory_space<vmem>>, vector<16xi32>,
      %swap3A_175 = arith.constant 32 : index
      %swap3A_176 = tpu.vector_load %arg16[%swap3A_175] {strides = array<i32>} : memref<64xi32, #tpu.memory_space<vmem>>, vector<16xi32>,
      tpu.vector_store %arg16[%swap3A_175], %get3A_174 {strides = array<i32>} : memref<64xi32, #tpu.memory_space<vmem>>, vector<16xi32>,
      %get3A_177 = arith.constant 2032 : index
      %get3A_178 = tpu.vector_load %arg10[%get3A_177] {strides = array<i32>} : memref<2048xi32, #tpu.memory_space<vmem>>, vector<16xi32>,
      %swap3A_179 = arith.constant 48 : index
      %swap3A_180 = tpu.vector_load %arg16[%swap3A_179] {strides = array<i32>} : memref<64xi32, #tpu.memory_space<vmem>>, vector<16xi32>,
      tpu.vector_store %arg16[%swap3A_179], %get3A_178 {strides = array<i32>} : memref<64xi32, #tpu.memory_space<vmem>>, vector<16xi32>,
      %dma_wait3A_181 = arith.constant 0 : i32
      %dma_wait3A_182 = arith.constant 0 : i32
      %dma_wait3A_183 = tpu.memref_slice %arg8[%dma_wait3A_181, %dma_wait3A_182] : memref<10240x128xf32, #tpu.memory_space<vmem_shared>> -> memref<10240x128xf32, #tpu.memory_space<vmem_shared>>
      tpu.wait_indirect_dma semaphore(%arg21 : memref<!tpu.dma_semaphore, #tpu.memory_space<semaphore_mem>>) src(%arg11 : memref<64x128xf32, #tpu.memory_space<vmem>>) dst(%dma_wait3A_183 : memref<10240x128xf32, #tpu.memory_space<vmem_shared>>)
      %dma_start3A_184 = arith.constant 0 : i32
      %dma_start3A_185 = arith.constant 0 : i32
      %dma_start3A_186 = tpu.memref_slice %arg8[%dma_start3A_184, %dma_start3A_185] : memref<10240x128xf32, #tpu.memory_space<vmem_shared>> -> memref<10240x128xf32, #tpu.memory_space<vmem_shared>>
      tpu.enqueue_indirect_dma source(%arg14 : memref<64x128xf32, #tpu.memory_space<vmem>>) target(%dma_start3A_186 : memref<10240x128xf32, #tpu.memory_space<vmem_shared>>) offsets(%arg16 : memref<64xi32, #tpu.memory_space<vmem>>) semaphore(%arg21 : memref<!tpu.dma_semaphore, #tpu.memory_space<semaphore_mem>>) {add = true}
    }
    %while3A_38 = arith.constant 1 : i32
    scf.for %while3A_50 = %while3A_36 to %while3A_32 step %while3A_38  : i32 {
      %mul3A_51 = arith.muli %while3A_50, %while3A : i32
      %add3A_52 = arith.addi %while3A_29, %mul3A_51 : i32
      %mul3A_53 = arith.constant 2048 : i32
      %mul3A_54 = arith.muli %add3A_52, %mul3A_53 : i32
      %add3A_55 = arith.addi %select_n3A_20, %mul3A_54 : i32
      "tpu.region"() ({
        %run_scoped3A = tpu.sem_alloc : memref<!tpu.dma_semaphore, #tpu.memory_space<semaphore_mem>>
        %dma_start3A_187 = tpu.memref_slice %arg3[%add3A_55] : memref<327680xi32, #tpu.memory_space<hbm>> -> memref<2048xi32, #tpu.memory_space<hbm>>
        %dma_start3A_188 = tpu.memref_slice %arg3[%add3A_55] : memref<327680xi32, #tpu.memory_space<hbm>> -> memref<2048xi32, #tpu.memory_space<hbm>>
        tpu.enqueue_dma source(%dma_start3A_188 : memref<2048xi32, #tpu.memory_space<hbm>>) target(%arg9 : memref<2048xi32, #tpu.memory_space<vmem>>) target_semaphore(%run_scoped3A : memref<!tpu.dma_semaphore, #tpu.memory_space<semaphore_mem>>)
        %dma_wait3A_189 = tpu.memref_slice %arg3[%add3A_55] : memref<327680xi32, #tpu.memory_space<hbm>> -> memref<2048xi32, #tpu.memory_space<hbm>>
        %dma_wait3A_190 = tpu.memref_slice %arg3[%add3A_55] : memref<327680xi32, #tpu.memory_space<hbm>> -> memref<2048xi32, #tpu.memory_space<hbm>>
        tpu.wait_dma2 semaphore(%run_scoped3A : memref<!tpu.dma_semaphore, #tpu.memory_space<semaphore_mem>>) src(%dma_wait3A_190 : memref<2048xi32, #tpu.memory_space<hbm>>) dst(%arg9 : memref<2048xi32, #tpu.memory_space<vmem>>)
        tpu.yield
      }) : () -> ()
      "tpu.region"() ({
        %run_scoped3A = tpu.sem_alloc : memref<!tpu.dma_semaphore, #tpu.memory_space<semaphore_mem>>
        %dma_start3A_187 = tpu.memref_slice %arg4[%add3A_55] : memref<327680xi32, #tpu.memory_space<hbm>> -> memref<2048xi32, #tpu.memory_space<hbm>>
        %dma_start3A_188 = tpu.memref_slice %arg4[%add3A_55] : memref<327680xi32, #tpu.memory_space<hbm>> -> memref<2048xi32, #tpu.memory_space<hbm>>
        tpu.enqueue_dma source(%dma_start3A_188 : memref<2048xi32, #tpu.memory_space<hbm>>) target(%arg10 : memref<2048xi32, #tpu.memory_space<vmem>>) target_semaphore(%run_scoped3A : memref<!tpu.dma_semaphore, #tpu.memory_space<semaphore_mem>>)
        %dma_wait3A_189 = tpu.memref_slice %arg4[%add3A_55] : memref<327680xi32, #tpu.memory_space<hbm>> -> memref<2048xi32, #tpu.memory_space<hbm>>
        %dma_wait3A_190 = tpu.memref_slice %arg4[%add3A_55] : memref<327680xi32, #tpu.memory_space<hbm>> -> memref<2048xi32, #tpu.memory_space<hbm>>
        tpu.wait_dma2 semaphore(%run_scoped3A : memref<!tpu.dma_semaphore, #tpu.memory_space<semaphore_mem>>) src(%dma_wait3A_190 : memref<2048xi32, #tpu.memory_space<hbm>>) dst(%arg10 : memref<2048xi32, #tpu.memory_space<vmem>>)
        tpu.yield
      }) : () -> ()
      %dma_start3A_56 = arith.constant 0 : i32
      %dma_start3A_57 = tpu.memref_slice %arg9[%dma_start3A_56] : memref<2048xi32, #tpu.memory_space<vmem>> -> memref<64xi32, #tpu.memory_space<vmem>>
      %dma_start3A_58 = arith.constant 0 : i32
      %dma_start3A_59 = arith.constant 0 : i32
      %dma_start3A_60 = tpu.memref_slice %arg2[%dma_start3A_58, %dma_start3A_59] : memref<10240x128xf32, #tpu.memory_space<hbm>> -> memref<10240x128xf32, #tpu.memory_space<hbm>>
      tpu.enqueue_indirect_dma source(%dma_start3A_60 : memref<10240x128xf32, #tpu.memory_space<hbm>>) target(%arg11 : memref<64x128xf32, #tpu.memory_space<vmem>>) offsets(%dma_start3A_57 : memref<64xi32, #tpu.memory_space<vmem>>) semaphore(%arg17 : memref<!tpu.dma_semaphore, #tpu.memory_space<semaphore_mem>>)
      %dma_start3A_61 = arith.constant 64 : i32
      %dma_start3A_62 = tpu.memref_slice %arg9[%dma_start3A_61] : memref<2048xi32, #tpu.memory_space<vmem>> -> memref<64xi32, #tpu.memory_space<vmem>>
      %dma_start3A_63 = arith.constant 0 : i32
      %dma_start3A_64 = arith.constant 0 : i32
      %dma_start3A_65 = tpu.memref_slice %arg2[%dma_start3A_63, %dma_start3A_64] : memref<10240x128xf32, #tpu.memory_space<hbm>> -> memref<10240x128xf32, #tpu.memory_space<hbm>>
      tpu.enqueue_indirect_dma source(%dma_start3A_65 : memref<10240x128xf32, #tpu.memory_space<hbm>>) target(%arg12 : memref<64x128xf32, #tpu.memory_space<vmem>>) offsets(%dma_start3A_62 : memref<64xi32, #tpu.memory_space<vmem>>) semaphore(%arg18 : memref<!tpu.dma_semaphore, #tpu.memory_space<semaphore_mem>>)
      %dma_start3A_66 = arith.constant 128 : i32
      %dma_start3A_67 = tpu.memref_slice %arg9[%dma_start3A_66] : memref<2048xi32, #tpu.memory_space<vmem>> -> memref<64xi32, #tpu.memory_space<vmem>>
      %dma_start3A_68 = arith.constant 0 : i32
      %dma_start3A_69 = arith.constant 0 : i32
      %dma_start3A_70 = tpu.memref_slice %arg2[%dma_start3A_68, %dma_start3A_69] : memref<10240x128xf32, #tpu.memory_space<hbm>> -> memref<10240x128xf32, #tpu.memory_space<hbm>>
      tpu.enqueue_indirect_dma source(%dma_start3A_70 : memref<10240x128xf32, #tpu.memory_space<hbm>>) target(%arg13 : memref<64x128xf32, #tpu.memory_space<vmem>>) offsets(%dma_start3A_67 : memref<64xi32, #tpu.memory_space<vmem>>) semaphore(%arg19 : memref<!tpu.dma_semaphore, #tpu.memory_space<semaphore_mem>>)
      %scan3A_71 = arith.constant 0 : i32
      %scan3A_72 = arith.constant 7 : i32
      %scan3A_73 = arith.addi %scan3A_71, %scan3A_72 : i32
      %scan3A_74 = arith.constant 1 : i32
      scf.for %scan3A_187 = %scan3A_71 to %scan3A_73 step %scan3A_74  : i32 {
        %mul3A_188 = arith.constant 4 : i32
        %mul3A_189 = arith.muli %scan3A_187, %mul3A_188 : i32
        %add3A_190 = arith.constant 0 : i32
        %add3A_191 = arith.addi %add3A_190, %mul3A_189 : i32
        %dma_wait3A_192 = arith.constant 0 : i32
        %dma_wait3A_193 = tpu.memref_slice %arg9[%dma_wait3A_192] : memref<2048xi32, #tpu.memory_space<vmem>> -> memref<64xi32, #tpu.memory_space<vmem>>
        %dma_wait3A_194 = arith.constant 0 : i32
        %dma_wait3A_195 = arith.constant 0 : i32
        %dma_wait3A_196 = tpu.memref_slice %arg2[%dma_wait3A_194, %dma_wait3A_195] : memref<10240x128xf32, #tpu.memory_space<hbm>> -> memref<10240x128xf32, #tpu.memory_space<hbm>>
        tpu.wait_indirect_dma semaphore(%arg17 : memref<!tpu.dma_semaphore, #tpu.memory_space<semaphore_mem>>) src(%dma_wait3A_196 : memref<10240x128xf32, #tpu.memory_space<hbm>>) dst(%arg11 : memref<64x128xf32, #tpu.memory_space<vmem>>)
        %add3A_197 = arith.constant 0 : i32
        %add3A_198 = arith.addi %add3A_191, %add3A_197 : i32
        %mul3A_199 = arith.constant 64 : i32
        %mul3A_200 = arith.muli %add3A_198, %mul3A_199 : i32
        %add3A_201 = arith.constant 0 : i32
        %add3A_202 = arith.addi %mul3A_200, %add3A_201 : i32
        %get3A_203 = arith.index_cast %add3A_202 : i32 to index
        %get3A_204 = tpu.vector_load %arg10[%get3A_203] {strides = array<i32>} : memref<2048xi32, #tpu.memory_space<vmem>>, vector<16xi32>,
        %swap3A_205 = arith.constant 0 : index
        %swap3A_206 = tpu.vector_load %arg15[%swap3A_205] {strides = array<i32>} : memref<64xi32, #tpu.memory_space<vmem>>, vector<16xi32>,
        tpu.vector_store %arg15[%swap3A_205], %get3A_204 {strides = array<i32>} : memref<64xi32, #tpu.memory_space<vmem>>, vector<16xi32>,
        %mul3A_207 = arith.constant 64 : i32
        %mul3A_208 = arith.muli %add3A_198, %mul3A_207 : i32
        %add3A_209 = arith.constant 16 : i32
        %add3A_210 = arith.addi %mul3A_208, %add3A_209 : i32
        %get3A_211 = arith.index_cast %add3A_210 : i32 to index
        %get3A_212 = tpu.vector_load %arg10[%get3A_211] {strides = array<i32>} : memref<2048xi32, #tpu.memory_space<vmem>>, vector<16xi32>,
        %swap3A_213 = arith.constant 16 : index
        %swap3A_214 = tpu.vector_load %arg15[%swap3A_213] {strides = array<i32>} : memref<64xi32, #tpu.memory_space<vmem>>, vector<16xi32>,
        tpu.vector_store %arg15[%swap3A_213], %get3A_212 {strides = array<i32>} : memref<64xi32, #tpu.memory_space<vmem>>, vector<16xi32>,
        %mul3A_215 = arith.constant 64 : i32
        %mul3A_216 = arith.muli %add3A_198, %mul3A_215 : i32
        %add3A_217 = arith.constant 32 : i32
        %add3A_218 = arith.addi %mul3A_216, %add3A_217 : i32
        %get3A_219 = arith.index_cast %add3A_218 : i32 to index
        %get3A_220 = tpu.vector_load %arg10[%get3A_219] {strides = array<i32>} : memref<2048xi32, #tpu.memory_space<vmem>>, vector<16xi32>,
        %swap3A_221 = arith.constant 32 : index
        %swap3A_222 = tpu.vector_load %arg15[%swap3A_221] {strides = array<i32>} : memref<64xi32, #tpu.memory_space<vmem>>, vector<16xi32>,
        tpu.vector_store %arg15[%swap3A_221], %get3A_220 {strides = array<i32>} : memref<64xi32, #tpu.memory_space<vmem>>, vector<16xi32>,
        %mul3A_223 = arith.constant 64 : i32
        %mul3A_224 = arith.muli %add3A_198, %mul3A_223 : i32
        %add3A_225 = arith.constant 48 : i32
        %add3A_226 = arith.addi %mul3A_224, %add3A_225 : i32
        %get3A_227 = arith.index_cast %add3A_226 : i32 to index
        %get3A_228 = tpu.vector_load %arg10[%get3A_227] {strides = array<i32>} : memref<2048xi32, #tpu.memory_space<vmem>>, vector<16xi32>,
        %swap3A_229 = arith.constant 48 : index
        %swap3A_230 = tpu.vector_load %arg15[%swap3A_229] {strides = array<i32>} : memref<64xi32, #tpu.memory_space<vmem>>, vector<16xi32>,
        tpu.vector_store %arg15[%swap3A_229], %get3A_228 {strides = array<i32>} : memref<64xi32, #tpu.memory_space<vmem>>, vector<16xi32>,
        %dma_wait3A_231 = arith.constant 0 : i32
        %dma_wait3A_232 = arith.constant 0 : i32
        %dma_wait3A_233 = tpu.memref_slice %arg8[%dma_wait3A_231, %dma_wait3A_232] : memref<10240x128xf32, #tpu.memory_space<vmem_shared>> -> memref<10240x128xf32, #tpu.memory_space<vmem_shared>>
        tpu.wait_indirect_dma semaphore(%arg21 : memref<!tpu.dma_semaphore, #tpu.memory_space<semaphore_mem>>) src(%arg11 : memref<64x128xf32, #tpu.memory_space<vmem>>) dst(%dma_wait3A_233 : memref<10240x128xf32, #tpu.memory_space<vmem_shared>>)
        %dma_start3A_234 = arith.constant 0 : i32
        %dma_start3A_235 = arith.constant 0 : i32
        %dma_start3A_236 = tpu.memref_slice %arg8[%dma_start3A_234, %dma_start3A_235] : memref<10240x128xf32, #tpu.memory_space<vmem_shared>> -> memref<10240x128xf32, #tpu.memory_space<vmem_shared>>
        tpu.enqueue_indirect_dma source(%arg11 : memref<64x128xf32, #tpu.memory_space<vmem>>) target(%dma_start3A_236 : memref<10240x128xf32, #tpu.memory_space<vmem_shared>>) offsets(%arg15 : memref<64xi32, #tpu.memory_space<vmem>>) semaphore(%arg21 : memref<!tpu.dma_semaphore, #tpu.memory_space<semaphore_mem>>) {add = true}
        %add3A_237 = arith.constant 0 : i32
        %add3A_238 = arith.addi %add3A_191, %add3A_237 : i32
        %add3A_239 = arith.constant 4 : i32
        %add3A_240 = arith.addi %add3A_238, %add3A_239 : i32
        %sub3A_241 = arith.constant 1 : i32
        %sub3A_242 = arith.subi %add3A_240, %sub3A_241 : i32
        %mul3A_243 = arith.constant 64 : i32
        %mul3A_244 = arith.muli %sub3A_242, %mul3A_243 : i32
        %dma_start3A_245 = tpu.memref_slice %arg9[%mul3A_244] : memref<2048xi32, #tpu.memory_space<vmem>> -> memref<64xi32, #tpu.memory_space<vmem>>
        %dma_start3A_246 = arith.constant 0 : i32
        %dma_start3A_247 = arith.constant 0 : i32
        %dma_start3A_248 = tpu.memref_slice %arg2[%dma_start3A_246, %dma_start3A_247] : memref<10240x128xf32, #tpu.memory_space<hbm>> -> memref<10240x128xf32, #tpu.memory_space<hbm>>
        tpu.enqueue_indirect_dma source(%dma_start3A_248 : memref<10240x128xf32, #tpu.memory_space<hbm>>) target(%arg14 : memref<64x128xf32, #tpu.memory_space<vmem>>) offsets(%dma_start3A_245 : memref<64xi32, #tpu.memory_space<vmem>>) semaphore(%arg20 : memref<!tpu.dma_semaphore, #tpu.memory_space<semaphore_mem>>)
        %dma_wait3A_249 = arith.constant 0 : i32
        %dma_wait3A_250 = tpu.memref_slice %arg9[%dma_wait3A_249] : memref<2048xi32, #tpu.memory_space<vmem>> -> memref<64xi32, #tpu.memory_space<vmem>>
        %dma_wait3A_251 = arith.constant 0 : i32
        %dma_wait3A_252 = arith.constant 0 : i32
        %dma_wait3A_253 = tpu.memref_slice %arg2[%dma_wait3A_251, %dma_wait3A_252] : memref<10240x128xf32, #tpu.memory_space<hbm>> -> memref<10240x128xf32, #tpu.memory_space<hbm>>
        tpu.wait_indirect_dma semaphore(%arg18 : memref<!tpu.dma_semaphore, #tpu.memory_space<semaphore_mem>>) src(%dma_wait3A_253 : memref<10240x128xf32, #tpu.memory_space<hbm>>) dst(%arg12 : memref<64x128xf32, #tpu.memory_space<vmem>>)
        %add3A_254 = arith.constant 1 : i32
        %add3A_255 = arith.addi %add3A_191, %add3A_254 : i32
        %mul3A_256 = arith.constant 64 : i32
        %mul3A_257 = arith.muli %add3A_255, %mul3A_256 : i32
        %add3A_258 = arith.constant 0 : i32
        %add3A_259 = arith.addi %mul3A_257, %add3A_258 : i32
        %get3A_260 = arith.index_cast %add3A_259 : i32 to index
        %get3A_261 = tpu.vector_load %arg10[%get3A_260] {strides = array<i32>} : memref<2048xi32, #tpu.memory_space<vmem>>, vector<16xi32>,
        %swap3A_262 = arith.constant 0 : index
        %swap3A_263 = tpu.vector_load %arg16[%swap3A_262] {strides = array<i32>} : memref<64xi32, #tpu.memory_space<vmem>>, vector<16xi32>,
        tpu.vector_store %arg16[%swap3A_262], %get3A_261 {strides = array<i32>} : memref<64xi32, #tpu.memory_space<vmem>>, vector<16xi32>,
        %mul3A_264 = arith.constant 64 : i32
        %mul3A_265 = arith.muli %add3A_255, %mul3A_264 : i32
        %add3A_266 = arith.constant 16 : i32
        %add3A_267 = arith.addi %mul3A_265, %add3A_266 : i32
        %get3A_268 = arith.index_cast %add3A_267 : i32 to index
        %get3A_269 = tpu.vector_load %arg10[%get3A_268] {strides = array<i32>} : memref<2048xi32, #tpu.memory_space<vmem>>, vector<16xi32>,
        %swap3A_270 = arith.constant 16 : index
        %swap3A_271 = tpu.vector_load %arg16[%swap3A_270] {strides = array<i32>} : memref<64xi32, #tpu.memory_space<vmem>>, vector<16xi32>,
        tpu.vector_store %arg16[%swap3A_270], %get3A_269 {strides = array<i32>} : memref<64xi32, #tpu.memory_space<vmem>>, vector<16xi32>,
        %mul3A_272 = arith.constant 64 : i32
        %mul3A_273 = arith.muli %add3A_255, %mul3A_272 : i32
        %add3A_274 = arith.constant 32 : i32
        %add3A_275 = arith.addi %mul3A_273, %add3A_274 : i32
        %get3A_276 = arith.index_cast %add3A_275 : i32 to index
        %get3A_277 = tpu.vector_load %arg10[%get3A_276] {strides = array<i32>} : memref<2048xi32, #tpu.memory_space<vmem>>, vector<16xi32>,
        %swap3A_278 = arith.constant 32 : index
        %swap3A_279 = tpu.vector_load %arg16[%swap3A_278] {strides = array<i32>} : memref<64xi32, #tpu.memory_space<vmem>>, vector<16xi32>,
        tpu.vector_store %arg16[%swap3A_278], %get3A_277 {strides = array<i32>} : memref<64xi32, #tpu.memory_space<vmem>>, vector<16xi32>,
        %mul3A_280 = arith.constant 64 : i32
        %mul3A_281 = arith.muli %add3A_255, %mul3A_280 : i32
        %add3A_282 = arith.constant 48 : i32
        %add3A_283 = arith.addi %mul3A_281, %add3A_282 : i32
        %get3A_284 = arith.index_cast %add3A_283 : i32 to index
        %get3A_285 = tpu.vector_load %arg10[%get3A_284] {strides = array<i32>} : memref<2048xi32, #tpu.memory_space<vmem>>, vector<16xi32>,
        %swap3A_286 = arith.constant 48 : index
        %swap3A_287 = tpu.vector_load %arg16[%swap3A_286] {strides = array<i32>} : memref<64xi32, #tpu.memory_space<vmem>>, vector<16xi32>,
        tpu.vector_store %arg16[%swap3A_286], %get3A_285 {strides = array<i32>} : memref<64xi32, #tpu.memory_space<vmem>>, vector<16xi32>,
        %dma_wait3A_288 = arith.constant 0 : i32
        %dma_wait3A_289 = arith.constant 0 : i32
        %dma_wait3A_290 = tpu.memref_slice %arg8[%dma_wait3A_288, %dma_wait3A_289] : memref<10240x128xf32, #tpu.memory_space<vmem_shared>> -> memref<10240x128xf32, #tpu.memory_space<vmem_shared>>
        tpu.wait_indirect_dma semaphore(%arg21 : memref<!tpu.dma_semaphore, #tpu.memory_space<semaphore_mem>>) src(%arg11 : memref<64x128xf32, #tpu.memory_space<vmem>>) dst(%dma_wait3A_290 : memref<10240x128xf32, #tpu.memory_space<vmem_shared>>)
        %dma_start3A_291 = arith.constant 0 : i32
        %dma_start3A_292 = arith.constant 0 : i32
        %dma_start3A_293 = tpu.memref_slice %arg8[%dma_start3A_291, %dma_start3A_292] : memref<10240x128xf32, #tpu.memory_space<vmem_shared>> -> memref<10240x128xf32, #tpu.memory_space<vmem_shared>>
        tpu.enqueue_indirect_dma source(%arg12 : memref<64x128xf32, #tpu.memory_space<vmem>>) target(%dma_start3A_293 : memref<10240x128xf32, #tpu.memory_space<vmem_shared>>) offsets(%arg16 : memref<64xi32, #tpu.memory_space<vmem>>) semaphore(%arg21 : memref<!tpu.dma_semaphore, #tpu.memory_space<semaphore_mem>>) {add = true}
        %add3A_294 = arith.constant 1 : i32
        %add3A_295 = arith.addi %add3A_191, %add3A_294 : i32
        %add3A_296 = arith.constant 4 : i32
        %add3A_297 = arith.addi %add3A_295, %add3A_296 : i32
        %sub3A_298 = arith.constant 1 : i32
        %sub3A_299 = arith.subi %add3A_297, %sub3A_298 : i32
        %mul3A_300 = arith.constant 64 : i32
        %mul3A_301 = arith.muli %sub3A_299, %mul3A_300 : i32
        %dma_start3A_302 = tpu.memref_slice %arg9[%mul3A_301] : memref<2048xi32, #tpu.memory_space<vmem>> -> memref<64xi32, #tpu.memory_space<vmem>>
        %dma_start3A_303 = arith.constant 0 : i32
        %dma_start3A_304 = arith.constant 0 : i32
        %dma_start3A_305 = tpu.memref_slice %arg2[%dma_start3A_303, %dma_start3A_304] : memref<10240x128xf32, #tpu.memory_space<hbm>> -> memref<10240x128xf32, #tpu.memory_space<hbm>>
        tpu.enqueue_indirect_dma source(%dma_start3A_305 : memref<10240x128xf32, #tpu.memory_space<hbm>>) target(%arg11 : memref<64x128xf32, #tpu.memory_space<vmem>>) offsets(%dma_start3A_302 : memref<64xi32, #tpu.memory_space<vmem>>) semaphore(%arg17 : memref<!tpu.dma_semaphore, #tpu.memory_space<semaphore_mem>>)
        %dma_wait3A_306 = arith.constant 0 : i32
        %dma_wait3A_307 = tpu.memref_slice %arg9[%dma_wait3A_306] : memref<2048xi32, #tpu.memory_space<vmem>> -> memref<64xi32, #tpu.memory_space<vmem>>
        %dma_wait3A_308 = arith.constant 0 : i32
        %dma_wait3A_309 = arith.constant 0 : i32
        %dma_wait3A_310 = tpu.memref_slice %arg2[%dma_wait3A_308, %dma_wait3A_309] : memref<10240x128xf32, #tpu.memory_space<hbm>> -> memref<10240x128xf32, #tpu.memory_space<hbm>>
        tpu.wait_indirect_dma semaphore(%arg19 : memref<!tpu.dma_semaphore, #tpu.memory_space<semaphore_mem>>) src(%dma_wait3A_310 : memref<10240x128xf32, #tpu.memory_space<hbm>>) dst(%arg13 : memref<64x128xf32, #tpu.memory_space<vmem>>)
        %add3A_311 = arith.constant 2 : i32
        %add3A_312 = arith.addi %add3A_191, %add3A_311 : i32
        %mul3A_313 = arith.constant 64 : i32
        %mul3A_314 = arith.muli %add3A_312, %mul3A_313 : i32
        %add3A_315 = arith.constant 0 : i32
        %add3A_316 = arith.addi %mul3A_314, %add3A_315 : i32
        %get3A_317 = arith.index_cast %add3A_316 : i32 to index
        %get3A_318 = tpu.vector_load %arg10[%get3A_317] {strides = array<i32>} : memref<2048xi32, #tpu.memory_space<vmem>>, vector<16xi32>,
        %swap3A_319 = arith.constant 0 : index
        %swap3A_320 = tpu.vector_load %arg15[%swap3A_319] {strides = array<i32>} : memref<64xi32, #tpu.memory_space<vmem>>, vector<16xi32>,
        tpu.vector_store %arg15[%swap3A_319], %get3A_318 {strides = array<i32>} : memref<64xi32, #tpu.memory_space<vmem>>, vector<16xi32>,
        %mul3A_321 = arith.constant 64 : i32
        %mul3A_322 = arith.muli %add3A_312, %mul3A_321 : i32
        %add3A_323 = arith.constant 16 : i32
        %add3A_324 = arith.addi %mul3A_322, %add3A_323 : i32
        %get3A_325 = arith.index_cast %add3A_324 : i32 to index
        %get3A_326 = tpu.vector_load %arg10[%get3A_325] {strides = array<i32>} : memref<2048xi32, #tpu.memory_space<vmem>>, vector<16xi32>,
        %swap3A_327 = arith.constant 16 : index
        %swap3A_328 = tpu.vector_load %arg15[%swap3A_327] {strides = array<i32>} : memref<64xi32, #tpu.memory_space<vmem>>, vector<16xi32>,
        tpu.vector_store %arg15[%swap3A_327], %get3A_326 {strides = array<i32>} : memref<64xi32, #tpu.memory_space<vmem>>, vector<16xi32>,
        %mul3A_329 = arith.constant 64 : i32
        %mul3A_330 = arith.muli %add3A_312, %mul3A_329 : i32
        %add3A_331 = arith.constant 32 : i32
        %add3A_332 = arith.addi %mul3A_330, %add3A_331 : i32
        %get3A_333 = arith.index_cast %add3A_332 : i32 to index
        %get3A_334 = tpu.vector_load %arg10[%get3A_333] {strides = array<i32>} : memref<2048xi32, #tpu.memory_space<vmem>>, vector<16xi32>,
        %swap3A_335 = arith.constant 32 : index
        %swap3A_336 = tpu.vector_load %arg15[%swap3A_335] {strides = array<i32>} : memref<64xi32, #tpu.memory_space<vmem>>, vector<16xi32>,
        tpu.vector_store %arg15[%swap3A_335], %get3A_334 {strides = array<i32>} : memref<64xi32, #tpu.memory_space<vmem>>, vector<16xi32>,
        %mul3A_337 = arith.constant 64 : i32
        %mul3A_338 = arith.muli %add3A_312, %mul3A_337 : i32
        %add3A_339 = arith.constant 48 : i32
        %add3A_340 = arith.addi %mul3A_338, %add3A_339 : i32
        %get3A_341 = arith.index_cast %add3A_340 : i32 to index
        %get3A_342 = tpu.vector_load %arg10[%get3A_341] {strides = array<i32>} : memref<2048xi32, #tpu.memory_space<vmem>>, vector<16xi32>,
        %swap3A_343 = arith.constant 48 : index
        %swap3A_344 = tpu.vector_load %arg15[%swap3A_343] {strides = array<i32>} : memref<64xi32, #tpu.memory_space<vmem>>, vector<16xi32>,
        tpu.vector_store %arg15[%swap3A_343], %get3A_342 {strides = array<i32>} : memref<64xi32, #tpu.memory_space<vmem>>, vector<16xi32>,
        %dma_wait3A_345 = arith.constant 0 : i32
        %dma_wait3A_346 = arith.constant 0 : i32
        %dma_wait3A_347 = tpu.memref_slice %arg8[%dma_wait3A_345, %dma_wait3A_346] : memref<10240x128xf32, #tpu.memory_space<vmem_shared>> -> memref<10240x128xf32, #tpu.memory_space<vmem_shared>>
        tpu.wait_indirect_dma semaphore(%arg21 : memref<!tpu.dma_semaphore, #tpu.memory_space<semaphore_mem>>) src(%arg11 : memref<64x128xf32, #tpu.memory_space<vmem>>) dst(%dma_wait3A_347 : memref<10240x128xf32, #tpu.memory_space<vmem_shared>>)
        %dma_start3A_348 = arith.constant 0 : i32
        %dma_start3A_349 = arith.constant 0 : i32
        %dma_start3A_350 = tpu.memref_slice %arg8[%dma_start3A_348, %dma_start3A_349] : memref<10240x128xf32, #tpu.memory_space<vmem_shared>> -> memref<10240x128xf32, #tpu.memory_space<vmem_shared>>
        tpu.enqueue_indirect_dma source(%arg13 : memref<64x128xf32, #tpu.memory_space<vmem>>) target(%dma_start3A_350 : memref<10240x128xf32, #tpu.memory_space<vmem_shared>>) offsets(%arg15 : memref<64xi32, #tpu.memory_space<vmem>>) semaphore(%arg21 : memref<!tpu.dma_semaphore, #tpu.memory_space<semaphore_mem>>) {add = true}
        %add3A_351 = arith.constant 2 : i32
        %add3A_352 = arith.addi %add3A_191, %add3A_351 : i32
        %add3A_353 = arith.constant 4 : i32
        %add3A_354 = arith.addi %add3A_352, %add3A_353 : i32
        %sub3A_355 = arith.constant 1 : i32
        %sub3A_356 = arith.subi %add3A_354, %sub3A_355 : i32
        %mul3A_357 = arith.constant 64 : i32
        %mul3A_358 = arith.muli %sub3A_356, %mul3A_357 : i32
        %dma_start3A_359 = tpu.memref_slice %arg9[%mul3A_358] : memref<2048xi32, #tpu.memory_space<vmem>> -> memref<64xi32, #tpu.memory_space<vmem>>
        %dma_start3A_360 = arith.constant 0 : i32
        %dma_start3A_361 = arith.constant 0 : i32
        %dma_start3A_362 = tpu.memref_slice %arg2[%dma_start3A_360, %dma_start3A_361] : memref<10240x128xf32, #tpu.memory_space<hbm>> -> memref<10240x128xf32, #tpu.memory_space<hbm>>
        tpu.enqueue_indirect_dma source(%dma_start3A_362 : memref<10240x128xf32, #tpu.memory_space<hbm>>) target(%arg12 : memref<64x128xf32, #tpu.memory_space<vmem>>) offsets(%dma_start3A_359 : memref<64xi32, #tpu.memory_space<vmem>>) semaphore(%arg18 : memref<!tpu.dma_semaphore, #tpu.memory_space<semaphore_mem>>)
        %dma_wait3A_363 = arith.constant 0 : i32
        %dma_wait3A_364 = tpu.memref_slice %arg9[%dma_wait3A_363] : memref<2048xi32, #tpu.memory_space<vmem>> -> memref<64xi32, #tpu.memory_space<vmem>>
        %dma_wait3A_365 = arith.constant 0 : i32
        %dma_wait3A_366 = arith.constant 0 : i32
        %dma_wait3A_367 = tpu.memref_slice %arg2[%dma_wait3A_365, %dma_wait3A_366] : memref<10240x128xf32, #tpu.memory_space<hbm>> -> memref<10240x128xf32, #tpu.memory_space<hbm>>
        tpu.wait_indirect_dma semaphore(%arg20 : memref<!tpu.dma_semaphore, #tpu.memory_space<semaphore_mem>>) src(%dma_wait3A_367 : memref<10240x128xf32, #tpu.memory_space<hbm>>) dst(%arg14 : memref<64x128xf32, #tpu.memory_space<vmem>>)
        %add3A_368 = arith.constant 3 : i32
        %add3A_369 = arith.addi %add3A_191, %add3A_368 : i32
        %mul3A_370 = arith.constant 64 : i32
        %mul3A_371 = arith.muli %add3A_369, %mul3A_370 : i32
        %add3A_372 = arith.constant 0 : i32
        %add3A_373 = arith.addi %mul3A_371, %add3A_372 : i32
        %get3A_374 = arith.index_cast %add3A_373 : i32 to index
        %get3A_375 = tpu.vector_load %arg10[%get3A_374] {strides = array<i32>} : memref<2048xi32, #tpu.memory_space<vmem>>, vector<16xi32>,
        %swap3A_376 = arith.constant 0 : index
        %swap3A_377 = tpu.vector_load %arg16[%swap3A_376] {strides = array<i32>} : memref<64xi32, #tpu.memory_space<vmem>>, vector<16xi32>,
        tpu.vector_store %arg16[%swap3A_376], %get3A_375 {strides = array<i32>} : memref<64xi32, #tpu.memory_space<vmem>>, vector<16xi32>,
        %mul3A_378 = arith.constant 64 : i32
        %mul3A_379 = arith.muli %add3A_369, %mul3A_378 : i32
        %add3A_380 = arith.constant 16 : i32
        %add3A_381 = arith.addi %mul3A_379, %add3A_380 : i32
        %get3A_382 = arith.index_cast %add3A_381 : i32 to index
        %get3A_383 = tpu.vector_load %arg10[%get3A_382] {strides = array<i32>} : memref<2048xi32, #tpu.memory_space<vmem>>, vector<16xi32>,
        %swap3A_384 = arith.constant 16 : index
        %swap3A_385 = tpu.vector_load %arg16[%swap3A_384] {strides = array<i32>} : memref<64xi32, #tpu.memory_space<vmem>>, vector<16xi32>,
        tpu.vector_store %arg16[%swap3A_384], %get3A_383 {strides = array<i32>} : memref<64xi32, #tpu.memory_space<vmem>>, vector<16xi32>,
        %mul3A_386 = arith.constant 64 : i32
        %mul3A_387 = arith.muli %add3A_369, %mul3A_386 : i32
        %add3A_388 = arith.constant 32 : i32
        %add3A_389 = arith.addi %mul3A_387, %add3A_388 : i32
        %get3A_390 = arith.index_cast %add3A_389 : i32 to index
        %get3A_391 = tpu.vector_load %arg10[%get3A_390] {strides = array<i32>} : memref<2048xi32, #tpu.memory_space<vmem>>, vector<16xi32>,
        %swap3A_392 = arith.constant 32 : index
        %swap3A_393 = tpu.vector_load %arg16[%swap3A_392] {strides = array<i32>} : memref<64xi32, #tpu.memory_space<vmem>>, vector<16xi32>,
        tpu.vector_store %arg16[%swap3A_392], %get3A_391 {strides = array<i32>} : memref<64xi32, #tpu.memory_space<vmem>>, vector<16xi32>,
        %mul3A_394 = arith.constant 64 : i32
        %mul3A_395 = arith.muli %add3A_369, %mul3A_394 : i32
        %add3A_396 = arith.constant 48 : i32
        %add3A_397 = arith.addi %mul3A_395, %add3A_396 : i32
        %get3A_398 = arith.index_cast %add3A_397 : i32 to index
        %get3A_399 = tpu.vector_load %arg10[%get3A_398] {strides = array<i32>} : memref<2048xi32, #tpu.memory_space<vmem>>, vector<16xi32>,
        %swap3A_400 = arith.constant 48 : index
        %swap3A_401 = tpu.vector_load %arg16[%swap3A_400] {strides = array<i32>} : memref<64xi32, #tpu.memory_space<vmem>>, vector<16xi32>,
        tpu.vector_store %arg16[%swap3A_400], %get3A_399 {strides = array<i32>} : memref<64xi32, #tpu.memory_space<vmem>>, vector<16xi32>,
        %dma_wait3A_402 = arith.constant 0 : i32
        %dma_wait3A_403 = arith.constant 0 : i32
        %dma_wait3A_404 = tpu.memref_slice %arg8[%dma_wait3A_402, %dma_wait3A_403] : memref<10240x128xf32, #tpu.memory_space<vmem_shared>> -> memref<10240x128xf32, #tpu.memory_space<vmem_shared>>
        tpu.wait_indirect_dma semaphore(%arg21 : memref<!tpu.dma_semaphore, #tpu.memory_space<semaphore_mem>>) src(%arg11 : memref<64x128xf32, #tpu.memory_space<vmem>>) dst(%dma_wait3A_404 : memref<10240x128xf32, #tpu.memory_space<vmem_shared>>)
        %dma_start3A_405 = arith.constant 0 : i32
        %dma_start3A_406 = arith.constant 0 : i32
        %dma_start3A_407 = tpu.memref_slice %arg8[%dma_start3A_405, %dma_start3A_406] : memref<10240x128xf32, #tpu.memory_space<vmem_shared>> -> memref<10240x128xf32, #tpu.memory_space<vmem_shared>>
        tpu.enqueue_indirect_dma source(%arg14 : memref<64x128xf32, #tpu.memory_space<vmem>>) target(%dma_start3A_407 : memref<10240x128xf32, #tpu.memory_space<vmem_shared>>) offsets(%arg16 : memref<64xi32, #tpu.memory_space<vmem>>) semaphore(%arg21 : memref<!tpu.dma_semaphore, #tpu.memory_space<semaphore_mem>>) {add = true}
        %add3A_408 = arith.constant 3 : i32
        %add3A_409 = arith.addi %add3A_191, %add3A_408 : i32
        %add3A_410 = arith.constant 4 : i32
        %add3A_411 = arith.addi %add3A_409, %add3A_410 : i32
        %sub3A_412 = arith.constant 1 : i32
        %sub3A_413 = arith.subi %add3A_411, %sub3A_412 : i32
        %mul3A_414 = arith.constant 64 : i32
        %mul3A_415 = arith.muli %sub3A_413, %mul3A_414 : i32
        %dma_start3A_416 = tpu.memref_slice %arg9[%mul3A_415] : memref<2048xi32, #tpu.memory_space<vmem>> -> memref<64xi32, #tpu.memory_space<vmem>>
        %dma_start3A_417 = arith.constant 0 : i32
        %dma_start3A_418 = arith.constant 0 : i32
        %dma_start3A_419 = tpu.memref_slice %arg2[%dma_start3A_417, %dma_start3A_418] : memref<10240x128xf32, #tpu.memory_space<hbm>> -> memref<10240x128xf32, #tpu.memory_space<hbm>>
        tpu.enqueue_indirect_dma source(%dma_start3A_419 : memref<10240x128xf32, #tpu.memory_space<hbm>>) target(%arg13 : memref<64x128xf32, #tpu.memory_space<vmem>>) offsets(%dma_start3A_416 : memref<64xi32, #tpu.memory_space<vmem>>) semaphore(%arg19 : memref<!tpu.dma_semaphore, #tpu.memory_space<semaphore_mem>>)
      }
      %scan3A_75 = arith.constant 7 : i32
      %dma_wait3A_76 = arith.constant 0 : i32
      %dma_wait3A_77 = tpu.memref_slice %arg9[%dma_wait3A_76] : memref<2048xi32, #tpu.memory_space<vmem>> -> memref<64xi32, #tpu.memory_space<vmem>>
      %dma_wait3A_78 = arith.constant 0 : i32
      %dma_wait3A_79 = arith.constant 0 : i32
      %dma_wait3A_80 = tpu.memref_slice %arg2[%dma_wait3A_78, %dma_wait3A_79] : memref<10240x128xf32, #tpu.memory_space<hbm>> -> memref<10240x128xf32, #tpu.memory_space<hbm>>
      tpu.wait_indirect_dma semaphore(%arg17 : memref<!tpu.dma_semaphore, #tpu.memory_space<semaphore_mem>>) src(%dma_wait3A_80 : memref<10240x128xf32, #tpu.memory_space<hbm>>) dst(%arg11 : memref<64x128xf32, #tpu.memory_space<vmem>>)
      %get3A = arith.constant 1792 : index
      %get3A_81 = tpu.vector_load %arg10[%get3A] {strides = array<i32>} : memref<2048xi32, #tpu.memory_space<vmem>>, vector<16xi32>,
      %swap3A = arith.constant 0 : index
      %swap3A_82 = tpu.vector_load %arg15[%swap3A] {strides = array<i32>} : memref<64xi32, #tpu.memory_space<vmem>>, vector<16xi32>,
      tpu.vector_store %arg15[%swap3A], %get3A_81 {strides = array<i32>} : memref<64xi32, #tpu.memory_space<vmem>>, vector<16xi32>,
      %get3A_83 = arith.constant 1808 : index
      %get3A_84 = tpu.vector_load %arg10[%get3A_83] {strides = array<i32>} : memref<2048xi32, #tpu.memory_space<vmem>>, vector<16xi32>,
      %swap3A_85 = arith.constant 16 : index
      %swap3A_86 = tpu.vector_load %arg15[%swap3A_85] {strides = array<i32>} : memref<64xi32, #tpu.memory_space<vmem>>, vector<16xi32>,
      tpu.vector_store %arg15[%swap3A_85], %get3A_84 {strides = array<i32>} : memref<64xi32, #tpu.memory_space<vmem>>, vector<16xi32>,
      %get3A_87 = arith.constant 1824 : index
      %get3A_88 = tpu.vector_load %arg10[%get3A_87] {strides = array<i32>} : memref<2048xi32, #tpu.memory_space<vmem>>, vector<16xi32>,
      %swap3A_89 = arith.constant 32 : index
      %swap3A_90 = tpu.vector_load %arg15[%swap3A_89] {strides = array<i32>} : memref<64xi32, #tpu.memory_space<vmem>>, vector<16xi32>,
      tpu.vector_store %arg15[%swap3A_89], %get3A_88 {strides = array<i32>} : memref<64xi32, #tpu.memory_space<vmem>>, vector<16xi32>,
      %get3A_91 = arith.constant 1840 : index
      %get3A_92 = tpu.vector_load %arg10[%get3A_91] {strides = array<i32>} : memref<2048xi32, #tpu.memory_space<vmem>>, vector<16xi32>,
      %swap3A_93 = arith.constant 48 : index
      %swap3A_94 = tpu.vector_load %arg15[%swap3A_93] {strides = array<i32>} : memref<64xi32, #tpu.memory_space<vmem>>, vector<16xi32>,
      tpu.vector_store %arg15[%swap3A_93], %get3A_92 {strides = array<i32>} : memref<64xi32, #tpu.memory_space<vmem>>, vector<16xi32>,
      %dma_wait3A_95 = arith.constant 0 : i32
      %dma_wait3A_96 = arith.constant 0 : i32
      %dma_wait3A_97 = tpu.memref_slice %arg8[%dma_wait3A_95, %dma_wait3A_96] : memref<10240x128xf32, #tpu.memory_space<vmem_shared>> -> memref<10240x128xf32, #tpu.memory_space<vmem_shared>>
      tpu.wait_indirect_dma semaphore(%arg21 : memref<!tpu.dma_semaphore, #tpu.memory_space<semaphore_mem>>) src(%arg11 : memref<64x128xf32, #tpu.memory_space<vmem>>) dst(%dma_wait3A_97 : memref<10240x128xf32, #tpu.memory_space<vmem_shared>>)
      %dma_start3A_98 = arith.constant 0 : i32
      %dma_start3A_99 = arith.constant 0 : i32
      %dma_start3A_100 = tpu.memref_slice %arg8[%dma_start3A_98, %dma_start3A_99] : memref<10240x128xf32, #tpu.memory_space<vmem_shared>> -> memref<10240x128xf32, #tpu.memory_space<vmem_shared>>
      tpu.enqueue_indirect_dma source(%arg11 : memref<64x128xf32, #tpu.memory_space<vmem>>) target(%dma_start3A_100 : memref<10240x128xf32, #tpu.memory_space<vmem_shared>>) offsets(%arg15 : memref<64xi32, #tpu.memory_space<vmem>>) semaphore(%arg21 : memref<!tpu.dma_semaphore, #tpu.memory_space<semaphore_mem>>) {add = true}
      %dma_start3A_101 = arith.constant 1984 : i32
      %dma_start3A_102 = tpu.memref_slice %arg9[%dma_start3A_101] : memref<2048xi32, #tpu.memory_space<vmem>> -> memref<64xi32, #tpu.memory_space<vmem>>
      %dma_start3A_103 = arith.constant 0 : i32
      %dma_start3A_104 = arith.constant 0 : i32
      %dma_start3A_105 = tpu.memref_slice %arg2[%dma_start3A_103, %dma_start3A_104] : memref<10240x128xf32, #tpu.memory_space<hbm>> -> memref<10240x128xf32, #tpu.memory_space<hbm>>
      tpu.enqueue_indirect_dma source(%dma_start3A_105 : memref<10240x128xf32, #tpu.memory_space<hbm>>) target(%arg14 : memref<64x128xf32, #tpu.memory_space<vmem>>) offsets(%dma_start3A_102 : memref<64xi32, #tpu.memory_space<vmem>>) semaphore(%arg20 : memref<!tpu.dma_semaphore, #tpu.memory_space<semaphore_mem>>)
      %dma_wait3A_106 = arith.constant 0 : i32
      %dma_wait3A_107 = tpu.memref_slice %arg9[%dma_wait3A_106] : memref<2048xi32, #tpu.memory_space<vmem>> -> memref<64xi32, #tpu.memory_space<vmem>>
      %dma_wait3A_108 = arith.constant 0 : i32
      %dma_wait3A_109 = arith.constant 0 : i32
      %dma_wait3A_110 = tpu.memref_slice %arg2[%dma_wait3A_108, %dma_wait3A_109] : memref<10240x128xf32, #tpu.memory_space<hbm>> -> memref<10240x128xf32, #tpu.memory_space<hbm>>
      tpu.wait_indirect_dma semaphore(%arg18 : memref<!tpu.dma_semaphore, #tpu.memory_space<semaphore_mem>>) src(%dma_wait3A_110 : memref<10240x128xf32, #tpu.memory_space<hbm>>) dst(%arg12 : memref<64x128xf32, #tpu.memory_space<vmem>>)
      %get3A_111 = arith.constant 1856 : index
      %get3A_112 = tpu.vector_load %arg10[%get3A_111] {strides = array<i32>} : memref<2048xi32, #tpu.memory_space<vmem>>, vector<16xi32>,
      %swap3A_113 = arith.constant 0 : index
      %swap3A_114 = tpu.vector_load %arg16[%swap3A_113] {strides = array<i32>} : memref<64xi32, #tpu.memory_space<vmem>>, vector<16xi32>,
      tpu.vector_store %arg16[%swap3A_113], %get3A_112 {strides = array<i32>} : memref<64xi32, #tpu.memory_space<vmem>>, vector<16xi32>,
      %get3A_115 = arith.constant 1872 : index
      %get3A_116 = tpu.vector_load %arg10[%get3A_115] {strides = array<i32>} : memref<2048xi32, #tpu.memory_space<vmem>>, vector<16xi32>,
      %swap3A_117 = arith.constant 16 : index
      %swap3A_118 = tpu.vector_load %arg16[%swap3A_117] {strides = array<i32>} : memref<64xi32, #tpu.memory_space<vmem>>, vector<16xi32>,
      tpu.vector_store %arg16[%swap3A_117], %get3A_116 {strides = array<i32>} : memref<64xi32, #tpu.memory_space<vmem>>, vector<16xi32>,
      %get3A_119 = arith.constant 1888 : index
      %get3A_120 = tpu.vector_load %arg10[%get3A_119] {strides = array<i32>} : memref<2048xi32, #tpu.memory_space<vmem>>, vector<16xi32>,
      %swap3A_121 = arith.constant 32 : index
      %swap3A_122 = tpu.vector_load %arg16[%swap3A_121] {strides = array<i32>} : memref<64xi32, #tpu.memory_space<vmem>>, vector<16xi32>,
      tpu.vector_store %arg16[%swap3A_121], %get3A_120 {strides = array<i32>} : memref<64xi32, #tpu.memory_space<vmem>>, vector<16xi32>,
      %get3A_123 = arith.constant 1904 : index
      %get3A_124 = tpu.vector_load %arg10[%get3A_123] {strides = array<i32>} : memref<2048xi32, #tpu.memory_space<vmem>>, vector<16xi32>,
      %swap3A_125 = arith.constant 48 : index
      %swap3A_126 = tpu.vector_load %arg16[%swap3A_125] {strides = array<i32>} : memref<64xi32, #tpu.memory_space<vmem>>, vector<16xi32>,
      tpu.vector_store %arg16[%swap3A_125], %get3A_124 {strides = array<i32>} : memref<64xi32, #tpu.memory_space<vmem>>, vector<16xi32>,
      %dma_wait3A_127 = arith.constant 0 : i32
      %dma_wait3A_128 = arith.constant 0 : i32
      %dma_wait3A_129 = tpu.memref_slice %arg8[%dma_wait3A_127, %dma_wait3A_128] : memref<10240x128xf32, #tpu.memory_space<vmem_shared>> -> memref<10240x128xf32, #tpu.memory_space<vmem_shared>>
      tpu.wait_indirect_dma semaphore(%arg21 : memref<!tpu.dma_semaphore, #tpu.memory_space<semaphore_mem>>) src(%arg11 : memref<64x128xf32, #tpu.memory_space<vmem>>) dst(%dma_wait3A_129 : memref<10240x128xf32, #tpu.memory_space<vmem_shared>>)
      %dma_start3A_130 = arith.constant 0 : i32
      %dma_start3A_131 = arith.constant 0 : i32
      %dma_start3A_132 = tpu.memref_slice %arg8[%dma_start3A_130, %dma_start3A_131] : memref<10240x128xf32, #tpu.memory_space<vmem_shared>> -> memref<10240x128xf32, #tpu.memory_space<vmem_shared>>
      tpu.enqueue_indirect_dma source(%arg12 : memref<64x128xf32, #tpu.memory_space<vmem>>) target(%dma_start3A_132 : memref<10240x128xf32, #tpu.memory_space<vmem_shared>>) offsets(%arg16 : memref<64xi32, #tpu.memory_space<vmem>>) semaphore(%arg21 : memref<!tpu.dma_semaphore, #tpu.memory_space<semaphore_mem>>) {add = true}
      %dma_wait3A_133 = arith.constant 0 : i32
      %dma_wait3A_134 = tpu.memref_slice %arg9[%dma_wait3A_133] : memref<2048xi32, #tpu.memory_space<vmem>> -> memref<64xi32, #tpu.memory_space<vmem>>
      %dma_wait3A_135 = arith.constant 0 : i32
      %dma_wait3A_136 = arith.constant 0 : i32
      %dma_wait3A_137 = tpu.memref_slice %arg2[%dma_wait3A_135, %dma_wait3A_136] : memref<10240x128xf32, #tpu.memory_space<hbm>> -> memref<10240x128xf32, #tpu.memory_space<hbm>>
      tpu.wait_indirect_dma semaphore(%arg19 : memref<!tpu.dma_semaphore, #tpu.memory_space<semaphore_mem>>) src(%dma_wait3A_137 : memref<10240x128xf32, #tpu.memory_space<hbm>>) dst(%arg13 : memref<64x128xf32, #tpu.memory_space<vmem>>)
      %get3A_138 = arith.constant 1920 : index
      %get3A_139 = tpu.vector_load %arg10[%get3A_138] {strides = array<i32>} : memref<2048xi32, #tpu.memory_space<vmem>>, vector<16xi32>,
      %swap3A_140 = arith.constant 0 : index
      %swap3A_141 = tpu.vector_load %arg15[%swap3A_140] {strides = array<i32>} : memref<64xi32, #tpu.memory_space<vmem>>, vector<16xi32>,
      tpu.vector_store %arg15[%swap3A_140], %get3A_139 {strides = array<i32>} : memref<64xi32, #tpu.memory_space<vmem>>, vector<16xi32>,
      %get3A_142 = arith.constant 1936 : index
      %get3A_143 = tpu.vector_load %arg10[%get3A_142] {strides = array<i32>} : memref<2048xi32, #tpu.memory_space<vmem>>, vector<16xi32>,
      %swap3A_144 = arith.constant 16 : index
      %swap3A_145 = tpu.vector_load %arg15[%swap3A_144] {strides = array<i32>} : memref<64xi32, #tpu.memory_space<vmem>>, vector<16xi32>,
      tpu.vector_store %arg15[%swap3A_144], %get3A_143 {strides = array<i32>} : memref<64xi32, #tpu.memory_space<vmem>>, vector<16xi32>,
      %get3A_146 = arith.constant 1952 : index
      %get3A_147 = tpu.vector_load %arg10[%get3A_146] {strides = array<i32>} : memref<2048xi32, #tpu.memory_space<vmem>>, vector<16xi32>,
      %swap3A_148 = arith.constant 32 : index
      %swap3A_149 = tpu.vector_load %arg15[%swap3A_148] {strides = array<i32>} : memref<64xi32, #tpu.memory_space<vmem>>, vector<16xi32>,
      tpu.vector_store %arg15[%swap3A_148], %get3A_147 {strides = array<i32>} : memref<64xi32, #tpu.memory_space<vmem>>, vector<16xi32>,
      %get3A_150 = arith.constant 1968 : index
      %get3A_151 = tpu.vector_load %arg10[%get3A_150] {strides = array<i32>} : memref<2048xi32, #tpu.memory_space<vmem>>, vector<16xi32>,
      %swap3A_152 = arith.constant 48 : index
      %swap3A_153 = tpu.vector_load %arg15[%swap3A_152] {strides = array<i32>} : memref<64xi32, #tpu.memory_space<vmem>>, vector<16xi32>,
      tpu.vector_store %arg15[%swap3A_152], %get3A_151 {strides = array<i32>} : memref<64xi32, #tpu.memory_space<vmem>>, vector<16xi32>,
      %dma_wait3A_154 = arith.constant 0 : i32
      %dma_wait3A_155 = arith.constant 0 : i32
      %dma_wait3A_156 = tpu.memref_slice %arg8[%dma_wait3A_154, %dma_wait3A_155] : memref<10240x128xf32, #tpu.memory_space<vmem_shared>> -> memref<10240x128xf32, #tpu.memory_space<vmem_shared>>
      tpu.wait_indirect_dma semaphore(%arg21 : memref<!tpu.dma_semaphore, #tpu.memory_space<semaphore_mem>>) src(%arg11 : memref<64x128xf32, #tpu.memory_space<vmem>>) dst(%dma_wait3A_156 : memref<10240x128xf32, #tpu.memory_space<vmem_shared>>)
      %dma_start3A_157 = arith.constant 0 : i32
      %dma_start3A_158 = arith.constant 0 : i32
      %dma_start3A_159 = tpu.memref_slice %arg8[%dma_start3A_157, %dma_start3A_158] : memref<10240x128xf32, #tpu.memory_space<vmem_shared>> -> memref<10240x128xf32, #tpu.memory_space<vmem_shared>>
      tpu.enqueue_indirect_dma source(%arg13 : memref<64x128xf32, #tpu.memory_space<vmem>>) target(%dma_start3A_159 : memref<10240x128xf32, #tpu.memory_space<vmem_shared>>) offsets(%arg15 : memref<64xi32, #tpu.memory_space<vmem>>) semaphore(%arg21 : memref<!tpu.dma_semaphore, #tpu.memory_space<semaphore_mem>>) {add = true}
      %dma_wait3A_160 = arith.constant 0 : i32
      %dma_wait3A_161 = tpu.memref_slice %arg9[%dma_wait3A_160] : memref<2048xi32, #tpu.memory_space<vmem>> -> memref<64xi32, #tpu.memory_space<vmem>>
      %dma_wait3A_162 = arith.constant 0 : i32
      %dma_wait3A_163 = arith.constant 0 : i32
      %dma_wait3A_164 = tpu.memref_slice %arg2[%dma_wait3A_162, %dma_wait3A_163] : memref<10240x128xf32, #tpu.memory_space<hbm>> -> memref<10240x128xf32, #tpu.memory_space<hbm>>
      tpu.wait_indirect_dma semaphore(%arg20 : memref<!tpu.dma_semaphore, #tpu.memory_space<semaphore_mem>>) src(%dma_wait3A_164 : memref<10240x128xf32, #tpu.memory_space<hbm>>) dst(%arg14 : memref<64x128xf32, #tpu.memory_space<vmem>>)
      %get3A_165 = arith.constant 1984 : index
      %get3A_166 = tpu.vector_load %arg10[%get3A_165] {strides = array<i32>} : memref<2048xi32, #tpu.memory_space<vmem>>, vector<16xi32>,
      %swap3A_167 = arith.constant 0 : index
      %swap3A_168 = tpu.vector_load %arg16[%swap3A_167] {strides = array<i32>} : memref<64xi32, #tpu.memory_space<vmem>>, vector<16xi32>,
      tpu.vector_store %arg16[%swap3A_167], %get3A_166 {strides = array<i32>} : memref<64xi32, #tpu.memory_space<vmem>>, vector<16xi32>,
      %get3A_169 = arith.constant 2000 : index
      %get3A_170 = tpu.vector_load %arg10[%get3A_169] {strides = array<i32>} : memref<2048xi32, #tpu.memory_space<vmem>>, vector<16xi32>,
      %swap3A_171 = arith.constant 16 : index
      %swap3A_172 = tpu.vector_load %arg16[%swap3A_171] {strides = array<i32>} : memref<64xi32, #tpu.memory_space<vmem>>, vector<16xi32>,
      tpu.vector_store %arg16[%swap3A_171], %get3A_170 {strides = array<i32>} : memref<64xi32, #tpu.memory_space<vmem>>, vector<16xi32>,
      %get3A_173 = arith.constant 2016 : index
      %get3A_174 = tpu.vector_load %arg10[%get3A_173] {strides = array<i32>} : memref<2048xi32, #tpu.memory_space<vmem>>, vector<16xi32>,
      %swap3A_175 = arith.constant 32 : index
      %swap3A_176 = tpu.vector_load %arg16[%swap3A_175] {strides = array<i32>} : memref<64xi32, #tpu.memory_space<vmem>>, vector<16xi32>,
      tpu.vector_store %arg16[%swap3A_175], %get3A_174 {strides = array<i32>} : memref<64xi32, #tpu.memory_space<vmem>>, vector<16xi32>,
      %get3A_177 = arith.constant 2032 : index
      %get3A_178 = tpu.vector_load %arg10[%get3A_177] {strides = array<i32>} : memref<2048xi32, #tpu.memory_space<vmem>>, vector<16xi32>,
      %swap3A_179 = arith.constant 48 : index
      %swap3A_180 = tpu.vector_load %arg16[%swap3A_179] {strides = array<i32>} : memref<64xi32, #tpu.memory_space<vmem>>, vector<16xi32>,
      tpu.vector_store %arg16[%swap3A_179], %get3A_178 {strides = array<i32>} : memref<64xi32, #tpu.memory_space<vmem>>, vector<16xi32>,
      %dma_wait3A_181 = arith.constant 0 : i32
      %dma_wait3A_182 = arith.constant 0 : i32
      %dma_wait3A_183 = tpu.memref_slice %arg8[%dma_wait3A_181, %dma_wait3A_182] : memref<10240x128xf32, #tpu.memory_space<vmem_shared>> -> memref<10240x128xf32, #tpu.memory_space<vmem_shared>>
      tpu.wait_indirect_dma semaphore(%arg21 : memref<!tpu.dma_semaphore, #tpu.memory_space<semaphore_mem>>) src(%arg11 : memref<64x128xf32, #tpu.memory_space<vmem>>) dst(%dma_wait3A_183 : memref<10240x128xf32, #tpu.memory_space<vmem_shared>>)
      %dma_start3A_184 = arith.constant 0 : i32
      %dma_start3A_185 = arith.constant 0 : i32
      %dma_start3A_186 = tpu.memref_slice %arg8[%dma_start3A_184, %dma_start3A_185] : memref<10240x128xf32, #tpu.memory_space<vmem_shared>> -> memref<10240x128xf32, #tpu.memory_space<vmem_shared>>
      tpu.enqueue_indirect_dma source(%arg14 : memref<64x128xf32, #tpu.memory_space<vmem>>) target(%dma_start3A_186 : memref<10240x128xf32, #tpu.memory_space<vmem_shared>>) offsets(%arg16 : memref<64xi32, #tpu.memory_space<vmem>>) semaphore(%arg21 : memref<!tpu.dma_semaphore, #tpu.memory_space<semaphore_mem>>) {add = true}
    }
    %dma_wait3A = arith.constant 0 : i32
    %dma_wait3A_39 = arith.constant 0 : i32
    %dma_wait3A_40 = tpu.memref_slice %arg8[%dma_wait3A, %dma_wait3A_39] : memref<10240x128xf32, #tpu.memory_space<vmem_shared>> -> memref<10240x128xf32, #tpu.memory_space<vmem_shared>>
    tpu.wait_indirect_dma semaphore(%arg21 : memref<!tpu.dma_semaphore, #tpu.memory_space<semaphore_mem>>) src(%arg11 : memref<64x128xf32, #tpu.memory_space<vmem>>) dst(%dma_wait3A_40 : memref<10240x128xf32, #tpu.memory_space<vmem_shared>>)
    %barrier3A_41 = arith.constant 0 : index
    tpu.barrier barrier_id(%barrier3A_41)
    %mul3A_42 = arith.constant 10240 : i32
    %mul3A_43 = arith.muli %arg0, %mul3A_42 : i32
    %add3A_44 = arith.addi %mul3A_43, %mul3A_5 : i32
    %scan3A_45 = arith.constant 0 : i32
    %scan3A_46 = arith.constant 10 : i32
    %scan3A_47 = arith.addi %scan3A_45, %scan3A_46 : i32
    %scan3A_48 = arith.constant 1 : i32
    scf.for %scan3A_50 = %scan3A_45 to %scan3A_47 step %scan3A_48  : i32 {
      %mul3A_51 = arith.constant 64 : i32
      %mul3A_52 = arith.muli %scan3A_50, %mul3A_51 : i32
      %add3A_53 = arith.constant 0 : i32
      %add3A_54 = arith.addi %add3A_53, %mul3A_52 : i32
      %add3A_55 = arith.addi %mul3A_5, %add3A_54 : i32
      %add3A_56 = arith.addi %add3A_44, %add3A_54 : i32
      "tpu.region"() ({
        %run_scoped3A = tpu.sem_alloc : memref<!tpu.dma_semaphore, #tpu.memory_space<semaphore_mem>>
        %dma_start3A_57 = arith.constant 0 : i32
        %dma_start3A_58 = tpu.memref_slice %arg7[%add3A_56, %dma_start3A_57] : memref<20480x128xf32, #tpu.memory_space<hbm>> -> memref<64x128xf32, #tpu.memory_space<hbm>>
        %dma_start3A_59 = arith.constant 0 : i32
        %dma_start3A_60 = tpu.memref_slice %arg8[%add3A_55, %dma_start3A_59] : memref<10240x128xf32, #tpu.memory_space<vmem_shared>> -> memref<64x128xf32, #tpu.memory_space<vmem_shared>>
        tpu.enqueue_dma source(%dma_start3A_60 : memref<64x128xf32, #tpu.memory_space<vmem_shared>>) target(%dma_start3A_58 : memref<64x128xf32, #tpu.memory_space<hbm>>) target_semaphore(%run_scoped3A : memref<!tpu.dma_semaphore, #tpu.memory_space<semaphore_mem>>)
        %dma_wait3A_61 = arith.constant 0 : i32
        %dma_wait3A_62 = tpu.memref_slice %arg7[%add3A_56, %dma_wait3A_61] : memref<20480x128xf32, #tpu.memory_space<hbm>> -> memref<64x128xf32, #tpu.memory_space<hbm>>
        %dma_wait3A_63 = arith.constant 0 : i32
        %dma_wait3A_64 = tpu.memref_slice %arg8[%add3A_55, %dma_wait3A_63] : memref<10240x128xf32, #tpu.memory_space<vmem_shared>> -> memref<64x128xf32, #tpu.memory_space<vmem_shared>>
        tpu.wait_dma2 semaphore(%run_scoped3A : memref<!tpu.dma_semaphore, #tpu.memory_space<semaphore_mem>>) src(%dma_wait3A_64 : memref<64x128xf32, #tpu.memory_space<vmem_shared>>) dst(%dma_wait3A_62 : memref<64x128xf32, #tpu.memory_space<hbm>>)
        tpu.yield
      }) : () -> ()
    }
    %scan3A_49 = arith.constant 10 : i32
    return
  }
}

#map = affine_map<(d0, d1) -> (0, 0)>
#map1 = affine_map<(d0, d1) -> (0)>
module attributes {stable_mosaic.version = 14 : i64} {
  func.func @k(%arg0: i32, %arg1: i32, %arg2: memref<10240x128xf32, #tpu.memory_space<hbm>>, %arg3: memref<327680xi32, #tpu.memory_space<hbm>>, %arg4: memref<327680xi32, #tpu.memory_space<hbm>>, %arg5: memref<64x128xf32, #tpu.memory_space<hbm>>, %arg6: memref<64xi32, #tpu.memory_space<hbm>>, %arg7: memref<20480x128xf32, #tpu.memory_space<hbm>>, %arg8: memref<160x128xf32, #tpu.memory_space<hbm>>, %arg9: memref<10240x128xf32, #tpu.memory_space<vmem_shared>>, %arg10: memref<2048xi32, #tpu.memory_space<vmem>>, %arg11: memref<2048xi32, #tpu.memory_space<vmem>>, %arg12: memref<64x128xf32, #tpu.memory_space<vmem>>, %arg13: memref<64x128xf32, #tpu.memory_space<vmem>>, %arg14: memref<64x128xf32, #tpu.memory_space<vmem>>, %arg15: memref<64x128xf32, #tpu.memory_space<vmem>>, %arg16: memref<64xi32, #tpu.memory_space<vmem>>, %arg17: memref<64xi32, #tpu.memory_space<vmem>>, %arg18: memref<!tpu.dma_semaphore, #tpu.memory_space<semaphore_mem>>, %arg19: memref<!tpu.dma_semaphore, #tpu.memory_space<semaphore_mem>>, %arg20: memref<!tpu.dma_semaphore, #tpu.memory_space<semaphore_mem>>, %arg21: memref<!tpu.dma_semaphore, #tpu.memory_space<semaphore_mem>>, %arg22: memref<!tpu.dma_semaphore, #tpu.memory_space<semaphore_mem>>, %arg23: memref<80x128xf32, #tpu.memory_space<vmem_shared>>, %arg24: memref<64x128xf32, #tpu.memory_space<vmem>>, %arg25: memref<64xi32, #tpu.memory_space<vmem>>) attributes {dimension_semantics = [#tpu.dimension_semantics<core_parallel>, #tpu.dimension_semantics<subcore_parallel>], iteration_bounds = array<i64: 2, 16>, scalar_prefetch = 0 : i64, scratch_operands = 17 : i64, tpu.core_type = #tpu.core_type<sc_vector_subcore>, window_params = [{transform_indices = #map}, {transform_indices = #map1}, {transform_indices = #map1}, {transform_indices = #map}, {transform_indices = #map1}, {transform_indices = #map}, {transform_indices = #map}]} {
    %mul3A = arith.constant 2 : i32
    %mul3A_0 = arith.muli %arg1, %mul3A : i32
    %add3A = arith.addi %mul3A_0, %arg0 : i32
    %iota3A = tpu.iota {dimensions = array<i32: 0>} : vector<16xi32>
    %broadcast_in_dim3A = arith.constant 1.000000e+00 : f32
    %broadcast_in_dim3A_1 = vector.broadcast %broadcast_in_dim3A : f32 to vector<16xf32>
    %broadcast_in_dim3A_2 = arith.constant 0.000000e+00 : f32
    %broadcast_in_dim3A_3 = vector.broadcast %broadcast_in_dim3A_2 : f32 to vector<16xf32>
    "tpu.region"() ({
      %run_scoped3A = tpu.sem_alloc : memref<!tpu.dma_semaphore, #tpu.memory_space<semaphore_mem>>
      tpu.enqueue_dma source(%arg5 : memref<64x128xf32, #tpu.memory_space<hbm>>) target(%arg12 : memref<64x128xf32, #tpu.memory_space<vmem>>) target_semaphore(%run_scoped3A : memref<!tpu.dma_semaphore, #tpu.memory_space<semaphore_mem>>)
      tpu.wait_dma2 semaphore(%run_scoped3A : memref<!tpu.dma_semaphore, #tpu.memory_space<semaphore_mem>>) src(%arg5 : memref<64x128xf32, #tpu.memory_space<hbm>>) dst(%arg12 : memref<64x128xf32, #tpu.memory_space<vmem>>)
      tpu.yield
    }) : () -> ()
    "tpu.region"() ({
      %run_scoped3A = tpu.sem_alloc : memref<!tpu.dma_semaphore, #tpu.memory_space<semaphore_mem>>
      tpu.enqueue_dma source(%arg5 : memref<64x128xf32, #tpu.memory_space<hbm>>) target(%arg24 : memref<64x128xf32, #tpu.memory_space<vmem>>) target_semaphore(%run_scoped3A : memref<!tpu.dma_semaphore, #tpu.memory_space<semaphore_mem>>)
      tpu.wait_dma2 semaphore(%run_scoped3A : memref<!tpu.dma_semaphore, #tpu.memory_space<semaphore_mem>>) src(%arg5 : memref<64x128xf32, #tpu.memory_space<hbm>>) dst(%arg24 : memref<64x128xf32, #tpu.memory_space<vmem>>)
      tpu.yield
    }) : () -> ()
    %mul3A_4 = arith.constant 640 : i32
    %mul3A_5 = arith.muli %arg1, %mul3A_4 : i32
    %scan3A = arith.constant 0 : i32
    %scan3A_6 = arith.constant 10 : i32
    %scan3A_7 = arith.addi %scan3A, %scan3A_6 : i32
    %scan3A_8 = arith.constant 1 : i32
    scf.for %scan3A_57 = %scan3A to %scan3A_7 step %scan3A_8  : i32 {
      %mul3A_58 = arith.constant 64 : i32
      %mul3A_59 = arith.muli %scan3A_57, %mul3A_58 : i32
      %add3A_60 = arith.constant 0 : i32
      %add3A_61 = arith.addi %add3A_60, %mul3A_59 : i32
      %add3A_62 = arith.addi %mul3A_5, %add3A_61 : i32
      "tpu.region"() ({
        %run_scoped3A = tpu.sem_alloc : memref<!tpu.dma_semaphore, #tpu.memory_space<semaphore_mem>>
        %dma_start3A_63 = arith.constant 0 : i32
        %dma_start3A_64 = tpu.memref_slice %arg9[%add3A_62, %dma_start3A_63] : memref<10240x128xf32, #tpu.memory_space<vmem_shared>> -> memref<64x128xf32, #tpu.memory_space<vmem_shared>>
        %dma_start3A_65 = arith.constant 0 : i32
        %dma_start3A_66 = tpu.memref_slice %arg9[%add3A_62, %dma_start3A_65] : memref<10240x128xf32, #tpu.memory_space<vmem_shared>> -> memref<64x128xf32, #tpu.memory_space<vmem_shared>>
        tpu.enqueue_dma source(%arg12 : memref<64x128xf32, #tpu.memory_space<vmem>>) target(%dma_start3A_66 : memref<64x128xf32, #tpu.memory_space<vmem_shared>>) target_semaphore(%run_scoped3A : memref<!tpu.dma_semaphore, #tpu.memory_space<semaphore_mem>>)
        %dma_wait3A_67 = arith.constant 0 : i32
        %dma_wait3A_68 = tpu.memref_slice %arg9[%add3A_62, %dma_wait3A_67] : memref<10240x128xf32, #tpu.memory_space<vmem_shared>> -> memref<64x128xf32, #tpu.memory_space<vmem_shared>>
        %dma_wait3A_69 = arith.constant 0 : i32
        %dma_wait3A_70 = tpu.memref_slice %arg9[%add3A_62, %dma_wait3A_69] : memref<10240x128xf32, #tpu.memory_space<vmem_shared>> -> memref<64x128xf32, #tpu.memory_space<vmem_shared>>
        tpu.wait_dma2 semaphore(%run_scoped3A : memref<!tpu.dma_semaphore, #tpu.memory_space<semaphore_mem>>) src(%arg12 : memref<64x128xf32, #tpu.memory_space<vmem>>) dst(%dma_wait3A_70 : memref<64x128xf32, #tpu.memory_space<vmem_shared>>)
        tpu.yield
      }) : () -> ()
    }
    %scan3A_9 = arith.constant 10 : i32
    %lt3A = arith.constant 10 : i32
    %lt3A_10 = arith.cmpi slt, %arg1, %lt3A : i32
    %convert_element_type3A = arith.extui %lt3A_10 : i1 to i32
    %cond3A = arith.constant 0 : i32
    %cond3A_11 = arith.cmpi ne, %convert_element_type3A, %cond3A : i32
    scf.if %cond3A_11 {
      %mul3A_57 = arith.constant 8 : i32
      %mul3A_58 = arith.muli %arg1, %mul3A_57 : i32
      "tpu.region"() ({
        %run_scoped3A = tpu.sem_alloc : memref<!tpu.dma_semaphore, #tpu.memory_space<semaphore_mem>>
        %dma_start3A_59 = arith.constant 0 : i32
        %dma_start3A_60 = arith.constant 0 : i32
        %dma_start3A_61 = tpu.memref_slice %arg12[%dma_start3A_59, %dma_start3A_60] : memref<64x128xf32, #tpu.memory_space<vmem>> -> memref<8x128xf32, #tpu.memory_space<vmem>>
        %dma_start3A_62 = arith.constant 0 : i32
        %dma_start3A_63 = tpu.memref_slice %arg23[%mul3A_58, %dma_start3A_62] : memref<80x128xf32, #tpu.memory_space<vmem_shared>> -> memref<8x128xf32, #tpu.memory_space<vmem_shared>>
        %dma_start3A_64 = arith.constant 0 : i32
        %dma_start3A_65 = tpu.memref_slice %arg23[%mul3A_58, %dma_start3A_64] : memref<80x128xf32, #tpu.memory_space<vmem_shared>> -> memref<8x128xf32, #tpu.memory_space<vmem_shared>>
        %dma_start3A_66 = arith.constant 0 : i32
        %dma_start3A_67 = arith.constant 0 : i32
        %dma_start3A_68 = tpu.memref_slice %arg12[%dma_start3A_66, %dma_start3A_67] : memref<64x128xf32, #tpu.memory_space<vmem>> -> memref<8x128xf32, #tpu.memory_space<vmem>>
        tpu.enqueue_dma source(%dma_start3A_68 : memref<8x128xf32, #tpu.memory_space<vmem>>) target(%dma_start3A_65 : memref<8x128xf32, #tpu.memory_space<vmem_shared>>) target_semaphore(%run_scoped3A : memref<!tpu.dma_semaphore, #tpu.memory_space<semaphore_mem>>)
        %dma_wait3A_69 = arith.constant 0 : i32
        %dma_wait3A_70 = arith.constant 0 : i32
        %dma_wait3A_71 = tpu.memref_slice %arg12[%dma_wait3A_69, %dma_wait3A_70] : memref<64x128xf32, #tpu.memory_space<vmem>> -> memref<8x128xf32, #tpu.memory_space<vmem>>
        %dma_wait3A_72 = arith.constant 0 : i32
        %dma_wait3A_73 = tpu.memref_slice %arg23[%mul3A_58, %dma_wait3A_72] : memref<80x128xf32, #tpu.memory_space<vmem_shared>> -> memref<8x128xf32, #tpu.memory_space<vmem_shared>>
        %dma_wait3A_74 = arith.constant 0 : i32
        %dma_wait3A_75 = tpu.memref_slice %arg23[%mul3A_58, %dma_wait3A_74] : memref<80x128xf32, #tpu.memory_space<vmem_shared>> -> memref<8x128xf32, #tpu.memory_space<vmem_shared>>
        %dma_wait3A_76 = arith.constant 0 : i32
        %dma_wait3A_77 = arith.constant 0 : i32
        %dma_wait3A_78 = tpu.memref_slice %arg12[%dma_wait3A_76, %dma_wait3A_77] : memref<64x128xf32, #tpu.memory_space<vmem>> -> memref<8x128xf32, #tpu.memory_space<vmem>>
        tpu.wait_dma2 semaphore(%run_scoped3A : memref<!tpu.dma_semaphore, #tpu.memory_space<semaphore_mem>>) src(%dma_wait3A_78 : memref<8x128xf32, #tpu.memory_space<vmem>>) dst(%dma_wait3A_75 : memref<8x128xf32, #tpu.memory_space<vmem_shared>>)
        tpu.yield
      }) : () -> ()
    } else {
    }
    %barrier3A = arith.constant 0 : index
    tpu.barrier barrier_id(%barrier3A)
    %eq3A = arith.constant 0 : i32
    %eq3A_12 = arith.cmpi eq, %arg0, %eq3A : i32
    %jit3A = arith.constant 6 : i32
    %jit3A_13 = arith.constant 4 : i32
    %select_n3A = arith.select %eq3A_12, %jit3A, %jit3A_13 : i32
    %eq3A_14 = arith.constant 0 : i32
    %eq3A_15 = arith.cmpi eq, %arg0, %eq3A_14 : i32
    %mul3A_16 = arith.constant 12288 : i32
    %mul3A_17 = arith.muli %arg1, %mul3A_16 : i32
    %mul3A_18 = arith.constant 8192 : i32
    %mul3A_19 = arith.muli %arg1, %mul3A_18 : i32
    %add3A_20 = arith.constant 196608 : i32
    %add3A_21 = arith.addi %add3A_20, %mul3A_19 : i32
    %select_n3A_22 = arith.select %eq3A_15, %mul3A_17, %add3A_21 : i32
    "tpu.region"() ({
      %run_scoped3A = tpu.sem_alloc : memref<!tpu.dma_semaphore, #tpu.memory_space<semaphore_mem>>
      tpu.enqueue_dma source(%arg6 : memref<64xi32, #tpu.memory_space<hbm>>) target(%arg16 : memref<64xi32, #tpu.memory_space<vmem>>) target_semaphore(%run_scoped3A : memref<!tpu.dma_semaphore, #tpu.memory_space<semaphore_mem>>)
      tpu.wait_dma2 semaphore(%run_scoped3A : memref<!tpu.dma_semaphore, #tpu.memory_space<semaphore_mem>>) src(%arg6 : memref<64xi32, #tpu.memory_space<hbm>>) dst(%arg16 : memref<64xi32, #tpu.memory_space<vmem>>)
      tpu.yield
    }) : () -> ()
    %dma_start3A = arith.constant 0 : i32
    %dma_start3A_23 = arith.constant 0 : i32
    %dma_start3A_24 = tpu.memref_slice %arg9[%dma_start3A, %dma_start3A_23] : memref<10240x128xf32, #tpu.memory_space<vmem_shared>> -> memref<10240x128xf32, #tpu.memory_space<vmem_shared>>
    tpu.enqueue_indirect_dma source(%arg12 : memref<64x128xf32, #tpu.memory_space<vmem>>) target(%dma_start3A_24 : memref<10240x128xf32, #tpu.memory_space<vmem_shared>>) offsets(%arg16 : memref<64xi32, #tpu.memory_space<vmem>>) semaphore(%arg22 : memref<!tpu.dma_semaphore, #tpu.memory_space<semaphore_mem>>) {add = true}
    %sub3A = arith.constant 0 : i32
    %sub3A_25 = arith.subi %select_n3A, %sub3A : i32
    %sub3A_26 = arith.constant 1 : i32
    %sub3A_27 = arith.constant 1 : i32
    %sub3A_28 = arith.subi %sub3A_26, %sub3A_27 : i32
    %add3A_29 = arith.addi %sub3A_25, %sub3A_28 : i32
    %div3A = arith.constant 1 : i32
    %div3A_30 = arith.divsi %add3A_29, %div3A : i32
    %while3A = arith.constant 1 : i32
    %while3A_31 = arith.constant 0 : i32
    %while3A_32 = arith.constant 0 : i32
    %while3A_33 = arith.subi %div3A_30, %while3A_32 : i32
    %while3A_34 = arith.addi %while3A_32, %while3A_33 : i32
    %while3A_35 = arith.constant 1 : i32
    %while3A_36 = arith.divsi %while3A_33, %while3A_35 : i32
    %while3A_37 = arith.muli %while3A_36, %while3A_35 : i32
    %while3A_38 = arith.addi %while3A_32, %while3A_37 : i32
    %while3A_39 = arith.constant 1 : i32
    scf.for %while3A_57 = %while3A_32 to %while3A_38 step %while3A_39  : i32 {
      %mul3A_58 = arith.muli %while3A_57, %while3A : i32
      %add3A_59 = arith.addi %while3A_31, %mul3A_58 : i32
      %mul3A_60 = arith.constant 2048 : i32
      %mul3A_61 = arith.muli %add3A_59, %mul3A_60 : i32
      %add3A_62 = arith.addi %select_n3A_22, %mul3A_61 : i32
      "tpu.region"() ({
        %run_scoped3A = tpu.sem_alloc : memref<!tpu.dma_semaphore, #tpu.memory_space<semaphore_mem>>
        %dma_start3A_496 = tpu.memref_slice %arg3[%add3A_62] : memref<327680xi32, #tpu.memory_space<hbm>> -> memref<2048xi32, #tpu.memory_space<hbm>>
        %dma_start3A_497 = tpu.memref_slice %arg3[%add3A_62] : memref<327680xi32, #tpu.memory_space<hbm>> -> memref<2048xi32, #tpu.memory_space<hbm>>
        tpu.enqueue_dma source(%dma_start3A_497 : memref<2048xi32, #tpu.memory_space<hbm>>) target(%arg10 : memref<2048xi32, #tpu.memory_space<vmem>>) target_semaphore(%run_scoped3A : memref<!tpu.dma_semaphore, #tpu.memory_space<semaphore_mem>>)
        %dma_wait3A_498 = tpu.memref_slice %arg3[%add3A_62] : memref<327680xi32, #tpu.memory_space<hbm>> -> memref<2048xi32, #tpu.memory_space<hbm>>
        %dma_wait3A_499 = tpu.memref_slice %arg3[%add3A_62] : memref<327680xi32, #tpu.memory_space<hbm>> -> memref<2048xi32, #tpu.memory_space<hbm>>
        tpu.wait_dma2 semaphore(%run_scoped3A : memref<!tpu.dma_semaphore, #tpu.memory_space<semaphore_mem>>) src(%dma_wait3A_499 : memref<2048xi32, #tpu.memory_space<hbm>>) dst(%arg10 : memref<2048xi32, #tpu.memory_space<vmem>>)
        tpu.yield
      }) : () -> ()
      "tpu.region"() ({
        %run_scoped3A = tpu.sem_alloc : memref<!tpu.dma_semaphore, #tpu.memory_space<semaphore_mem>>
        %dma_start3A_496 = tpu.memref_slice %arg4[%add3A_62] : memref<327680xi32, #tpu.memory_space<hbm>> -> memref<2048xi32, #tpu.memory_space<hbm>>
        %dma_start3A_497 = tpu.memref_slice %arg4[%add3A_62] : memref<327680xi32, #tpu.memory_space<hbm>> -> memref<2048xi32, #tpu.memory_space<hbm>>
        tpu.enqueue_dma source(%dma_start3A_497 : memref<2048xi32, #tpu.memory_space<hbm>>) target(%arg11 : memref<2048xi32, #tpu.memory_space<vmem>>) target_semaphore(%run_scoped3A : memref<!tpu.dma_semaphore, #tpu.memory_space<semaphore_mem>>)
        %dma_wait3A_498 = tpu.memref_slice %arg4[%add3A_62] : memref<327680xi32, #tpu.memory_space<hbm>> -> memref<2048xi32, #tpu.memory_space<hbm>>
        %dma_wait3A_499 = tpu.memref_slice %arg4[%add3A_62] : memref<327680xi32, #tpu.memory_space<hbm>> -> memref<2048xi32, #tpu.memory_space<hbm>>
        tpu.wait_dma2 semaphore(%run_scoped3A : memref<!tpu.dma_semaphore, #tpu.memory_space<semaphore_mem>>) src(%dma_wait3A_499 : memref<2048xi32, #tpu.memory_space<hbm>>) dst(%arg11 : memref<2048xi32, #tpu.memory_space<vmem>>)
        tpu.yield
      }) : () -> ()
      %dma_start3A_63 = arith.constant 0 : i32
      %dma_start3A_64 = tpu.memref_slice %arg10[%dma_start3A_63] : memref<2048xi32, #tpu.memory_space<vmem>> -> memref<64xi32, #tpu.memory_space<vmem>>
      %dma_start3A_65 = arith.constant 0 : i32
      %dma_start3A_66 = arith.constant 0 : i32
      %dma_start3A_67 = tpu.memref_slice %arg2[%dma_start3A_65, %dma_start3A_66] : memref<10240x128xf32, #tpu.memory_space<hbm>> -> memref<10240x128xf32, #tpu.memory_space<hbm>>
      tpu.enqueue_indirect_dma source(%dma_start3A_67 : memref<10240x128xf32, #tpu.memory_space<hbm>>) target(%arg12 : memref<64x128xf32, #tpu.memory_space<vmem>>) offsets(%dma_start3A_64 : memref<64xi32, #tpu.memory_space<vmem>>) semaphore(%arg18 : memref<!tpu.dma_semaphore, #tpu.memory_space<semaphore_mem>>)
      %dma_start3A_68 = arith.constant 64 : i32
      %dma_start3A_69 = tpu.memref_slice %arg10[%dma_start3A_68] : memref<2048xi32, #tpu.memory_space<vmem>> -> memref<64xi32, #tpu.memory_space<vmem>>
      %dma_start3A_70 = arith.constant 0 : i32
      %dma_start3A_71 = arith.constant 0 : i32
      %dma_start3A_72 = tpu.memref_slice %arg2[%dma_start3A_70, %dma_start3A_71] : memref<10240x128xf32, #tpu.memory_space<hbm>> -> memref<10240x128xf32, #tpu.memory_space<hbm>>
      tpu.enqueue_indirect_dma source(%dma_start3A_72 : memref<10240x128xf32, #tpu.memory_space<hbm>>) target(%arg13 : memref<64x128xf32, #tpu.memory_space<vmem>>) offsets(%dma_start3A_69 : memref<64xi32, #tpu.memory_space<vmem>>) semaphore(%arg19 : memref<!tpu.dma_semaphore, #tpu.memory_space<semaphore_mem>>)
      %dma_start3A_73 = arith.constant 128 : i32
      %dma_start3A_74 = tpu.memref_slice %arg10[%dma_start3A_73] : memref<2048xi32, #tpu.memory_space<vmem>> -> memref<64xi32, #tpu.memory_space<vmem>>
      %dma_start3A_75 = arith.constant 0 : i32
      %dma_start3A_76 = arith.constant 0 : i32
      %dma_start3A_77 = tpu.memref_slice %arg2[%dma_start3A_75, %dma_start3A_76] : memref<10240x128xf32, #tpu.memory_space<hbm>> -> memref<10240x128xf32, #tpu.memory_space<hbm>>
      tpu.enqueue_indirect_dma source(%dma_start3A_77 : memref<10240x128xf32, #tpu.memory_space<hbm>>) target(%arg14 : memref<64x128xf32, #tpu.memory_space<vmem>>) offsets(%dma_start3A_74 : memref<64xi32, #tpu.memory_space<vmem>>) semaphore(%arg20 : memref<!tpu.dma_semaphore, #tpu.memory_space<semaphore_mem>>)
      %scan3A_78 = arith.constant 0 : i32
      %scan3A_79 = arith.constant 7 : i32
      %scan3A_80 = arith.addi %scan3A_78, %scan3A_79 : i32
      %scan3A_81 = arith.constant 1 : i32
      scf.for %scan3A_496 = %scan3A_78 to %scan3A_80 step %scan3A_81  : i32 {
        %mul3A_497 = arith.constant 4 : i32
        %mul3A_498 = arith.muli %scan3A_496, %mul3A_497 : i32
        %add3A_499 = arith.constant 0 : i32
        %add3A_500 = arith.addi %add3A_499, %mul3A_498 : i32
        %dma_wait3A_501 = arith.constant 0 : i32
        %dma_wait3A_502 = tpu.memref_slice %arg10[%dma_wait3A_501] : memref<2048xi32, #tpu.memory_space<vmem>> -> memref<64xi32, #tpu.memory_space<vmem>>
        %dma_wait3A_503 = arith.constant 0 : i32
        %dma_wait3A_504 = arith.constant 0 : i32
        %dma_wait3A_505 = tpu.memref_slice %arg2[%dma_wait3A_503, %dma_wait3A_504] : memref<10240x128xf32, #tpu.memory_space<hbm>> -> memref<10240x128xf32, #tpu.memory_space<hbm>>
        tpu.wait_indirect_dma semaphore(%arg18 : memref<!tpu.dma_semaphore, #tpu.memory_space<semaphore_mem>>) src(%dma_wait3A_505 : memref<10240x128xf32, #tpu.memory_space<hbm>>) dst(%arg12 : memref<64x128xf32, #tpu.memory_space<vmem>>)
        %add3A_506 = arith.constant 0 : i32
        %add3A_507 = arith.addi %add3A_500, %add3A_506 : i32
        %mul3A_508 = arith.constant 64 : i32
        %mul3A_509 = arith.muli %add3A_507, %mul3A_508 : i32
        %add3A_510 = arith.constant 0 : i32
        %add3A_511 = arith.addi %mul3A_509, %add3A_510 : i32
        %get3A_512 = arith.index_cast %add3A_511 : i32 to index
        %get3A_513 = tpu.vector_load %arg11[%get3A_512] {strides = array<i32>} : memref<2048xi32, #tpu.memory_space<vmem>>, vector<16xi32>,
        %swap3A_514 = arith.constant 0 : index
        %swap3A_515 = tpu.vector_load %arg16[%swap3A_514] {strides = array<i32>} : memref<64xi32, #tpu.memory_space<vmem>>, vector<16xi32>,
        tpu.vector_store %arg16[%swap3A_514], %get3A_513 {strides = array<i32>} : memref<64xi32, #tpu.memory_space<vmem>>, vector<16xi32>,
        %and3A_516 = arith.constant 127 : i32
        %and3A_517 = vector.broadcast %and3A_516 : i32 to vector<16xi32>
        %and3A_518 = arith.andi %get3A_513, %and3A_517 : vector<16xi32>
        %add3A_519 = arith.constant 0 : i32
        %add3A_520 = vector.broadcast %add3A_519 : i32 to vector<16xi32>
        %add3A_521 = arith.addi %iota3A, %add3A_520 : vector<16xi32>
        tpu.vector_store_idx %arg24[%add3A_521, %and3A_518], %broadcast_in_dim3A_1 : memref<64x128xf32, #tpu.memory_space<vmem>>[vector<16xi32>, vector<16xi32>], vector<16xf32>,
        %shift_right_logical3A_522 = arith.constant 7 : i32
        %shift_right_logical3A_523 = vector.broadcast %shift_right_logical3A_522 : i32 to vector<16xi32>
        %shift_right_logical3A_524 = arith.shrui %get3A_513, %shift_right_logical3A_523 : vector<16xi32>
        %swap3A_525 = arith.constant 0 : index
        %swap3A_526 = tpu.vector_load %arg25[%swap3A_525] {strides = array<i32>} : memref<64xi32, #tpu.memory_space<vmem>>, vector<16xi32>,
        tpu.vector_store %arg25[%swap3A_525], %shift_right_logical3A_524 {strides = array<i32>} : memref<64xi32, #tpu.memory_space<vmem>>, vector<16xi32>,
        %mul3A_527 = arith.constant 64 : i32
        %mul3A_528 = arith.muli %add3A_507, %mul3A_527 : i32
        %add3A_529 = arith.constant 16 : i32
        %add3A_530 = arith.addi %mul3A_528, %add3A_529 : i32
        %get3A_531 = arith.index_cast %add3A_530 : i32 to index
        %get3A_532 = tpu.vector_load %arg11[%get3A_531] {strides = array<i32>} : memref<2048xi32, #tpu.memory_space<vmem>>, vector<16xi32>,
        %swap3A_533 = arith.constant 16 : index
        %swap3A_534 = tpu.vector_load %arg16[%swap3A_533] {strides = array<i32>} : memref<64xi32, #tpu.memory_space<vmem>>, vector<16xi32>,
        tpu.vector_store %arg16[%swap3A_533], %get3A_532 {strides = array<i32>} : memref<64xi32, #tpu.memory_space<vmem>>, vector<16xi32>,
        %and3A_535 = arith.constant 127 : i32
        %and3A_536 = vector.broadcast %and3A_535 : i32 to vector<16xi32>
        %and3A_537 = arith.andi %get3A_532, %and3A_536 : vector<16xi32>
        %add3A_538 = arith.constant 16 : i32
        %add3A_539 = vector.broadcast %add3A_538 : i32 to vector<16xi32>
        %add3A_540 = arith.addi %iota3A, %add3A_539 : vector<16xi32>
        tpu.vector_store_idx %arg24[%add3A_540, %and3A_537], %broadcast_in_dim3A_1 : memref<64x128xf32, #tpu.memory_space<vmem>>[vector<16xi32>, vector<16xi32>], vector<16xf32>,
        %shift_right_logical3A_541 = arith.constant 7 : i32
        %shift_right_logical3A_542 = vector.broadcast %shift_right_logical3A_541 : i32 to vector<16xi32>
        %shift_right_logical3A_543 = arith.shrui %get3A_532, %shift_right_logical3A_542 : vector<16xi32>
        %swap3A_544 = arith.constant 16 : index
        %swap3A_545 = tpu.vector_load %arg25[%swap3A_544] {strides = array<i32>} : memref<64xi32, #tpu.memory_space<vmem>>, vector<16xi32>,
        tpu.vector_store %arg25[%swap3A_544], %shift_right_logical3A_543 {strides = array<i32>} : memref<64xi32, #tpu.memory_space<vmem>>, vector<16xi32>,
        %mul3A_546 = arith.constant 64 : i32
        %mul3A_547 = arith.muli %add3A_507, %mul3A_546 : i32
        %add3A_548 = arith.constant 32 : i32
        %add3A_549 = arith.addi %mul3A_547, %add3A_548 : i32
        %get3A_550 = arith.index_cast %add3A_549 : i32 to index
        %get3A_551 = tpu.vector_load %arg11[%get3A_550] {strides = array<i32>} : memref<2048xi32, #tpu.memory_space<vmem>>, vector<16xi32>,
        %swap3A_552 = arith.constant 32 : index
        %swap3A_553 = tpu.vector_load %arg16[%swap3A_552] {strides = array<i32>} : memref<64xi32, #tpu.memory_space<vmem>>, vector<16xi32>,
        tpu.vector_store %arg16[%swap3A_552], %get3A_551 {strides = array<i32>} : memref<64xi32, #tpu.memory_space<vmem>>, vector<16xi32>,
        %and3A_554 = arith.constant 127 : i32
        %and3A_555 = vector.broadcast %and3A_554 : i32 to vector<16xi32>
        %and3A_556 = arith.andi %get3A_551, %and3A_555 : vector<16xi32>
        %add3A_557 = arith.constant 32 : i32
        %add3A_558 = vector.broadcast %add3A_557 : i32 to vector<16xi32>
        %add3A_559 = arith.addi %iota3A, %add3A_558 : vector<16xi32>
        tpu.vector_store_idx %arg24[%add3A_559, %and3A_556], %broadcast_in_dim3A_1 : memref<64x128xf32, #tpu.memory_space<vmem>>[vector<16xi32>, vector<16xi32>], vector<16xf32>,
        %shift_right_logical3A_560 = arith.constant 7 : i32
        %shift_right_logical3A_561 = vector.broadcast %shift_right_logical3A_560 : i32 to vector<16xi32>
        %shift_right_logical3A_562 = arith.shrui %get3A_551, %shift_right_logical3A_561 : vector<16xi32>
        %swap3A_563 = arith.constant 32 : index
        %swap3A_564 = tpu.vector_load %arg25[%swap3A_563] {strides = array<i32>} : memref<64xi32, #tpu.memory_space<vmem>>, vector<16xi32>,
        tpu.vector_store %arg25[%swap3A_563], %shift_right_logical3A_562 {strides = array<i32>} : memref<64xi32, #tpu.memory_space<vmem>>, vector<16xi32>,
        %mul3A_565 = arith.constant 64 : i32
        %mul3A_566 = arith.muli %add3A_507, %mul3A_565 : i32
        %add3A_567 = arith.constant 48 : i32
        %add3A_568 = arith.addi %mul3A_566, %add3A_567 : i32
        %get3A_569 = arith.index_cast %add3A_568 : i32 to index
        %get3A_570 = tpu.vector_load %arg11[%get3A_569] {strides = array<i32>} : memref<2048xi32, #tpu.memory_space<vmem>>, vector<16xi32>,
        %swap3A_571 = arith.constant 48 : index
        %swap3A_572 = tpu.vector_load %arg16[%swap3A_571] {strides = array<i32>} : memref<64xi32, #tpu.memory_space<vmem>>, vector<16xi32>,
        tpu.vector_store %arg16[%swap3A_571], %get3A_570 {strides = array<i32>} : memref<64xi32, #tpu.memory_space<vmem>>, vector<16xi32>,
        %and3A_573 = arith.constant 127 : i32
        %and3A_574 = vector.broadcast %and3A_573 : i32 to vector<16xi32>
        %and3A_575 = arith.andi %get3A_570, %and3A_574 : vector<16xi32>
        %add3A_576 = arith.constant 48 : i32
        %add3A_577 = vector.broadcast %add3A_576 : i32 to vector<16xi32>
        %add3A_578 = arith.addi %iota3A, %add3A_577 : vector<16xi32>
        tpu.vector_store_idx %arg24[%add3A_578, %and3A_575], %broadcast_in_dim3A_1 : memref<64x128xf32, #tpu.memory_space<vmem>>[vector<16xi32>, vector<16xi32>], vector<16xf32>,
        %shift_right_logical3A_579 = arith.constant 7 : i32
        %shift_right_logical3A_580 = vector.broadcast %shift_right_logical3A_579 : i32 to vector<16xi32>
        %shift_right_logical3A_581 = arith.shrui %get3A_570, %shift_right_logical3A_580 : vector<16xi32>
        %swap3A_582 = arith.constant 48 : index
        %swap3A_583 = tpu.vector_load %arg25[%swap3A_582] {strides = array<i32>} : memref<64xi32, #tpu.memory_space<vmem>>, vector<16xi32>,
        tpu.vector_store %arg25[%swap3A_582], %shift_right_logical3A_581 {strides = array<i32>} : memref<64xi32, #tpu.memory_space<vmem>>, vector<16xi32>,
        %dma_wait3A_584 = arith.constant 0 : i32
        %dma_wait3A_585 = arith.constant 0 : i32
        %dma_wait3A_586 = tpu.memref_slice %arg9[%dma_wait3A_584, %dma_wait3A_585] : memref<10240x128xf32, #tpu.memory_space<vmem_shared>> -> memref<10240x128xf32, #tpu.memory_space<vmem_shared>>
        tpu.wait_indirect_dma semaphore(%arg22 : memref<!tpu.dma_semaphore, #tpu.memory_space<semaphore_mem>>) src(%arg12 : memref<64x128xf32, #tpu.memory_space<vmem>>) dst(%dma_wait3A_586 : memref<10240x128xf32, #tpu.memory_space<vmem_shared>>)
        %dma_start3A_587 = arith.constant 0 : i32
        %dma_start3A_588 = arith.constant 0 : i32
        %dma_start3A_589 = tpu.memref_slice %arg9[%dma_start3A_587, %dma_start3A_588] : memref<10240x128xf32, #tpu.memory_space<vmem_shared>> -> memref<10240x128xf32, #tpu.memory_space<vmem_shared>>
        tpu.enqueue_indirect_dma source(%arg12 : memref<64x128xf32, #tpu.memory_space<vmem>>) target(%dma_start3A_589 : memref<10240x128xf32, #tpu.memory_space<vmem_shared>>) offsets(%arg16 : memref<64xi32, #tpu.memory_space<vmem>>) semaphore(%arg22 : memref<!tpu.dma_semaphore, #tpu.memory_space<semaphore_mem>>) {add = true}
        "tpu.region"() ({
          %run_scoped3A = tpu.sem_alloc : memref<!tpu.dma_semaphore, #tpu.memory_space<semaphore_mem>>
          %dma_start3A_1097 = arith.constant 0 : i32
          %dma_start3A_1098 = arith.constant 0 : i32
          %dma_start3A_1099 = tpu.memref_slice %arg23[%dma_start3A_1097, %dma_start3A_1098] : memref<80x128xf32, #tpu.memory_space<vmem_shared>> -> memref<80x128xf32, #tpu.memory_space<vmem_shared>>
          tpu.enqueue_indirect_dma source(%arg24 : memref<64x128xf32, #tpu.memory_space<vmem>>) target(%dma_start3A_1099 : memref<80x128xf32, #tpu.memory_space<vmem_shared>>) offsets(%arg25 : memref<64xi32, #tpu.memory_space<vmem>>) semaphore(%run_scoped3A : memref<!tpu.dma_semaphore, #tpu.memory_space<semaphore_mem>>) {add = true}
          %dma_wait3A_1100 = arith.constant 0 : i32
          %dma_wait3A_1101 = arith.constant 0 : i32
          %dma_wait3A_1102 = tpu.memref_slice %arg23[%dma_wait3A_1100, %dma_wait3A_1101] : memref<80x128xf32, #tpu.memory_space<vmem_shared>> -> memref<80x128xf32, #tpu.memory_space<vmem_shared>>
          tpu.wait_indirect_dma semaphore(%run_scoped3A : memref<!tpu.dma_semaphore, #tpu.memory_space<semaphore_mem>>) src(%arg24 : memref<64x128xf32, #tpu.memory_space<vmem>>) dst(%dma_wait3A_1102 : memref<80x128xf32, #tpu.memory_space<vmem_shared>>)
          tpu.yield
        }) : () -> ()
        %mul3A_590 = arith.constant 64 : i32
        %mul3A_591 = arith.muli %add3A_507, %mul3A_590 : i32
        %add3A_592 = arith.constant 0 : i32
        %add3A_593 = arith.addi %mul3A_591, %add3A_592 : i32
        %get3A_594 = arith.index_cast %add3A_593 : i32 to index
        %get3A_595 = tpu.vector_load %arg11[%get3A_594] {strides = array<i32>} : memref<2048xi32, #tpu.memory_space<vmem>>, vector<16xi32>,
        %and3A_596 = arith.constant 127 : i32
        %and3A_597 = vector.broadcast %and3A_596 : i32 to vector<16xi32>
        %and3A_598 = arith.andi %get3A_595, %and3A_597 : vector<16xi32>
        %add3A_599 = arith.constant 0 : i32
        %add3A_600 = vector.broadcast %add3A_599 : i32 to vector<16xi32>
        %add3A_601 = arith.addi %iota3A, %add3A_600 : vector<16xi32>
        tpu.vector_store_idx %arg24[%add3A_601, %and3A_598], %broadcast_in_dim3A_3 : memref<64x128xf32, #tpu.memory_space<vmem>>[vector<16xi32>, vector<16xi32>], vector<16xf32>,
        %mul3A_602 = arith.constant 64 : i32
        %mul3A_603 = arith.muli %add3A_507, %mul3A_602 : i32
        %add3A_604 = arith.constant 16 : i32
        %add3A_605 = arith.addi %mul3A_603, %add3A_604 : i32
        %get3A_606 = arith.index_cast %add3A_605 : i32 to index
        %get3A_607 = tpu.vector_load %arg11[%get3A_606] {strides = array<i32>} : memref<2048xi32, #tpu.memory_space<vmem>>, vector<16xi32>,
        %and3A_608 = arith.constant 127 : i32
        %and3A_609 = vector.broadcast %and3A_608 : i32 to vector<16xi32>
        %and3A_610 = arith.andi %get3A_607, %and3A_609 : vector<16xi32>
        %add3A_611 = arith.constant 16 : i32
        %add3A_612 = vector.broadcast %add3A_611 : i32 to vector<16xi32>
        %add3A_613 = arith.addi %iota3A, %add3A_612 : vector<16xi32>
        tpu.vector_store_idx %arg24[%add3A_613, %and3A_610], %broadcast_in_dim3A_3 : memref<64x128xf32, #tpu.memory_space<vmem>>[vector<16xi32>, vector<16xi32>], vector<16xf32>,
        %mul3A_614 = arith.constant 64 : i32
        %mul3A_615 = arith.muli %add3A_507, %mul3A_614 : i32
        %add3A_616 = arith.constant 32 : i32
        %add3A_617 = arith.addi %mul3A_615, %add3A_616 : i32
        %get3A_618 = arith.index_cast %add3A_617 : i32 to index
        %get3A_619 = tpu.vector_load %arg11[%get3A_618] {strides = array<i32>} : memref<2048xi32, #tpu.memory_space<vmem>>, vector<16xi32>,
        %and3A_620 = arith.constant 127 : i32
        %and3A_621 = vector.broadcast %and3A_620 : i32 to vector<16xi32>
        %and3A_622 = arith.andi %get3A_619, %and3A_621 : vector<16xi32>
        %add3A_623 = arith.constant 32 : i32
        %add3A_624 = vector.broadcast %add3A_623 : i32 to vector<16xi32>
        %add3A_625 = arith.addi %iota3A, %add3A_624 : vector<16xi32>
        tpu.vector_store_idx %arg24[%add3A_625, %and3A_622], %broadcast_in_dim3A_3 : memref<64x128xf32, #tpu.memory_space<vmem>>[vector<16xi32>, vector<16xi32>], vector<16xf32>,
        %mul3A_626 = arith.constant 64 : i32
        %mul3A_627 = arith.muli %add3A_507, %mul3A_626 : i32
        %add3A_628 = arith.constant 48 : i32
        %add3A_629 = arith.addi %mul3A_627, %add3A_628 : i32
        %get3A_630 = arith.index_cast %add3A_629 : i32 to index
        %get3A_631 = tpu.vector_load %arg11[%get3A_630] {strides = array<i32>} : memref<2048xi32, #tpu.memory_space<vmem>>, vector<16xi32>,
        %and3A_632 = arith.constant 127 : i32
        %and3A_633 = vector.broadcast %and3A_632 : i32 to vector<16xi32>
        %and3A_634 = arith.andi %get3A_631, %and3A_633 : vector<16xi32>
        %add3A_635 = arith.constant 48 : i32
        %add3A_636 = vector.broadcast %add3A_635 : i32 to vector<16xi32>
        %add3A_637 = arith.addi %iota3A, %add3A_636 : vector<16xi32>
        tpu.vector_store_idx %arg24[%add3A_637, %and3A_634], %broadcast_in_dim3A_3 : memref<64x128xf32, #tpu.memory_space<vmem>>[vector<16xi32>, vector<16xi32>], vector<16xf32>,
        %add3A_638 = arith.constant 0 : i32
        %add3A_639 = arith.addi %add3A_500, %add3A_638 : i32
        %add3A_640 = arith.constant 4 : i32
        %add3A_641 = arith.addi %add3A_639, %add3A_640 : i32
        %sub3A_642 = arith.constant 1 : i32
        %sub3A_643 = arith.subi %add3A_641, %sub3A_642 : i32
        %mul3A_644 = arith.constant 64 : i32
        %mul3A_645 = arith.muli %sub3A_643, %mul3A_644 : i32
        %dma_start3A_646 = tpu.memref_slice %arg10[%mul3A_645] : memref<2048xi32, #tpu.memory_space<vmem>> -> memref<64xi32, #tpu.memory_space<vmem>>
        %dma_start3A_647 = arith.constant 0 : i32
        %dma_start3A_648 = arith.constant 0 : i32
        %dma_start3A_649 = tpu.memref_slice %arg2[%dma_start3A_647, %dma_start3A_648] : memref<10240x128xf32, #tpu.memory_space<hbm>> -> memref<10240x128xf32, #tpu.memory_space<hbm>>
        tpu.enqueue_indirect_dma source(%dma_start3A_649 : memref<10240x128xf32, #tpu.memory_space<hbm>>) target(%arg15 : memref<64x128xf32, #tpu.memory_space<vmem>>) offsets(%dma_start3A_646 : memref<64xi32, #tpu.memory_space<vmem>>) semaphore(%arg21 : memref<!tpu.dma_semaphore, #tpu.memory_space<semaphore_mem>>)
        %dma_wait3A_650 = arith.constant 0 : i32
        %dma_wait3A_651 = tpu.memref_slice %arg10[%dma_wait3A_650] : memref<2048xi32, #tpu.memory_space<vmem>> -> memref<64xi32, #tpu.memory_space<vmem>>
        %dma_wait3A_652 = arith.constant 0 : i32
        %dma_wait3A_653 = arith.constant 0 : i32
        %dma_wait3A_654 = tpu.memref_slice %arg2[%dma_wait3A_652, %dma_wait3A_653] : memref<10240x128xf32, #tpu.memory_space<hbm>> -> memref<10240x128xf32, #tpu.memory_space<hbm>>
        tpu.wait_indirect_dma semaphore(%arg19 : memref<!tpu.dma_semaphore, #tpu.memory_space<semaphore_mem>>) src(%dma_wait3A_654 : memref<10240x128xf32, #tpu.memory_space<hbm>>) dst(%arg13 : memref<64x128xf32, #tpu.memory_space<vmem>>)
        %add3A_655 = arith.constant 1 : i32
        %add3A_656 = arith.addi %add3A_500, %add3A_655 : i32
        %mul3A_657 = arith.constant 64 : i32
        %mul3A_658 = arith.muli %add3A_656, %mul3A_657 : i32
        %add3A_659 = arith.constant 0 : i32
        %add3A_660 = arith.addi %mul3A_658, %add3A_659 : i32
        %get3A_661 = arith.index_cast %add3A_660 : i32 to index
        %get3A_662 = tpu.vector_load %arg11[%get3A_661] {strides = array<i32>} : memref<2048xi32, #tpu.memory_space<vmem>>, vector<16xi32>,
        %swap3A_663 = arith.constant 0 : index
        %swap3A_664 = tpu.vector_load %arg17[%swap3A_663] {strides = array<i32>} : memref<64xi32, #tpu.memory_space<vmem>>, vector<16xi32>,
        tpu.vector_store %arg17[%swap3A_663], %get3A_662 {strides = array<i32>} : memref<64xi32, #tpu.memory_space<vmem>>, vector<16xi32>,
        %and3A_665 = arith.constant 127 : i32
        %and3A_666 = vector.broadcast %and3A_665 : i32 to vector<16xi32>
        %and3A_667 = arith.andi %get3A_662, %and3A_666 : vector<16xi32>
        %add3A_668 = arith.constant 0 : i32
        %add3A_669 = vector.broadcast %add3A_668 : i32 to vector<16xi32>
        %add3A_670 = arith.addi %iota3A, %add3A_669 : vector<16xi32>
        tpu.vector_store_idx %arg24[%add3A_670, %and3A_667], %broadcast_in_dim3A_1 : memref<64x128xf32, #tpu.memory_space<vmem>>[vector<16xi32>, vector<16xi32>], vector<16xf32>,
        %shift_right_logical3A_671 = arith.constant 7 : i32
        %shift_right_logical3A_672 = vector.broadcast %shift_right_logical3A_671 : i32 to vector<16xi32>
        %shift_right_logical3A_673 = arith.shrui %get3A_662, %shift_right_logical3A_672 : vector<16xi32>
        %swap3A_674 = arith.constant 0 : index
        %swap3A_675 = tpu.vector_load %arg25[%swap3A_674] {strides = array<i32>} : memref<64xi32, #tpu.memory_space<vmem>>, vector<16xi32>,
        tpu.vector_store %arg25[%swap3A_674], %shift_right_logical3A_673 {strides = array<i32>} : memref<64xi32, #tpu.memory_space<vmem>>, vector<16xi32>,
        %mul3A_676 = arith.constant 64 : i32
        %mul3A_677 = arith.muli %add3A_656, %mul3A_676 : i32
        %add3A_678 = arith.constant 16 : i32
        %add3A_679 = arith.addi %mul3A_677, %add3A_678 : i32
        %get3A_680 = arith.index_cast %add3A_679 : i32 to index
        %get3A_681 = tpu.vector_load %arg11[%get3A_680] {strides = array<i32>} : memref<2048xi32, #tpu.memory_space<vmem>>, vector<16xi32>,
        %swap3A_682 = arith.constant 16 : index
        %swap3A_683 = tpu.vector_load %arg17[%swap3A_682] {strides = array<i32>} : memref<64xi32, #tpu.memory_space<vmem>>, vector<16xi32>,
        tpu.vector_store %arg17[%swap3A_682], %get3A_681 {strides = array<i32>} : memref<64xi32, #tpu.memory_space<vmem>>, vector<16xi32>,
        %and3A_684 = arith.constant 127 : i32
        %and3A_685 = vector.broadcast %and3A_684 : i32 to vector<16xi32>
        %and3A_686 = arith.andi %get3A_681, %and3A_685 : vector<16xi32>
        %add3A_687 = arith.constant 16 : i32
        %add3A_688 = vector.broadcast %add3A_687 : i32 to vector<16xi32>
        %add3A_689 = arith.addi %iota3A, %add3A_688 : vector<16xi32>
        tpu.vector_store_idx %arg24[%add3A_689, %and3A_686], %broadcast_in_dim3A_1 : memref<64x128xf32, #tpu.memory_space<vmem>>[vector<16xi32>, vector<16xi32>], vector<16xf32>,
        %shift_right_logical3A_690 = arith.constant 7 : i32
        %shift_right_logical3A_691 = vector.broadcast %shift_right_logical3A_690 : i32 to vector<16xi32>
        %shift_right_logical3A_692 = arith.shrui %get3A_681, %shift_right_logical3A_691 : vector<16xi32>
        %swap3A_693 = arith.constant 16 : index
        %swap3A_694 = tpu.vector_load %arg25[%swap3A_693] {strides = array<i32>} : memref<64xi32, #tpu.memory_space<vmem>>, vector<16xi32>,
        tpu.vector_store %arg25[%swap3A_693], %shift_right_logical3A_692 {strides = array<i32>} : memref<64xi32, #tpu.memory_space<vmem>>, vector<16xi32>,
        %mul3A_695 = arith.constant 64 : i32
        %mul3A_696 = arith.muli %add3A_656, %mul3A_695 : i32
        %add3A_697 = arith.constant 32 : i32
        %add3A_698 = arith.addi %mul3A_696, %add3A_697 : i32
        %get3A_699 = arith.index_cast %add3A_698 : i32 to index
        %get3A_700 = tpu.vector_load %arg11[%get3A_699] {strides = array<i32>} : memref<2048xi32, #tpu.memory_space<vmem>>, vector<16xi32>,
        %swap3A_701 = arith.constant 32 : index
        %swap3A_702 = tpu.vector_load %arg17[%swap3A_701] {strides = array<i32>} : memref<64xi32, #tpu.memory_space<vmem>>, vector<16xi32>,
        tpu.vector_store %arg17[%swap3A_701], %get3A_700 {strides = array<i32>} : memref<64xi32, #tpu.memory_space<vmem>>, vector<16xi32>,
        %and3A_703 = arith.constant 127 : i32
        %and3A_704 = vector.broadcast %and3A_703 : i32 to vector<16xi32>
        %and3A_705 = arith.andi %get3A_700, %and3A_704 : vector<16xi32>
        %add3A_706 = arith.constant 32 : i32
        %add3A_707 = vector.broadcast %add3A_706 : i32 to vector<16xi32>
        %add3A_708 = arith.addi %iota3A, %add3A_707 : vector<16xi32>
        tpu.vector_store_idx %arg24[%add3A_708, %and3A_705], %broadcast_in_dim3A_1 : memref<64x128xf32, #tpu.memory_space<vmem>>[vector<16xi32>, vector<16xi32>], vector<16xf32>,
        %shift_right_logical3A_709 = arith.constant 7 : i32
        %shift_right_logical3A_710 = vector.broadcast %shift_right_logical3A_709 : i32 to vector<16xi32>
        %shift_right_logical3A_711 = arith.shrui %get3A_700, %shift_right_logical3A_710 : vector<16xi32>
        %swap3A_712 = arith.constant 32 : index
        %swap3A_713 = tpu.vector_load %arg25[%swap3A_712] {strides = array<i32>} : memref<64xi32, #tpu.memory_space<vmem>>, vector<16xi32>,
        tpu.vector_store %arg25[%swap3A_712], %shift_right_logical3A_711 {strides = array<i32>} : memref<64xi32, #tpu.memory_space<vmem>>, vector<16xi32>,
        %mul3A_714 = arith.constant 64 : i32
        %mul3A_715 = arith.muli %add3A_656, %mul3A_714 : i32
        %add3A_716 = arith.constant 48 : i32
        %add3A_717 = arith.addi %mul3A_715, %add3A_716 : i32
        %get3A_718 = arith.index_cast %add3A_717 : i32 to index
        %get3A_719 = tpu.vector_load %arg11[%get3A_718] {strides = array<i32>} : memref<2048xi32, #tpu.memory_space<vmem>>, vector<16xi32>,
        %swap3A_720 = arith.constant 48 : index
        %swap3A_721 = tpu.vector_load %arg17[%swap3A_720] {strides = array<i32>} : memref<64xi32, #tpu.memory_space<vmem>>, vector<16xi32>,
        tpu.vector_store %arg17[%swap3A_720], %get3A_719 {strides = array<i32>} : memref<64xi32, #tpu.memory_space<vmem>>, vector<16xi32>,
        %and3A_722 = arith.constant 127 : i32
        %and3A_723 = vector.broadcast %and3A_722 : i32 to vector<16xi32>
        %and3A_724 = arith.andi %get3A_719, %and3A_723 : vector<16xi32>
        %add3A_725 = arith.constant 48 : i32
        %add3A_726 = vector.broadcast %add3A_725 : i32 to vector<16xi32>
        %add3A_727 = arith.addi %iota3A, %add3A_726 : vector<16xi32>
        tpu.vector_store_idx %arg24[%add3A_727, %and3A_724], %broadcast_in_dim3A_1 : memref<64x128xf32, #tpu.memory_space<vmem>>[vector<16xi32>, vector<16xi32>], vector<16xf32>,
        %shift_right_logical3A_728 = arith.constant 7 : i32
        %shift_right_logical3A_729 = vector.broadcast %shift_right_logical3A_728 : i32 to vector<16xi32>
        %shift_right_logical3A_730 = arith.shrui %get3A_719, %shift_right_logical3A_729 : vector<16xi32>
        %swap3A_731 = arith.constant 48 : index
        %swap3A_732 = tpu.vector_load %arg25[%swap3A_731] {strides = array<i32>} : memref<64xi32, #tpu.memory_space<vmem>>, vector<16xi32>,
        tpu.vector_store %arg25[%swap3A_731], %shift_right_logical3A_730 {strides = array<i32>} : memref<64xi32, #tpu.memory_space<vmem>>, vector<16xi32>,
        %dma_wait3A_733 = arith.constant 0 : i32
        %dma_wait3A_734 = arith.constant 0 : i32
        %dma_wait3A_735 = tpu.memref_slice %arg9[%dma_wait3A_733, %dma_wait3A_734] : memref<10240x128xf32, #tpu.memory_space<vmem_shared>> -> memref<10240x128xf32, #tpu.memory_space<vmem_shared>>
        tpu.wait_indirect_dma semaphore(%arg22 : memref<!tpu.dma_semaphore, #tpu.memory_space<semaphore_mem>>) src(%arg12 : memref<64x128xf32, #tpu.memory_space<vmem>>) dst(%dma_wait3A_735 : memref<10240x128xf32, #tpu.memory_space<vmem_shared>>)
        %dma_start3A_736 = arith.constant 0 : i32
        %dma_start3A_737 = arith.constant 0 : i32
        %dma_start3A_738 = tpu.memref_slice %arg9[%dma_start3A_736, %dma_start3A_737] : memref<10240x128xf32, #tpu.memory_space<vmem_shared>> -> memref<10240x128xf32, #tpu.memory_space<vmem_shared>>
        tpu.enqueue_indirect_dma source(%arg13 : memref<64x128xf32, #tpu.memory_space<vmem>>) target(%dma_start3A_738 : memref<10240x128xf32, #tpu.memory_space<vmem_shared>>) offsets(%arg17 : memref<64xi32, #tpu.memory_space<vmem>>) semaphore(%arg22 : memref<!tpu.dma_semaphore, #tpu.memory_space<semaphore_mem>>) {add = true}
        "tpu.region"() ({
          %run_scoped3A = tpu.sem_alloc : memref<!tpu.dma_semaphore, #tpu.memory_space<semaphore_mem>>
          %dma_start3A_1097 = arith.constant 0 : i32
          %dma_start3A_1098 = arith.constant 0 : i32
          %dma_start3A_1099 = tpu.memref_slice %arg23[%dma_start3A_1097, %dma_start3A_1098] : memref<80x128xf32, #tpu.memory_space<vmem_shared>> -> memref<80x128xf32, #tpu.memory_space<vmem_shared>>
          tpu.enqueue_indirect_dma source(%arg24 : memref<64x128xf32, #tpu.memory_space<vmem>>) target(%dma_start3A_1099 : memref<80x128xf32, #tpu.memory_space<vmem_shared>>) offsets(%arg25 : memref<64xi32, #tpu.memory_space<vmem>>) semaphore(%run_scoped3A : memref<!tpu.dma_semaphore, #tpu.memory_space<semaphore_mem>>) {add = true}
          %dma_wait3A_1100 = arith.constant 0 : i32
          %dma_wait3A_1101 = arith.constant 0 : i32
          %dma_wait3A_1102 = tpu.memref_slice %arg23[%dma_wait3A_1100, %dma_wait3A_1101] : memref<80x128xf32, #tpu.memory_space<vmem_shared>> -> memref<80x128xf32, #tpu.memory_space<vmem_shared>>
          tpu.wait_indirect_dma semaphore(%run_scoped3A : memref<!tpu.dma_semaphore, #tpu.memory_space<semaphore_mem>>) src(%arg24 : memref<64x128xf32, #tpu.memory_space<vmem>>) dst(%dma_wait3A_1102 : memref<80x128xf32, #tpu.memory_space<vmem_shared>>)
          tpu.yield
        }) : () -> ()
        %mul3A_739 = arith.constant 64 : i32
        %mul3A_740 = arith.muli %add3A_656, %mul3A_739 : i32
        %add3A_741 = arith.constant 0 : i32
        %add3A_742 = arith.addi %mul3A_740, %add3A_741 : i32
        %get3A_743 = arith.index_cast %add3A_742 : i32 to index
        %get3A_744 = tpu.vector_load %arg11[%get3A_743] {strides = array<i32>} : memref<2048xi32, #tpu.memory_space<vmem>>, vector<16xi32>,
        %and3A_745 = arith.constant 127 : i32
        %and3A_746 = vector.broadcast %and3A_745 : i32 to vector<16xi32>
        %and3A_747 = arith.andi %get3A_744, %and3A_746 : vector<16xi32>
        %add3A_748 = arith.constant 0 : i32
        %add3A_749 = vector.broadcast %add3A_748 : i32 to vector<16xi32>
        %add3A_750 = arith.addi %iota3A, %add3A_749 : vector<16xi32>
        tpu.vector_store_idx %arg24[%add3A_750, %and3A_747], %broadcast_in_dim3A_3 : memref<64x128xf32, #tpu.memory_space<vmem>>[vector<16xi32>, vector<16xi32>], vector<16xf32>,
        %mul3A_751 = arith.constant 64 : i32
        %mul3A_752 = arith.muli %add3A_656, %mul3A_751 : i32
        %add3A_753 = arith.constant 16 : i32
        %add3A_754 = arith.addi %mul3A_752, %add3A_753 : i32
        %get3A_755 = arith.index_cast %add3A_754 : i32 to index
        %get3A_756 = tpu.vector_load %arg11[%get3A_755] {strides = array<i32>} : memref<2048xi32, #tpu.memory_space<vmem>>, vector<16xi32>,
        %and3A_757 = arith.constant 127 : i32
        %and3A_758 = vector.broadcast %and3A_757 : i32 to vector<16xi32>
        %and3A_759 = arith.andi %get3A_756, %and3A_758 : vector<16xi32>
        %add3A_760 = arith.constant 16 : i32
        %add3A_761 = vector.broadcast %add3A_760 : i32 to vector<16xi32>
        %add3A_762 = arith.addi %iota3A, %add3A_761 : vector<16xi32>
        tpu.vector_store_idx %arg24[%add3A_762, %and3A_759], %broadcast_in_dim3A_3 : memref<64x128xf32, #tpu.memory_space<vmem>>[vector<16xi32>, vector<16xi32>], vector<16xf32>,
        %mul3A_763 = arith.constant 64 : i32
        %mul3A_764 = arith.muli %add3A_656, %mul3A_763 : i32
        %add3A_765 = arith.constant 32 : i32
        %add3A_766 = arith.addi %mul3A_764, %add3A_765 : i32
        %get3A_767 = arith.index_cast %add3A_766 : i32 to index
        %get3A_768 = tpu.vector_load %arg11[%get3A_767] {strides = array<i32>} : memref<2048xi32, #tpu.memory_space<vmem>>, vector<16xi32>,
        %and3A_769 = arith.constant 127 : i32
        %and3A_770 = vector.broadcast %and3A_769 : i32 to vector<16xi32>
        %and3A_771 = arith.andi %get3A_768, %and3A_770 : vector<16xi32>
        %add3A_772 = arith.constant 32 : i32
        %add3A_773 = vector.broadcast %add3A_772 : i32 to vector<16xi32>
        %add3A_774 = arith.addi %iota3A, %add3A_773 : vector<16xi32>
        tpu.vector_store_idx %arg24[%add3A_774, %and3A_771], %broadcast_in_dim3A_3 : memref<64x128xf32, #tpu.memory_space<vmem>>[vector<16xi32>, vector<16xi32>], vector<16xf32>,
        %mul3A_775 = arith.constant 64 : i32
        %mul3A_776 = arith.muli %add3A_656, %mul3A_775 : i32
        %add3A_777 = arith.constant 48 : i32
        %add3A_778 = arith.addi %mul3A_776, %add3A_777 : i32
        %get3A_779 = arith.index_cast %add3A_778 : i32 to index
        %get3A_780 = tpu.vector_load %arg11[%get3A_779] {strides = array<i32>} : memref<2048xi32, #tpu.memory_space<vmem>>, vector<16xi32>,
        %and3A_781 = arith.constant 127 : i32
        %and3A_782 = vector.broadcast %and3A_781 : i32 to vector<16xi32>
        %and3A_783 = arith.andi %get3A_780, %and3A_782 : vector<16xi32>
        %add3A_784 = arith.constant 48 : i32
        %add3A_785 = vector.broadcast %add3A_784 : i32 to vector<16xi32>
        %add3A_786 = arith.addi %iota3A, %add3A_785 : vector<16xi32>
        tpu.vector_store_idx %arg24[%add3A_786, %and3A_783], %broadcast_in_dim3A_3 : memref<64x128xf32, #tpu.memory_space<vmem>>[vector<16xi32>, vector<16xi32>], vector<16xf32>,
        %add3A_787 = arith.constant 1 : i32
        %add3A_788 = arith.addi %add3A_500, %add3A_787 : i32
        %add3A_789 = arith.constant 4 : i32
        %add3A_790 = arith.addi %add3A_788, %add3A_789 : i32
        %sub3A_791 = arith.constant 1 : i32
        %sub3A_792 = arith.subi %add3A_790, %sub3A_791 : i32
        %mul3A_793 = arith.constant 64 : i32
        %mul3A_794 = arith.muli %sub3A_792, %mul3A_793 : i32
        %dma_start3A_795 = tpu.memref_slice %arg10[%mul3A_794] : memref<2048xi32, #tpu.memory_space<vmem>> -> memref<64xi32, #tpu.memory_space<vmem>>
        %dma_start3A_796 = arith.constant 0 : i32
        %dma_start3A_797 = arith.constant 0 : i32
        %dma_start3A_798 = tpu.memref_slice %arg2[%dma_start3A_796, %dma_start3A_797] : memref<10240x128xf32, #tpu.memory_space<hbm>> -> memref<10240x128xf32, #tpu.memory_space<hbm>>
        tpu.enqueue_indirect_dma source(%dma_start3A_798 : memref<10240x128xf32, #tpu.memory_space<hbm>>) target(%arg12 : memref<64x128xf32, #tpu.memory_space<vmem>>) offsets(%dma_start3A_795 : memref<64xi32, #tpu.memory_space<vmem>>) semaphore(%arg18 : memref<!tpu.dma_semaphore, #tpu.memory_space<semaphore_mem>>)
        %dma_wait3A_799 = arith.constant 0 : i32
        %dma_wait3A_800 = tpu.memref_slice %arg10[%dma_wait3A_799] : memref<2048xi32, #tpu.memory_space<vmem>> -> memref<64xi32, #tpu.memory_space<vmem>>
        %dma_wait3A_801 = arith.constant 0 : i32
        %dma_wait3A_802 = arith.constant 0 : i32
        %dma_wait3A_803 = tpu.memref_slice %arg2[%dma_wait3A_801, %dma_wait3A_802] : memref<10240x128xf32, #tpu.memory_space<hbm>> -> memref<10240x128xf32, #tpu.memory_space<hbm>>
        tpu.wait_indirect_dma semaphore(%arg20 : memref<!tpu.dma_semaphore, #tpu.memory_space<semaphore_mem>>) src(%dma_wait3A_803 : memref<10240x128xf32, #tpu.memory_space<hbm>>) dst(%arg14 : memref<64x128xf32, #tpu.memory_space<vmem>>)
        %add3A_804 = arith.constant 2 : i32
        %add3A_805 = arith.addi %add3A_500, %add3A_804 : i32
        %mul3A_806 = arith.constant 64 : i32
        %mul3A_807 = arith.muli %add3A_805, %mul3A_806 : i32
        %add3A_808 = arith.constant 0 : i32
        %add3A_809 = arith.addi %mul3A_807, %add3A_808 : i32
        %get3A_810 = arith.index_cast %add3A_809 : i32 to index
        %get3A_811 = tpu.vector_load %arg11[%get3A_810] {strides = array<i32>} : memref<2048xi32, #tpu.memory_space<vmem>>, vector<16xi32>,
        %swap3A_812 = arith.constant 0 : index
        %swap3A_813 = tpu.vector_load %arg16[%swap3A_812] {strides = array<i32>} : memref<64xi32, #tpu.memory_space<vmem>>, vector<16xi32>,
        tpu.vector_store %arg16[%swap3A_812], %get3A_811 {strides = array<i32>} : memref<64xi32, #tpu.memory_space<vmem>>, vector<16xi32>,
        %and3A_814 = arith.constant 127 : i32
        %and3A_815 = vector.broadcast %and3A_814 : i32 to vector<16xi32>
        %and3A_816 = arith.andi %get3A_811, %and3A_815 : vector<16xi32>
        %add3A_817 = arith.constant 0 : i32
        %add3A_818 = vector.broadcast %add3A_817 : i32 to vector<16xi32>
        %add3A_819 = arith.addi %iota3A, %add3A_818 : vector<16xi32>
        tpu.vector_store_idx %arg24[%add3A_819, %and3A_816], %broadcast_in_dim3A_1 : memref<64x128xf32, #tpu.memory_space<vmem>>[vector<16xi32>, vector<16xi32>], vector<16xf32>,
        %shift_right_logical3A_820 = arith.constant 7 : i32
        %shift_right_logical3A_821 = vector.broadcast %shift_right_logical3A_820 : i32 to vector<16xi32>
        %shift_right_logical3A_822 = arith.shrui %get3A_811, %shift_right_logical3A_821 : vector<16xi32>
        %swap3A_823 = arith.constant 0 : index
        %swap3A_824 = tpu.vector_load %arg25[%swap3A_823] {strides = array<i32>} : memref<64xi32, #tpu.memory_space<vmem>>, vector<16xi32>,
        tpu.vector_store %arg25[%swap3A_823], %shift_right_logical3A_822 {strides = array<i32>} : memref<64xi32, #tpu.memory_space<vmem>>, vector<16xi32>,
        %mul3A_825 = arith.constant 64 : i32
        %mul3A_826 = arith.muli %add3A_805, %mul3A_825 : i32
        %add3A_827 = arith.constant 16 : i32
        %add3A_828 = arith.addi %mul3A_826, %add3A_827 : i32
        %get3A_829 = arith.index_cast %add3A_828 : i32 to index
        %get3A_830 = tpu.vector_load %arg11[%get3A_829] {strides = array<i32>} : memref<2048xi32, #tpu.memory_space<vmem>>, vector<16xi32>,
        %swap3A_831 = arith.constant 16 : index
        %swap3A_832 = tpu.vector_load %arg16[%swap3A_831] {strides = array<i32>} : memref<64xi32, #tpu.memory_space<vmem>>, vector<16xi32>,
        tpu.vector_store %arg16[%swap3A_831], %get3A_830 {strides = array<i32>} : memref<64xi32, #tpu.memory_space<vmem>>, vector<16xi32>,
        %and3A_833 = arith.constant 127 : i32
        %and3A_834 = vector.broadcast %and3A_833 : i32 to vector<16xi32>
        %and3A_835 = arith.andi %get3A_830, %and3A_834 : vector<16xi32>
        %add3A_836 = arith.constant 16 : i32
        %add3A_837 = vector.broadcast %add3A_836 : i32 to vector<16xi32>
        %add3A_838 = arith.addi %iota3A, %add3A_837 : vector<16xi32>
        tpu.vector_store_idx %arg24[%add3A_838, %and3A_835], %broadcast_in_dim3A_1 : memref<64x128xf32, #tpu.memory_space<vmem>>[vector<16xi32>, vector<16xi32>], vector<16xf32>,
        %shift_right_logical3A_839 = arith.constant 7 : i32
        %shift_right_logical3A_840 = vector.broadcast %shift_right_logical3A_839 : i32 to vector<16xi32>
        %shift_right_logical3A_841 = arith.shrui %get3A_830, %shift_right_logical3A_840 : vector<16xi32>
        %swap3A_842 = arith.constant 16 : index
        %swap3A_843 = tpu.vector_load %arg25[%swap3A_842] {strides = array<i32>} : memref<64xi32, #tpu.memory_space<vmem>>, vector<16xi32>,
        tpu.vector_store %arg25[%swap3A_842], %shift_right_logical3A_841 {strides = array<i32>} : memref<64xi32, #tpu.memory_space<vmem>>, vector<16xi32>,
        %mul3A_844 = arith.constant 64 : i32
        %mul3A_845 = arith.muli %add3A_805, %mul3A_844 : i32
        %add3A_846 = arith.constant 32 : i32
        %add3A_847 = arith.addi %mul3A_845, %add3A_846 : i32
        %get3A_848 = arith.index_cast %add3A_847 : i32 to index
        %get3A_849 = tpu.vector_load %arg11[%get3A_848] {strides = array<i32>} : memref<2048xi32, #tpu.memory_space<vmem>>, vector<16xi32>,
        %swap3A_850 = arith.constant 32 : index
        %swap3A_851 = tpu.vector_load %arg16[%swap3A_850] {strides = array<i32>} : memref<64xi32, #tpu.memory_space<vmem>>, vector<16xi32>,
        tpu.vector_store %arg16[%swap3A_850], %get3A_849 {strides = array<i32>} : memref<64xi32, #tpu.memory_space<vmem>>, vector<16xi32>,
        %and3A_852 = arith.constant 127 : i32
        %and3A_853 = vector.broadcast %and3A_852 : i32 to vector<16xi32>
        %and3A_854 = arith.andi %get3A_849, %and3A_853 : vector<16xi32>
        %add3A_855 = arith.constant 32 : i32
        %add3A_856 = vector.broadcast %add3A_855 : i32 to vector<16xi32>
        %add3A_857 = arith.addi %iota3A, %add3A_856 : vector<16xi32>
        tpu.vector_store_idx %arg24[%add3A_857, %and3A_854], %broadcast_in_dim3A_1 : memref<64x128xf32, #tpu.memory_space<vmem>>[vector<16xi32>, vector<16xi32>], vector<16xf32>,
        %shift_right_logical3A_858 = arith.constant 7 : i32
        %shift_right_logical3A_859 = vector.broadcast %shift_right_logical3A_858 : i32 to vector<16xi32>
        %shift_right_logical3A_860 = arith.shrui %get3A_849, %shift_right_logical3A_859 : vector<16xi32>
        %swap3A_861 = arith.constant 32 : index
        %swap3A_862 = tpu.vector_load %arg25[%swap3A_861] {strides = array<i32>} : memref<64xi32, #tpu.memory_space<vmem>>, vector<16xi32>,
        tpu.vector_store %arg25[%swap3A_861], %shift_right_logical3A_860 {strides = array<i32>} : memref<64xi32, #tpu.memory_space<vmem>>, vector<16xi32>,
        %mul3A_863 = arith.constant 64 : i32
        %mul3A_864 = arith.muli %add3A_805, %mul3A_863 : i32
        %add3A_865 = arith.constant 48 : i32
        %add3A_866 = arith.addi %mul3A_864, %add3A_865 : i32
        %get3A_867 = arith.index_cast %add3A_866 : i32 to index
        %get3A_868 = tpu.vector_load %arg11[%get3A_867] {strides = array<i32>} : memref<2048xi32, #tpu.memory_space<vmem>>, vector<16xi32>,
        %swap3A_869 = arith.constant 48 : index
        %swap3A_870 = tpu.vector_load %arg16[%swap3A_869] {strides = array<i32>} : memref<64xi32, #tpu.memory_space<vmem>>, vector<16xi32>,
        tpu.vector_store %arg16[%swap3A_869], %get3A_868 {strides = array<i32>} : memref<64xi32, #tpu.memory_space<vmem>>, vector<16xi32>,
        %and3A_871 = arith.constant 127 : i32
        %and3A_872 = vector.broadcast %and3A_871 : i32 to vector<16xi32>
        %and3A_873 = arith.andi %get3A_868, %and3A_872 : vector<16xi32>
        %add3A_874 = arith.constant 48 : i32
        %add3A_875 = vector.broadcast %add3A_874 : i32 to vector<16xi32>
        %add3A_876 = arith.addi %iota3A, %add3A_875 : vector<16xi32>
        tpu.vector_store_idx %arg24[%add3A_876, %and3A_873], %broadcast_in_dim3A_1 : memref<64x128xf32, #tpu.memory_space<vmem>>[vector<16xi32>, vector<16xi32>], vector<16xf32>,
        %shift_right_logical3A_877 = arith.constant 7 : i32
        %shift_right_logical3A_878 = vector.broadcast %shift_right_logical3A_877 : i32 to vector<16xi32>
        %shift_right_logical3A_879 = arith.shrui %get3A_868, %shift_right_logical3A_878 : vector<16xi32>
        %swap3A_880 = arith.constant 48 : index
        %swap3A_881 = tpu.vector_load %arg25[%swap3A_880] {strides = array<i32>} : memref<64xi32, #tpu.memory_space<vmem>>, vector<16xi32>,
        tpu.vector_store %arg25[%swap3A_880], %shift_right_logical3A_879 {strides = array<i32>} : memref<64xi32, #tpu.memory_space<vmem>>, vector<16xi32>,
        %dma_wait3A_882 = arith.constant 0 : i32
        %dma_wait3A_883 = arith.constant 0 : i32
        %dma_wait3A_884 = tpu.memref_slice %arg9[%dma_wait3A_882, %dma_wait3A_883] : memref<10240x128xf32, #tpu.memory_space<vmem_shared>> -> memref<10240x128xf32, #tpu.memory_space<vmem_shared>>
        tpu.wait_indirect_dma semaphore(%arg22 : memref<!tpu.dma_semaphore, #tpu.memory_space<semaphore_mem>>) src(%arg12 : memref<64x128xf32, #tpu.memory_space<vmem>>) dst(%dma_wait3A_884 : memref<10240x128xf32, #tpu.memory_space<vmem_shared>>)
        %dma_start3A_885 = arith.constant 0 : i32
        %dma_start3A_886 = arith.constant 0 : i32
        %dma_start3A_887 = tpu.memref_slice %arg9[%dma_start3A_885, %dma_start3A_886] : memref<10240x128xf32, #tpu.memory_space<vmem_shared>> -> memref<10240x128xf32, #tpu.memory_space<vmem_shared>>
        tpu.enqueue_indirect_dma source(%arg14 : memref<64x128xf32, #tpu.memory_space<vmem>>) target(%dma_start3A_887 : memref<10240x128xf32, #tpu.memory_space<vmem_shared>>) offsets(%arg16 : memref<64xi32, #tpu.memory_space<vmem>>) semaphore(%arg22 : memref<!tpu.dma_semaphore, #tpu.memory_space<semaphore_mem>>) {add = true}
        "tpu.region"() ({
          %run_scoped3A = tpu.sem_alloc : memref<!tpu.dma_semaphore, #tpu.memory_space<semaphore_mem>>
          %dma_start3A_1097 = arith.constant 0 : i32
          %dma_start3A_1098 = arith.constant 0 : i32
          %dma_start3A_1099 = tpu.memref_slice %arg23[%dma_start3A_1097, %dma_start3A_1098] : memref<80x128xf32, #tpu.memory_space<vmem_shared>> -> memref<80x128xf32, #tpu.memory_space<vmem_shared>>
          tpu.enqueue_indirect_dma source(%arg24 : memref<64x128xf32, #tpu.memory_space<vmem>>) target(%dma_start3A_1099 : memref<80x128xf32, #tpu.memory_space<vmem_shared>>) offsets(%arg25 : memref<64xi32, #tpu.memory_space<vmem>>) semaphore(%run_scoped3A : memref<!tpu.dma_semaphore, #tpu.memory_space<semaphore_mem>>) {add = true}
          %dma_wait3A_1100 = arith.constant 0 : i32
          %dma_wait3A_1101 = arith.constant 0 : i32
          %dma_wait3A_1102 = tpu.memref_slice %arg23[%dma_wait3A_1100, %dma_wait3A_1101] : memref<80x128xf32, #tpu.memory_space<vmem_shared>> -> memref<80x128xf32, #tpu.memory_space<vmem_shared>>
          tpu.wait_indirect_dma semaphore(%run_scoped3A : memref<!tpu.dma_semaphore, #tpu.memory_space<semaphore_mem>>) src(%arg24 : memref<64x128xf32, #tpu.memory_space<vmem>>) dst(%dma_wait3A_1102 : memref<80x128xf32, #tpu.memory_space<vmem_shared>>)
          tpu.yield
        }) : () -> ()
        %mul3A_888 = arith.constant 64 : i32
        %mul3A_889 = arith.muli %add3A_805, %mul3A_888 : i32
        %add3A_890 = arith.constant 0 : i32
        %add3A_891 = arith.addi %mul3A_889, %add3A_890 : i32
        %get3A_892 = arith.index_cast %add3A_891 : i32 to index
        %get3A_893 = tpu.vector_load %arg11[%get3A_892] {strides = array<i32>} : memref<2048xi32, #tpu.memory_space<vmem>>, vector<16xi32>,
        %and3A_894 = arith.constant 127 : i32
        %and3A_895 = vector.broadcast %and3A_894 : i32 to vector<16xi32>
        %and3A_896 = arith.andi %get3A_893, %and3A_895 : vector<16xi32>
        %add3A_897 = arith.constant 0 : i32
        %add3A_898 = vector.broadcast %add3A_897 : i32 to vector<16xi32>
        %add3A_899 = arith.addi %iota3A, %add3A_898 : vector<16xi32>
        tpu.vector_store_idx %arg24[%add3A_899, %and3A_896], %broadcast_in_dim3A_3 : memref<64x128xf32, #tpu.memory_space<vmem>>[vector<16xi32>, vector<16xi32>], vector<16xf32>,
        %mul3A_900 = arith.constant 64 : i32
        %mul3A_901 = arith.muli %add3A_805, %mul3A_900 : i32
        %add3A_902 = arith.constant 16 : i32
        %add3A_903 = arith.addi %mul3A_901, %add3A_902 : i32
        %get3A_904 = arith.index_cast %add3A_903 : i32 to index
        %get3A_905 = tpu.vector_load %arg11[%get3A_904] {strides = array<i32>} : memref<2048xi32, #tpu.memory_space<vmem>>, vector<16xi32>,
        %and3A_906 = arith.constant 127 : i32
        %and3A_907 = vector.broadcast %and3A_906 : i32 to vector<16xi32>
        %and3A_908 = arith.andi %get3A_905, %and3A_907 : vector<16xi32>
        %add3A_909 = arith.constant 16 : i32
        %add3A_910 = vector.broadcast %add3A_909 : i32 to vector<16xi32>
        %add3A_911 = arith.addi %iota3A, %add3A_910 : vector<16xi32>
        tpu.vector_store_idx %arg24[%add3A_911, %and3A_908], %broadcast_in_dim3A_3 : memref<64x128xf32, #tpu.memory_space<vmem>>[vector<16xi32>, vector<16xi32>], vector<16xf32>,
        %mul3A_912 = arith.constant 64 : i32
        %mul3A_913 = arith.muli %add3A_805, %mul3A_912 : i32
        %add3A_914 = arith.constant 32 : i32
        %add3A_915 = arith.addi %mul3A_913, %add3A_914 : i32
        %get3A_916 = arith.index_cast %add3A_915 : i32 to index
        %get3A_917 = tpu.vector_load %arg11[%get3A_916] {strides = array<i32>} : memref<2048xi32, #tpu.memory_space<vmem>>, vector<16xi32>,
        %and3A_918 = arith.constant 127 : i32
        %and3A_919 = vector.broadcast %and3A_918 : i32 to vector<16xi32>
        %and3A_920 = arith.andi %get3A_917, %and3A_919 : vector<16xi32>
        %add3A_921 = arith.constant 32 : i32
        %add3A_922 = vector.broadcast %add3A_921 : i32 to vector<16xi32>
        %add3A_923 = arith.addi %iota3A, %add3A_922 : vector<16xi32>
        tpu.vector_store_idx %arg24[%add3A_923, %and3A_920], %broadcast_in_dim3A_3 : memref<64x128xf32, #tpu.memory_space<vmem>>[vector<16xi32>, vector<16xi32>], vector<16xf32>,
        %mul3A_924 = arith.constant 64 : i32
        %mul3A_925 = arith.muli %add3A_805, %mul3A_924 : i32
        %add3A_926 = arith.constant 48 : i32
        %add3A_927 = arith.addi %mul3A_925, %add3A_926 : i32
        %get3A_928 = arith.index_cast %add3A_927 : i32 to index
        %get3A_929 = tpu.vector_load %arg11[%get3A_928] {strides = array<i32>} : memref<2048xi32, #tpu.memory_space<vmem>>, vector<16xi32>,
        %and3A_930 = arith.constant 127 : i32
        %and3A_931 = vector.broadcast %and3A_930 : i32 to vector<16xi32>
        %and3A_932 = arith.andi %get3A_929, %and3A_931 : vector<16xi32>
        %add3A_933 = arith.constant 48 : i32
        %add3A_934 = vector.broadcast %add3A_933 : i32 to vector<16xi32>
        %add3A_935 = arith.addi %iota3A, %add3A_934 : vector<16xi32>
        tpu.vector_store_idx %arg24[%add3A_935, %and3A_932], %broadcast_in_dim3A_3 : memref<64x128xf32, #tpu.memory_space<vmem>>[vector<16xi32>, vector<16xi32>], vector<16xf32>,
        %add3A_936 = arith.constant 2 : i32
        %add3A_937 = arith.addi %add3A_500, %add3A_936 : i32
        %add3A_938 = arith.constant 4 : i32
        %add3A_939 = arith.addi %add3A_937, %add3A_938 : i32
        %sub3A_940 = arith.constant 1 : i32
        %sub3A_941 = arith.subi %add3A_939, %sub3A_940 : i32
        %mul3A_942 = arith.constant 64 : i32
        %mul3A_943 = arith.muli %sub3A_941, %mul3A_942 : i32
        %dma_start3A_944 = tpu.memref_slice %arg10[%mul3A_943] : memref<2048xi32, #tpu.memory_space<vmem>> -> memref<64xi32, #tpu.memory_space<vmem>>
        %dma_start3A_945 = arith.constant 0 : i32
        %dma_start3A_946 = arith.constant 0 : i32
        %dma_start3A_947 = tpu.memref_slice %arg2[%dma_start3A_945, %dma_start3A_946] : memref<10240x128xf32, #tpu.memory_space<hbm>> -> memref<10240x128xf32, #tpu.memory_space<hbm>>
        tpu.enqueue_indirect_dma source(%dma_start3A_947 : memref<10240x128xf32, #tpu.memory_space<hbm>>) target(%arg13 : memref<64x128xf32, #tpu.memory_space<vmem>>) offsets(%dma_start3A_944 : memref<64xi32, #tpu.memory_space<vmem>>) semaphore(%arg19 : memref<!tpu.dma_semaphore, #tpu.memory_space<semaphore_mem>>)
        %dma_wait3A_948 = arith.constant 0 : i32
        %dma_wait3A_949 = tpu.memref_slice %arg10[%dma_wait3A_948] : memref<2048xi32, #tpu.memory_space<vmem>> -> memref<64xi32, #tpu.memory_space<vmem>>
        %dma_wait3A_950 = arith.constant 0 : i32
        %dma_wait3A_951 = arith.constant 0 : i32
        %dma_wait3A_952 = tpu.memref_slice %arg2[%dma_wait3A_950, %dma_wait3A_951] : memref<10240x128xf32, #tpu.memory_space<hbm>> -> memref<10240x128xf32, #tpu.memory_space<hbm>>
        tpu.wait_indirect_dma semaphore(%arg21 : memref<!tpu.dma_semaphore, #tpu.memory_space<semaphore_mem>>) src(%dma_wait3A_952 : memref<10240x128xf32, #tpu.memory_space<hbm>>) dst(%arg15 : memref<64x128xf32, #tpu.memory_space<vmem>>)
        %add3A_953 = arith.constant 3 : i32
        %add3A_954 = arith.addi %add3A_500, %add3A_953 : i32
        %mul3A_955 = arith.constant 64 : i32
        %mul3A_956 = arith.muli %add3A_954, %mul3A_955 : i32
        %add3A_957 = arith.constant 0 : i32
        %add3A_958 = arith.addi %mul3A_956, %add3A_957 : i32
        %get3A_959 = arith.index_cast %add3A_958 : i32 to index
        %get3A_960 = tpu.vector_load %arg11[%get3A_959] {strides = array<i32>} : memref<2048xi32, #tpu.memory_space<vmem>>, vector<16xi32>,
        %swap3A_961 = arith.constant 0 : index
        %swap3A_962 = tpu.vector_load %arg17[%swap3A_961] {strides = array<i32>} : memref<64xi32, #tpu.memory_space<vmem>>, vector<16xi32>,
        tpu.vector_store %arg17[%swap3A_961], %get3A_960 {strides = array<i32>} : memref<64xi32, #tpu.memory_space<vmem>>, vector<16xi32>,
        %and3A_963 = arith.constant 127 : i32
        %and3A_964 = vector.broadcast %and3A_963 : i32 to vector<16xi32>
        %and3A_965 = arith.andi %get3A_960, %and3A_964 : vector<16xi32>
        %add3A_966 = arith.constant 0 : i32
        %add3A_967 = vector.broadcast %add3A_966 : i32 to vector<16xi32>
        %add3A_968 = arith.addi %iota3A, %add3A_967 : vector<16xi32>
        tpu.vector_store_idx %arg24[%add3A_968, %and3A_965], %broadcast_in_dim3A_1 : memref<64x128xf32, #tpu.memory_space<vmem>>[vector<16xi32>, vector<16xi32>], vector<16xf32>,
        %shift_right_logical3A_969 = arith.constant 7 : i32
        %shift_right_logical3A_970 = vector.broadcast %shift_right_logical3A_969 : i32 to vector<16xi32>
        %shift_right_logical3A_971 = arith.shrui %get3A_960, %shift_right_logical3A_970 : vector<16xi32>
        %swap3A_972 = arith.constant 0 : index
        %swap3A_973 = tpu.vector_load %arg25[%swap3A_972] {strides = array<i32>} : memref<64xi32, #tpu.memory_space<vmem>>, vector<16xi32>,
        tpu.vector_store %arg25[%swap3A_972], %shift_right_logical3A_971 {strides = array<i32>} : memref<64xi32, #tpu.memory_space<vmem>>, vector<16xi32>,
        %mul3A_974 = arith.constant 64 : i32
        %mul3A_975 = arith.muli %add3A_954, %mul3A_974 : i32
        %add3A_976 = arith.constant 16 : i32
        %add3A_977 = arith.addi %mul3A_975, %add3A_976 : i32
        %get3A_978 = arith.index_cast %add3A_977 : i32 to index
        %get3A_979 = tpu.vector_load %arg11[%get3A_978] {strides = array<i32>} : memref<2048xi32, #tpu.memory_space<vmem>>, vector<16xi32>,
        %swap3A_980 = arith.constant 16 : index
        %swap3A_981 = tpu.vector_load %arg17[%swap3A_980] {strides = array<i32>} : memref<64xi32, #tpu.memory_space<vmem>>, vector<16xi32>,
        tpu.vector_store %arg17[%swap3A_980], %get3A_979 {strides = array<i32>} : memref<64xi32, #tpu.memory_space<vmem>>, vector<16xi32>,
        %and3A_982 = arith.constant 127 : i32
        %and3A_983 = vector.broadcast %and3A_982 : i32 to vector<16xi32>
        %and3A_984 = arith.andi %get3A_979, %and3A_983 : vector<16xi32>
        %add3A_985 = arith.constant 16 : i32
        %add3A_986 = vector.broadcast %add3A_985 : i32 to vector<16xi32>
        %add3A_987 = arith.addi %iota3A, %add3A_986 : vector<16xi32>
        tpu.vector_store_idx %arg24[%add3A_987, %and3A_984], %broadcast_in_dim3A_1 : memref<64x128xf32, #tpu.memory_space<vmem>>[vector<16xi32>, vector<16xi32>], vector<16xf32>,
        %shift_right_logical3A_988 = arith.constant 7 : i32
        %shift_right_logical3A_989 = vector.broadcast %shift_right_logical3A_988 : i32 to vector<16xi32>
        %shift_right_logical3A_990 = arith.shrui %get3A_979, %shift_right_logical3A_989 : vector<16xi32>
        %swap3A_991 = arith.constant 16 : index
        %swap3A_992 = tpu.vector_load %arg25[%swap3A_991] {strides = array<i32>} : memref<64xi32, #tpu.memory_space<vmem>>, vector<16xi32>,
        tpu.vector_store %arg25[%swap3A_991], %shift_right_logical3A_990 {strides = array<i32>} : memref<64xi32, #tpu.memory_space<vmem>>, vector<16xi32>,
        %mul3A_993 = arith.constant 64 : i32
        %mul3A_994 = arith.muli %add3A_954, %mul3A_993 : i32
        %add3A_995 = arith.constant 32 : i32
        %add3A_996 = arith.addi %mul3A_994, %add3A_995 : i32
        %get3A_997 = arith.index_cast %add3A_996 : i32 to index
        %get3A_998 = tpu.vector_load %arg11[%get3A_997] {strides = array<i32>} : memref<2048xi32, #tpu.memory_space<vmem>>, vector<16xi32>,
        %swap3A_999 = arith.constant 32 : index
        %swap3A_1000 = tpu.vector_load %arg17[%swap3A_999] {strides = array<i32>} : memref<64xi32, #tpu.memory_space<vmem>>, vector<16xi32>,
        tpu.vector_store %arg17[%swap3A_999], %get3A_998 {strides = array<i32>} : memref<64xi32, #tpu.memory_space<vmem>>, vector<16xi32>,
        %and3A_1001 = arith.constant 127 : i32
        %and3A_1002 = vector.broadcast %and3A_1001 : i32 to vector<16xi32>
        %and3A_1003 = arith.andi %get3A_998, %and3A_1002 : vector<16xi32>
        %add3A_1004 = arith.constant 32 : i32
        %add3A_1005 = vector.broadcast %add3A_1004 : i32 to vector<16xi32>
        %add3A_1006 = arith.addi %iota3A, %add3A_1005 : vector<16xi32>
        tpu.vector_store_idx %arg24[%add3A_1006, %and3A_1003], %broadcast_in_dim3A_1 : memref<64x128xf32, #tpu.memory_space<vmem>>[vector<16xi32>, vector<16xi32>], vector<16xf32>,
        %shift_right_logical3A_1007 = arith.constant 7 : i32
        %shift_right_logical3A_1008 = vector.broadcast %shift_right_logical3A_1007 : i32 to vector<16xi32>
        %shift_right_logical3A_1009 = arith.shrui %get3A_998, %shift_right_logical3A_1008 : vector<16xi32>
        %swap3A_1010 = arith.constant 32 : index
        %swap3A_1011 = tpu.vector_load %arg25[%swap3A_1010] {strides = array<i32>} : memref<64xi32, #tpu.memory_space<vmem>>, vector<16xi32>,
        tpu.vector_store %arg25[%swap3A_1010], %shift_right_logical3A_1009 {strides = array<i32>} : memref<64xi32, #tpu.memory_space<vmem>>, vector<16xi32>,
        %mul3A_1012 = arith.constant 64 : i32
        %mul3A_1013 = arith.muli %add3A_954, %mul3A_1012 : i32
        %add3A_1014 = arith.constant 48 : i32
        %add3A_1015 = arith.addi %mul3A_1013, %add3A_1014 : i32
        %get3A_1016 = arith.index_cast %add3A_1015 : i32 to index
        %get3A_1017 = tpu.vector_load %arg11[%get3A_1016] {strides = array<i32>} : memref<2048xi32, #tpu.memory_space<vmem>>, vector<16xi32>,
        %swap3A_1018 = arith.constant 48 : index
        %swap3A_1019 = tpu.vector_load %arg17[%swap3A_1018] {strides = array<i32>} : memref<64xi32, #tpu.memory_space<vmem>>, vector<16xi32>,
        tpu.vector_store %arg17[%swap3A_1018], %get3A_1017 {strides = array<i32>} : memref<64xi32, #tpu.memory_space<vmem>>, vector<16xi32>,
        %and3A_1020 = arith.constant 127 : i32
        %and3A_1021 = vector.broadcast %and3A_1020 : i32 to vector<16xi32>
        %and3A_1022 = arith.andi %get3A_1017, %and3A_1021 : vector<16xi32>
        %add3A_1023 = arith.constant 48 : i32
        %add3A_1024 = vector.broadcast %add3A_1023 : i32 to vector<16xi32>
        %add3A_1025 = arith.addi %iota3A, %add3A_1024 : vector<16xi32>
        tpu.vector_store_idx %arg24[%add3A_1025, %and3A_1022], %broadcast_in_dim3A_1 : memref<64x128xf32, #tpu.memory_space<vmem>>[vector<16xi32>, vector<16xi32>], vector<16xf32>,
        %shift_right_logical3A_1026 = arith.constant 7 : i32
        %shift_right_logical3A_1027 = vector.broadcast %shift_right_logical3A_1026 : i32 to vector<16xi32>
        %shift_right_logical3A_1028 = arith.shrui %get3A_1017, %shift_right_logical3A_1027 : vector<16xi32>
        %swap3A_1029 = arith.constant 48 : index
        %swap3A_1030 = tpu.vector_load %arg25[%swap3A_1029] {strides = array<i32>} : memref<64xi32, #tpu.memory_space<vmem>>, vector<16xi32>,
        tpu.vector_store %arg25[%swap3A_1029], %shift_right_logical3A_1028 {strides = array<i32>} : memref<64xi32, #tpu.memory_space<vmem>>, vector<16xi32>,
        %dma_wait3A_1031 = arith.constant 0 : i32
        %dma_wait3A_1032 = arith.constant 0 : i32
        %dma_wait3A_1033 = tpu.memref_slice %arg9[%dma_wait3A_1031, %dma_wait3A_1032] : memref<10240x128xf32, #tpu.memory_space<vmem_shared>> -> memref<10240x128xf32, #tpu.memory_space<vmem_shared>>
        tpu.wait_indirect_dma semaphore(%arg22 : memref<!tpu.dma_semaphore, #tpu.memory_space<semaphore_mem>>) src(%arg12 : memref<64x128xf32, #tpu.memory_space<vmem>>) dst(%dma_wait3A_1033 : memref<10240x128xf32, #tpu.memory_space<vmem_shared>>)
        %dma_start3A_1034 = arith.constant 0 : i32
        %dma_start3A_1035 = arith.constant 0 : i32
        %dma_start3A_1036 = tpu.memref_slice %arg9[%dma_start3A_1034, %dma_start3A_1035] : memref<10240x128xf32, #tpu.memory_space<vmem_shared>> -> memref<10240x128xf32, #tpu.memory_space<vmem_shared>>
        tpu.enqueue_indirect_dma source(%arg15 : memref<64x128xf32, #tpu.memory_space<vmem>>) target(%dma_start3A_1036 : memref<10240x128xf32, #tpu.memory_space<vmem_shared>>) offsets(%arg17 : memref<64xi32, #tpu.memory_space<vmem>>) semaphore(%arg22 : memref<!tpu.dma_semaphore, #tpu.memory_space<semaphore_mem>>) {add = true}
        "tpu.region"() ({
          %run_scoped3A = tpu.sem_alloc : memref<!tpu.dma_semaphore, #tpu.memory_space<semaphore_mem>>
          %dma_start3A_1097 = arith.constant 0 : i32
          %dma_start3A_1098 = arith.constant 0 : i32
          %dma_start3A_1099 = tpu.memref_slice %arg23[%dma_start3A_1097, %dma_start3A_1098] : memref<80x128xf32, #tpu.memory_space<vmem_shared>> -> memref<80x128xf32, #tpu.memory_space<vmem_shared>>
          tpu.enqueue_indirect_dma source(%arg24 : memref<64x128xf32, #tpu.memory_space<vmem>>) target(%dma_start3A_1099 : memref<80x128xf32, #tpu.memory_space<vmem_shared>>) offsets(%arg25 : memref<64xi32, #tpu.memory_space<vmem>>) semaphore(%run_scoped3A : memref<!tpu.dma_semaphore, #tpu.memory_space<semaphore_mem>>) {add = true}
          %dma_wait3A_1100 = arith.constant 0 : i32
          %dma_wait3A_1101 = arith.constant 0 : i32
          %dma_wait3A_1102 = tpu.memref_slice %arg23[%dma_wait3A_1100, %dma_wait3A_1101] : memref<80x128xf32, #tpu.memory_space<vmem_shared>> -> memref<80x128xf32, #tpu.memory_space<vmem_shared>>
          tpu.wait_indirect_dma semaphore(%run_scoped3A : memref<!tpu.dma_semaphore, #tpu.memory_space<semaphore_mem>>) src(%arg24 : memref<64x128xf32, #tpu.memory_space<vmem>>) dst(%dma_wait3A_1102 : memref<80x128xf32, #tpu.memory_space<vmem_shared>>)
          tpu.yield
        }) : () -> ()
        %mul3A_1037 = arith.constant 64 : i32
        %mul3A_1038 = arith.muli %add3A_954, %mul3A_1037 : i32
        %add3A_1039 = arith.constant 0 : i32
        %add3A_1040 = arith.addi %mul3A_1038, %add3A_1039 : i32
        %get3A_1041 = arith.index_cast %add3A_1040 : i32 to index
        %get3A_1042 = tpu.vector_load %arg11[%get3A_1041] {strides = array<i32>} : memref<2048xi32, #tpu.memory_space<vmem>>, vector<16xi32>,
        %and3A_1043 = arith.constant 127 : i32
        %and3A_1044 = vector.broadcast %and3A_1043 : i32 to vector<16xi32>
        %and3A_1045 = arith.andi %get3A_1042, %and3A_1044 : vector<16xi32>
        %add3A_1046 = arith.constant 0 : i32
        %add3A_1047 = vector.broadcast %add3A_1046 : i32 to vector<16xi32>
        %add3A_1048 = arith.addi %iota3A, %add3A_1047 : vector<16xi32>
        tpu.vector_store_idx %arg24[%add3A_1048, %and3A_1045], %broadcast_in_dim3A_3 : memref<64x128xf32, #tpu.memory_space<vmem>>[vector<16xi32>, vector<16xi32>], vector<16xf32>,
        %mul3A_1049 = arith.constant 64 : i32
        %mul3A_1050 = arith.muli %add3A_954, %mul3A_1049 : i32
        %add3A_1051 = arith.constant 16 : i32
        %add3A_1052 = arith.addi %mul3A_1050, %add3A_1051 : i32
        %get3A_1053 = arith.index_cast %add3A_1052 : i32 to index
        %get3A_1054 = tpu.vector_load %arg11[%get3A_1053] {strides = array<i32>} : memref<2048xi32, #tpu.memory_space<vmem>>, vector<16xi32>,
        %and3A_1055 = arith.constant 127 : i32
        %and3A_1056 = vector.broadcast %and3A_1055 : i32 to vector<16xi32>
        %and3A_1057 = arith.andi %get3A_1054, %and3A_1056 : vector<16xi32>
        %add3A_1058 = arith.constant 16 : i32
        %add3A_1059 = vector.broadcast %add3A_1058 : i32 to vector<16xi32>
        %add3A_1060 = arith.addi %iota3A, %add3A_1059 : vector<16xi32>
        tpu.vector_store_idx %arg24[%add3A_1060, %and3A_1057], %broadcast_in_dim3A_3 : memref<64x128xf32, #tpu.memory_space<vmem>>[vector<16xi32>, vector<16xi32>], vector<16xf32>,
        %mul3A_1061 = arith.constant 64 : i32
        %mul3A_1062 = arith.muli %add3A_954, %mul3A_1061 : i32
        %add3A_1063 = arith.constant 32 : i32
        %add3A_1064 = arith.addi %mul3A_1062, %add3A_1063 : i32
        %get3A_1065 = arith.index_cast %add3A_1064 : i32 to index
        %get3A_1066 = tpu.vector_load %arg11[%get3A_1065] {strides = array<i32>} : memref<2048xi32, #tpu.memory_space<vmem>>, vector<16xi32>,
        %and3A_1067 = arith.constant 127 : i32
        %and3A_1068 = vector.broadcast %and3A_1067 : i32 to vector<16xi32>
        %and3A_1069 = arith.andi %get3A_1066, %and3A_1068 : vector<16xi32>
        %add3A_1070 = arith.constant 32 : i32
        %add3A_1071 = vector.broadcast %add3A_1070 : i32 to vector<16xi32>
        %add3A_1072 = arith.addi %iota3A, %add3A_1071 : vector<16xi32>
        tpu.vector_store_idx %arg24[%add3A_1072, %and3A_1069], %broadcast_in_dim3A_3 : memref<64x128xf32, #tpu.memory_space<vmem>>[vector<16xi32>, vector<16xi32>], vector<16xf32>,
        %mul3A_1073 = arith.constant 64 : i32
        %mul3A_1074 = arith.muli %add3A_954, %mul3A_1073 : i32
        %add3A_1075 = arith.constant 48 : i32
        %add3A_1076 = arith.addi %mul3A_1074, %add3A_1075 : i32
        %get3A_1077 = arith.index_cast %add3A_1076 : i32 to index
        %get3A_1078 = tpu.vector_load %arg11[%get3A_1077] {strides = array<i32>} : memref<2048xi32, #tpu.memory_space<vmem>>, vector<16xi32>,
        %and3A_1079 = arith.constant 127 : i32
        %and3A_1080 = vector.broadcast %and3A_1079 : i32 to vector<16xi32>
        %and3A_1081 = arith.andi %get3A_1078, %and3A_1080 : vector<16xi32>
        %add3A_1082 = arith.constant 48 : i32
        %add3A_1083 = vector.broadcast %add3A_1082 : i32 to vector<16xi32>
        %add3A_1084 = arith.addi %iota3A, %add3A_1083 : vector<16xi32>
        tpu.vector_store_idx %arg24[%add3A_1084, %and3A_1081], %broadcast_in_dim3A_3 : memref<64x128xf32, #tpu.memory_space<vmem>>[vector<16xi32>, vector<16xi32>], vector<16xf32>,
        %add3A_1085 = arith.constant 3 : i32
        %add3A_1086 = arith.addi %add3A_500, %add3A_1085 : i32
        %add3A_1087 = arith.constant 4 : i32
        %add3A_1088 = arith.addi %add3A_1086, %add3A_1087 : i32
        %sub3A_1089 = arith.constant 1 : i32
        %sub3A_1090 = arith.subi %add3A_1088, %sub3A_1089 : i32
        %mul3A_1091 = arith.constant 64 : i32
        %mul3A_1092 = arith.muli %sub3A_1090, %mul3A_1091 : i32
        %dma_start3A_1093 = tpu.memref_slice %arg10[%mul3A_1092] : memref<2048xi32, #tpu.memory_space<vmem>> -> memref<64xi32, #tpu.memory_space<vmem>>
        %dma_start3A_1094 = arith.constant 0 : i32
        %dma_start3A_1095 = arith.constant 0 : i32
        %dma_start3A_1096 = tpu.memref_slice %arg2[%dma_start3A_1094, %dma_start3A_1095] : memref<10240x128xf32, #tpu.memory_space<hbm>> -> memref<10240x128xf32, #tpu.memory_space<hbm>>
        tpu.enqueue_indirect_dma source(%dma_start3A_1096 : memref<10240x128xf32, #tpu.memory_space<hbm>>) target(%arg14 : memref<64x128xf32, #tpu.memory_space<vmem>>) offsets(%dma_start3A_1093 : memref<64xi32, #tpu.memory_space<vmem>>) semaphore(%arg20 : memref<!tpu.dma_semaphore, #tpu.memory_space<semaphore_mem>>)
      }
      %scan3A_82 = arith.constant 7 : i32
      %dma_wait3A_83 = arith.constant 0 : i32
      %dma_wait3A_84 = tpu.memref_slice %arg10[%dma_wait3A_83] : memref<2048xi32, #tpu.memory_space<vmem>> -> memref<64xi32, #tpu.memory_space<vmem>>
      %dma_wait3A_85 = arith.constant 0 : i32
      %dma_wait3A_86 = arith.constant 0 : i32
      %dma_wait3A_87 = tpu.memref_slice %arg2[%dma_wait3A_85, %dma_wait3A_86] : memref<10240x128xf32, #tpu.memory_space<hbm>> -> memref<10240x128xf32, #tpu.memory_space<hbm>>
      tpu.wait_indirect_dma semaphore(%arg18 : memref<!tpu.dma_semaphore, #tpu.memory_space<semaphore_mem>>) src(%dma_wait3A_87 : memref<10240x128xf32, #tpu.memory_space<hbm>>) dst(%arg12 : memref<64x128xf32, #tpu.memory_space<vmem>>)
      %get3A = arith.constant 1792 : index
      %get3A_88 = tpu.vector_load %arg11[%get3A] {strides = array<i32>} : memref<2048xi32, #tpu.memory_space<vmem>>, vector<16xi32>,
      %swap3A = arith.constant 0 : index
      %swap3A_89 = tpu.vector_load %arg16[%swap3A] {strides = array<i32>} : memref<64xi32, #tpu.memory_space<vmem>>, vector<16xi32>,
      tpu.vector_store %arg16[%swap3A], %get3A_88 {strides = array<i32>} : memref<64xi32, #tpu.memory_space<vmem>>, vector<16xi32>,
      %and3A = arith.constant 127 : i32
      %and3A_90 = vector.broadcast %and3A : i32 to vector<16xi32>
      %and3A_91 = arith.andi %get3A_88, %and3A_90 : vector<16xi32>
      %add3A_92 = arith.constant 0 : i32
      %add3A_93 = vector.broadcast %add3A_92 : i32 to vector<16xi32>
      %add3A_94 = arith.addi %iota3A, %add3A_93 : vector<16xi32>
      tpu.vector_store_idx %arg24[%add3A_94, %and3A_91], %broadcast_in_dim3A_1 : memref<64x128xf32, #tpu.memory_space<vmem>>[vector<16xi32>, vector<16xi32>], vector<16xf32>,
      %shift_right_logical3A = arith.constant 7 : i32
      %shift_right_logical3A_95 = vector.broadcast %shift_right_logical3A : i32 to vector<16xi32>
      %shift_right_logical3A_96 = arith.shrui %get3A_88, %shift_right_logical3A_95 : vector<16xi32>
      %swap3A_97 = arith.constant 0 : index
      %swap3A_98 = tpu.vector_load %arg25[%swap3A_97] {strides = array<i32>} : memref<64xi32, #tpu.memory_space<vmem>>, vector<16xi32>,
      tpu.vector_store %arg25[%swap3A_97], %shift_right_logical3A_96 {strides = array<i32>} : memref<64xi32, #tpu.memory_space<vmem>>, vector<16xi32>,
      %get3A_99 = arith.constant 1808 : index
      %get3A_100 = tpu.vector_load %arg11[%get3A_99] {strides = array<i32>} : memref<2048xi32, #tpu.memory_space<vmem>>, vector<16xi32>,
      %swap3A_101 = arith.constant 16 : index
      %swap3A_102 = tpu.vector_load %arg16[%swap3A_101] {strides = array<i32>} : memref<64xi32, #tpu.memory_space<vmem>>, vector<16xi32>,
      tpu.vector_store %arg16[%swap3A_101], %get3A_100 {strides = array<i32>} : memref<64xi32, #tpu.memory_space<vmem>>, vector<16xi32>,
      %and3A_103 = arith.constant 127 : i32
      %and3A_104 = vector.broadcast %and3A_103 : i32 to vector<16xi32>
      %and3A_105 = arith.andi %get3A_100, %and3A_104 : vector<16xi32>
      %add3A_106 = arith.constant 16 : i32
      %add3A_107 = vector.broadcast %add3A_106 : i32 to vector<16xi32>
      %add3A_108 = arith.addi %iota3A, %add3A_107 : vector<16xi32>
      tpu.vector_store_idx %arg24[%add3A_108, %and3A_105], %broadcast_in_dim3A_1 : memref<64x128xf32, #tpu.memory_space<vmem>>[vector<16xi32>, vector<16xi32>], vector<16xf32>,
      %shift_right_logical3A_109 = arith.constant 7 : i32
      %shift_right_logical3A_110 = vector.broadcast %shift_right_logical3A_109 : i32 to vector<16xi32>
      %shift_right_logical3A_111 = arith.shrui %get3A_100, %shift_right_logical3A_110 : vector<16xi32>
      %swap3A_112 = arith.constant 16 : index
      %swap3A_113 = tpu.vector_load %arg25[%swap3A_112] {strides = array<i32>} : memref<64xi32, #tpu.memory_space<vmem>>, vector<16xi32>,
      tpu.vector_store %arg25[%swap3A_112], %shift_right_logical3A_111 {strides = array<i32>} : memref<64xi32, #tpu.memory_space<vmem>>, vector<16xi32>,
      %get3A_114 = arith.constant 1824 : index
      %get3A_115 = tpu.vector_load %arg11[%get3A_114] {strides = array<i32>} : memref<2048xi32, #tpu.memory_space<vmem>>, vector<16xi32>,
      %swap3A_116 = arith.constant 32 : index
      %swap3A_117 = tpu.vector_load %arg16[%swap3A_116] {strides = array<i32>} : memref<64xi32, #tpu.memory_space<vmem>>, vector<16xi32>,
      tpu.vector_store %arg16[%swap3A_116], %get3A_115 {strides = array<i32>} : memref<64xi32, #tpu.memory_space<vmem>>, vector<16xi32>,
      %and3A_118 = arith.constant 127 : i32
      %and3A_119 = vector.broadcast %and3A_118 : i32 to vector<16xi32>
      %and3A_120 = arith.andi %get3A_115, %and3A_119 : vector<16xi32>
      %add3A_121 = arith.constant 32 : i32
      %add3A_122 = vector.broadcast %add3A_121 : i32 to vector<16xi32>
      %add3A_123 = arith.addi %iota3A, %add3A_122 : vector<16xi32>
      tpu.vector_store_idx %arg24[%add3A_123, %and3A_120], %broadcast_in_dim3A_1 : memref<64x128xf32, #tpu.memory_space<vmem>>[vector<16xi32>, vector<16xi32>], vector<16xf32>,
      %shift_right_logical3A_124 = arith.constant 7 : i32
      %shift_right_logical3A_125 = vector.broadcast %shift_right_logical3A_124 : i32 to vector<16xi32>
      %shift_right_logical3A_126 = arith.shrui %get3A_115, %shift_right_logical3A_125 : vector<16xi32>
      %swap3A_127 = arith.constant 32 : index
      %swap3A_128 = tpu.vector_load %arg25[%swap3A_127] {strides = array<i32>} : memref<64xi32, #tpu.memory_space<vmem>>, vector<16xi32>,
      tpu.vector_store %arg25[%swap3A_127], %shift_right_logical3A_126 {strides = array<i32>} : memref<64xi32, #tpu.memory_space<vmem>>, vector<16xi32>,
      %get3A_129 = arith.constant 1840 : index
      %get3A_130 = tpu.vector_load %arg11[%get3A_129] {strides = array<i32>} : memref<2048xi32, #tpu.memory_space<vmem>>, vector<16xi32>,
      %swap3A_131 = arith.constant 48 : index
      %swap3A_132 = tpu.vector_load %arg16[%swap3A_131] {strides = array<i32>} : memref<64xi32, #tpu.memory_space<vmem>>, vector<16xi32>,
      tpu.vector_store %arg16[%swap3A_131], %get3A_130 {strides = array<i32>} : memref<64xi32, #tpu.memory_space<vmem>>, vector<16xi32>,
      %and3A_133 = arith.constant 127 : i32
      %and3A_134 = vector.broadcast %and3A_133 : i32 to vector<16xi32>
      %and3A_135 = arith.andi %get3A_130, %and3A_134 : vector<16xi32>
      %add3A_136 = arith.constant 48 : i32
      %add3A_137 = vector.broadcast %add3A_136 : i32 to vector<16xi32>
      %add3A_138 = arith.addi %iota3A, %add3A_137 : vector<16xi32>
      tpu.vector_store_idx %arg24[%add3A_138, %and3A_135], %broadcast_in_dim3A_1 : memref<64x128xf32, #tpu.memory_space<vmem>>[vector<16xi32>, vector<16xi32>], vector<16xf32>,
      %shift_right_logical3A_139 = arith.constant 7 : i32
      %shift_right_logical3A_140 = vector.broadcast %shift_right_logical3A_139 : i32 to vector<16xi32>
      %shift_right_logical3A_141 = arith.shrui %get3A_130, %shift_right_logical3A_140 : vector<16xi32>
      %swap3A_142 = arith.constant 48 : index
      %swap3A_143 = tpu.vector_load %arg25[%swap3A_142] {strides = array<i32>} : memref<64xi32, #tpu.memory_space<vmem>>, vector<16xi32>,
      tpu.vector_store %arg25[%swap3A_142], %shift_right_logical3A_141 {strides = array<i32>} : memref<64xi32, #tpu.memory_space<vmem>>, vector<16xi32>,
      %dma_wait3A_144 = arith.constant 0 : i32
      %dma_wait3A_145 = arith.constant 0 : i32
      %dma_wait3A_146 = tpu.memref_slice %arg9[%dma_wait3A_144, %dma_wait3A_145] : memref<10240x128xf32, #tpu.memory_space<vmem_shared>> -> memref<10240x128xf32, #tpu.memory_space<vmem_shared>>
      tpu.wait_indirect_dma semaphore(%arg22 : memref<!tpu.dma_semaphore, #tpu.memory_space<semaphore_mem>>) src(%arg12 : memref<64x128xf32, #tpu.memory_space<vmem>>) dst(%dma_wait3A_146 : memref<10240x128xf32, #tpu.memory_space<vmem_shared>>)
      %dma_start3A_147 = arith.constant 0 : i32
      %dma_start3A_148 = arith.constant 0 : i32
      %dma_start3A_149 = tpu.memref_slice %arg9[%dma_start3A_147, %dma_start3A_148] : memref<10240x128xf32, #tpu.memory_space<vmem_shared>> -> memref<10240x128xf32, #tpu.memory_space<vmem_shared>>
      tpu.enqueue_indirect_dma source(%arg12 : memref<64x128xf32, #tpu.memory_space<vmem>>) target(%dma_start3A_149 : memref<10240x128xf32, #tpu.memory_space<vmem_shared>>) offsets(%arg16 : memref<64xi32, #tpu.memory_space<vmem>>) semaphore(%arg22 : memref<!tpu.dma_semaphore, #tpu.memory_space<semaphore_mem>>) {add = true}
      "tpu.region"() ({
        %run_scoped3A = tpu.sem_alloc : memref<!tpu.dma_semaphore, #tpu.memory_space<semaphore_mem>>
        %dma_start3A_496 = arith.constant 0 : i32
        %dma_start3A_497 = arith.constant 0 : i32
        %dma_start3A_498 = tpu.memref_slice %arg23[%dma_start3A_496, %dma_start3A_497] : memref<80x128xf32, #tpu.memory_space<vmem_shared>> -> memref<80x128xf32, #tpu.memory_space<vmem_shared>>
        tpu.enqueue_indirect_dma source(%arg24 : memref<64x128xf32, #tpu.memory_space<vmem>>) target(%dma_start3A_498 : memref<80x128xf32, #tpu.memory_space<vmem_shared>>) offsets(%arg25 : memref<64xi32, #tpu.memory_space<vmem>>) semaphore(%run_scoped3A : memref<!tpu.dma_semaphore, #tpu.memory_space<semaphore_mem>>) {add = true}
        %dma_wait3A_499 = arith.constant 0 : i32
        %dma_wait3A_500 = arith.constant 0 : i32
        %dma_wait3A_501 = tpu.memref_slice %arg23[%dma_wait3A_499, %dma_wait3A_500] : memref<80x128xf32, #tpu.memory_space<vmem_shared>> -> memref<80x128xf32, #tpu.memory_space<vmem_shared>>
        tpu.wait_indirect_dma semaphore(%run_scoped3A : memref<!tpu.dma_semaphore, #tpu.memory_space<semaphore_mem>>) src(%arg24 : memref<64x128xf32, #tpu.memory_space<vmem>>) dst(%dma_wait3A_501 : memref<80x128xf32, #tpu.memory_space<vmem_shared>>)
        tpu.yield
      }) : () -> ()
      %get3A_150 = arith.constant 1792 : index
      %get3A_151 = tpu.vector_load %arg11[%get3A_150] {strides = array<i32>} : memref<2048xi32, #tpu.memory_space<vmem>>, vector<16xi32>,
      %and3A_152 = arith.constant 127 : i32
      %and3A_153 = vector.broadcast %and3A_152 : i32 to vector<16xi32>
      %and3A_154 = arith.andi %get3A_151, %and3A_153 : vector<16xi32>
      %add3A_155 = arith.constant 0 : i32
      %add3A_156 = vector.broadcast %add3A_155 : i32 to vector<16xi32>
      %add3A_157 = arith.addi %iota3A, %add3A_156 : vector<16xi32>
      tpu.vector_store_idx %arg24[%add3A_157, %and3A_154], %broadcast_in_dim3A_3 : memref<64x128xf32, #tpu.memory_space<vmem>>[vector<16xi32>, vector<16xi32>], vector<16xf32>,
      %get3A_158 = arith.constant 1808 : index
      %get3A_159 = tpu.vector_load %arg11[%get3A_158] {strides = array<i32>} : memref<2048xi32, #tpu.memory_space<vmem>>, vector<16xi32>,
      %and3A_160 = arith.constant 127 : i32
      %and3A_161 = vector.broadcast %and3A_160 : i32 to vector<16xi32>
      %and3A_162 = arith.andi %get3A_159, %and3A_161 : vector<16xi32>
      %add3A_163 = arith.constant 16 : i32
      %add3A_164 = vector.broadcast %add3A_163 : i32 to vector<16xi32>
      %add3A_165 = arith.addi %iota3A, %add3A_164 : vector<16xi32>
      tpu.vector_store_idx %arg24[%add3A_165, %and3A_162], %broadcast_in_dim3A_3 : memref<64x128xf32, #tpu.memory_space<vmem>>[vector<16xi32>, vector<16xi32>], vector<16xf32>,
      %get3A_166 = arith.constant 1824 : index
      %get3A_167 = tpu.vector_load %arg11[%get3A_166] {strides = array<i32>} : memref<2048xi32, #tpu.memory_space<vmem>>, vector<16xi32>,
      %and3A_168 = arith.constant 127 : i32
      %and3A_169 = vector.broadcast %and3A_168 : i32 to vector<16xi32>
      %and3A_170 = arith.andi %get3A_167, %and3A_169 : vector<16xi32>
      %add3A_171 = arith.constant 32 : i32
      %add3A_172 = vector.broadcast %add3A_171 : i32 to vector<16xi32>
      %add3A_173 = arith.addi %iota3A, %add3A_172 : vector<16xi32>
      tpu.vector_store_idx %arg24[%add3A_173, %and3A_170], %broadcast_in_dim3A_3 : memref<64x128xf32, #tpu.memory_space<vmem>>[vector<16xi32>, vector<16xi32>], vector<16xf32>,
      %get3A_174 = arith.constant 1840 : index
      %get3A_175 = tpu.vector_load %arg11[%get3A_174] {strides = array<i32>} : memref<2048xi32, #tpu.memory_space<vmem>>, vector<16xi32>,
      %and3A_176 = arith.constant 127 : i32
      %and3A_177 = vector.broadcast %and3A_176 : i32 to vector<16xi32>
      %and3A_178 = arith.andi %get3A_175, %and3A_177 : vector<16xi32>
      %add3A_179 = arith.constant 48 : i32
      %add3A_180 = vector.broadcast %add3A_179 : i32 to vector<16xi32>
      %add3A_181 = arith.addi %iota3A, %add3A_180 : vector<16xi32>
      tpu.vector_store_idx %arg24[%add3A_181, %and3A_178], %broadcast_in_dim3A_3 : memref<64x128xf32, #tpu.memory_space<vmem>>[vector<16xi32>, vector<16xi32>], vector<16xf32>,
      %dma_start3A_182 = arith.constant 1984 : i32
      %dma_start3A_183 = tpu.memref_slice %arg10[%dma_start3A_182] : memref<2048xi32, #tpu.memory_space<vmem>> -> memref<64xi32, #tpu.memory_space<vmem>>
      %dma_start3A_184 = arith.constant 0 : i32
      %dma_start3A_185 = arith.constant 0 : i32
      %dma_start3A_186 = tpu.memref_slice %arg2[%dma_start3A_184, %dma_start3A_185] : memref<10240x128xf32, #tpu.memory_space<hbm>> -> memref<10240x128xf32, #tpu.memory_space<hbm>>
      tpu.enqueue_indirect_dma source(%dma_start3A_186 : memref<10240x128xf32, #tpu.memory_space<hbm>>) target(%arg15 : memref<64x128xf32, #tpu.memory_space<vmem>>) offsets(%dma_start3A_183 : memref<64xi32, #tpu.memory_space<vmem>>) semaphore(%arg21 : memref<!tpu.dma_semaphore, #tpu.memory_space<semaphore_mem>>)
      %dma_wait3A_187 = arith.constant 0 : i32
      %dma_wait3A_188 = tpu.memref_slice %arg10[%dma_wait3A_187] : memref<2048xi32, #tpu.memory_space<vmem>> -> memref<64xi32, #tpu.memory_space<vmem>>
      %dma_wait3A_189 = arith.constant 0 : i32
      %dma_wait3A_190 = arith.constant 0 : i32
      %dma_wait3A_191 = tpu.memref_slice %arg2[%dma_wait3A_189, %dma_wait3A_190] : memref<10240x128xf32, #tpu.memory_space<hbm>> -> memref<10240x128xf32, #tpu.memory_space<hbm>>
      tpu.wait_indirect_dma semaphore(%arg19 : memref<!tpu.dma_semaphore, #tpu.memory_space<semaphore_mem>>) src(%dma_wait3A_191 : memref<10240x128xf32, #tpu.memory_space<hbm>>) dst(%arg13 : memref<64x128xf32, #tpu.memory_space<vmem>>)
      %get3A_192 = arith.constant 1856 : index
      %get3A_193 = tpu.vector_load %arg11[%get3A_192] {strides = array<i32>} : memref<2048xi32, #tpu.memory_space<vmem>>, vector<16xi32>,
      %swap3A_194 = arith.constant 0 : index
      %swap3A_195 = tpu.vector_load %arg17[%swap3A_194] {strides = array<i32>} : memref<64xi32, #tpu.memory_space<vmem>>, vector<16xi32>,
      tpu.vector_store %arg17[%swap3A_194], %get3A_193 {strides = array<i32>} : memref<64xi32, #tpu.memory_space<vmem>>, vector<16xi32>,
      %and3A_196 = arith.constant 127 : i32
      %and3A_197 = vector.broadcast %and3A_196 : i32 to vector<16xi32>
      %and3A_198 = arith.andi %get3A_193, %and3A_197 : vector<16xi32>
      %add3A_199 = arith.constant 0 : i32
      %add3A_200 = vector.broadcast %add3A_199 : i32 to vector<16xi32>
      %add3A_201 = arith.addi %iota3A, %add3A_200 : vector<16xi32>
      tpu.vector_store_idx %arg24[%add3A_201, %and3A_198], %broadcast_in_dim3A_1 : memref<64x128xf32, #tpu.memory_space<vmem>>[vector<16xi32>, vector<16xi32>], vector<16xf32>,
      %shift_right_logical3A_202 = arith.constant 7 : i32
      %shift_right_logical3A_203 = vector.broadcast %shift_right_logical3A_202 : i32 to vector<16xi32>
      %shift_right_logical3A_204 = arith.shrui %get3A_193, %shift_right_logical3A_203 : vector<16xi32>
      %swap3A_205 = arith.constant 0 : index
      %swap3A_206 = tpu.vector_load %arg25[%swap3A_205] {strides = array<i32>} : memref<64xi32, #tpu.memory_space<vmem>>, vector<16xi32>,
      tpu.vector_store %arg25[%swap3A_205], %shift_right_logical3A_204 {strides = array<i32>} : memref<64xi32, #tpu.memory_space<vmem>>, vector<16xi32>,
      %get3A_207 = arith.constant 1872 : index
      %get3A_208 = tpu.vector_load %arg11[%get3A_207] {strides = array<i32>} : memref<2048xi32, #tpu.memory_space<vmem>>, vector<16xi32>,
      %swap3A_209 = arith.constant 16 : index
      %swap3A_210 = tpu.vector_load %arg17[%swap3A_209] {strides = array<i32>} : memref<64xi32, #tpu.memory_space<vmem>>, vector<16xi32>,
      tpu.vector_store %arg17[%swap3A_209], %get3A_208 {strides = array<i32>} : memref<64xi32, #tpu.memory_space<vmem>>, vector<16xi32>,
      %and3A_211 = arith.constant 127 : i32
      %and3A_212 = vector.broadcast %and3A_211 : i32 to vector<16xi32>
      %and3A_213 = arith.andi %get3A_208, %and3A_212 : vector<16xi32>
      %add3A_214 = arith.constant 16 : i32
      %add3A_215 = vector.broadcast %add3A_214 : i32 to vector<16xi32>
      %add3A_216 = arith.addi %iota3A, %add3A_215 : vector<16xi32>
      tpu.vector_store_idx %arg24[%add3A_216, %and3A_213], %broadcast_in_dim3A_1 : memref<64x128xf32, #tpu.memory_space<vmem>>[vector<16xi32>, vector<16xi32>], vector<16xf32>,
      %shift_right_logical3A_217 = arith.constant 7 : i32
      %shift_right_logical3A_218 = vector.broadcast %shift_right_logical3A_217 : i32 to vector<16xi32>
      %shift_right_logical3A_219 = arith.shrui %get3A_208, %shift_right_logical3A_218 : vector<16xi32>
      %swap3A_220 = arith.constant 16 : index
      %swap3A_221 = tpu.vector_load %arg25[%swap3A_220] {strides = array<i32>} : memref<64xi32, #tpu.memory_space<vmem>>, vector<16xi32>,
      tpu.vector_store %arg25[%swap3A_220], %shift_right_logical3A_219 {strides = array<i32>} : memref<64xi32, #tpu.memory_space<vmem>>, vector<16xi32>,
      %get3A_222 = arith.constant 1888 : index
      %get3A_223 = tpu.vector_load %arg11[%get3A_222] {strides = array<i32>} : memref<2048xi32, #tpu.memory_space<vmem>>, vector<16xi32>,
      %swap3A_224 = arith.constant 32 : index
      %swap3A_225 = tpu.vector_load %arg17[%swap3A_224] {strides = array<i32>} : memref<64xi32, #tpu.memory_space<vmem>>, vector<16xi32>,
      tpu.vector_store %arg17[%swap3A_224], %get3A_223 {strides = array<i32>} : memref<64xi32, #tpu.memory_space<vmem>>, vector<16xi32>,
      %and3A_226 = arith.constant 127 : i32
      %and3A_227 = vector.broadcast %and3A_226 : i32 to vector<16xi32>
      %and3A_228 = arith.andi %get3A_223, %and3A_227 : vector<16xi32>
      %add3A_229 = arith.constant 32 : i32
      %add3A_230 = vector.broadcast %add3A_229 : i32 to vector<16xi32>
      %add3A_231 = arith.addi %iota3A, %add3A_230 : vector<16xi32>
      tpu.vector_store_idx %arg24[%add3A_231, %and3A_228], %broadcast_in_dim3A_1 : memref<64x128xf32, #tpu.memory_space<vmem>>[vector<16xi32>, vector<16xi32>], vector<16xf32>,
      %shift_right_logical3A_232 = arith.constant 7 : i32
      %shift_right_logical3A_233 = vector.broadcast %shift_right_logical3A_232 : i32 to vector<16xi32>
      %shift_right_logical3A_234 = arith.shrui %get3A_223, %shift_right_logical3A_233 : vector<16xi32>
      %swap3A_235 = arith.constant 32 : index
      %swap3A_236 = tpu.vector_load %arg25[%swap3A_235] {strides = array<i32>} : memref<64xi32, #tpu.memory_space<vmem>>, vector<16xi32>,
      tpu.vector_store %arg25[%swap3A_235], %shift_right_logical3A_234 {strides = array<i32>} : memref<64xi32, #tpu.memory_space<vmem>>, vector<16xi32>,
      %get3A_237 = arith.constant 1904 : index
      %get3A_238 = tpu.vector_load %arg11[%get3A_237] {strides = array<i32>} : memref<2048xi32, #tpu.memory_space<vmem>>, vector<16xi32>,
      %swap3A_239 = arith.constant 48 : index
      %swap3A_240 = tpu.vector_load %arg17[%swap3A_239] {strides = array<i32>} : memref<64xi32, #tpu.memory_space<vmem>>, vector<16xi32>,
      tpu.vector_store %arg17[%swap3A_239], %get3A_238 {strides = array<i32>} : memref<64xi32, #tpu.memory_space<vmem>>, vector<16xi32>,
      %and3A_241 = arith.constant 127 : i32
      %and3A_242 = vector.broadcast %and3A_241 : i32 to vector<16xi32>
      %and3A_243 = arith.andi %get3A_238, %and3A_242 : vector<16xi32>
      %add3A_244 = arith.constant 48 : i32
      %add3A_245 = vector.broadcast %add3A_244 : i32 to vector<16xi32>
      %add3A_246 = arith.addi %iota3A, %add3A_245 : vector<16xi32>
      tpu.vector_store_idx %arg24[%add3A_246, %and3A_243], %broadcast_in_dim3A_1 : memref<64x128xf32, #tpu.memory_space<vmem>>[vector<16xi32>, vector<16xi32>], vector<16xf32>,
      %shift_right_logical3A_247 = arith.constant 7 : i32
      %shift_right_logical3A_248 = vector.broadcast %shift_right_logical3A_247 : i32 to vector<16xi32>
      %shift_right_logical3A_249 = arith.shrui %get3A_238, %shift_right_logical3A_248 : vector<16xi32>
      %swap3A_250 = arith.constant 48 : index
      %swap3A_251 = tpu.vector_load %arg25[%swap3A_250] {strides = array<i32>} : memref<64xi32, #tpu.memory_space<vmem>>, vector<16xi32>,
      tpu.vector_store %arg25[%swap3A_250], %shift_right_logical3A_249 {strides = array<i32>} : memref<64xi32, #tpu.memory_space<vmem>>, vector<16xi32>,
      %dma_wait3A_252 = arith.constant 0 : i32
      %dma_wait3A_253 = arith.constant 0 : i32
      %dma_wait3A_254 = tpu.memref_slice %arg9[%dma_wait3A_252, %dma_wait3A_253] : memref<10240x128xf32, #tpu.memory_space<vmem_shared>> -> memref<10240x128xf32, #tpu.memory_space<vmem_shared>>
      tpu.wait_indirect_dma semaphore(%arg22 : memref<!tpu.dma_semaphore, #tpu.memory_space<semaphore_mem>>) src(%arg12 : memref<64x128xf32, #tpu.memory_space<vmem>>) dst(%dma_wait3A_254 : memref<10240x128xf32, #tpu.memory_space<vmem_shared>>)
      %dma_start3A_255 = arith.constant 0 : i32
      %dma_start3A_256 = arith.constant 0 : i32
      %dma_start3A_257 = tpu.memref_slice %arg9[%dma_start3A_255, %dma_start3A_256] : memref<10240x128xf32, #tpu.memory_space<vmem_shared>> -> memref<10240x128xf32, #tpu.memory_space<vmem_shared>>
      tpu.enqueue_indirect_dma source(%arg13 : memref<64x128xf32, #tpu.memory_space<vmem>>) target(%dma_start3A_257 : memref<10240x128xf32, #tpu.memory_space<vmem_shared>>) offsets(%arg17 : memref<64xi32, #tpu.memory_space<vmem>>) semaphore(%arg22 : memref<!tpu.dma_semaphore, #tpu.memory_space<semaphore_mem>>) {add = true}
      "tpu.region"() ({
        %run_scoped3A = tpu.sem_alloc : memref<!tpu.dma_semaphore, #tpu.memory_space<semaphore_mem>>
        %dma_start3A_496 = arith.constant 0 : i32
        %dma_start3A_497 = arith.constant 0 : i32
        %dma_start3A_498 = tpu.memref_slice %arg23[%dma_start3A_496, %dma_start3A_497] : memref<80x128xf32, #tpu.memory_space<vmem_shared>> -> memref<80x128xf32, #tpu.memory_space<vmem_shared>>
        tpu.enqueue_indirect_dma source(%arg24 : memref<64x128xf32, #tpu.memory_space<vmem>>) target(%dma_start3A_498 : memref<80x128xf32, #tpu.memory_space<vmem_shared>>) offsets(%arg25 : memref<64xi32, #tpu.memory_space<vmem>>) semaphore(%run_scoped3A : memref<!tpu.dma_semaphore, #tpu.memory_space<semaphore_mem>>) {add = true}
        %dma_wait3A_499 = arith.constant 0 : i32
        %dma_wait3A_500 = arith.constant 0 : i32
        %dma_wait3A_501 = tpu.memref_slice %arg23[%dma_wait3A_499, %dma_wait3A_500] : memref<80x128xf32, #tpu.memory_space<vmem_shared>> -> memref<80x128xf32, #tpu.memory_space<vmem_shared>>
        tpu.wait_indirect_dma semaphore(%run_scoped3A : memref<!tpu.dma_semaphore, #tpu.memory_space<semaphore_mem>>) src(%arg24 : memref<64x128xf32, #tpu.memory_space<vmem>>) dst(%dma_wait3A_501 : memref<80x128xf32, #tpu.memory_space<vmem_shared>>)
        tpu.yield
      }) : () -> ()
      %get3A_258 = arith.constant 1856 : index
      %get3A_259 = tpu.vector_load %arg11[%get3A_258] {strides = array<i32>} : memref<2048xi32, #tpu.memory_space<vmem>>, vector<16xi32>,
      %and3A_260 = arith.constant 127 : i32
      %and3A_261 = vector.broadcast %and3A_260 : i32 to vector<16xi32>
      %and3A_262 = arith.andi %get3A_259, %and3A_261 : vector<16xi32>
      %add3A_263 = arith.constant 0 : i32
      %add3A_264 = vector.broadcast %add3A_263 : i32 to vector<16xi32>
      %add3A_265 = arith.addi %iota3A, %add3A_264 : vector<16xi32>
      tpu.vector_store_idx %arg24[%add3A_265, %and3A_262], %broadcast_in_dim3A_3 : memref<64x128xf32, #tpu.memory_space<vmem>>[vector<16xi32>, vector<16xi32>], vector<16xf32>,
      %get3A_266 = arith.constant 1872 : index
      %get3A_267 = tpu.vector_load %arg11[%get3A_266] {strides = array<i32>} : memref<2048xi32, #tpu.memory_space<vmem>>, vector<16xi32>,
      %and3A_268 = arith.constant 127 : i32
      %and3A_269 = vector.broadcast %and3A_268 : i32 to vector<16xi32>
      %and3A_270 = arith.andi %get3A_267, %and3A_269 : vector<16xi32>
      %add3A_271 = arith.constant 16 : i32
      %add3A_272 = vector.broadcast %add3A_271 : i32 to vector<16xi32>
      %add3A_273 = arith.addi %iota3A, %add3A_272 : vector<16xi32>
      tpu.vector_store_idx %arg24[%add3A_273, %and3A_270], %broadcast_in_dim3A_3 : memref<64x128xf32, #tpu.memory_space<vmem>>[vector<16xi32>, vector<16xi32>], vector<16xf32>,
      %get3A_274 = arith.constant 1888 : index
      %get3A_275 = tpu.vector_load %arg11[%get3A_274] {strides = array<i32>} : memref<2048xi32, #tpu.memory_space<vmem>>, vector<16xi32>,
      %and3A_276 = arith.constant 127 : i32
      %and3A_277 = vector.broadcast %and3A_276 : i32 to vector<16xi32>
      %and3A_278 = arith.andi %get3A_275, %and3A_277 : vector<16xi32>
      %add3A_279 = arith.constant 32 : i32
      %add3A_280 = vector.broadcast %add3A_279 : i32 to vector<16xi32>
      %add3A_281 = arith.addi %iota3A, %add3A_280 : vector<16xi32>
      tpu.vector_store_idx %arg24[%add3A_281, %and3A_278], %broadcast_in_dim3A_3 : memref<64x128xf32, #tpu.memory_space<vmem>>[vector<16xi32>, vector<16xi32>], vector<16xf32>,
      %get3A_282 = arith.constant 1904 : index
      %get3A_283 = tpu.vector_load %arg11[%get3A_282] {strides = array<i32>} : memref<2048xi32, #tpu.memory_space<vmem>>, vector<16xi32>,
      %and3A_284 = arith.constant 127 : i32
      %and3A_285 = vector.broadcast %and3A_284 : i32 to vector<16xi32>
      %and3A_286 = arith.andi %get3A_283, %and3A_285 : vector<16xi32>
      %add3A_287 = arith.constant 48 : i32
      %add3A_288 = vector.broadcast %add3A_287 : i32 to vector<16xi32>
      %add3A_289 = arith.addi %iota3A, %add3A_288 : vector<16xi32>
      tpu.vector_store_idx %arg24[%add3A_289, %and3A_286], %broadcast_in_dim3A_3 : memref<64x128xf32, #tpu.memory_space<vmem>>[vector<16xi32>, vector<16xi32>], vector<16xf32>,
      %dma_wait3A_290 = arith.constant 0 : i32
      %dma_wait3A_291 = tpu.memref_slice %arg10[%dma_wait3A_290] : memref<2048xi32, #tpu.memory_space<vmem>> -> memref<64xi32, #tpu.memory_space<vmem>>
      %dma_wait3A_292 = arith.constant 0 : i32
      %dma_wait3A_293 = arith.constant 0 : i32
      %dma_wait3A_294 = tpu.memref_slice %arg2[%dma_wait3A_292, %dma_wait3A_293] : memref<10240x128xf32, #tpu.memory_space<hbm>> -> memref<10240x128xf32, #tpu.memory_space<hbm>>
      tpu.wait_indirect_dma semaphore(%arg20 : memref<!tpu.dma_semaphore, #tpu.memory_space<semaphore_mem>>) src(%dma_wait3A_294 : memref<10240x128xf32, #tpu.memory_space<hbm>>) dst(%arg14 : memref<64x128xf32, #tpu.memory_space<vmem>>)
      %get3A_295 = arith.constant 1920 : index
      %get3A_296 = tpu.vector_load %arg11[%get3A_295] {strides = array<i32>} : memref<2048xi32, #tpu.memory_space<vmem>>, vector<16xi32>,
      %swap3A_297 = arith.constant 0 : index
      %swap3A_298 = tpu.vector_load %arg16[%swap3A_297] {strides = array<i32>} : memref<64xi32, #tpu.memory_space<vmem>>, vector<16xi32>,
      tpu.vector_store %arg16[%swap3A_297], %get3A_296 {strides = array<i32>} : memref<64xi32, #tpu.memory_space<vmem>>, vector<16xi32>,
      %and3A_299 = arith.constant 127 : i32
      %and3A_300 = vector.broadcast %and3A_299 : i32 to vector<16xi32>
      %and3A_301 = arith.andi %get3A_296, %and3A_300 : vector<16xi32>
      %add3A_302 = arith.constant 0 : i32
      %add3A_303 = vector.broadcast %add3A_302 : i32 to vector<16xi32>
      %add3A_304 = arith.addi %iota3A, %add3A_303 : vector<16xi32>
      tpu.vector_store_idx %arg24[%add3A_304, %and3A_301], %broadcast_in_dim3A_1 : memref<64x128xf32, #tpu.memory_space<vmem>>[vector<16xi32>, vector<16xi32>], vector<16xf32>,
      %shift_right_logical3A_305 = arith.constant 7 : i32
      %shift_right_logical3A_306 = vector.broadcast %shift_right_logical3A_305 : i32 to vector<16xi32>
      %shift_right_logical3A_307 = arith.shrui %get3A_296, %shift_right_logical3A_306 : vector<16xi32>
      %swap3A_308 = arith.constant 0 : index
      %swap3A_309 = tpu.vector_load %arg25[%swap3A_308] {strides = array<i32>} : memref<64xi32, #tpu.memory_space<vmem>>, vector<16xi32>,
      tpu.vector_store %arg25[%swap3A_308], %shift_right_logical3A_307 {strides = array<i32>} : memref<64xi32, #tpu.memory_space<vmem>>, vector<16xi32>,
      %get3A_310 = arith.constant 1936 : index
      %get3A_311 = tpu.vector_load %arg11[%get3A_310] {strides = array<i32>} : memref<2048xi32, #tpu.memory_space<vmem>>, vector<16xi32>,
      %swap3A_312 = arith.constant 16 : index
      %swap3A_313 = tpu.vector_load %arg16[%swap3A_312] {strides = array<i32>} : memref<64xi32, #tpu.memory_space<vmem>>, vector<16xi32>,
      tpu.vector_store %arg16[%swap3A_312], %get3A_311 {strides = array<i32>} : memref<64xi32, #tpu.memory_space<vmem>>, vector<16xi32>,
      %and3A_314 = arith.constant 127 : i32
      %and3A_315 = vector.broadcast %and3A_314 : i32 to vector<16xi32>
      %and3A_316 = arith.andi %get3A_311, %and3A_315 : vector<16xi32>
      %add3A_317 = arith.constant 16 : i32
      %add3A_318 = vector.broadcast %add3A_317 : i32 to vector<16xi32>
      %add3A_319 = arith.addi %iota3A, %add3A_318 : vector<16xi32>
      tpu.vector_store_idx %arg24[%add3A_319, %and3A_316], %broadcast_in_dim3A_1 : memref<64x128xf32, #tpu.memory_space<vmem>>[vector<16xi32>, vector<16xi32>], vector<16xf32>,
      %shift_right_logical3A_320 = arith.constant 7 : i32
      %shift_right_logical3A_321 = vector.broadcast %shift_right_logical3A_320 : i32 to vector<16xi32>
      %shift_right_logical3A_322 = arith.shrui %get3A_311, %shift_right_logical3A_321 : vector<16xi32>
      %swap3A_323 = arith.constant 16 : index
      %swap3A_324 = tpu.vector_load %arg25[%swap3A_323] {strides = array<i32>} : memref<64xi32, #tpu.memory_space<vmem>>, vector<16xi32>,
      tpu.vector_store %arg25[%swap3A_323], %shift_right_logical3A_322 {strides = array<i32>} : memref<64xi32, #tpu.memory_space<vmem>>, vector<16xi32>,
      %get3A_325 = arith.constant 1952 : index
      %get3A_326 = tpu.vector_load %arg11[%get3A_325] {strides = array<i32>} : memref<2048xi32, #tpu.memory_space<vmem>>, vector<16xi32>,
      %swap3A_327 = arith.constant 32 : index
      %swap3A_328 = tpu.vector_load %arg16[%swap3A_327] {strides = array<i32>} : memref<64xi32, #tpu.memory_space<vmem>>, vector<16xi32>,
      tpu.vector_store %arg16[%swap3A_327], %get3A_326 {strides = array<i32>} : memref<64xi32, #tpu.memory_space<vmem>>, vector<16xi32>,
      %and3A_329 = arith.constant 127 : i32
      %and3A_330 = vector.broadcast %and3A_329 : i32 to vector<16xi32>
      %and3A_331 = arith.andi %get3A_326, %and3A_330 : vector<16xi32>
      %add3A_332 = arith.constant 32 : i32
      %add3A_333 = vector.broadcast %add3A_332 : i32 to vector<16xi32>
      %add3A_334 = arith.addi %iota3A, %add3A_333 : vector<16xi32>
      tpu.vector_store_idx %arg24[%add3A_334, %and3A_331], %broadcast_in_dim3A_1 : memref<64x128xf32, #tpu.memory_space<vmem>>[vector<16xi32>, vector<16xi32>], vector<16xf32>,
      %shift_right_logical3A_335 = arith.constant 7 : i32
      %shift_right_logical3A_336 = vector.broadcast %shift_right_logical3A_335 : i32 to vector<16xi32>
      %shift_right_logical3A_337 = arith.shrui %get3A_326, %shift_right_logical3A_336 : vector<16xi32>
      %swap3A_338 = arith.constant 32 : index
      %swap3A_339 = tpu.vector_load %arg25[%swap3A_338] {strides = array<i32>} : memref<64xi32, #tpu.memory_space<vmem>>, vector<16xi32>,
      tpu.vector_store %arg25[%swap3A_338], %shift_right_logical3A_337 {strides = array<i32>} : memref<64xi32, #tpu.memory_space<vmem>>, vector<16xi32>,
      %get3A_340 = arith.constant 1968 : index
      %get3A_341 = tpu.vector_load %arg11[%get3A_340] {strides = array<i32>} : memref<2048xi32, #tpu.memory_space<vmem>>, vector<16xi32>,
      %swap3A_342 = arith.constant 48 : index
      %swap3A_343 = tpu.vector_load %arg16[%swap3A_342] {strides = array<i32>} : memref<64xi32, #tpu.memory_space<vmem>>, vector<16xi32>,
      tpu.vector_store %arg16[%swap3A_342], %get3A_341 {strides = array<i32>} : memref<64xi32, #tpu.memory_space<vmem>>, vector<16xi32>,
      %and3A_344 = arith.constant 127 : i32
      %and3A_345 = vector.broadcast %and3A_344 : i32 to vector<16xi32>
      %and3A_346 = arith.andi %get3A_341, %and3A_345 : vector<16xi32>
      %add3A_347 = arith.constant 48 : i32
      %add3A_348 = vector.broadcast %add3A_347 : i32 to vector<16xi32>
      %add3A_349 = arith.addi %iota3A, %add3A_348 : vector<16xi32>
      tpu.vector_store_idx %arg24[%add3A_349, %and3A_346], %broadcast_in_dim3A_1 : memref<64x128xf32, #tpu.memory_space<vmem>>[vector<16xi32>, vector<16xi32>], vector<16xf32>,
      %shift_right_logical3A_350 = arith.constant 7 : i32
      %shift_right_logical3A_351 = vector.broadcast %shift_right_logical3A_350 : i32 to vector<16xi32>
      %shift_right_logical3A_352 = arith.shrui %get3A_341, %shift_right_logical3A_351 : vector<16xi32>
      %swap3A_353 = arith.constant 48 : index
      %swap3A_354 = tpu.vector_load %arg25[%swap3A_353] {strides = array<i32>} : memref<64xi32, #tpu.memory_space<vmem>>, vector<16xi32>,
      tpu.vector_store %arg25[%swap3A_353], %shift_right_logical3A_352 {strides = array<i32>} : memref<64xi32, #tpu.memory_space<vmem>>, vector<16xi32>,
      %dma_wait3A_355 = arith.constant 0 : i32
      %dma_wait3A_356 = arith.constant 0 : i32
      %dma_wait3A_357 = tpu.memref_slice %arg9[%dma_wait3A_355, %dma_wait3A_356] : memref<10240x128xf32, #tpu.memory_space<vmem_shared>> -> memref<10240x128xf32, #tpu.memory_space<vmem_shared>>
      tpu.wait_indirect_dma semaphore(%arg22 : memref<!tpu.dma_semaphore, #tpu.memory_space<semaphore_mem>>) src(%arg12 : memref<64x128xf32, #tpu.memory_space<vmem>>) dst(%dma_wait3A_357 : memref<10240x128xf32, #tpu.memory_space<vmem_shared>>)
      %dma_start3A_358 = arith.constant 0 : i32
      %dma_start3A_359 = arith.constant 0 : i32
      %dma_start3A_360 = tpu.memref_slice %arg9[%dma_start3A_358, %dma_start3A_359] : memref<10240x128xf32, #tpu.memory_space<vmem_shared>> -> memref<10240x128xf32, #tpu.memory_space<vmem_shared>>
      tpu.enqueue_indirect_dma source(%arg14 : memref<64x128xf32, #tpu.memory_space<vmem>>) target(%dma_start3A_360 : memref<10240x128xf32, #tpu.memory_space<vmem_shared>>) offsets(%arg16 : memref<64xi32, #tpu.memory_space<vmem>>) semaphore(%arg22 : memref<!tpu.dma_semaphore, #tpu.memory_space<semaphore_mem>>) {add = true}
      "tpu.region"() ({
        %run_scoped3A = tpu.sem_alloc : memref<!tpu.dma_semaphore, #tpu.memory_space<semaphore_mem>>
        %dma_start3A_496 = arith.constant 0 : i32
        %dma_start3A_497 = arith.constant 0 : i32
        %dma_start3A_498 = tpu.memref_slice %arg23[%dma_start3A_496, %dma_start3A_497] : memref<80x128xf32, #tpu.memory_space<vmem_shared>> -> memref<80x128xf32, #tpu.memory_space<vmem_shared>>
        tpu.enqueue_indirect_dma source(%arg24 : memref<64x128xf32, #tpu.memory_space<vmem>>) target(%dma_start3A_498 : memref<80x128xf32, #tpu.memory_space<vmem_shared>>) offsets(%arg25 : memref<64xi32, #tpu.memory_space<vmem>>) semaphore(%run_scoped3A : memref<!tpu.dma_semaphore, #tpu.memory_space<semaphore_mem>>) {add = true}
        %dma_wait3A_499 = arith.constant 0 : i32
        %dma_wait3A_500 = arith.constant 0 : i32
        %dma_wait3A_501 = tpu.memref_slice %arg23[%dma_wait3A_499, %dma_wait3A_500] : memref<80x128xf32, #tpu.memory_space<vmem_shared>> -> memref<80x128xf32, #tpu.memory_space<vmem_shared>>
        tpu.wait_indirect_dma semaphore(%run_scoped3A : memref<!tpu.dma_semaphore, #tpu.memory_space<semaphore_mem>>) src(%arg24 : memref<64x128xf32, #tpu.memory_space<vmem>>) dst(%dma_wait3A_501 : memref<80x128xf32, #tpu.memory_space<vmem_shared>>)
        tpu.yield
      }) : () -> ()
      %get3A_361 = arith.constant 1920 : index
      %get3A_362 = tpu.vector_load %arg11[%get3A_361] {strides = array<i32>} : memref<2048xi32, #tpu.memory_space<vmem>>, vector<16xi32>,
      %and3A_363 = arith.constant 127 : i32
      %and3A_364 = vector.broadcast %and3A_363 : i32 to vector<16xi32>
      %and3A_365 = arith.andi %get3A_362, %and3A_364 : vector<16xi32>
      %add3A_366 = arith.constant 0 : i32
      %add3A_367 = vector.broadcast %add3A_366 : i32 to vector<16xi32>
      %add3A_368 = arith.addi %iota3A, %add3A_367 : vector<16xi32>
      tpu.vector_store_idx %arg24[%add3A_368, %and3A_365], %broadcast_in_dim3A_3 : memref<64x128xf32, #tpu.memory_space<vmem>>[vector<16xi32>, vector<16xi32>], vector<16xf32>,
      %get3A_369 = arith.constant 1936 : index
      %get3A_370 = tpu.vector_load %arg11[%get3A_369] {strides = array<i32>} : memref<2048xi32, #tpu.memory_space<vmem>>, vector<16xi32>,
      %and3A_371 = arith.constant 127 : i32
      %and3A_372 = vector.broadcast %and3A_371 : i32 to vector<16xi32>
      %and3A_373 = arith.andi %get3A_370, %and3A_372 : vector<16xi32>
      %add3A_374 = arith.constant 16 : i32
      %add3A_375 = vector.broadcast %add3A_374 : i32 to vector<16xi32>
      %add3A_376 = arith.addi %iota3A, %add3A_375 : vector<16xi32>
      tpu.vector_store_idx %arg24[%add3A_376, %and3A_373], %broadcast_in_dim3A_3 : memref<64x128xf32, #tpu.memory_space<vmem>>[vector<16xi32>, vector<16xi32>], vector<16xf32>,
      %get3A_377 = arith.constant 1952 : index
      %get3A_378 = tpu.vector_load %arg11[%get3A_377] {strides = array<i32>} : memref<2048xi32, #tpu.memory_space<vmem>>, vector<16xi32>,
      %and3A_379 = arith.constant 127 : i32
      %and3A_380 = vector.broadcast %and3A_379 : i32 to vector<16xi32>
      %and3A_381 = arith.andi %get3A_378, %and3A_380 : vector<16xi32>
      %add3A_382 = arith.constant 32 : i32
      %add3A_383 = vector.broadcast %add3A_382 : i32 to vector<16xi32>
      %add3A_384 = arith.addi %iota3A, %add3A_383 : vector<16xi32>
      tpu.vector_store_idx %arg24[%add3A_384, %and3A_381], %broadcast_in_dim3A_3 : memref<64x128xf32, #tpu.memory_space<vmem>>[vector<16xi32>, vector<16xi32>], vector<16xf32>,
      %get3A_385 = arith.constant 1968 : index
      %get3A_386 = tpu.vector_load %arg11[%get3A_385] {strides = array<i32>} : memref<2048xi32, #tpu.memory_space<vmem>>, vector<16xi32>,
      %and3A_387 = arith.constant 127 : i32
      %and3A_388 = vector.broadcast %and3A_387 : i32 to vector<16xi32>
      %and3A_389 = arith.andi %get3A_386, %and3A_388 : vector<16xi32>
      %add3A_390 = arith.constant 48 : i32
      %add3A_391 = vector.broadcast %add3A_390 : i32 to vector<16xi32>
      %add3A_392 = arith.addi %iota3A, %add3A_391 : vector<16xi32>
      tpu.vector_store_idx %arg24[%add3A_392, %and3A_389], %broadcast_in_dim3A_3 : memref<64x128xf32, #tpu.memory_space<vmem>>[vector<16xi32>, vector<16xi32>], vector<16xf32>,
      %dma_wait3A_393 = arith.constant 0 : i32
      %dma_wait3A_394 = tpu.memref_slice %arg10[%dma_wait3A_393] : memref<2048xi32, #tpu.memory_space<vmem>> -> memref<64xi32, #tpu.memory_space<vmem>>
      %dma_wait3A_395 = arith.constant 0 : i32
      %dma_wait3A_396 = arith.constant 0 : i32
      %dma_wait3A_397 = tpu.memref_slice %arg2[%dma_wait3A_395, %dma_wait3A_396] : memref<10240x128xf32, #tpu.memory_space<hbm>> -> memref<10240x128xf32, #tpu.memory_space<hbm>>
      tpu.wait_indirect_dma semaphore(%arg21 : memref<!tpu.dma_semaphore, #tpu.memory_space<semaphore_mem>>) src(%dma_wait3A_397 : memref<10240x128xf32, #tpu.memory_space<hbm>>) dst(%arg15 : memref<64x128xf32, #tpu.memory_space<vmem>>)
      %get3A_398 = arith.constant 1984 : index
      %get3A_399 = tpu.vector_load %arg11[%get3A_398] {strides = array<i32>} : memref<2048xi32, #tpu.memory_space<vmem>>, vector<16xi32>,
      %swap3A_400 = arith.constant 0 : index
      %swap3A_401 = tpu.vector_load %arg17[%swap3A_400] {strides = array<i32>} : memref<64xi32, #tpu.memory_space<vmem>>, vector<16xi32>,
      tpu.vector_store %arg17[%swap3A_400], %get3A_399 {strides = array<i32>} : memref<64xi32, #tpu.memory_space<vmem>>, vector<16xi32>,
      %and3A_402 = arith.constant 127 : i32
      %and3A_403 = vector.broadcast %and3A_402 : i32 to vector<16xi32>
      %and3A_404 = arith.andi %get3A_399, %and3A_403 : vector<16xi32>
      %add3A_405 = arith.constant 0 : i32
      %add3A_406 = vector.broadcast %add3A_405 : i32 to vector<16xi32>
      %add3A_407 = arith.addi %iota3A, %add3A_406 : vector<16xi32>
      tpu.vector_store_idx %arg24[%add3A_407, %and3A_404], %broadcast_in_dim3A_1 : memref<64x128xf32, #tpu.memory_space<vmem>>[vector<16xi32>, vector<16xi32>], vector<16xf32>,
      %shift_right_logical3A_408 = arith.constant 7 : i32
      %shift_right_logical3A_409 = vector.broadcast %shift_right_logical3A_408 : i32 to vector<16xi32>
      %shift_right_logical3A_410 = arith.shrui %get3A_399, %shift_right_logical3A_409 : vector<16xi32>
      %swap3A_411 = arith.constant 0 : index
      %swap3A_412 = tpu.vector_load %arg25[%swap3A_411] {strides = array<i32>} : memref<64xi32, #tpu.memory_space<vmem>>, vector<16xi32>,
      tpu.vector_store %arg25[%swap3A_411], %shift_right_logical3A_410 {strides = array<i32>} : memref<64xi32, #tpu.memory_space<vmem>>, vector<16xi32>,
      %get3A_413 = arith.constant 2000 : index
      %get3A_414 = tpu.vector_load %arg11[%get3A_413] {strides = array<i32>} : memref<2048xi32, #tpu.memory_space<vmem>>, vector<16xi32>,
      %swap3A_415 = arith.constant 16 : index
      %swap3A_416 = tpu.vector_load %arg17[%swap3A_415] {strides = array<i32>} : memref<64xi32, #tpu.memory_space<vmem>>, vector<16xi32>,
      tpu.vector_store %arg17[%swap3A_415], %get3A_414 {strides = array<i32>} : memref<64xi32, #tpu.memory_space<vmem>>, vector<16xi32>,
      %and3A_417 = arith.constant 127 : i32
      %and3A_418 = vector.broadcast %and3A_417 : i32 to vector<16xi32>
      %and3A_419 = arith.andi %get3A_414, %and3A_418 : vector<16xi32>
      %add3A_420 = arith.constant 16 : i32
      %add3A_421 = vector.broadcast %add3A_420 : i32 to vector<16xi32>
      %add3A_422 = arith.addi %iota3A, %add3A_421 : vector<16xi32>
      tpu.vector_store_idx %arg24[%add3A_422, %and3A_419], %broadcast_in_dim3A_1 : memref<64x128xf32, #tpu.memory_space<vmem>>[vector<16xi32>, vector<16xi32>], vector<16xf32>,
      %shift_right_logical3A_423 = arith.constant 7 : i32
      %shift_right_logical3A_424 = vector.broadcast %shift_right_logical3A_423 : i32 to vector<16xi32>
      %shift_right_logical3A_425 = arith.shrui %get3A_414, %shift_right_logical3A_424 : vector<16xi32>
      %swap3A_426 = arith.constant 16 : index
      %swap3A_427 = tpu.vector_load %arg25[%swap3A_426] {strides = array<i32>} : memref<64xi32, #tpu.memory_space<vmem>>, vector<16xi32>,
      tpu.vector_store %arg25[%swap3A_426], %shift_right_logical3A_425 {strides = array<i32>} : memref<64xi32, #tpu.memory_space<vmem>>, vector<16xi32>,
      %get3A_428 = arith.constant 2016 : index
      %get3A_429 = tpu.vector_load %arg11[%get3A_428] {strides = array<i32>} : memref<2048xi32, #tpu.memory_space<vmem>>, vector<16xi32>,
      %swap3A_430 = arith.constant 32 : index
      %swap3A_431 = tpu.vector_load %arg17[%swap3A_430] {strides = array<i32>} : memref<64xi32, #tpu.memory_space<vmem>>, vector<16xi32>,
      tpu.vector_store %arg17[%swap3A_430], %get3A_429 {strides = array<i32>} : memref<64xi32, #tpu.memory_space<vmem>>, vector<16xi32>,
      %and3A_432 = arith.constant 127 : i32
      %and3A_433 = vector.broadcast %and3A_432 : i32 to vector<16xi32>
      %and3A_434 = arith.andi %get3A_429, %and3A_433 : vector<16xi32>
      %add3A_435 = arith.constant 32 : i32
      %add3A_436 = vector.broadcast %add3A_435 : i32 to vector<16xi32>
      %add3A_437 = arith.addi %iota3A, %add3A_436 : vector<16xi32>
      tpu.vector_store_idx %arg24[%add3A_437, %and3A_434], %broadcast_in_dim3A_1 : memref<64x128xf32, #tpu.memory_space<vmem>>[vector<16xi32>, vector<16xi32>], vector<16xf32>,
      %shift_right_logical3A_438 = arith.constant 7 : i32
      %shift_right_logical3A_439 = vector.broadcast %shift_right_logical3A_438 : i32 to vector<16xi32>
      %shift_right_logical3A_440 = arith.shrui %get3A_429, %shift_right_logical3A_439 : vector<16xi32>
      %swap3A_441 = arith.constant 32 : index
      %swap3A_442 = tpu.vector_load %arg25[%swap3A_441] {strides = array<i32>} : memref<64xi32, #tpu.memory_space<vmem>>, vector<16xi32>,
      tpu.vector_store %arg25[%swap3A_441], %shift_right_logical3A_440 {strides = array<i32>} : memref<64xi32, #tpu.memory_space<vmem>>, vector<16xi32>,
      %get3A_443 = arith.constant 2032 : index
      %get3A_444 = tpu.vector_load %arg11[%get3A_443] {strides = array<i32>} : memref<2048xi32, #tpu.memory_space<vmem>>, vector<16xi32>,
      %swap3A_445 = arith.constant 48 : index
      %swap3A_446 = tpu.vector_load %arg17[%swap3A_445] {strides = array<i32>} : memref<64xi32, #tpu.memory_space<vmem>>, vector<16xi32>,
      tpu.vector_store %arg17[%swap3A_445], %get3A_444 {strides = array<i32>} : memref<64xi32, #tpu.memory_space<vmem>>, vector<16xi32>,
      %and3A_447 = arith.constant 127 : i32
      %and3A_448 = vector.broadcast %and3A_447 : i32 to vector<16xi32>
      %and3A_449 = arith.andi %get3A_444, %and3A_448 : vector<16xi32>
      %add3A_450 = arith.constant 48 : i32
      %add3A_451 = vector.broadcast %add3A_450 : i32 to vector<16xi32>
      %add3A_452 = arith.addi %iota3A, %add3A_451 : vector<16xi32>
      tpu.vector_store_idx %arg24[%add3A_452, %and3A_449], %broadcast_in_dim3A_1 : memref<64x128xf32, #tpu.memory_space<vmem>>[vector<16xi32>, vector<16xi32>], vector<16xf32>,
      %shift_right_logical3A_453 = arith.constant 7 : i32
      %shift_right_logical3A_454 = vector.broadcast %shift_right_logical3A_453 : i32 to vector<16xi32>
      %shift_right_logical3A_455 = arith.shrui %get3A_444, %shift_right_logical3A_454 : vector<16xi32>
      %swap3A_456 = arith.constant 48 : index
      %swap3A_457 = tpu.vector_load %arg25[%swap3A_456] {strides = array<i32>} : memref<64xi32, #tpu.memory_space<vmem>>, vector<16xi32>,
      tpu.vector_store %arg25[%swap3A_456], %shift_right_logical3A_455 {strides = array<i32>} : memref<64xi32, #tpu.memory_space<vmem>>, vector<16xi32>,
      %dma_wait3A_458 = arith.constant 0 : i32
      %dma_wait3A_459 = arith.constant 0 : i32
      %dma_wait3A_460 = tpu.memref_slice %arg9[%dma_wait3A_458, %dma_wait3A_459] : memref<10240x128xf32, #tpu.memory_space<vmem_shared>> -> memref<10240x128xf32, #tpu.memory_space<vmem_shared>>
      tpu.wait_indirect_dma semaphore(%arg22 : memref<!tpu.dma_semaphore, #tpu.memory_space<semaphore_mem>>) src(%arg12 : memref<64x128xf32, #tpu.memory_space<vmem>>) dst(%dma_wait3A_460 : memref<10240x128xf32, #tpu.memory_space<vmem_shared>>)
      %dma_start3A_461 = arith.constant 0 : i32
      %dma_start3A_462 = arith.constant 0 : i32
      %dma_start3A_463 = tpu.memref_slice %arg9[%dma_start3A_461, %dma_start3A_462] : memref<10240x128xf32, #tpu.memory_space<vmem_shared>> -> memref<10240x128xf32, #tpu.memory_space<vmem_shared>>
      tpu.enqueue_indirect_dma source(%arg15 : memref<64x128xf32, #tpu.memory_space<vmem>>) target(%dma_start3A_463 : memref<10240x128xf32, #tpu.memory_space<vmem_shared>>) offsets(%arg17 : memref<64xi32, #tpu.memory_space<vmem>>) semaphore(%arg22 : memref<!tpu.dma_semaphore, #tpu.memory_space<semaphore_mem>>) {add = true}
      "tpu.region"() ({
        %run_scoped3A = tpu.sem_alloc : memref<!tpu.dma_semaphore, #tpu.memory_space<semaphore_mem>>
        %dma_start3A_496 = arith.constant 0 : i32
        %dma_start3A_497 = arith.constant 0 : i32
        %dma_start3A_498 = tpu.memref_slice %arg23[%dma_start3A_496, %dma_start3A_497] : memref<80x128xf32, #tpu.memory_space<vmem_shared>> -> memref<80x128xf32, #tpu.memory_space<vmem_shared>>
        tpu.enqueue_indirect_dma source(%arg24 : memref<64x128xf32, #tpu.memory_space<vmem>>) target(%dma_start3A_498 : memref<80x128xf32, #tpu.memory_space<vmem_shared>>) offsets(%arg25 : memref<64xi32, #tpu.memory_space<vmem>>) semaphore(%run_scoped3A : memref<!tpu.dma_semaphore, #tpu.memory_space<semaphore_mem>>) {add = true}
        %dma_wait3A_499 = arith.constant 0 : i32
        %dma_wait3A_500 = arith.constant 0 : i32
        %dma_wait3A_501 = tpu.memref_slice %arg23[%dma_wait3A_499, %dma_wait3A_500] : memref<80x128xf32, #tpu.memory_space<vmem_shared>> -> memref<80x128xf32, #tpu.memory_space<vmem_shared>>
        tpu.wait_indirect_dma semaphore(%run_scoped3A : memref<!tpu.dma_semaphore, #tpu.memory_space<semaphore_mem>>) src(%arg24 : memref<64x128xf32, #tpu.memory_space<vmem>>) dst(%dma_wait3A_501 : memref<80x128xf32, #tpu.memory_space<vmem_shared>>)
        tpu.yield
      }) : () -> ()
      %get3A_464 = arith.constant 1984 : index
      %get3A_465 = tpu.vector_load %arg11[%get3A_464] {strides = array<i32>} : memref<2048xi32, #tpu.memory_space<vmem>>, vector<16xi32>,
      %and3A_466 = arith.constant 127 : i32
      %and3A_467 = vector.broadcast %and3A_466 : i32 to vector<16xi32>
      %and3A_468 = arith.andi %get3A_465, %and3A_467 : vector<16xi32>
      %add3A_469 = arith.constant 0 : i32
      %add3A_470 = vector.broadcast %add3A_469 : i32 to vector<16xi32>
      %add3A_471 = arith.addi %iota3A, %add3A_470 : vector<16xi32>
      tpu.vector_store_idx %arg24[%add3A_471, %and3A_468], %broadcast_in_dim3A_3 : memref<64x128xf32, #tpu.memory_space<vmem>>[vector<16xi32>, vector<16xi32>], vector<16xf32>,
      %get3A_472 = arith.constant 2000 : index
      %get3A_473 = tpu.vector_load %arg11[%get3A_472] {strides = array<i32>} : memref<2048xi32, #tpu.memory_space<vmem>>, vector<16xi32>,
      %and3A_474 = arith.constant 127 : i32
      %and3A_475 = vector.broadcast %and3A_474 : i32 to vector<16xi32>
      %and3A_476 = arith.andi %get3A_473, %and3A_475 : vector<16xi32>
      %add3A_477 = arith.constant 16 : i32
      %add3A_478 = vector.broadcast %add3A_477 : i32 to vector<16xi32>
      %add3A_479 = arith.addi %iota3A, %add3A_478 : vector<16xi32>
      tpu.vector_store_idx %arg24[%add3A_479, %and3A_476], %broadcast_in_dim3A_3 : memref<64x128xf32, #tpu.memory_space<vmem>>[vector<16xi32>, vector<16xi32>], vector<16xf32>,
      %get3A_480 = arith.constant 2016 : index
      %get3A_481 = tpu.vector_load %arg11[%get3A_480] {strides = array<i32>} : memref<2048xi32, #tpu.memory_space<vmem>>, vector<16xi32>,
      %and3A_482 = arith.constant 127 : i32
      %and3A_483 = vector.broadcast %and3A_482 : i32 to vector<16xi32>
      %and3A_484 = arith.andi %get3A_481, %and3A_483 : vector<16xi32>
      %add3A_485 = arith.constant 32 : i32
      %add3A_486 = vector.broadcast %add3A_485 : i32 to vector<16xi32>
      %add3A_487 = arith.addi %iota3A, %add3A_486 : vector<16xi32>
      tpu.vector_store_idx %arg24[%add3A_487, %and3A_484], %broadcast_in_dim3A_3 : memref<64x128xf32, #tpu.memory_space<vmem>>[vector<16xi32>, vector<16xi32>], vector<16xf32>,
      %get3A_488 = arith.constant 2032 : index
      %get3A_489 = tpu.vector_load %arg11[%get3A_488] {strides = array<i32>} : memref<2048xi32, #tpu.memory_space<vmem>>, vector<16xi32>,
      %and3A_490 = arith.constant 127 : i32
      %and3A_491 = vector.broadcast %and3A_490 : i32 to vector<16xi32>
      %and3A_492 = arith.andi %get3A_489, %and3A_491 : vector<16xi32>
      %add3A_493 = arith.constant 48 : i32
      %add3A_494 = vector.broadcast %add3A_493 : i32 to vector<16xi32>
      %add3A_495 = arith.addi %iota3A, %add3A_494 : vector<16xi32>
      tpu.vector_store_idx %arg24[%add3A_495, %and3A_492], %broadcast_in_dim3A_3 : memref<64x128xf32, #tpu.memory_space<vmem>>[vector<16xi32>, vector<16xi32>], vector<16xf32>,
    }
    %while3A_40 = arith.constant 1 : i32
    scf.for %while3A_57 = %while3A_38 to %while3A_34 step %while3A_40  : i32 {
      %mul3A_58 = arith.muli %while3A_57, %while3A : i32
      %add3A_59 = arith.addi %while3A_31, %mul3A_58 : i32
      %mul3A_60 = arith.constant 2048 : i32
      %mul3A_61 = arith.muli %add3A_59, %mul3A_60 : i32
      %add3A_62 = arith.addi %select_n3A_22, %mul3A_61 : i32
      "tpu.region"() ({
        %run_scoped3A = tpu.sem_alloc : memref<!tpu.dma_semaphore, #tpu.memory_space<semaphore_mem>>
        %dma_start3A_496 = tpu.memref_slice %arg3[%add3A_62] : memref<327680xi32, #tpu.memory_space<hbm>> -> memref<2048xi32, #tpu.memory_space<hbm>>
        %dma_start3A_497 = tpu.memref_slice %arg3[%add3A_62] : memref<327680xi32, #tpu.memory_space<hbm>> -> memref<2048xi32, #tpu.memory_space<hbm>>
        tpu.enqueue_dma source(%dma_start3A_497 : memref<2048xi32, #tpu.memory_space<hbm>>) target(%arg10 : memref<2048xi32, #tpu.memory_space<vmem>>) target_semaphore(%run_scoped3A : memref<!tpu.dma_semaphore, #tpu.memory_space<semaphore_mem>>)
        %dma_wait3A_498 = tpu.memref_slice %arg3[%add3A_62] : memref<327680xi32, #tpu.memory_space<hbm>> -> memref<2048xi32, #tpu.memory_space<hbm>>
        %dma_wait3A_499 = tpu.memref_slice %arg3[%add3A_62] : memref<327680xi32, #tpu.memory_space<hbm>> -> memref<2048xi32, #tpu.memory_space<hbm>>
        tpu.wait_dma2 semaphore(%run_scoped3A : memref<!tpu.dma_semaphore, #tpu.memory_space<semaphore_mem>>) src(%dma_wait3A_499 : memref<2048xi32, #tpu.memory_space<hbm>>) dst(%arg10 : memref<2048xi32, #tpu.memory_space<vmem>>)
        tpu.yield
      }) : () -> ()
      "tpu.region"() ({
        %run_scoped3A = tpu.sem_alloc : memref<!tpu.dma_semaphore, #tpu.memory_space<semaphore_mem>>
        %dma_start3A_496 = tpu.memref_slice %arg4[%add3A_62] : memref<327680xi32, #tpu.memory_space<hbm>> -> memref<2048xi32, #tpu.memory_space<hbm>>
        %dma_start3A_497 = tpu.memref_slice %arg4[%add3A_62] : memref<327680xi32, #tpu.memory_space<hbm>> -> memref<2048xi32, #tpu.memory_space<hbm>>
        tpu.enqueue_dma source(%dma_start3A_497 : memref<2048xi32, #tpu.memory_space<hbm>>) target(%arg11 : memref<2048xi32, #tpu.memory_space<vmem>>) target_semaphore(%run_scoped3A : memref<!tpu.dma_semaphore, #tpu.memory_space<semaphore_mem>>)
        %dma_wait3A_498 = tpu.memref_slice %arg4[%add3A_62] : memref<327680xi32, #tpu.memory_space<hbm>> -> memref<2048xi32, #tpu.memory_space<hbm>>
        %dma_wait3A_499 = tpu.memref_slice %arg4[%add3A_62] : memref<327680xi32, #tpu.memory_space<hbm>> -> memref<2048xi32, #tpu.memory_space<hbm>>
        tpu.wait_dma2 semaphore(%run_scoped3A : memref<!tpu.dma_semaphore, #tpu.memory_space<semaphore_mem>>) src(%dma_wait3A_499 : memref<2048xi32, #tpu.memory_space<hbm>>) dst(%arg11 : memref<2048xi32, #tpu.memory_space<vmem>>)
        tpu.yield
      }) : () -> ()
      %dma_start3A_63 = arith.constant 0 : i32
      %dma_start3A_64 = tpu.memref_slice %arg10[%dma_start3A_63] : memref<2048xi32, #tpu.memory_space<vmem>> -> memref<64xi32, #tpu.memory_space<vmem>>
      %dma_start3A_65 = arith.constant 0 : i32
      %dma_start3A_66 = arith.constant 0 : i32
      %dma_start3A_67 = tpu.memref_slice %arg2[%dma_start3A_65, %dma_start3A_66] : memref<10240x128xf32, #tpu.memory_space<hbm>> -> memref<10240x128xf32, #tpu.memory_space<hbm>>
      tpu.enqueue_indirect_dma source(%dma_start3A_67 : memref<10240x128xf32, #tpu.memory_space<hbm>>) target(%arg12 : memref<64x128xf32, #tpu.memory_space<vmem>>) offsets(%dma_start3A_64 : memref<64xi32, #tpu.memory_space<vmem>>) semaphore(%arg18 : memref<!tpu.dma_semaphore, #tpu.memory_space<semaphore_mem>>)
      %dma_start3A_68 = arith.constant 64 : i32
      %dma_start3A_69 = tpu.memref_slice %arg10[%dma_start3A_68] : memref<2048xi32, #tpu.memory_space<vmem>> -> memref<64xi32, #tpu.memory_space<vmem>>
      %dma_start3A_70 = arith.constant 0 : i32
      %dma_start3A_71 = arith.constant 0 : i32
      %dma_start3A_72 = tpu.memref_slice %arg2[%dma_start3A_70, %dma_start3A_71] : memref<10240x128xf32, #tpu.memory_space<hbm>> -> memref<10240x128xf32, #tpu.memory_space<hbm>>
      tpu.enqueue_indirect_dma source(%dma_start3A_72 : memref<10240x128xf32, #tpu.memory_space<hbm>>) target(%arg13 : memref<64x128xf32, #tpu.memory_space<vmem>>) offsets(%dma_start3A_69 : memref<64xi32, #tpu.memory_space<vmem>>) semaphore(%arg19 : memref<!tpu.dma_semaphore, #tpu.memory_space<semaphore_mem>>)
      %dma_start3A_73 = arith.constant 128 : i32
      %dma_start3A_74 = tpu.memref_slice %arg10[%dma_start3A_73] : memref<2048xi32, #tpu.memory_space<vmem>> -> memref<64xi32, #tpu.memory_space<vmem>>
      %dma_start3A_75 = arith.constant 0 : i32
      %dma_start3A_76 = arith.constant 0 : i32
      %dma_start3A_77 = tpu.memref_slice %arg2[%dma_start3A_75, %dma_start3A_76] : memref<10240x128xf32, #tpu.memory_space<hbm>> -> memref<10240x128xf32, #tpu.memory_space<hbm>>
      tpu.enqueue_indirect_dma source(%dma_start3A_77 : memref<10240x128xf32, #tpu.memory_space<hbm>>) target(%arg14 : memref<64x128xf32, #tpu.memory_space<vmem>>) offsets(%dma_start3A_74 : memref<64xi32, #tpu.memory_space<vmem>>) semaphore(%arg20 : memref<!tpu.dma_semaphore, #tpu.memory_space<semaphore_mem>>)
      %scan3A_78 = arith.constant 0 : i32
      %scan3A_79 = arith.constant 7 : i32
      %scan3A_80 = arith.addi %scan3A_78, %scan3A_79 : i32
      %scan3A_81 = arith.constant 1 : i32
      scf.for %scan3A_496 = %scan3A_78 to %scan3A_80 step %scan3A_81  : i32 {
        %mul3A_497 = arith.constant 4 : i32
        %mul3A_498 = arith.muli %scan3A_496, %mul3A_497 : i32
        %add3A_499 = arith.constant 0 : i32
        %add3A_500 = arith.addi %add3A_499, %mul3A_498 : i32
        %dma_wait3A_501 = arith.constant 0 : i32
        %dma_wait3A_502 = tpu.memref_slice %arg10[%dma_wait3A_501] : memref<2048xi32, #tpu.memory_space<vmem>> -> memref<64xi32, #tpu.memory_space<vmem>>
        %dma_wait3A_503 = arith.constant 0 : i32
        %dma_wait3A_504 = arith.constant 0 : i32
        %dma_wait3A_505 = tpu.memref_slice %arg2[%dma_wait3A_503, %dma_wait3A_504] : memref<10240x128xf32, #tpu.memory_space<hbm>> -> memref<10240x128xf32, #tpu.memory_space<hbm>>
        tpu.wait_indirect_dma semaphore(%arg18 : memref<!tpu.dma_semaphore, #tpu.memory_space<semaphore_mem>>) src(%dma_wait3A_505 : memref<10240x128xf32, #tpu.memory_space<hbm>>) dst(%arg12 : memref<64x128xf32, #tpu.memory_space<vmem>>)
        %add3A_506 = arith.constant 0 : i32
        %add3A_507 = arith.addi %add3A_500, %add3A_506 : i32
        %mul3A_508 = arith.constant 64 : i32
        %mul3A_509 = arith.muli %add3A_507, %mul3A_508 : i32
        %add3A_510 = arith.constant 0 : i32
        %add3A_511 = arith.addi %mul3A_509, %add3A_510 : i32
        %get3A_512 = arith.index_cast %add3A_511 : i32 to index
        %get3A_513 = tpu.vector_load %arg11[%get3A_512] {strides = array<i32>} : memref<2048xi32, #tpu.memory_space<vmem>>, vector<16xi32>,
        %swap3A_514 = arith.constant 0 : index
        %swap3A_515 = tpu.vector_load %arg16[%swap3A_514] {strides = array<i32>} : memref<64xi32, #tpu.memory_space<vmem>>, vector<16xi32>,
        tpu.vector_store %arg16[%swap3A_514], %get3A_513 {strides = array<i32>} : memref<64xi32, #tpu.memory_space<vmem>>, vector<16xi32>,
        %and3A_516 = arith.constant 127 : i32
        %and3A_517 = vector.broadcast %and3A_516 : i32 to vector<16xi32>
        %and3A_518 = arith.andi %get3A_513, %and3A_517 : vector<16xi32>
        %add3A_519 = arith.constant 0 : i32
        %add3A_520 = vector.broadcast %add3A_519 : i32 to vector<16xi32>
        %add3A_521 = arith.addi %iota3A, %add3A_520 : vector<16xi32>
        tpu.vector_store_idx %arg24[%add3A_521, %and3A_518], %broadcast_in_dim3A_1 : memref<64x128xf32, #tpu.memory_space<vmem>>[vector<16xi32>, vector<16xi32>], vector<16xf32>,
        %shift_right_logical3A_522 = arith.constant 7 : i32
        %shift_right_logical3A_523 = vector.broadcast %shift_right_logical3A_522 : i32 to vector<16xi32>
        %shift_right_logical3A_524 = arith.shrui %get3A_513, %shift_right_logical3A_523 : vector<16xi32>
        %swap3A_525 = arith.constant 0 : index
        %swap3A_526 = tpu.vector_load %arg25[%swap3A_525] {strides = array<i32>} : memref<64xi32, #tpu.memory_space<vmem>>, vector<16xi32>,
        tpu.vector_store %arg25[%swap3A_525], %shift_right_logical3A_524 {strides = array<i32>} : memref<64xi32, #tpu.memory_space<vmem>>, vector<16xi32>,
        %mul3A_527 = arith.constant 64 : i32
        %mul3A_528 = arith.muli %add3A_507, %mul3A_527 : i32
        %add3A_529 = arith.constant 16 : i32
        %add3A_530 = arith.addi %mul3A_528, %add3A_529 : i32
        %get3A_531 = arith.index_cast %add3A_530 : i32 to index
        %get3A_532 = tpu.vector_load %arg11[%get3A_531] {strides = array<i32>} : memref<2048xi32, #tpu.memory_space<vmem>>, vector<16xi32>,
        %swap3A_533 = arith.constant 16 : index
        %swap3A_534 = tpu.vector_load %arg16[%swap3A_533] {strides = array<i32>} : memref<64xi32, #tpu.memory_space<vmem>>, vector<16xi32>,
        tpu.vector_store %arg16[%swap3A_533], %get3A_532 {strides = array<i32>} : memref<64xi32, #tpu.memory_space<vmem>>, vector<16xi32>,
        %and3A_535 = arith.constant 127 : i32
        %and3A_536 = vector.broadcast %and3A_535 : i32 to vector<16xi32>
        %and3A_537 = arith.andi %get3A_532, %and3A_536 : vector<16xi32>
        %add3A_538 = arith.constant 16 : i32
        %add3A_539 = vector.broadcast %add3A_538 : i32 to vector<16xi32>
        %add3A_540 = arith.addi %iota3A, %add3A_539 : vector<16xi32>
        tpu.vector_store_idx %arg24[%add3A_540, %and3A_537], %broadcast_in_dim3A_1 : memref<64x128xf32, #tpu.memory_space<vmem>>[vector<16xi32>, vector<16xi32>], vector<16xf32>,
        %shift_right_logical3A_541 = arith.constant 7 : i32
        %shift_right_logical3A_542 = vector.broadcast %shift_right_logical3A_541 : i32 to vector<16xi32>
        %shift_right_logical3A_543 = arith.shrui %get3A_532, %shift_right_logical3A_542 : vector<16xi32>
        %swap3A_544 = arith.constant 16 : index
        %swap3A_545 = tpu.vector_load %arg25[%swap3A_544] {strides = array<i32>} : memref<64xi32, #tpu.memory_space<vmem>>, vector<16xi32>,
        tpu.vector_store %arg25[%swap3A_544], %shift_right_logical3A_543 {strides = array<i32>} : memref<64xi32, #tpu.memory_space<vmem>>, vector<16xi32>,
        %mul3A_546 = arith.constant 64 : i32
        %mul3A_547 = arith.muli %add3A_507, %mul3A_546 : i32
        %add3A_548 = arith.constant 32 : i32
        %add3A_549 = arith.addi %mul3A_547, %add3A_548 : i32
        %get3A_550 = arith.index_cast %add3A_549 : i32 to index
        %get3A_551 = tpu.vector_load %arg11[%get3A_550] {strides = array<i32>} : memref<2048xi32, #tpu.memory_space<vmem>>, vector<16xi32>,
        %swap3A_552 = arith.constant 32 : index
        %swap3A_553 = tpu.vector_load %arg16[%swap3A_552] {strides = array<i32>} : memref<64xi32, #tpu.memory_space<vmem>>, vector<16xi32>,
        tpu.vector_store %arg16[%swap3A_552], %get3A_551 {strides = array<i32>} : memref<64xi32, #tpu.memory_space<vmem>>, vector<16xi32>,
        %and3A_554 = arith.constant 127 : i32
        %and3A_555 = vector.broadcast %and3A_554 : i32 to vector<16xi32>
        %and3A_556 = arith.andi %get3A_551, %and3A_555 : vector<16xi32>
        %add3A_557 = arith.constant 32 : i32
        %add3A_558 = vector.broadcast %add3A_557 : i32 to vector<16xi32>
        %add3A_559 = arith.addi %iota3A, %add3A_558 : vector<16xi32>
        tpu.vector_store_idx %arg24[%add3A_559, %and3A_556], %broadcast_in_dim3A_1 : memref<64x128xf32, #tpu.memory_space<vmem>>[vector<16xi32>, vector<16xi32>], vector<16xf32>,
        %shift_right_logical3A_560 = arith.constant 7 : i32
        %shift_right_logical3A_561 = vector.broadcast %shift_right_logical3A_560 : i32 to vector<16xi32>
        %shift_right_logical3A_562 = arith.shrui %get3A_551, %shift_right_logical3A_561 : vector<16xi32>
        %swap3A_563 = arith.constant 32 : index
        %swap3A_564 = tpu.vector_load %arg25[%swap3A_563] {strides = array<i32>} : memref<64xi32, #tpu.memory_space<vmem>>, vector<16xi32>,
        tpu.vector_store %arg25[%swap3A_563], %shift_right_logical3A_562 {strides = array<i32>} : memref<64xi32, #tpu.memory_space<vmem>>, vector<16xi32>,
        %mul3A_565 = arith.constant 64 : i32
        %mul3A_566 = arith.muli %add3A_507, %mul3A_565 : i32
        %add3A_567 = arith.constant 48 : i32
        %add3A_568 = arith.addi %mul3A_566, %add3A_567 : i32
        %get3A_569 = arith.index_cast %add3A_568 : i32 to index
        %get3A_570 = tpu.vector_load %arg11[%get3A_569] {strides = array<i32>} : memref<2048xi32, #tpu.memory_space<vmem>>, vector<16xi32>,
        %swap3A_571 = arith.constant 48 : index
        %swap3A_572 = tpu.vector_load %arg16[%swap3A_571] {strides = array<i32>} : memref<64xi32, #tpu.memory_space<vmem>>, vector<16xi32>,
        tpu.vector_store %arg16[%swap3A_571], %get3A_570 {strides = array<i32>} : memref<64xi32, #tpu.memory_space<vmem>>, vector<16xi32>,
        %and3A_573 = arith.constant 127 : i32
        %and3A_574 = vector.broadcast %and3A_573 : i32 to vector<16xi32>
        %and3A_575 = arith.andi %get3A_570, %and3A_574 : vector<16xi32>
        %add3A_576 = arith.constant 48 : i32
        %add3A_577 = vector.broadcast %add3A_576 : i32 to vector<16xi32>
        %add3A_578 = arith.addi %iota3A, %add3A_577 : vector<16xi32>
        tpu.vector_store_idx %arg24[%add3A_578, %and3A_575], %broadcast_in_dim3A_1 : memref<64x128xf32, #tpu.memory_space<vmem>>[vector<16xi32>, vector<16xi32>], vector<16xf32>,
        %shift_right_logical3A_579 = arith.constant 7 : i32
        %shift_right_logical3A_580 = vector.broadcast %shift_right_logical3A_579 : i32 to vector<16xi32>
        %shift_right_logical3A_581 = arith.shrui %get3A_570, %shift_right_logical3A_580 : vector<16xi32>
        %swap3A_582 = arith.constant 48 : index
        %swap3A_583 = tpu.vector_load %arg25[%swap3A_582] {strides = array<i32>} : memref<64xi32, #tpu.memory_space<vmem>>, vector<16xi32>,
        tpu.vector_store %arg25[%swap3A_582], %shift_right_logical3A_581 {strides = array<i32>} : memref<64xi32, #tpu.memory_space<vmem>>, vector<16xi32>,
        %dma_wait3A_584 = arith.constant 0 : i32
        %dma_wait3A_585 = arith.constant 0 : i32
        %dma_wait3A_586 = tpu.memref_slice %arg9[%dma_wait3A_584, %dma_wait3A_585] : memref<10240x128xf32, #tpu.memory_space<vmem_shared>> -> memref<10240x128xf32, #tpu.memory_space<vmem_shared>>
        tpu.wait_indirect_dma semaphore(%arg22 : memref<!tpu.dma_semaphore, #tpu.memory_space<semaphore_mem>>) src(%arg12 : memref<64x128xf32, #tpu.memory_space<vmem>>) dst(%dma_wait3A_586 : memref<10240x128xf32, #tpu.memory_space<vmem_shared>>)
        %dma_start3A_587 = arith.constant 0 : i32
        %dma_start3A_588 = arith.constant 0 : i32
        %dma_start3A_589 = tpu.memref_slice %arg9[%dma_start3A_587, %dma_start3A_588] : memref<10240x128xf32, #tpu.memory_space<vmem_shared>> -> memref<10240x128xf32, #tpu.memory_space<vmem_shared>>
        tpu.enqueue_indirect_dma source(%arg12 : memref<64x128xf32, #tpu.memory_space<vmem>>) target(%dma_start3A_589 : memref<10240x128xf32, #tpu.memory_space<vmem_shared>>) offsets(%arg16 : memref<64xi32, #tpu.memory_space<vmem>>) semaphore(%arg22 : memref<!tpu.dma_semaphore, #tpu.memory_space<semaphore_mem>>) {add = true}
        "tpu.region"() ({
          %run_scoped3A = tpu.sem_alloc : memref<!tpu.dma_semaphore, #tpu.memory_space<semaphore_mem>>
          %dma_start3A_1097 = arith.constant 0 : i32
          %dma_start3A_1098 = arith.constant 0 : i32
          %dma_start3A_1099 = tpu.memref_slice %arg23[%dma_start3A_1097, %dma_start3A_1098] : memref<80x128xf32, #tpu.memory_space<vmem_shared>> -> memref<80x128xf32, #tpu.memory_space<vmem_shared>>
          tpu.enqueue_indirect_dma source(%arg24 : memref<64x128xf32, #tpu.memory_space<vmem>>) target(%dma_start3A_1099 : memref<80x128xf32, #tpu.memory_space<vmem_shared>>) offsets(%arg25 : memref<64xi32, #tpu.memory_space<vmem>>) semaphore(%run_scoped3A : memref<!tpu.dma_semaphore, #tpu.memory_space<semaphore_mem>>) {add = true}
          %dma_wait3A_1100 = arith.constant 0 : i32
          %dma_wait3A_1101 = arith.constant 0 : i32
          %dma_wait3A_1102 = tpu.memref_slice %arg23[%dma_wait3A_1100, %dma_wait3A_1101] : memref<80x128xf32, #tpu.memory_space<vmem_shared>> -> memref<80x128xf32, #tpu.memory_space<vmem_shared>>
          tpu.wait_indirect_dma semaphore(%run_scoped3A : memref<!tpu.dma_semaphore, #tpu.memory_space<semaphore_mem>>) src(%arg24 : memref<64x128xf32, #tpu.memory_space<vmem>>) dst(%dma_wait3A_1102 : memref<80x128xf32, #tpu.memory_space<vmem_shared>>)
          tpu.yield
        }) : () -> ()
        %mul3A_590 = arith.constant 64 : i32
        %mul3A_591 = arith.muli %add3A_507, %mul3A_590 : i32
        %add3A_592 = arith.constant 0 : i32
        %add3A_593 = arith.addi %mul3A_591, %add3A_592 : i32
        %get3A_594 = arith.index_cast %add3A_593 : i32 to index
        %get3A_595 = tpu.vector_load %arg11[%get3A_594] {strides = array<i32>} : memref<2048xi32, #tpu.memory_space<vmem>>, vector<16xi32>,
        %and3A_596 = arith.constant 127 : i32
        %and3A_597 = vector.broadcast %and3A_596 : i32 to vector<16xi32>
        %and3A_598 = arith.andi %get3A_595, %and3A_597 : vector<16xi32>
        %add3A_599 = arith.constant 0 : i32
        %add3A_600 = vector.broadcast %add3A_599 : i32 to vector<16xi32>
        %add3A_601 = arith.addi %iota3A, %add3A_600 : vector<16xi32>
        tpu.vector_store_idx %arg24[%add3A_601, %and3A_598], %broadcast_in_dim3A_3 : memref<64x128xf32, #tpu.memory_space<vmem>>[vector<16xi32>, vector<16xi32>], vector<16xf32>,
        %mul3A_602 = arith.constant 64 : i32
        %mul3A_603 = arith.muli %add3A_507, %mul3A_602 : i32
        %add3A_604 = arith.constant 16 : i32
        %add3A_605 = arith.addi %mul3A_603, %add3A_604 : i32
        %get3A_606 = arith.index_cast %add3A_605 : i32 to index
        %get3A_607 = tpu.vector_load %arg11[%get3A_606] {strides = array<i32>} : memref<2048xi32, #tpu.memory_space<vmem>>, vector<16xi32>,
        %and3A_608 = arith.constant 127 : i32
        %and3A_609 = vector.broadcast %and3A_608 : i32 to vector<16xi32>
        %and3A_610 = arith.andi %get3A_607, %and3A_609 : vector<16xi32>
        %add3A_611 = arith.constant 16 : i32
        %add3A_612 = vector.broadcast %add3A_611 : i32 to vector<16xi32>
        %add3A_613 = arith.addi %iota3A, %add3A_612 : vector<16xi32>
        tpu.vector_store_idx %arg24[%add3A_613, %and3A_610], %broadcast_in_dim3A_3 : memref<64x128xf32, #tpu.memory_space<vmem>>[vector<16xi32>, vector<16xi32>], vector<16xf32>,
        %mul3A_614 = arith.constant 64 : i32
        %mul3A_615 = arith.muli %add3A_507, %mul3A_614 : i32
        %add3A_616 = arith.constant 32 : i32
        %add3A_617 = arith.addi %mul3A_615, %add3A_616 : i32
        %get3A_618 = arith.index_cast %add3A_617 : i32 to index
        %get3A_619 = tpu.vector_load %arg11[%get3A_618] {strides = array<i32>} : memref<2048xi32, #tpu.memory_space<vmem>>, vector<16xi32>,
        %and3A_620 = arith.constant 127 : i32
        %and3A_621 = vector.broadcast %and3A_620 : i32 to vector<16xi32>
        %and3A_622 = arith.andi %get3A_619, %and3A_621 : vector<16xi32>
        %add3A_623 = arith.constant 32 : i32
        %add3A_624 = vector.broadcast %add3A_623 : i32 to vector<16xi32>
        %add3A_625 = arith.addi %iota3A, %add3A_624 : vector<16xi32>
        tpu.vector_store_idx %arg24[%add3A_625, %and3A_622], %broadcast_in_dim3A_3 : memref<64x128xf32, #tpu.memory_space<vmem>>[vector<16xi32>, vector<16xi32>], vector<16xf32>,
        %mul3A_626 = arith.constant 64 : i32
        %mul3A_627 = arith.muli %add3A_507, %mul3A_626 : i32
        %add3A_628 = arith.constant 48 : i32
        %add3A_629 = arith.addi %mul3A_627, %add3A_628 : i32
        %get3A_630 = arith.index_cast %add3A_629 : i32 to index
        %get3A_631 = tpu.vector_load %arg11[%get3A_630] {strides = array<i32>} : memref<2048xi32, #tpu.memory_space<vmem>>, vector<16xi32>,
        %and3A_632 = arith.constant 127 : i32
        %and3A_633 = vector.broadcast %and3A_632 : i32 to vector<16xi32>
        %and3A_634 = arith.andi %get3A_631, %and3A_633 : vector<16xi32>
        %add3A_635 = arith.constant 48 : i32
        %add3A_636 = vector.broadcast %add3A_635 : i32 to vector<16xi32>
        %add3A_637 = arith.addi %iota3A, %add3A_636 : vector<16xi32>
        tpu.vector_store_idx %arg24[%add3A_637, %and3A_634], %broadcast_in_dim3A_3 : memref<64x128xf32, #tpu.memory_space<vmem>>[vector<16xi32>, vector<16xi32>], vector<16xf32>,
        %add3A_638 = arith.constant 0 : i32
        %add3A_639 = arith.addi %add3A_500, %add3A_638 : i32
        %add3A_640 = arith.constant 4 : i32
        %add3A_641 = arith.addi %add3A_639, %add3A_640 : i32
        %sub3A_642 = arith.constant 1 : i32
        %sub3A_643 = arith.subi %add3A_641, %sub3A_642 : i32
        %mul3A_644 = arith.constant 64 : i32
        %mul3A_645 = arith.muli %sub3A_643, %mul3A_644 : i32
        %dma_start3A_646 = tpu.memref_slice %arg10[%mul3A_645] : memref<2048xi32, #tpu.memory_space<vmem>> -> memref<64xi32, #tpu.memory_space<vmem>>
        %dma_start3A_647 = arith.constant 0 : i32
        %dma_start3A_648 = arith.constant 0 : i32
        %dma_start3A_649 = tpu.memref_slice %arg2[%dma_start3A_647, %dma_start3A_648] : memref<10240x128xf32, #tpu.memory_space<hbm>> -> memref<10240x128xf32, #tpu.memory_space<hbm>>
        tpu.enqueue_indirect_dma source(%dma_start3A_649 : memref<10240x128xf32, #tpu.memory_space<hbm>>) target(%arg15 : memref<64x128xf32, #tpu.memory_space<vmem>>) offsets(%dma_start3A_646 : memref<64xi32, #tpu.memory_space<vmem>>) semaphore(%arg21 : memref<!tpu.dma_semaphore, #tpu.memory_space<semaphore_mem>>)
        %dma_wait3A_650 = arith.constant 0 : i32
        %dma_wait3A_651 = tpu.memref_slice %arg10[%dma_wait3A_650] : memref<2048xi32, #tpu.memory_space<vmem>> -> memref<64xi32, #tpu.memory_space<vmem>>
        %dma_wait3A_652 = arith.constant 0 : i32
        %dma_wait3A_653 = arith.constant 0 : i32
        %dma_wait3A_654 = tpu.memref_slice %arg2[%dma_wait3A_652, %dma_wait3A_653] : memref<10240x128xf32, #tpu.memory_space<hbm>> -> memref<10240x128xf32, #tpu.memory_space<hbm>>
        tpu.wait_indirect_dma semaphore(%arg19 : memref<!tpu.dma_semaphore, #tpu.memory_space<semaphore_mem>>) src(%dma_wait3A_654 : memref<10240x128xf32, #tpu.memory_space<hbm>>) dst(%arg13 : memref<64x128xf32, #tpu.memory_space<vmem>>)
        %add3A_655 = arith.constant 1 : i32
        %add3A_656 = arith.addi %add3A_500, %add3A_655 : i32
        %mul3A_657 = arith.constant 64 : i32
        %mul3A_658 = arith.muli %add3A_656, %mul3A_657 : i32
        %add3A_659 = arith.constant 0 : i32
        %add3A_660 = arith.addi %mul3A_658, %add3A_659 : i32
        %get3A_661 = arith.index_cast %add3A_660 : i32 to index
        %get3A_662 = tpu.vector_load %arg11[%get3A_661] {strides = array<i32>} : memref<2048xi32, #tpu.memory_space<vmem>>, vector<16xi32>,
        %swap3A_663 = arith.constant 0 : index
        %swap3A_664 = tpu.vector_load %arg17[%swap3A_663] {strides = array<i32>} : memref<64xi32, #tpu.memory_space<vmem>>, vector<16xi32>,
        tpu.vector_store %arg17[%swap3A_663], %get3A_662 {strides = array<i32>} : memref<64xi32, #tpu.memory_space<vmem>>, vector<16xi32>,
        %and3A_665 = arith.constant 127 : i32
        %and3A_666 = vector.broadcast %and3A_665 : i32 to vector<16xi32>
        %and3A_667 = arith.andi %get3A_662, %and3A_666 : vector<16xi32>
        %add3A_668 = arith.constant 0 : i32
        %add3A_669 = vector.broadcast %add3A_668 : i32 to vector<16xi32>
        %add3A_670 = arith.addi %iota3A, %add3A_669 : vector<16xi32>
        tpu.vector_store_idx %arg24[%add3A_670, %and3A_667], %broadcast_in_dim3A_1 : memref<64x128xf32, #tpu.memory_space<vmem>>[vector<16xi32>, vector<16xi32>], vector<16xf32>,
        %shift_right_logical3A_671 = arith.constant 7 : i32
        %shift_right_logical3A_672 = vector.broadcast %shift_right_logical3A_671 : i32 to vector<16xi32>
        %shift_right_logical3A_673 = arith.shrui %get3A_662, %shift_right_logical3A_672 : vector<16xi32>
        %swap3A_674 = arith.constant 0 : index
        %swap3A_675 = tpu.vector_load %arg25[%swap3A_674] {strides = array<i32>} : memref<64xi32, #tpu.memory_space<vmem>>, vector<16xi32>,
        tpu.vector_store %arg25[%swap3A_674], %shift_right_logical3A_673 {strides = array<i32>} : memref<64xi32, #tpu.memory_space<vmem>>, vector<16xi32>,
        %mul3A_676 = arith.constant 64 : i32
        %mul3A_677 = arith.muli %add3A_656, %mul3A_676 : i32
        %add3A_678 = arith.constant 16 : i32
        %add3A_679 = arith.addi %mul3A_677, %add3A_678 : i32
        %get3A_680 = arith.index_cast %add3A_679 : i32 to index
        %get3A_681 = tpu.vector_load %arg11[%get3A_680] {strides = array<i32>} : memref<2048xi32, #tpu.memory_space<vmem>>, vector<16xi32>,
        %swap3A_682 = arith.constant 16 : index
        %swap3A_683 = tpu.vector_load %arg17[%swap3A_682] {strides = array<i32>} : memref<64xi32, #tpu.memory_space<vmem>>, vector<16xi32>,
        tpu.vector_store %arg17[%swap3A_682], %get3A_681 {strides = array<i32>} : memref<64xi32, #tpu.memory_space<vmem>>, vector<16xi32>,
        %and3A_684 = arith.constant 127 : i32
        %and3A_685 = vector.broadcast %and3A_684 : i32 to vector<16xi32>
        %and3A_686 = arith.andi %get3A_681, %and3A_685 : vector<16xi32>
        %add3A_687 = arith.constant 16 : i32
        %add3A_688 = vector.broadcast %add3A_687 : i32 to vector<16xi32>
        %add3A_689 = arith.addi %iota3A, %add3A_688 : vector<16xi32>
        tpu.vector_store_idx %arg24[%add3A_689, %and3A_686], %broadcast_in_dim3A_1 : memref<64x128xf32, #tpu.memory_space<vmem>>[vector<16xi32>, vector<16xi32>], vector<16xf32>,
        %shift_right_logical3A_690 = arith.constant 7 : i32
        %shift_right_logical3A_691 = vector.broadcast %shift_right_logical3A_690 : i32 to vector<16xi32>
        %shift_right_logical3A_692 = arith.shrui %get3A_681, %shift_right_logical3A_691 : vector<16xi32>
        %swap3A_693 = arith.constant 16 : index
        %swap3A_694 = tpu.vector_load %arg25[%swap3A_693] {strides = array<i32>} : memref<64xi32, #tpu.memory_space<vmem>>, vector<16xi32>,
        tpu.vector_store %arg25[%swap3A_693], %shift_right_logical3A_692 {strides = array<i32>} : memref<64xi32, #tpu.memory_space<vmem>>, vector<16xi32>,
        %mul3A_695 = arith.constant 64 : i32
        %mul3A_696 = arith.muli %add3A_656, %mul3A_695 : i32
        %add3A_697 = arith.constant 32 : i32
        %add3A_698 = arith.addi %mul3A_696, %add3A_697 : i32
        %get3A_699 = arith.index_cast %add3A_698 : i32 to index
        %get3A_700 = tpu.vector_load %arg11[%get3A_699] {strides = array<i32>} : memref<2048xi32, #tpu.memory_space<vmem>>, vector<16xi32>,
        %swap3A_701 = arith.constant 32 : index
        %swap3A_702 = tpu.vector_load %arg17[%swap3A_701] {strides = array<i32>} : memref<64xi32, #tpu.memory_space<vmem>>, vector<16xi32>,
        tpu.vector_store %arg17[%swap3A_701], %get3A_700 {strides = array<i32>} : memref<64xi32, #tpu.memory_space<vmem>>, vector<16xi32>,
        %and3A_703 = arith.constant 127 : i32
        %and3A_704 = vector.broadcast %and3A_703 : i32 to vector<16xi32>
        %and3A_705 = arith.andi %get3A_700, %and3A_704 : vector<16xi32>
        %add3A_706 = arith.constant 32 : i32
        %add3A_707 = vector.broadcast %add3A_706 : i32 to vector<16xi32>
        %add3A_708 = arith.addi %iota3A, %add3A_707 : vector<16xi32>
        tpu.vector_store_idx %arg24[%add3A_708, %and3A_705], %broadcast_in_dim3A_1 : memref<64x128xf32, #tpu.memory_space<vmem>>[vector<16xi32>, vector<16xi32>], vector<16xf32>,
        %shift_right_logical3A_709 = arith.constant 7 : i32
        %shift_right_logical3A_710 = vector.broadcast %shift_right_logical3A_709 : i32 to vector<16xi32>
        %shift_right_logical3A_711 = arith.shrui %get3A_700, %shift_right_logical3A_710 : vector<16xi32>
        %swap3A_712 = arith.constant 32 : index
        %swap3A_713 = tpu.vector_load %arg25[%swap3A_712] {strides = array<i32>} : memref<64xi32, #tpu.memory_space<vmem>>, vector<16xi32>,
        tpu.vector_store %arg25[%swap3A_712], %shift_right_logical3A_711 {strides = array<i32>} : memref<64xi32, #tpu.memory_space<vmem>>, vector<16xi32>,
        %mul3A_714 = arith.constant 64 : i32
        %mul3A_715 = arith.muli %add3A_656, %mul3A_714 : i32
        %add3A_716 = arith.constant 48 : i32
        %add3A_717 = arith.addi %mul3A_715, %add3A_716 : i32
        %get3A_718 = arith.index_cast %add3A_717 : i32 to index
        %get3A_719 = tpu.vector_load %arg11[%get3A_718] {strides = array<i32>} : memref<2048xi32, #tpu.memory_space<vmem>>, vector<16xi32>,
        %swap3A_720 = arith.constant 48 : index
        %swap3A_721 = tpu.vector_load %arg17[%swap3A_720] {strides = array<i32>} : memref<64xi32, #tpu.memory_space<vmem>>, vector<16xi32>,
        tpu.vector_store %arg17[%swap3A_720], %get3A_719 {strides = array<i32>} : memref<64xi32, #tpu.memory_space<vmem>>, vector<16xi32>,
        %and3A_722 = arith.constant 127 : i32
        %and3A_723 = vector.broadcast %and3A_722 : i32 to vector<16xi32>
        %and3A_724 = arith.andi %get3A_719, %and3A_723 : vector<16xi32>
        %add3A_725 = arith.constant 48 : i32
        %add3A_726 = vector.broadcast %add3A_725 : i32 to vector<16xi32>
        %add3A_727 = arith.addi %iota3A, %add3A_726 : vector<16xi32>
        tpu.vector_store_idx %arg24[%add3A_727, %and3A_724], %broadcast_in_dim3A_1 : memref<64x128xf32, #tpu.memory_space<vmem>>[vector<16xi32>, vector<16xi32>], vector<16xf32>,
        %shift_right_logical3A_728 = arith.constant 7 : i32
        %shift_right_logical3A_729 = vector.broadcast %shift_right_logical3A_728 : i32 to vector<16xi32>
        %shift_right_logical3A_730 = arith.shrui %get3A_719, %shift_right_logical3A_729 : vector<16xi32>
        %swap3A_731 = arith.constant 48 : index
        %swap3A_732 = tpu.vector_load %arg25[%swap3A_731] {strides = array<i32>} : memref<64xi32, #tpu.memory_space<vmem>>, vector<16xi32>,
        tpu.vector_store %arg25[%swap3A_731], %shift_right_logical3A_730 {strides = array<i32>} : memref<64xi32, #tpu.memory_space<vmem>>, vector<16xi32>,
        %dma_wait3A_733 = arith.constant 0 : i32
        %dma_wait3A_734 = arith.constant 0 : i32
        %dma_wait3A_735 = tpu.memref_slice %arg9[%dma_wait3A_733, %dma_wait3A_734] : memref<10240x128xf32, #tpu.memory_space<vmem_shared>> -> memref<10240x128xf32, #tpu.memory_space<vmem_shared>>
        tpu.wait_indirect_dma semaphore(%arg22 : memref<!tpu.dma_semaphore, #tpu.memory_space<semaphore_mem>>) src(%arg12 : memref<64x128xf32, #tpu.memory_space<vmem>>) dst(%dma_wait3A_735 : memref<10240x128xf32, #tpu.memory_space<vmem_shared>>)
        %dma_start3A_736 = arith.constant 0 : i32
        %dma_start3A_737 = arith.constant 0 : i32
        %dma_start3A_738 = tpu.memref_slice %arg9[%dma_start3A_736, %dma_start3A_737] : memref<10240x128xf32, #tpu.memory_space<vmem_shared>> -> memref<10240x128xf32, #tpu.memory_space<vmem_shared>>
        tpu.enqueue_indirect_dma source(%arg13 : memref<64x128xf32, #tpu.memory_space<vmem>>) target(%dma_start3A_738 : memref<10240x128xf32, #tpu.memory_space<vmem_shared>>) offsets(%arg17 : memref<64xi32, #tpu.memory_space<vmem>>) semaphore(%arg22 : memref<!tpu.dma_semaphore, #tpu.memory_space<semaphore_mem>>) {add = true}
        "tpu.region"() ({
          %run_scoped3A = tpu.sem_alloc : memref<!tpu.dma_semaphore, #tpu.memory_space<semaphore_mem>>
          %dma_start3A_1097 = arith.constant 0 : i32
          %dma_start3A_1098 = arith.constant 0 : i32
          %dma_start3A_1099 = tpu.memref_slice %arg23[%dma_start3A_1097, %dma_start3A_1098] : memref<80x128xf32, #tpu.memory_space<vmem_shared>> -> memref<80x128xf32, #tpu.memory_space<vmem_shared>>
          tpu.enqueue_indirect_dma source(%arg24 : memref<64x128xf32, #tpu.memory_space<vmem>>) target(%dma_start3A_1099 : memref<80x128xf32, #tpu.memory_space<vmem_shared>>) offsets(%arg25 : memref<64xi32, #tpu.memory_space<vmem>>) semaphore(%run_scoped3A : memref<!tpu.dma_semaphore, #tpu.memory_space<semaphore_mem>>) {add = true}
          %dma_wait3A_1100 = arith.constant 0 : i32
          %dma_wait3A_1101 = arith.constant 0 : i32
          %dma_wait3A_1102 = tpu.memref_slice %arg23[%dma_wait3A_1100, %dma_wait3A_1101] : memref<80x128xf32, #tpu.memory_space<vmem_shared>> -> memref<80x128xf32, #tpu.memory_space<vmem_shared>>
          tpu.wait_indirect_dma semaphore(%run_scoped3A : memref<!tpu.dma_semaphore, #tpu.memory_space<semaphore_mem>>) src(%arg24 : memref<64x128xf32, #tpu.memory_space<vmem>>) dst(%dma_wait3A_1102 : memref<80x128xf32, #tpu.memory_space<vmem_shared>>)
          tpu.yield
        }) : () -> ()
        %mul3A_739 = arith.constant 64 : i32
        %mul3A_740 = arith.muli %add3A_656, %mul3A_739 : i32
        %add3A_741 = arith.constant 0 : i32
        %add3A_742 = arith.addi %mul3A_740, %add3A_741 : i32
        %get3A_743 = arith.index_cast %add3A_742 : i32 to index
        %get3A_744 = tpu.vector_load %arg11[%get3A_743] {strides = array<i32>} : memref<2048xi32, #tpu.memory_space<vmem>>, vector<16xi32>,
        %and3A_745 = arith.constant 127 : i32
        %and3A_746 = vector.broadcast %and3A_745 : i32 to vector<16xi32>
        %and3A_747 = arith.andi %get3A_744, %and3A_746 : vector<16xi32>
        %add3A_748 = arith.constant 0 : i32
        %add3A_749 = vector.broadcast %add3A_748 : i32 to vector<16xi32>
        %add3A_750 = arith.addi %iota3A, %add3A_749 : vector<16xi32>
        tpu.vector_store_idx %arg24[%add3A_750, %and3A_747], %broadcast_in_dim3A_3 : memref<64x128xf32, #tpu.memory_space<vmem>>[vector<16xi32>, vector<16xi32>], vector<16xf32>,
        %mul3A_751 = arith.constant 64 : i32
        %mul3A_752 = arith.muli %add3A_656, %mul3A_751 : i32
        %add3A_753 = arith.constant 16 : i32
        %add3A_754 = arith.addi %mul3A_752, %add3A_753 : i32
        %get3A_755 = arith.index_cast %add3A_754 : i32 to index
        %get3A_756 = tpu.vector_load %arg11[%get3A_755] {strides = array<i32>} : memref<2048xi32, #tpu.memory_space<vmem>>, vector<16xi32>,
        %and3A_757 = arith.constant 127 : i32
        %and3A_758 = vector.broadcast %and3A_757 : i32 to vector<16xi32>
        %and3A_759 = arith.andi %get3A_756, %and3A_758 : vector<16xi32>
        %add3A_760 = arith.constant 16 : i32
        %add3A_761 = vector.broadcast %add3A_760 : i32 to vector<16xi32>
        %add3A_762 = arith.addi %iota3A, %add3A_761 : vector<16xi32>
        tpu.vector_store_idx %arg24[%add3A_762, %and3A_759], %broadcast_in_dim3A_3 : memref<64x128xf32, #tpu.memory_space<vmem>>[vector<16xi32>, vector<16xi32>], vector<16xf32>,
        %mul3A_763 = arith.constant 64 : i32
        %mul3A_764 = arith.muli %add3A_656, %mul3A_763 : i32
        %add3A_765 = arith.constant 32 : i32
        %add3A_766 = arith.addi %mul3A_764, %add3A_765 : i32
        %get3A_767 = arith.index_cast %add3A_766 : i32 to index
        %get3A_768 = tpu.vector_load %arg11[%get3A_767] {strides = array<i32>} : memref<2048xi32, #tpu.memory_space<vmem>>, vector<16xi32>,
        %and3A_769 = arith.constant 127 : i32
        %and3A_770 = vector.broadcast %and3A_769 : i32 to vector<16xi32>
        %and3A_771 = arith.andi %get3A_768, %and3A_770 : vector<16xi32>
        %add3A_772 = arith.constant 32 : i32
        %add3A_773 = vector.broadcast %add3A_772 : i32 to vector<16xi32>
        %add3A_774 = arith.addi %iota3A, %add3A_773 : vector<16xi32>
        tpu.vector_store_idx %arg24[%add3A_774, %and3A_771], %broadcast_in_dim3A_3 : memref<64x128xf32, #tpu.memory_space<vmem>>[vector<16xi32>, vector<16xi32>], vector<16xf32>,
        %mul3A_775 = arith.constant 64 : i32
        %mul3A_776 = arith.muli %add3A_656, %mul3A_775 : i32
        %add3A_777 = arith.constant 48 : i32
        %add3A_778 = arith.addi %mul3A_776, %add3A_777 : i32
        %get3A_779 = arith.index_cast %add3A_778 : i32 to index
        %get3A_780 = tpu.vector_load %arg11[%get3A_779] {strides = array<i32>} : memref<2048xi32, #tpu.memory_space<vmem>>, vector<16xi32>,
        %and3A_781 = arith.constant 127 : i32
        %and3A_782 = vector.broadcast %and3A_781 : i32 to vector<16xi32>
        %and3A_783 = arith.andi %get3A_780, %and3A_782 : vector<16xi32>
        %add3A_784 = arith.constant 48 : i32
        %add3A_785 = vector.broadcast %add3A_784 : i32 to vector<16xi32>
        %add3A_786 = arith.addi %iota3A, %add3A_785 : vector<16xi32>
        tpu.vector_store_idx %arg24[%add3A_786, %and3A_783], %broadcast_in_dim3A_3 : memref<64x128xf32, #tpu.memory_space<vmem>>[vector<16xi32>, vector<16xi32>], vector<16xf32>,
        %add3A_787 = arith.constant 1 : i32
        %add3A_788 = arith.addi %add3A_500, %add3A_787 : i32
        %add3A_789 = arith.constant 4 : i32
        %add3A_790 = arith.addi %add3A_788, %add3A_789 : i32
        %sub3A_791 = arith.constant 1 : i32
        %sub3A_792 = arith.subi %add3A_790, %sub3A_791 : i32
        %mul3A_793 = arith.constant 64 : i32
        %mul3A_794 = arith.muli %sub3A_792, %mul3A_793 : i32
        %dma_start3A_795 = tpu.memref_slice %arg10[%mul3A_794] : memref<2048xi32, #tpu.memory_space<vmem>> -> memref<64xi32, #tpu.memory_space<vmem>>
        %dma_start3A_796 = arith.constant 0 : i32
        %dma_start3A_797 = arith.constant 0 : i32
        %dma_start3A_798 = tpu.memref_slice %arg2[%dma_start3A_796, %dma_start3A_797] : memref<10240x128xf32, #tpu.memory_space<hbm>> -> memref<10240x128xf32, #tpu.memory_space<hbm>>
        tpu.enqueue_indirect_dma source(%dma_start3A_798 : memref<10240x128xf32, #tpu.memory_space<hbm>>) target(%arg12 : memref<64x128xf32, #tpu.memory_space<vmem>>) offsets(%dma_start3A_795 : memref<64xi32, #tpu.memory_space<vmem>>) semaphore(%arg18 : memref<!tpu.dma_semaphore, #tpu.memory_space<semaphore_mem>>)
        %dma_wait3A_799 = arith.constant 0 : i32
        %dma_wait3A_800 = tpu.memref_slice %arg10[%dma_wait3A_799] : memref<2048xi32, #tpu.memory_space<vmem>> -> memref<64xi32, #tpu.memory_space<vmem>>
        %dma_wait3A_801 = arith.constant 0 : i32
        %dma_wait3A_802 = arith.constant 0 : i32
        %dma_wait3A_803 = tpu.memref_slice %arg2[%dma_wait3A_801, %dma_wait3A_802] : memref<10240x128xf32, #tpu.memory_space<hbm>> -> memref<10240x128xf32, #tpu.memory_space<hbm>>
        tpu.wait_indirect_dma semaphore(%arg20 : memref<!tpu.dma_semaphore, #tpu.memory_space<semaphore_mem>>) src(%dma_wait3A_803 : memref<10240x128xf32, #tpu.memory_space<hbm>>) dst(%arg14 : memref<64x128xf32, #tpu.memory_space<vmem>>)
        %add3A_804 = arith.constant 2 : i32
        %add3A_805 = arith.addi %add3A_500, %add3A_804 : i32
        %mul3A_806 = arith.constant 64 : i32
        %mul3A_807 = arith.muli %add3A_805, %mul3A_806 : i32
        %add3A_808 = arith.constant 0 : i32
        %add3A_809 = arith.addi %mul3A_807, %add3A_808 : i32
        %get3A_810 = arith.index_cast %add3A_809 : i32 to index
        %get3A_811 = tpu.vector_load %arg11[%get3A_810] {strides = array<i32>} : memref<2048xi32, #tpu.memory_space<vmem>>, vector<16xi32>,
        %swap3A_812 = arith.constant 0 : index
        %swap3A_813 = tpu.vector_load %arg16[%swap3A_812] {strides = array<i32>} : memref<64xi32, #tpu.memory_space<vmem>>, vector<16xi32>,
        tpu.vector_store %arg16[%swap3A_812], %get3A_811 {strides = array<i32>} : memref<64xi32, #tpu.memory_space<vmem>>, vector<16xi32>,
        %and3A_814 = arith.constant 127 : i32
        %and3A_815 = vector.broadcast %and3A_814 : i32 to vector<16xi32>
        %and3A_816 = arith.andi %get3A_811, %and3A_815 : vector<16xi32>
        %add3A_817 = arith.constant 0 : i32
        %add3A_818 = vector.broadcast %add3A_817 : i32 to vector<16xi32>
        %add3A_819 = arith.addi %iota3A, %add3A_818 : vector<16xi32>
        tpu.vector_store_idx %arg24[%add3A_819, %and3A_816], %broadcast_in_dim3A_1 : memref<64x128xf32, #tpu.memory_space<vmem>>[vector<16xi32>, vector<16xi32>], vector<16xf32>,
        %shift_right_logical3A_820 = arith.constant 7 : i32
        %shift_right_logical3A_821 = vector.broadcast %shift_right_logical3A_820 : i32 to vector<16xi32>
        %shift_right_logical3A_822 = arith.shrui %get3A_811, %shift_right_logical3A_821 : vector<16xi32>
        %swap3A_823 = arith.constant 0 : index
        %swap3A_824 = tpu.vector_load %arg25[%swap3A_823] {strides = array<i32>} : memref<64xi32, #tpu.memory_space<vmem>>, vector<16xi32>,
        tpu.vector_store %arg25[%swap3A_823], %shift_right_logical3A_822 {strides = array<i32>} : memref<64xi32, #tpu.memory_space<vmem>>, vector<16xi32>,
        %mul3A_825 = arith.constant 64 : i32
        %mul3A_826 = arith.muli %add3A_805, %mul3A_825 : i32
        %add3A_827 = arith.constant 16 : i32
        %add3A_828 = arith.addi %mul3A_826, %add3A_827 : i32
        %get3A_829 = arith.index_cast %add3A_828 : i32 to index
        %get3A_830 = tpu.vector_load %arg11[%get3A_829] {strides = array<i32>} : memref<2048xi32, #tpu.memory_space<vmem>>, vector<16xi32>,
        %swap3A_831 = arith.constant 16 : index
        %swap3A_832 = tpu.vector_load %arg16[%swap3A_831] {strides = array<i32>} : memref<64xi32, #tpu.memory_space<vmem>>, vector<16xi32>,
        tpu.vector_store %arg16[%swap3A_831], %get3A_830 {strides = array<i32>} : memref<64xi32, #tpu.memory_space<vmem>>, vector<16xi32>,
        %and3A_833 = arith.constant 127 : i32
        %and3A_834 = vector.broadcast %and3A_833 : i32 to vector<16xi32>
        %and3A_835 = arith.andi %get3A_830, %and3A_834 : vector<16xi32>
        %add3A_836 = arith.constant 16 : i32
        %add3A_837 = vector.broadcast %add3A_836 : i32 to vector<16xi32>
        %add3A_838 = arith.addi %iota3A, %add3A_837 : vector<16xi32>
        tpu.vector_store_idx %arg24[%add3A_838, %and3A_835], %broadcast_in_dim3A_1 : memref<64x128xf32, #tpu.memory_space<vmem>>[vector<16xi32>, vector<16xi32>], vector<16xf32>,
        %shift_right_logical3A_839 = arith.constant 7 : i32
        %shift_right_logical3A_840 = vector.broadcast %shift_right_logical3A_839 : i32 to vector<16xi32>
        %shift_right_logical3A_841 = arith.shrui %get3A_830, %shift_right_logical3A_840 : vector<16xi32>
        %swap3A_842 = arith.constant 16 : index
        %swap3A_843 = tpu.vector_load %arg25[%swap3A_842] {strides = array<i32>} : memref<64xi32, #tpu.memory_space<vmem>>, vector<16xi32>,
        tpu.vector_store %arg25[%swap3A_842], %shift_right_logical3A_841 {strides = array<i32>} : memref<64xi32, #tpu.memory_space<vmem>>, vector<16xi32>,
        %mul3A_844 = arith.constant 64 : i32
        %mul3A_845 = arith.muli %add3A_805, %mul3A_844 : i32
        %add3A_846 = arith.constant 32 : i32
        %add3A_847 = arith.addi %mul3A_845, %add3A_846 : i32
        %get3A_848 = arith.index_cast %add3A_847 : i32 to index
        %get3A_849 = tpu.vector_load %arg11[%get3A_848] {strides = array<i32>} : memref<2048xi32, #tpu.memory_space<vmem>>, vector<16xi32>,
        %swap3A_850 = arith.constant 32 : index
        %swap3A_851 = tpu.vector_load %arg16[%swap3A_850] {strides = array<i32>} : memref<64xi32, #tpu.memory_space<vmem>>, vector<16xi32>,
        tpu.vector_store %arg16[%swap3A_850], %get3A_849 {strides = array<i32>} : memref<64xi32, #tpu.memory_space<vmem>>, vector<16xi32>,
        %and3A_852 = arith.constant 127 : i32
        %and3A_853 = vector.broadcast %and3A_852 : i32 to vector<16xi32>
        %and3A_854 = arith.andi %get3A_849, %and3A_853 : vector<16xi32>
        %add3A_855 = arith.constant 32 : i32
        %add3A_856 = vector.broadcast %add3A_855 : i32 to vector<16xi32>
        %add3A_857 = arith.addi %iota3A, %add3A_856 : vector<16xi32>
        tpu.vector_store_idx %arg24[%add3A_857, %and3A_854], %broadcast_in_dim3A_1 : memref<64x128xf32, #tpu.memory_space<vmem>>[vector<16xi32>, vector<16xi32>], vector<16xf32>,
        %shift_right_logical3A_858 = arith.constant 7 : i32
        %shift_right_logical3A_859 = vector.broadcast %shift_right_logical3A_858 : i32 to vector<16xi32>
        %shift_right_logical3A_860 = arith.shrui %get3A_849, %shift_right_logical3A_859 : vector<16xi32>
        %swap3A_861 = arith.constant 32 : index
        %swap3A_862 = tpu.vector_load %arg25[%swap3A_861] {strides = array<i32>} : memref<64xi32, #tpu.memory_space<vmem>>, vector<16xi32>,
        tpu.vector_store %arg25[%swap3A_861], %shift_right_logical3A_860 {strides = array<i32>} : memref<64xi32, #tpu.memory_space<vmem>>, vector<16xi32>,
        %mul3A_863 = arith.constant 64 : i32
        %mul3A_864 = arith.muli %add3A_805, %mul3A_863 : i32
        %add3A_865 = arith.constant 48 : i32
        %add3A_866 = arith.addi %mul3A_864, %add3A_865 : i32
        %get3A_867 = arith.index_cast %add3A_866 : i32 to index
        %get3A_868 = tpu.vector_load %arg11[%get3A_867] {strides = array<i32>} : memref<2048xi32, #tpu.memory_space<vmem>>, vector<16xi32>,
        %swap3A_869 = arith.constant 48 : index
        %swap3A_870 = tpu.vector_load %arg16[%swap3A_869] {strides = array<i32>} : memref<64xi32, #tpu.memory_space<vmem>>, vector<16xi32>,
        tpu.vector_store %arg16[%swap3A_869], %get3A_868 {strides = array<i32>} : memref<64xi32, #tpu.memory_space<vmem>>, vector<16xi32>,
        %and3A_871 = arith.constant 127 : i32
        %and3A_872 = vector.broadcast %and3A_871 : i32 to vector<16xi32>
        %and3A_873 = arith.andi %get3A_868, %and3A_872 : vector<16xi32>
        %add3A_874 = arith.constant 48 : i32
        %add3A_875 = vector.broadcast %add3A_874 : i32 to vector<16xi32>
        %add3A_876 = arith.addi %iota3A, %add3A_875 : vector<16xi32>
        tpu.vector_store_idx %arg24[%add3A_876, %and3A_873], %broadcast_in_dim3A_1 : memref<64x128xf32, #tpu.memory_space<vmem>>[vector<16xi32>, vector<16xi32>], vector<16xf32>,
        %shift_right_logical3A_877 = arith.constant 7 : i32
        %shift_right_logical3A_878 = vector.broadcast %shift_right_logical3A_877 : i32 to vector<16xi32>
        %shift_right_logical3A_879 = arith.shrui %get3A_868, %shift_right_logical3A_878 : vector<16xi32>
        %swap3A_880 = arith.constant 48 : index
        %swap3A_881 = tpu.vector_load %arg25[%swap3A_880] {strides = array<i32>} : memref<64xi32, #tpu.memory_space<vmem>>, vector<16xi32>,
        tpu.vector_store %arg25[%swap3A_880], %shift_right_logical3A_879 {strides = array<i32>} : memref<64xi32, #tpu.memory_space<vmem>>, vector<16xi32>,
        %dma_wait3A_882 = arith.constant 0 : i32
        %dma_wait3A_883 = arith.constant 0 : i32
        %dma_wait3A_884 = tpu.memref_slice %arg9[%dma_wait3A_882, %dma_wait3A_883] : memref<10240x128xf32, #tpu.memory_space<vmem_shared>> -> memref<10240x128xf32, #tpu.memory_space<vmem_shared>>
        tpu.wait_indirect_dma semaphore(%arg22 : memref<!tpu.dma_semaphore, #tpu.memory_space<semaphore_mem>>) src(%arg12 : memref<64x128xf32, #tpu.memory_space<vmem>>) dst(%dma_wait3A_884 : memref<10240x128xf32, #tpu.memory_space<vmem_shared>>)
        %dma_start3A_885 = arith.constant 0 : i32
        %dma_start3A_886 = arith.constant 0 : i32
        %dma_start3A_887 = tpu.memref_slice %arg9[%dma_start3A_885, %dma_start3A_886] : memref<10240x128xf32, #tpu.memory_space<vmem_shared>> -> memref<10240x128xf32, #tpu.memory_space<vmem_shared>>
        tpu.enqueue_indirect_dma source(%arg14 : memref<64x128xf32, #tpu.memory_space<vmem>>) target(%dma_start3A_887 : memref<10240x128xf32, #tpu.memory_space<vmem_shared>>) offsets(%arg16 : memref<64xi32, #tpu.memory_space<vmem>>) semaphore(%arg22 : memref<!tpu.dma_semaphore, #tpu.memory_space<semaphore_mem>>) {add = true}
        "tpu.region"() ({
          %run_scoped3A = tpu.sem_alloc : memref<!tpu.dma_semaphore, #tpu.memory_space<semaphore_mem>>
          %dma_start3A_1097 = arith.constant 0 : i32
          %dma_start3A_1098 = arith.constant 0 : i32
          %dma_start3A_1099 = tpu.memref_slice %arg23[%dma_start3A_1097, %dma_start3A_1098] : memref<80x128xf32, #tpu.memory_space<vmem_shared>> -> memref<80x128xf32, #tpu.memory_space<vmem_shared>>
          tpu.enqueue_indirect_dma source(%arg24 : memref<64x128xf32, #tpu.memory_space<vmem>>) target(%dma_start3A_1099 : memref<80x128xf32, #tpu.memory_space<vmem_shared>>) offsets(%arg25 : memref<64xi32, #tpu.memory_space<vmem>>) semaphore(%run_scoped3A : memref<!tpu.dma_semaphore, #tpu.memory_space<semaphore_mem>>) {add = true}
          %dma_wait3A_1100 = arith.constant 0 : i32
          %dma_wait3A_1101 = arith.constant 0 : i32
          %dma_wait3A_1102 = tpu.memref_slice %arg23[%dma_wait3A_1100, %dma_wait3A_1101] : memref<80x128xf32, #tpu.memory_space<vmem_shared>> -> memref<80x128xf32, #tpu.memory_space<vmem_shared>>
          tpu.wait_indirect_dma semaphore(%run_scoped3A : memref<!tpu.dma_semaphore, #tpu.memory_space<semaphore_mem>>) src(%arg24 : memref<64x128xf32, #tpu.memory_space<vmem>>) dst(%dma_wait3A_1102 : memref<80x128xf32, #tpu.memory_space<vmem_shared>>)
          tpu.yield
        }) : () -> ()
        %mul3A_888 = arith.constant 64 : i32
        %mul3A_889 = arith.muli %add3A_805, %mul3A_888 : i32
        %add3A_890 = arith.constant 0 : i32
        %add3A_891 = arith.addi %mul3A_889, %add3A_890 : i32
        %get3A_892 = arith.index_cast %add3A_891 : i32 to index
        %get3A_893 = tpu.vector_load %arg11[%get3A_892] {strides = array<i32>} : memref<2048xi32, #tpu.memory_space<vmem>>, vector<16xi32>,
        %and3A_894 = arith.constant 127 : i32
        %and3A_895 = vector.broadcast %and3A_894 : i32 to vector<16xi32>
        %and3A_896 = arith.andi %get3A_893, %and3A_895 : vector<16xi32>
        %add3A_897 = arith.constant 0 : i32
        %add3A_898 = vector.broadcast %add3A_897 : i32 to vector<16xi32>
        %add3A_899 = arith.addi %iota3A, %add3A_898 : vector<16xi32>
        tpu.vector_store_idx %arg24[%add3A_899, %and3A_896], %broadcast_in_dim3A_3 : memref<64x128xf32, #tpu.memory_space<vmem>>[vector<16xi32>, vector<16xi32>], vector<16xf32>,
        %mul3A_900 = arith.constant 64 : i32
        %mul3A_901 = arith.muli %add3A_805, %mul3A_900 : i32
        %add3A_902 = arith.constant 16 : i32
        %add3A_903 = arith.addi %mul3A_901, %add3A_902 : i32
        %get3A_904 = arith.index_cast %add3A_903 : i32 to index
        %get3A_905 = tpu.vector_load %arg11[%get3A_904] {strides = array<i32>} : memref<2048xi32, #tpu.memory_space<vmem>>, vector<16xi32>,
        %and3A_906 = arith.constant 127 : i32
        %and3A_907 = vector.broadcast %and3A_906 : i32 to vector<16xi32>
        %and3A_908 = arith.andi %get3A_905, %and3A_907 : vector<16xi32>
        %add3A_909 = arith.constant 16 : i32
        %add3A_910 = vector.broadcast %add3A_909 : i32 to vector<16xi32>
        %add3A_911 = arith.addi %iota3A, %add3A_910 : vector<16xi32>
        tpu.vector_store_idx %arg24[%add3A_911, %and3A_908], %broadcast_in_dim3A_3 : memref<64x128xf32, #tpu.memory_space<vmem>>[vector<16xi32>, vector<16xi32>], vector<16xf32>,
        %mul3A_912 = arith.constant 64 : i32
        %mul3A_913 = arith.muli %add3A_805, %mul3A_912 : i32
        %add3A_914 = arith.constant 32 : i32
        %add3A_915 = arith.addi %mul3A_913, %add3A_914 : i32
        %get3A_916 = arith.index_cast %add3A_915 : i32 to index
        %get3A_917 = tpu.vector_load %arg11[%get3A_916] {strides = array<i32>} : memref<2048xi32, #tpu.memory_space<vmem>>, vector<16xi32>,
        %and3A_918 = arith.constant 127 : i32
        %and3A_919 = vector.broadcast %and3A_918 : i32 to vector<16xi32>
        %and3A_920 = arith.andi %get3A_917, %and3A_919 : vector<16xi32>
        %add3A_921 = arith.constant 32 : i32
        %add3A_922 = vector.broadcast %add3A_921 : i32 to vector<16xi32>
        %add3A_923 = arith.addi %iota3A, %add3A_922 : vector<16xi32>
        tpu.vector_store_idx %arg24[%add3A_923, %and3A_920], %broadcast_in_dim3A_3 : memref<64x128xf32, #tpu.memory_space<vmem>>[vector<16xi32>, vector<16xi32>], vector<16xf32>,
        %mul3A_924 = arith.constant 64 : i32
        %mul3A_925 = arith.muli %add3A_805, %mul3A_924 : i32
        %add3A_926 = arith.constant 48 : i32
        %add3A_927 = arith.addi %mul3A_925, %add3A_926 : i32
        %get3A_928 = arith.index_cast %add3A_927 : i32 to index
        %get3A_929 = tpu.vector_load %arg11[%get3A_928] {strides = array<i32>} : memref<2048xi32, #tpu.memory_space<vmem>>, vector<16xi32>,
        %and3A_930 = arith.constant 127 : i32
        %and3A_931 = vector.broadcast %and3A_930 : i32 to vector<16xi32>
        %and3A_932 = arith.andi %get3A_929, %and3A_931 : vector<16xi32>
        %add3A_933 = arith.constant 48 : i32
        %add3A_934 = vector.broadcast %add3A_933 : i32 to vector<16xi32>
        %add3A_935 = arith.addi %iota3A, %add3A_934 : vector<16xi32>
        tpu.vector_store_idx %arg24[%add3A_935, %and3A_932], %broadcast_in_dim3A_3 : memref<64x128xf32, #tpu.memory_space<vmem>>[vector<16xi32>, vector<16xi32>], vector<16xf32>,
        %add3A_936 = arith.constant 2 : i32
        %add3A_937 = arith.addi %add3A_500, %add3A_936 : i32
        %add3A_938 = arith.constant 4 : i32
        %add3A_939 = arith.addi %add3A_937, %add3A_938 : i32
        %sub3A_940 = arith.constant 1 : i32
        %sub3A_941 = arith.subi %add3A_939, %sub3A_940 : i32
        %mul3A_942 = arith.constant 64 : i32
        %mul3A_943 = arith.muli %sub3A_941, %mul3A_942 : i32
        %dma_start3A_944 = tpu.memref_slice %arg10[%mul3A_943] : memref<2048xi32, #tpu.memory_space<vmem>> -> memref<64xi32, #tpu.memory_space<vmem>>
        %dma_start3A_945 = arith.constant 0 : i32
        %dma_start3A_946 = arith.constant 0 : i32
        %dma_start3A_947 = tpu.memref_slice %arg2[%dma_start3A_945, %dma_start3A_946] : memref<10240x128xf32, #tpu.memory_space<hbm>> -> memref<10240x128xf32, #tpu.memory_space<hbm>>
        tpu.enqueue_indirect_dma source(%dma_start3A_947 : memref<10240x128xf32, #tpu.memory_space<hbm>>) target(%arg13 : memref<64x128xf32, #tpu.memory_space<vmem>>) offsets(%dma_start3A_944 : memref<64xi32, #tpu.memory_space<vmem>>) semaphore(%arg19 : memref<!tpu.dma_semaphore, #tpu.memory_space<semaphore_mem>>)
        %dma_wait3A_948 = arith.constant 0 : i32
        %dma_wait3A_949 = tpu.memref_slice %arg10[%dma_wait3A_948] : memref<2048xi32, #tpu.memory_space<vmem>> -> memref<64xi32, #tpu.memory_space<vmem>>
        %dma_wait3A_950 = arith.constant 0 : i32
        %dma_wait3A_951 = arith.constant 0 : i32
        %dma_wait3A_952 = tpu.memref_slice %arg2[%dma_wait3A_950, %dma_wait3A_951] : memref<10240x128xf32, #tpu.memory_space<hbm>> -> memref<10240x128xf32, #tpu.memory_space<hbm>>
        tpu.wait_indirect_dma semaphore(%arg21 : memref<!tpu.dma_semaphore, #tpu.memory_space<semaphore_mem>>) src(%dma_wait3A_952 : memref<10240x128xf32, #tpu.memory_space<hbm>>) dst(%arg15 : memref<64x128xf32, #tpu.memory_space<vmem>>)
        %add3A_953 = arith.constant 3 : i32
        %add3A_954 = arith.addi %add3A_500, %add3A_953 : i32
        %mul3A_955 = arith.constant 64 : i32
        %mul3A_956 = arith.muli %add3A_954, %mul3A_955 : i32
        %add3A_957 = arith.constant 0 : i32
        %add3A_958 = arith.addi %mul3A_956, %add3A_957 : i32
        %get3A_959 = arith.index_cast %add3A_958 : i32 to index
        %get3A_960 = tpu.vector_load %arg11[%get3A_959] {strides = array<i32>} : memref<2048xi32, #tpu.memory_space<vmem>>, vector<16xi32>,
        %swap3A_961 = arith.constant 0 : index
        %swap3A_962 = tpu.vector_load %arg17[%swap3A_961] {strides = array<i32>} : memref<64xi32, #tpu.memory_space<vmem>>, vector<16xi32>,
        tpu.vector_store %arg17[%swap3A_961], %get3A_960 {strides = array<i32>} : memref<64xi32, #tpu.memory_space<vmem>>, vector<16xi32>,
        %and3A_963 = arith.constant 127 : i32
        %and3A_964 = vector.broadcast %and3A_963 : i32 to vector<16xi32>
        %and3A_965 = arith.andi %get3A_960, %and3A_964 : vector<16xi32>
        %add3A_966 = arith.constant 0 : i32
        %add3A_967 = vector.broadcast %add3A_966 : i32 to vector<16xi32>
        %add3A_968 = arith.addi %iota3A, %add3A_967 : vector<16xi32>
        tpu.vector_store_idx %arg24[%add3A_968, %and3A_965], %broadcast_in_dim3A_1 : memref<64x128xf32, #tpu.memory_space<vmem>>[vector<16xi32>, vector<16xi32>], vector<16xf32>,
        %shift_right_logical3A_969 = arith.constant 7 : i32
        %shift_right_logical3A_970 = vector.broadcast %shift_right_logical3A_969 : i32 to vector<16xi32>
        %shift_right_logical3A_971 = arith.shrui %get3A_960, %shift_right_logical3A_970 : vector<16xi32>
        %swap3A_972 = arith.constant 0 : index
        %swap3A_973 = tpu.vector_load %arg25[%swap3A_972] {strides = array<i32>} : memref<64xi32, #tpu.memory_space<vmem>>, vector<16xi32>,
        tpu.vector_store %arg25[%swap3A_972], %shift_right_logical3A_971 {strides = array<i32>} : memref<64xi32, #tpu.memory_space<vmem>>, vector<16xi32>,
        %mul3A_974 = arith.constant 64 : i32
        %mul3A_975 = arith.muli %add3A_954, %mul3A_974 : i32
        %add3A_976 = arith.constant 16 : i32
        %add3A_977 = arith.addi %mul3A_975, %add3A_976 : i32
        %get3A_978 = arith.index_cast %add3A_977 : i32 to index
        %get3A_979 = tpu.vector_load %arg11[%get3A_978] {strides = array<i32>} : memref<2048xi32, #tpu.memory_space<vmem>>, vector<16xi32>,
        %swap3A_980 = arith.constant 16 : index
        %swap3A_981 = tpu.vector_load %arg17[%swap3A_980] {strides = array<i32>} : memref<64xi32, #tpu.memory_space<vmem>>, vector<16xi32>,
        tpu.vector_store %arg17[%swap3A_980], %get3A_979 {strides = array<i32>} : memref<64xi32, #tpu.memory_space<vmem>>, vector<16xi32>,
        %and3A_982 = arith.constant 127 : i32
        %and3A_983 = vector.broadcast %and3A_982 : i32 to vector<16xi32>
        %and3A_984 = arith.andi %get3A_979, %and3A_983 : vector<16xi32>
        %add3A_985 = arith.constant 16 : i32
        %add3A_986 = vector.broadcast %add3A_985 : i32 to vector<16xi32>
        %add3A_987 = arith.addi %iota3A, %add3A_986 : vector<16xi32>
        tpu.vector_store_idx %arg24[%add3A_987, %and3A_984], %broadcast_in_dim3A_1 : memref<64x128xf32, #tpu.memory_space<vmem>>[vector<16xi32>, vector<16xi32>], vector<16xf32>,
        %shift_right_logical3A_988 = arith.constant 7 : i32
        %shift_right_logical3A_989 = vector.broadcast %shift_right_logical3A_988 : i32 to vector<16xi32>
        %shift_right_logical3A_990 = arith.shrui %get3A_979, %shift_right_logical3A_989 : vector<16xi32>
        %swap3A_991 = arith.constant 16 : index
        %swap3A_992 = tpu.vector_load %arg25[%swap3A_991] {strides = array<i32>} : memref<64xi32, #tpu.memory_space<vmem>>, vector<16xi32>,
        tpu.vector_store %arg25[%swap3A_991], %shift_right_logical3A_990 {strides = array<i32>} : memref<64xi32, #tpu.memory_space<vmem>>, vector<16xi32>,
        %mul3A_993 = arith.constant 64 : i32
        %mul3A_994 = arith.muli %add3A_954, %mul3A_993 : i32
        %add3A_995 = arith.constant 32 : i32
        %add3A_996 = arith.addi %mul3A_994, %add3A_995 : i32
        %get3A_997 = arith.index_cast %add3A_996 : i32 to index
        %get3A_998 = tpu.vector_load %arg11[%get3A_997] {strides = array<i32>} : memref<2048xi32, #tpu.memory_space<vmem>>, vector<16xi32>,
        %swap3A_999 = arith.constant 32 : index
        %swap3A_1000 = tpu.vector_load %arg17[%swap3A_999] {strides = array<i32>} : memref<64xi32, #tpu.memory_space<vmem>>, vector<16xi32>,
        tpu.vector_store %arg17[%swap3A_999], %get3A_998 {strides = array<i32>} : memref<64xi32, #tpu.memory_space<vmem>>, vector<16xi32>,
        %and3A_1001 = arith.constant 127 : i32
        %and3A_1002 = vector.broadcast %and3A_1001 : i32 to vector<16xi32>
        %and3A_1003 = arith.andi %get3A_998, %and3A_1002 : vector<16xi32>
        %add3A_1004 = arith.constant 32 : i32
        %add3A_1005 = vector.broadcast %add3A_1004 : i32 to vector<16xi32>
        %add3A_1006 = arith.addi %iota3A, %add3A_1005 : vector<16xi32>
        tpu.vector_store_idx %arg24[%add3A_1006, %and3A_1003], %broadcast_in_dim3A_1 : memref<64x128xf32, #tpu.memory_space<vmem>>[vector<16xi32>, vector<16xi32>], vector<16xf32>,
        %shift_right_logical3A_1007 = arith.constant 7 : i32
        %shift_right_logical3A_1008 = vector.broadcast %shift_right_logical3A_1007 : i32 to vector<16xi32>
        %shift_right_logical3A_1009 = arith.shrui %get3A_998, %shift_right_logical3A_1008 : vector<16xi32>
        %swap3A_1010 = arith.constant 32 : index
        %swap3A_1011 = tpu.vector_load %arg25[%swap3A_1010] {strides = array<i32>} : memref<64xi32, #tpu.memory_space<vmem>>, vector<16xi32>,
        tpu.vector_store %arg25[%swap3A_1010], %shift_right_logical3A_1009 {strides = array<i32>} : memref<64xi32, #tpu.memory_space<vmem>>, vector<16xi32>,
        %mul3A_1012 = arith.constant 64 : i32
        %mul3A_1013 = arith.muli %add3A_954, %mul3A_1012 : i32
        %add3A_1014 = arith.constant 48 : i32
        %add3A_1015 = arith.addi %mul3A_1013, %add3A_1014 : i32
        %get3A_1016 = arith.index_cast %add3A_1015 : i32 to index
        %get3A_1017 = tpu.vector_load %arg11[%get3A_1016] {strides = array<i32>} : memref<2048xi32, #tpu.memory_space<vmem>>, vector<16xi32>,
        %swap3A_1018 = arith.constant 48 : index
        %swap3A_1019 = tpu.vector_load %arg17[%swap3A_1018] {strides = array<i32>} : memref<64xi32, #tpu.memory_space<vmem>>, vector<16xi32>,
        tpu.vector_store %arg17[%swap3A_1018], %get3A_1017 {strides = array<i32>} : memref<64xi32, #tpu.memory_space<vmem>>, vector<16xi32>,
        %and3A_1020 = arith.constant 127 : i32
        %and3A_1021 = vector.broadcast %and3A_1020 : i32 to vector<16xi32>
        %and3A_1022 = arith.andi %get3A_1017, %and3A_1021 : vector<16xi32>
        %add3A_1023 = arith.constant 48 : i32
        %add3A_1024 = vector.broadcast %add3A_1023 : i32 to vector<16xi32>
        %add3A_1025 = arith.addi %iota3A, %add3A_1024 : vector<16xi32>
        tpu.vector_store_idx %arg24[%add3A_1025, %and3A_1022], %broadcast_in_dim3A_1 : memref<64x128xf32, #tpu.memory_space<vmem>>[vector<16xi32>, vector<16xi32>], vector<16xf32>,
        %shift_right_logical3A_1026 = arith.constant 7 : i32
        %shift_right_logical3A_1027 = vector.broadcast %shift_right_logical3A_1026 : i32 to vector<16xi32>
        %shift_right_logical3A_1028 = arith.shrui %get3A_1017, %shift_right_logical3A_1027 : vector<16xi32>
        %swap3A_1029 = arith.constant 48 : index
        %swap3A_1030 = tpu.vector_load %arg25[%swap3A_1029] {strides = array<i32>} : memref<64xi32, #tpu.memory_space<vmem>>, vector<16xi32>,
        tpu.vector_store %arg25[%swap3A_1029], %shift_right_logical3A_1028 {strides = array<i32>} : memref<64xi32, #tpu.memory_space<vmem>>, vector<16xi32>,
        %dma_wait3A_1031 = arith.constant 0 : i32
        %dma_wait3A_1032 = arith.constant 0 : i32
        %dma_wait3A_1033 = tpu.memref_slice %arg9[%dma_wait3A_1031, %dma_wait3A_1032] : memref<10240x128xf32, #tpu.memory_space<vmem_shared>> -> memref<10240x128xf32, #tpu.memory_space<vmem_shared>>
        tpu.wait_indirect_dma semaphore(%arg22 : memref<!tpu.dma_semaphore, #tpu.memory_space<semaphore_mem>>) src(%arg12 : memref<64x128xf32, #tpu.memory_space<vmem>>) dst(%dma_wait3A_1033 : memref<10240x128xf32, #tpu.memory_space<vmem_shared>>)
        %dma_start3A_1034 = arith.constant 0 : i32
        %dma_start3A_1035 = arith.constant 0 : i32
        %dma_start3A_1036 = tpu.memref_slice %arg9[%dma_start3A_1034, %dma_start3A_1035] : memref<10240x128xf32, #tpu.memory_space<vmem_shared>> -> memref<10240x128xf32, #tpu.memory_space<vmem_shared>>
        tpu.enqueue_indirect_dma source(%arg15 : memref<64x128xf32, #tpu.memory_space<vmem>>) target(%dma_start3A_1036 : memref<10240x128xf32, #tpu.memory_space<vmem_shared>>) offsets(%arg17 : memref<64xi32, #tpu.memory_space<vmem>>) semaphore(%arg22 : memref<!tpu.dma_semaphore, #tpu.memory_space<semaphore_mem>>) {add = true}
        "tpu.region"() ({
          %run_scoped3A = tpu.sem_alloc : memref<!tpu.dma_semaphore, #tpu.memory_space<semaphore_mem>>
          %dma_start3A_1097 = arith.constant 0 : i32
          %dma_start3A_1098 = arith.constant 0 : i32
          %dma_start3A_1099 = tpu.memref_slice %arg23[%dma_start3A_1097, %dma_start3A_1098] : memref<80x128xf32, #tpu.memory_space<vmem_shared>> -> memref<80x128xf32, #tpu.memory_space<vmem_shared>>
          tpu.enqueue_indirect_dma source(%arg24 : memref<64x128xf32, #tpu.memory_space<vmem>>) target(%dma_start3A_1099 : memref<80x128xf32, #tpu.memory_space<vmem_shared>>) offsets(%arg25 : memref<64xi32, #tpu.memory_space<vmem>>) semaphore(%run_scoped3A : memref<!tpu.dma_semaphore, #tpu.memory_space<semaphore_mem>>) {add = true}
          %dma_wait3A_1100 = arith.constant 0 : i32
          %dma_wait3A_1101 = arith.constant 0 : i32
          %dma_wait3A_1102 = tpu.memref_slice %arg23[%dma_wait3A_1100, %dma_wait3A_1101] : memref<80x128xf32, #tpu.memory_space<vmem_shared>> -> memref<80x128xf32, #tpu.memory_space<vmem_shared>>
          tpu.wait_indirect_dma semaphore(%run_scoped3A : memref<!tpu.dma_semaphore, #tpu.memory_space<semaphore_mem>>) src(%arg24 : memref<64x128xf32, #tpu.memory_space<vmem>>) dst(%dma_wait3A_1102 : memref<80x128xf32, #tpu.memory_space<vmem_shared>>)
          tpu.yield
        }) : () -> ()
        %mul3A_1037 = arith.constant 64 : i32
        %mul3A_1038 = arith.muli %add3A_954, %mul3A_1037 : i32
        %add3A_1039 = arith.constant 0 : i32
        %add3A_1040 = arith.addi %mul3A_1038, %add3A_1039 : i32
        %get3A_1041 = arith.index_cast %add3A_1040 : i32 to index
        %get3A_1042 = tpu.vector_load %arg11[%get3A_1041] {strides = array<i32>} : memref<2048xi32, #tpu.memory_space<vmem>>, vector<16xi32>,
        %and3A_1043 = arith.constant 127 : i32
        %and3A_1044 = vector.broadcast %and3A_1043 : i32 to vector<16xi32>
        %and3A_1045 = arith.andi %get3A_1042, %and3A_1044 : vector<16xi32>
        %add3A_1046 = arith.constant 0 : i32
        %add3A_1047 = vector.broadcast %add3A_1046 : i32 to vector<16xi32>
        %add3A_1048 = arith.addi %iota3A, %add3A_1047 : vector<16xi32>
        tpu.vector_store_idx %arg24[%add3A_1048, %and3A_1045], %broadcast_in_dim3A_3 : memref<64x128xf32, #tpu.memory_space<vmem>>[vector<16xi32>, vector<16xi32>], vector<16xf32>,
        %mul3A_1049 = arith.constant 64 : i32
        %mul3A_1050 = arith.muli %add3A_954, %mul3A_1049 : i32
        %add3A_1051 = arith.constant 16 : i32
        %add3A_1052 = arith.addi %mul3A_1050, %add3A_1051 : i32
        %get3A_1053 = arith.index_cast %add3A_1052 : i32 to index
        %get3A_1054 = tpu.vector_load %arg11[%get3A_1053] {strides = array<i32>} : memref<2048xi32, #tpu.memory_space<vmem>>, vector<16xi32>,
        %and3A_1055 = arith.constant 127 : i32
        %and3A_1056 = vector.broadcast %and3A_1055 : i32 to vector<16xi32>
        %and3A_1057 = arith.andi %get3A_1054, %and3A_1056 : vector<16xi32>
        %add3A_1058 = arith.constant 16 : i32
        %add3A_1059 = vector.broadcast %add3A_1058 : i32 to vector<16xi32>
        %add3A_1060 = arith.addi %iota3A, %add3A_1059 : vector<16xi32>
        tpu.vector_store_idx %arg24[%add3A_1060, %and3A_1057], %broadcast_in_dim3A_3 : memref<64x128xf32, #tpu.memory_space<vmem>>[vector<16xi32>, vector<16xi32>], vector<16xf32>,
        %mul3A_1061 = arith.constant 64 : i32
        %mul3A_1062 = arith.muli %add3A_954, %mul3A_1061 : i32
        %add3A_1063 = arith.constant 32 : i32
        %add3A_1064 = arith.addi %mul3A_1062, %add3A_1063 : i32
        %get3A_1065 = arith.index_cast %add3A_1064 : i32 to index
        %get3A_1066 = tpu.vector_load %arg11[%get3A_1065] {strides = array<i32>} : memref<2048xi32, #tpu.memory_space<vmem>>, vector<16xi32>,
        %and3A_1067 = arith.constant 127 : i32
        %and3A_1068 = vector.broadcast %and3A_1067 : i32 to vector<16xi32>
        %and3A_1069 = arith.andi %get3A_1066, %and3A_1068 : vector<16xi32>
        %add3A_1070 = arith.constant 32 : i32
        %add3A_1071 = vector.broadcast %add3A_1070 : i32 to vector<16xi32>
        %add3A_1072 = arith.addi %iota3A, %add3A_1071 : vector<16xi32>
        tpu.vector_store_idx %arg24[%add3A_1072, %and3A_1069], %broadcast_in_dim3A_3 : memref<64x128xf32, #tpu.memory_space<vmem>>[vector<16xi32>, vector<16xi32>], vector<16xf32>,
        %mul3A_1073 = arith.constant 64 : i32
        %mul3A_1074 = arith.muli %add3A_954, %mul3A_1073 : i32
        %add3A_1075 = arith.constant 48 : i32
        %add3A_1076 = arith.addi %mul3A_1074, %add3A_1075 : i32
        %get3A_1077 = arith.index_cast %add3A_1076 : i32 to index
        %get3A_1078 = tpu.vector_load %arg11[%get3A_1077] {strides = array<i32>} : memref<2048xi32, #tpu.memory_space<vmem>>, vector<16xi32>,
        %and3A_1079 = arith.constant 127 : i32
        %and3A_1080 = vector.broadcast %and3A_1079 : i32 to vector<16xi32>
        %and3A_1081 = arith.andi %get3A_1078, %and3A_1080 : vector<16xi32>
        %add3A_1082 = arith.constant 48 : i32
        %add3A_1083 = vector.broadcast %add3A_1082 : i32 to vector<16xi32>
        %add3A_1084 = arith.addi %iota3A, %add3A_1083 : vector<16xi32>
        tpu.vector_store_idx %arg24[%add3A_1084, %and3A_1081], %broadcast_in_dim3A_3 : memref<64x128xf32, #tpu.memory_space<vmem>>[vector<16xi32>, vector<16xi32>], vector<16xf32>,
        %add3A_1085 = arith.constant 3 : i32
        %add3A_1086 = arith.addi %add3A_500, %add3A_1085 : i32
        %add3A_1087 = arith.constant 4 : i32
        %add3A_1088 = arith.addi %add3A_1086, %add3A_1087 : i32
        %sub3A_1089 = arith.constant 1 : i32
        %sub3A_1090 = arith.subi %add3A_1088, %sub3A_1089 : i32
        %mul3A_1091 = arith.constant 64 : i32
        %mul3A_1092 = arith.muli %sub3A_1090, %mul3A_1091 : i32
        %dma_start3A_1093 = tpu.memref_slice %arg10[%mul3A_1092] : memref<2048xi32, #tpu.memory_space<vmem>> -> memref<64xi32, #tpu.memory_space<vmem>>
        %dma_start3A_1094 = arith.constant 0 : i32
        %dma_start3A_1095 = arith.constant 0 : i32
        %dma_start3A_1096 = tpu.memref_slice %arg2[%dma_start3A_1094, %dma_start3A_1095] : memref<10240x128xf32, #tpu.memory_space<hbm>> -> memref<10240x128xf32, #tpu.memory_space<hbm>>
        tpu.enqueue_indirect_dma source(%dma_start3A_1096 : memref<10240x128xf32, #tpu.memory_space<hbm>>) target(%arg14 : memref<64x128xf32, #tpu.memory_space<vmem>>) offsets(%dma_start3A_1093 : memref<64xi32, #tpu.memory_space<vmem>>) semaphore(%arg20 : memref<!tpu.dma_semaphore, #tpu.memory_space<semaphore_mem>>)
      }
      %scan3A_82 = arith.constant 7 : i32
      %dma_wait3A_83 = arith.constant 0 : i32
      %dma_wait3A_84 = tpu.memref_slice %arg10[%dma_wait3A_83] : memref<2048xi32, #tpu.memory_space<vmem>> -> memref<64xi32, #tpu.memory_space<vmem>>
      %dma_wait3A_85 = arith.constant 0 : i32
      %dma_wait3A_86 = arith.constant 0 : i32
      %dma_wait3A_87 = tpu.memref_slice %arg2[%dma_wait3A_85, %dma_wait3A_86] : memref<10240x128xf32, #tpu.memory_space<hbm>> -> memref<10240x128xf32, #tpu.memory_space<hbm>>
      tpu.wait_indirect_dma semaphore(%arg18 : memref<!tpu.dma_semaphore, #tpu.memory_space<semaphore_mem>>) src(%dma_wait3A_87 : memref<10240x128xf32, #tpu.memory_space<hbm>>) dst(%arg12 : memref<64x128xf32, #tpu.memory_space<vmem>>)
      %get3A = arith.constant 1792 : index
      %get3A_88 = tpu.vector_load %arg11[%get3A] {strides = array<i32>} : memref<2048xi32, #tpu.memory_space<vmem>>, vector<16xi32>,
      %swap3A = arith.constant 0 : index
      %swap3A_89 = tpu.vector_load %arg16[%swap3A] {strides = array<i32>} : memref<64xi32, #tpu.memory_space<vmem>>, vector<16xi32>,
      tpu.vector_store %arg16[%swap3A], %get3A_88 {strides = array<i32>} : memref<64xi32, #tpu.memory_space<vmem>>, vector<16xi32>,
      %and3A = arith.constant 127 : i32
      %and3A_90 = vector.broadcast %and3A : i32 to vector<16xi32>
      %and3A_91 = arith.andi %get3A_88, %and3A_90 : vector<16xi32>
      %add3A_92 = arith.constant 0 : i32
      %add3A_93 = vector.broadcast %add3A_92 : i32 to vector<16xi32>
      %add3A_94 = arith.addi %iota3A, %add3A_93 : vector<16xi32>
      tpu.vector_store_idx %arg24[%add3A_94, %and3A_91], %broadcast_in_dim3A_1 : memref<64x128xf32, #tpu.memory_space<vmem>>[vector<16xi32>, vector<16xi32>], vector<16xf32>,
      %shift_right_logical3A = arith.constant 7 : i32
      %shift_right_logical3A_95 = vector.broadcast %shift_right_logical3A : i32 to vector<16xi32>
      %shift_right_logical3A_96 = arith.shrui %get3A_88, %shift_right_logical3A_95 : vector<16xi32>
      %swap3A_97 = arith.constant 0 : index
      %swap3A_98 = tpu.vector_load %arg25[%swap3A_97] {strides = array<i32>} : memref<64xi32, #tpu.memory_space<vmem>>, vector<16xi32>,
      tpu.vector_store %arg25[%swap3A_97], %shift_right_logical3A_96 {strides = array<i32>} : memref<64xi32, #tpu.memory_space<vmem>>, vector<16xi32>,
      %get3A_99 = arith.constant 1808 : index
      %get3A_100 = tpu.vector_load %arg11[%get3A_99] {strides = array<i32>} : memref<2048xi32, #tpu.memory_space<vmem>>, vector<16xi32>,
      %swap3A_101 = arith.constant 16 : index
      %swap3A_102 = tpu.vector_load %arg16[%swap3A_101] {strides = array<i32>} : memref<64xi32, #tpu.memory_space<vmem>>, vector<16xi32>,
      tpu.vector_store %arg16[%swap3A_101], %get3A_100 {strides = array<i32>} : memref<64xi32, #tpu.memory_space<vmem>>, vector<16xi32>,
      %and3A_103 = arith.constant 127 : i32
      %and3A_104 = vector.broadcast %and3A_103 : i32 to vector<16xi32>
      %and3A_105 = arith.andi %get3A_100, %and3A_104 : vector<16xi32>
      %add3A_106 = arith.constant 16 : i32
      %add3A_107 = vector.broadcast %add3A_106 : i32 to vector<16xi32>
      %add3A_108 = arith.addi %iota3A, %add3A_107 : vector<16xi32>
      tpu.vector_store_idx %arg24[%add3A_108, %and3A_105], %broadcast_in_dim3A_1 : memref<64x128xf32, #tpu.memory_space<vmem>>[vector<16xi32>, vector<16xi32>], vector<16xf32>,
      %shift_right_logical3A_109 = arith.constant 7 : i32
      %shift_right_logical3A_110 = vector.broadcast %shift_right_logical3A_109 : i32 to vector<16xi32>
      %shift_right_logical3A_111 = arith.shrui %get3A_100, %shift_right_logical3A_110 : vector<16xi32>
      %swap3A_112 = arith.constant 16 : index
      %swap3A_113 = tpu.vector_load %arg25[%swap3A_112] {strides = array<i32>} : memref<64xi32, #tpu.memory_space<vmem>>, vector<16xi32>,
      tpu.vector_store %arg25[%swap3A_112], %shift_right_logical3A_111 {strides = array<i32>} : memref<64xi32, #tpu.memory_space<vmem>>, vector<16xi32>,
      %get3A_114 = arith.constant 1824 : index
      %get3A_115 = tpu.vector_load %arg11[%get3A_114] {strides = array<i32>} : memref<2048xi32, #tpu.memory_space<vmem>>, vector<16xi32>,
      %swap3A_116 = arith.constant 32 : index
      %swap3A_117 = tpu.vector_load %arg16[%swap3A_116] {strides = array<i32>} : memref<64xi32, #tpu.memory_space<vmem>>, vector<16xi32>,
      tpu.vector_store %arg16[%swap3A_116], %get3A_115 {strides = array<i32>} : memref<64xi32, #tpu.memory_space<vmem>>, vector<16xi32>,
      %and3A_118 = arith.constant 127 : i32
      %and3A_119 = vector.broadcast %and3A_118 : i32 to vector<16xi32>
      %and3A_120 = arith.andi %get3A_115, %and3A_119 : vector<16xi32>
      %add3A_121 = arith.constant 32 : i32
      %add3A_122 = vector.broadcast %add3A_121 : i32 to vector<16xi32>
      %add3A_123 = arith.addi %iota3A, %add3A_122 : vector<16xi32>
      tpu.vector_store_idx %arg24[%add3A_123, %and3A_120], %broadcast_in_dim3A_1 : memref<64x128xf32, #tpu.memory_space<vmem>>[vector<16xi32>, vector<16xi32>], vector<16xf32>,
      %shift_right_logical3A_124 = arith.constant 7 : i32
      %shift_right_logical3A_125 = vector.broadcast %shift_right_logical3A_124 : i32 to vector<16xi32>
      %shift_right_logical3A_126 = arith.shrui %get3A_115, %shift_right_logical3A_125 : vector<16xi32>
      %swap3A_127 = arith.constant 32 : index
      %swap3A_128 = tpu.vector_load %arg25[%swap3A_127] {strides = array<i32>} : memref<64xi32, #tpu.memory_space<vmem>>, vector<16xi32>,
      tpu.vector_store %arg25[%swap3A_127], %shift_right_logical3A_126 {strides = array<i32>} : memref<64xi32, #tpu.memory_space<vmem>>, vector<16xi32>,
      %get3A_129 = arith.constant 1840 : index
      %get3A_130 = tpu.vector_load %arg11[%get3A_129] {strides = array<i32>} : memref<2048xi32, #tpu.memory_space<vmem>>, vector<16xi32>,
      %swap3A_131 = arith.constant 48 : index
      %swap3A_132 = tpu.vector_load %arg16[%swap3A_131] {strides = array<i32>} : memref<64xi32, #tpu.memory_space<vmem>>, vector<16xi32>,
      tpu.vector_store %arg16[%swap3A_131], %get3A_130 {strides = array<i32>} : memref<64xi32, #tpu.memory_space<vmem>>, vector<16xi32>,
      %and3A_133 = arith.constant 127 : i32
      %and3A_134 = vector.broadcast %and3A_133 : i32 to vector<16xi32>
      %and3A_135 = arith.andi %get3A_130, %and3A_134 : vector<16xi32>
      %add3A_136 = arith.constant 48 : i32
      %add3A_137 = vector.broadcast %add3A_136 : i32 to vector<16xi32>
      %add3A_138 = arith.addi %iota3A, %add3A_137 : vector<16xi32>
      tpu.vector_store_idx %arg24[%add3A_138, %and3A_135], %broadcast_in_dim3A_1 : memref<64x128xf32, #tpu.memory_space<vmem>>[vector<16xi32>, vector<16xi32>], vector<16xf32>,
      %shift_right_logical3A_139 = arith.constant 7 : i32
      %shift_right_logical3A_140 = vector.broadcast %shift_right_logical3A_139 : i32 to vector<16xi32>
      %shift_right_logical3A_141 = arith.shrui %get3A_130, %shift_right_logical3A_140 : vector<16xi32>
      %swap3A_142 = arith.constant 48 : index
      %swap3A_143 = tpu.vector_load %arg25[%swap3A_142] {strides = array<i32>} : memref<64xi32, #tpu.memory_space<vmem>>, vector<16xi32>,
      tpu.vector_store %arg25[%swap3A_142], %shift_right_logical3A_141 {strides = array<i32>} : memref<64xi32, #tpu.memory_space<vmem>>, vector<16xi32>,
      %dma_wait3A_144 = arith.constant 0 : i32
      %dma_wait3A_145 = arith.constant 0 : i32
      %dma_wait3A_146 = tpu.memref_slice %arg9[%dma_wait3A_144, %dma_wait3A_145] : memref<10240x128xf32, #tpu.memory_space<vmem_shared>> -> memref<10240x128xf32, #tpu.memory_space<vmem_shared>>
      tpu.wait_indirect_dma semaphore(%arg22 : memref<!tpu.dma_semaphore, #tpu.memory_space<semaphore_mem>>) src(%arg12 : memref<64x128xf32, #tpu.memory_space<vmem>>) dst(%dma_wait3A_146 : memref<10240x128xf32, #tpu.memory_space<vmem_shared>>)
      %dma_start3A_147 = arith.constant 0 : i32
      %dma_start3A_148 = arith.constant 0 : i32
      %dma_start3A_149 = tpu.memref_slice %arg9[%dma_start3A_147, %dma_start3A_148] : memref<10240x128xf32, #tpu.memory_space<vmem_shared>> -> memref<10240x128xf32, #tpu.memory_space<vmem_shared>>
      tpu.enqueue_indirect_dma source(%arg12 : memref<64x128xf32, #tpu.memory_space<vmem>>) target(%dma_start3A_149 : memref<10240x128xf32, #tpu.memory_space<vmem_shared>>) offsets(%arg16 : memref<64xi32, #tpu.memory_space<vmem>>) semaphore(%arg22 : memref<!tpu.dma_semaphore, #tpu.memory_space<semaphore_mem>>) {add = true}
      "tpu.region"() ({
        %run_scoped3A = tpu.sem_alloc : memref<!tpu.dma_semaphore, #tpu.memory_space<semaphore_mem>>
        %dma_start3A_496 = arith.constant 0 : i32
        %dma_start3A_497 = arith.constant 0 : i32
        %dma_start3A_498 = tpu.memref_slice %arg23[%dma_start3A_496, %dma_start3A_497] : memref<80x128xf32, #tpu.memory_space<vmem_shared>> -> memref<80x128xf32, #tpu.memory_space<vmem_shared>>
        tpu.enqueue_indirect_dma source(%arg24 : memref<64x128xf32, #tpu.memory_space<vmem>>) target(%dma_start3A_498 : memref<80x128xf32, #tpu.memory_space<vmem_shared>>) offsets(%arg25 : memref<64xi32, #tpu.memory_space<vmem>>) semaphore(%run_scoped3A : memref<!tpu.dma_semaphore, #tpu.memory_space<semaphore_mem>>) {add = true}
        %dma_wait3A_499 = arith.constant 0 : i32
        %dma_wait3A_500 = arith.constant 0 : i32
        %dma_wait3A_501 = tpu.memref_slice %arg23[%dma_wait3A_499, %dma_wait3A_500] : memref<80x128xf32, #tpu.memory_space<vmem_shared>> -> memref<80x128xf32, #tpu.memory_space<vmem_shared>>
        tpu.wait_indirect_dma semaphore(%run_scoped3A : memref<!tpu.dma_semaphore, #tpu.memory_space<semaphore_mem>>) src(%arg24 : memref<64x128xf32, #tpu.memory_space<vmem>>) dst(%dma_wait3A_501 : memref<80x128xf32, #tpu.memory_space<vmem_shared>>)
        tpu.yield
      }) : () -> ()
      %get3A_150 = arith.constant 1792 : index
      %get3A_151 = tpu.vector_load %arg11[%get3A_150] {strides = array<i32>} : memref<2048xi32, #tpu.memory_space<vmem>>, vector<16xi32>,
      %and3A_152 = arith.constant 127 : i32
      %and3A_153 = vector.broadcast %and3A_152 : i32 to vector<16xi32>
      %and3A_154 = arith.andi %get3A_151, %and3A_153 : vector<16xi32>
      %add3A_155 = arith.constant 0 : i32
      %add3A_156 = vector.broadcast %add3A_155 : i32 to vector<16xi32>
      %add3A_157 = arith.addi %iota3A, %add3A_156 : vector<16xi32>
      tpu.vector_store_idx %arg24[%add3A_157, %and3A_154], %broadcast_in_dim3A_3 : memref<64x128xf32, #tpu.memory_space<vmem>>[vector<16xi32>, vector<16xi32>], vector<16xf32>,
      %get3A_158 = arith.constant 1808 : index
      %get3A_159 = tpu.vector_load %arg11[%get3A_158] {strides = array<i32>} : memref<2048xi32, #tpu.memory_space<vmem>>, vector<16xi32>,
      %and3A_160 = arith.constant 127 : i32
      %and3A_161 = vector.broadcast %and3A_160 : i32 to vector<16xi32>
      %and3A_162 = arith.andi %get3A_159, %and3A_161 : vector<16xi32>
      %add3A_163 = arith.constant 16 : i32
      %add3A_164 = vector.broadcast %add3A_163 : i32 to vector<16xi32>
      %add3A_165 = arith.addi %iota3A, %add3A_164 : vector<16xi32>
      tpu.vector_store_idx %arg24[%add3A_165, %and3A_162], %broadcast_in_dim3A_3 : memref<64x128xf32, #tpu.memory_space<vmem>>[vector<16xi32>, vector<16xi32>], vector<16xf32>,
      %get3A_166 = arith.constant 1824 : index
      %get3A_167 = tpu.vector_load %arg11[%get3A_166] {strides = array<i32>} : memref<2048xi32, #tpu.memory_space<vmem>>, vector<16xi32>,
      %and3A_168 = arith.constant 127 : i32
      %and3A_169 = vector.broadcast %and3A_168 : i32 to vector<16xi32>
      %and3A_170 = arith.andi %get3A_167, %and3A_169 : vector<16xi32>
      %add3A_171 = arith.constant 32 : i32
      %add3A_172 = vector.broadcast %add3A_171 : i32 to vector<16xi32>
      %add3A_173 = arith.addi %iota3A, %add3A_172 : vector<16xi32>
      tpu.vector_store_idx %arg24[%add3A_173, %and3A_170], %broadcast_in_dim3A_3 : memref<64x128xf32, #tpu.memory_space<vmem>>[vector<16xi32>, vector<16xi32>], vector<16xf32>,
      %get3A_174 = arith.constant 1840 : index
      %get3A_175 = tpu.vector_load %arg11[%get3A_174] {strides = array<i32>} : memref<2048xi32, #tpu.memory_space<vmem>>, vector<16xi32>,
      %and3A_176 = arith.constant 127 : i32
      %and3A_177 = vector.broadcast %and3A_176 : i32 to vector<16xi32>
      %and3A_178 = arith.andi %get3A_175, %and3A_177 : vector<16xi32>
      %add3A_179 = arith.constant 48 : i32
      %add3A_180 = vector.broadcast %add3A_179 : i32 to vector<16xi32>
      %add3A_181 = arith.addi %iota3A, %add3A_180 : vector<16xi32>
      tpu.vector_store_idx %arg24[%add3A_181, %and3A_178], %broadcast_in_dim3A_3 : memref<64x128xf32, #tpu.memory_space<vmem>>[vector<16xi32>, vector<16xi32>], vector<16xf32>,
      %dma_start3A_182 = arith.constant 1984 : i32
      %dma_start3A_183 = tpu.memref_slice %arg10[%dma_start3A_182] : memref<2048xi32, #tpu.memory_space<vmem>> -> memref<64xi32, #tpu.memory_space<vmem>>
      %dma_start3A_184 = arith.constant 0 : i32
      %dma_start3A_185 = arith.constant 0 : i32
      %dma_start3A_186 = tpu.memref_slice %arg2[%dma_start3A_184, %dma_start3A_185] : memref<10240x128xf32, #tpu.memory_space<hbm>> -> memref<10240x128xf32, #tpu.memory_space<hbm>>
      tpu.enqueue_indirect_dma source(%dma_start3A_186 : memref<10240x128xf32, #tpu.memory_space<hbm>>) target(%arg15 : memref<64x128xf32, #tpu.memory_space<vmem>>) offsets(%dma_start3A_183 : memref<64xi32, #tpu.memory_space<vmem>>) semaphore(%arg21 : memref<!tpu.dma_semaphore, #tpu.memory_space<semaphore_mem>>)
      %dma_wait3A_187 = arith.constant 0 : i32
      %dma_wait3A_188 = tpu.memref_slice %arg10[%dma_wait3A_187] : memref<2048xi32, #tpu.memory_space<vmem>> -> memref<64xi32, #tpu.memory_space<vmem>>
      %dma_wait3A_189 = arith.constant 0 : i32
      %dma_wait3A_190 = arith.constant 0 : i32
      %dma_wait3A_191 = tpu.memref_slice %arg2[%dma_wait3A_189, %dma_wait3A_190] : memref<10240x128xf32, #tpu.memory_space<hbm>> -> memref<10240x128xf32, #tpu.memory_space<hbm>>
      tpu.wait_indirect_dma semaphore(%arg19 : memref<!tpu.dma_semaphore, #tpu.memory_space<semaphore_mem>>) src(%dma_wait3A_191 : memref<10240x128xf32, #tpu.memory_space<hbm>>) dst(%arg13 : memref<64x128xf32, #tpu.memory_space<vmem>>)
      %get3A_192 = arith.constant 1856 : index
      %get3A_193 = tpu.vector_load %arg11[%get3A_192] {strides = array<i32>} : memref<2048xi32, #tpu.memory_space<vmem>>, vector<16xi32>,
      %swap3A_194 = arith.constant 0 : index
      %swap3A_195 = tpu.vector_load %arg17[%swap3A_194] {strides = array<i32>} : memref<64xi32, #tpu.memory_space<vmem>>, vector<16xi32>,
      tpu.vector_store %arg17[%swap3A_194], %get3A_193 {strides = array<i32>} : memref<64xi32, #tpu.memory_space<vmem>>, vector<16xi32>,
      %and3A_196 = arith.constant 127 : i32
      %and3A_197 = vector.broadcast %and3A_196 : i32 to vector<16xi32>
      %and3A_198 = arith.andi %get3A_193, %and3A_197 : vector<16xi32>
      %add3A_199 = arith.constant 0 : i32
      %add3A_200 = vector.broadcast %add3A_199 : i32 to vector<16xi32>
      %add3A_201 = arith.addi %iota3A, %add3A_200 : vector<16xi32>
      tpu.vector_store_idx %arg24[%add3A_201, %and3A_198], %broadcast_in_dim3A_1 : memref<64x128xf32, #tpu.memory_space<vmem>>[vector<16xi32>, vector<16xi32>], vector<16xf32>,
      %shift_right_logical3A_202 = arith.constant 7 : i32
      %shift_right_logical3A_203 = vector.broadcast %shift_right_logical3A_202 : i32 to vector<16xi32>
      %shift_right_logical3A_204 = arith.shrui %get3A_193, %shift_right_logical3A_203 : vector<16xi32>
      %swap3A_205 = arith.constant 0 : index
      %swap3A_206 = tpu.vector_load %arg25[%swap3A_205] {strides = array<i32>} : memref<64xi32, #tpu.memory_space<vmem>>, vector<16xi32>,
      tpu.vector_store %arg25[%swap3A_205], %shift_right_logical3A_204 {strides = array<i32>} : memref<64xi32, #tpu.memory_space<vmem>>, vector<16xi32>,
      %get3A_207 = arith.constant 1872 : index
      %get3A_208 = tpu.vector_load %arg11[%get3A_207] {strides = array<i32>} : memref<2048xi32, #tpu.memory_space<vmem>>, vector<16xi32>,
      %swap3A_209 = arith.constant 16 : index
      %swap3A_210 = tpu.vector_load %arg17[%swap3A_209] {strides = array<i32>} : memref<64xi32, #tpu.memory_space<vmem>>, vector<16xi32>,
      tpu.vector_store %arg17[%swap3A_209], %get3A_208 {strides = array<i32>} : memref<64xi32, #tpu.memory_space<vmem>>, vector<16xi32>,
      %and3A_211 = arith.constant 127 : i32
      %and3A_212 = vector.broadcast %and3A_211 : i32 to vector<16xi32>
      %and3A_213 = arith.andi %get3A_208, %and3A_212 : vector<16xi32>
      %add3A_214 = arith.constant 16 : i32
      %add3A_215 = vector.broadcast %add3A_214 : i32 to vector<16xi32>
      %add3A_216 = arith.addi %iota3A, %add3A_215 : vector<16xi32>
      tpu.vector_store_idx %arg24[%add3A_216, %and3A_213], %broadcast_in_dim3A_1 : memref<64x128xf32, #tpu.memory_space<vmem>>[vector<16xi32>, vector<16xi32>], vector<16xf32>,
      %shift_right_logical3A_217 = arith.constant 7 : i32
      %shift_right_logical3A_218 = vector.broadcast %shift_right_logical3A_217 : i32 to vector<16xi32>
      %shift_right_logical3A_219 = arith.shrui %get3A_208, %shift_right_logical3A_218 : vector<16xi32>
      %swap3A_220 = arith.constant 16 : index
      %swap3A_221 = tpu.vector_load %arg25[%swap3A_220] {strides = array<i32>} : memref<64xi32, #tpu.memory_space<vmem>>, vector<16xi32>,
      tpu.vector_store %arg25[%swap3A_220], %shift_right_logical3A_219 {strides = array<i32>} : memref<64xi32, #tpu.memory_space<vmem>>, vector<16xi32>,
      %get3A_222 = arith.constant 1888 : index
      %get3A_223 = tpu.vector_load %arg11[%get3A_222] {strides = array<i32>} : memref<2048xi32, #tpu.memory_space<vmem>>, vector<16xi32>,
      %swap3A_224 = arith.constant 32 : index
      %swap3A_225 = tpu.vector_load %arg17[%swap3A_224] {strides = array<i32>} : memref<64xi32, #tpu.memory_space<vmem>>, vector<16xi32>,
      tpu.vector_store %arg17[%swap3A_224], %get3A_223 {strides = array<i32>} : memref<64xi32, #tpu.memory_space<vmem>>, vector<16xi32>,
      %and3A_226 = arith.constant 127 : i32
      %and3A_227 = vector.broadcast %and3A_226 : i32 to vector<16xi32>
      %and3A_228 = arith.andi %get3A_223, %and3A_227 : vector<16xi32>
      %add3A_229 = arith.constant 32 : i32
      %add3A_230 = vector.broadcast %add3A_229 : i32 to vector<16xi32>
      %add3A_231 = arith.addi %iota3A, %add3A_230 : vector<16xi32>
      tpu.vector_store_idx %arg24[%add3A_231, %and3A_228], %broadcast_in_dim3A_1 : memref<64x128xf32, #tpu.memory_space<vmem>>[vector<16xi32>, vector<16xi32>], vector<16xf32>,
      %shift_right_logical3A_232 = arith.constant 7 : i32
      %shift_right_logical3A_233 = vector.broadcast %shift_right_logical3A_232 : i32 to vector<16xi32>
      %shift_right_logical3A_234 = arith.shrui %get3A_223, %shift_right_logical3A_233 : vector<16xi32>
      %swap3A_235 = arith.constant 32 : index
      %swap3A_236 = tpu.vector_load %arg25[%swap3A_235] {strides = array<i32>} : memref<64xi32, #tpu.memory_space<vmem>>, vector<16xi32>,
      tpu.vector_store %arg25[%swap3A_235], %shift_right_logical3A_234 {strides = array<i32>} : memref<64xi32, #tpu.memory_space<vmem>>, vector<16xi32>,
      %get3A_237 = arith.constant 1904 : index
      %get3A_238 = tpu.vector_load %arg11[%get3A_237] {strides = array<i32>} : memref<2048xi32, #tpu.memory_space<vmem>>, vector<16xi32>,
      %swap3A_239 = arith.constant 48 : index
      %swap3A_240 = tpu.vector_load %arg17[%swap3A_239] {strides = array<i32>} : memref<64xi32, #tpu.memory_space<vmem>>, vector<16xi32>,
      tpu.vector_store %arg17[%swap3A_239], %get3A_238 {strides = array<i32>} : memref<64xi32, #tpu.memory_space<vmem>>, vector<16xi32>,
      %and3A_241 = arith.constant 127 : i32
      %and3A_242 = vector.broadcast %and3A_241 : i32 to vector<16xi32>
      %and3A_243 = arith.andi %get3A_238, %and3A_242 : vector<16xi32>
      %add3A_244 = arith.constant 48 : i32
      %add3A_245 = vector.broadcast %add3A_244 : i32 to vector<16xi32>
      %add3A_246 = arith.addi %iota3A, %add3A_245 : vector<16xi32>
      tpu.vector_store_idx %arg24[%add3A_246, %and3A_243], %broadcast_in_dim3A_1 : memref<64x128xf32, #tpu.memory_space<vmem>>[vector<16xi32>, vector<16xi32>], vector<16xf32>,
      %shift_right_logical3A_247 = arith.constant 7 : i32
      %shift_right_logical3A_248 = vector.broadcast %shift_right_logical3A_247 : i32 to vector<16xi32>
      %shift_right_logical3A_249 = arith.shrui %get3A_238, %shift_right_logical3A_248 : vector<16xi32>
      %swap3A_250 = arith.constant 48 : index
      %swap3A_251 = tpu.vector_load %arg25[%swap3A_250] {strides = array<i32>} : memref<64xi32, #tpu.memory_space<vmem>>, vector<16xi32>,
      tpu.vector_store %arg25[%swap3A_250], %shift_right_logical3A_249 {strides = array<i32>} : memref<64xi32, #tpu.memory_space<vmem>>, vector<16xi32>,
      %dma_wait3A_252 = arith.constant 0 : i32
      %dma_wait3A_253 = arith.constant 0 : i32
      %dma_wait3A_254 = tpu.memref_slice %arg9[%dma_wait3A_252, %dma_wait3A_253] : memref<10240x128xf32, #tpu.memory_space<vmem_shared>> -> memref<10240x128xf32, #tpu.memory_space<vmem_shared>>
      tpu.wait_indirect_dma semaphore(%arg22 : memref<!tpu.dma_semaphore, #tpu.memory_space<semaphore_mem>>) src(%arg12 : memref<64x128xf32, #tpu.memory_space<vmem>>) dst(%dma_wait3A_254 : memref<10240x128xf32, #tpu.memory_space<vmem_shared>>)
      %dma_start3A_255 = arith.constant 0 : i32
      %dma_start3A_256 = arith.constant 0 : i32
      %dma_start3A_257 = tpu.memref_slice %arg9[%dma_start3A_255, %dma_start3A_256] : memref<10240x128xf32, #tpu.memory_space<vmem_shared>> -> memref<10240x128xf32, #tpu.memory_space<vmem_shared>>
      tpu.enqueue_indirect_dma source(%arg13 : memref<64x128xf32, #tpu.memory_space<vmem>>) target(%dma_start3A_257 : memref<10240x128xf32, #tpu.memory_space<vmem_shared>>) offsets(%arg17 : memref<64xi32, #tpu.memory_space<vmem>>) semaphore(%arg22 : memref<!tpu.dma_semaphore, #tpu.memory_space<semaphore_mem>>) {add = true}
      "tpu.region"() ({
        %run_scoped3A = tpu.sem_alloc : memref<!tpu.dma_semaphore, #tpu.memory_space<semaphore_mem>>
        %dma_start3A_496 = arith.constant 0 : i32
        %dma_start3A_497 = arith.constant 0 : i32
        %dma_start3A_498 = tpu.memref_slice %arg23[%dma_start3A_496, %dma_start3A_497] : memref<80x128xf32, #tpu.memory_space<vmem_shared>> -> memref<80x128xf32, #tpu.memory_space<vmem_shared>>
        tpu.enqueue_indirect_dma source(%arg24 : memref<64x128xf32, #tpu.memory_space<vmem>>) target(%dma_start3A_498 : memref<80x128xf32, #tpu.memory_space<vmem_shared>>) offsets(%arg25 : memref<64xi32, #tpu.memory_space<vmem>>) semaphore(%run_scoped3A : memref<!tpu.dma_semaphore, #tpu.memory_space<semaphore_mem>>) {add = true}
        %dma_wait3A_499 = arith.constant 0 : i32
        %dma_wait3A_500 = arith.constant 0 : i32
        %dma_wait3A_501 = tpu.memref_slice %arg23[%dma_wait3A_499, %dma_wait3A_500] : memref<80x128xf32, #tpu.memory_space<vmem_shared>> -> memref<80x128xf32, #tpu.memory_space<vmem_shared>>
        tpu.wait_indirect_dma semaphore(%run_scoped3A : memref<!tpu.dma_semaphore, #tpu.memory_space<semaphore_mem>>) src(%arg24 : memref<64x128xf32, #tpu.memory_space<vmem>>) dst(%dma_wait3A_501 : memref<80x128xf32, #tpu.memory_space<vmem_shared>>)
        tpu.yield
      }) : () -> ()
      %get3A_258 = arith.constant 1856 : index
      %get3A_259 = tpu.vector_load %arg11[%get3A_258] {strides = array<i32>} : memref<2048xi32, #tpu.memory_space<vmem>>, vector<16xi32>,
      %and3A_260 = arith.constant 127 : i32
      %and3A_261 = vector.broadcast %and3A_260 : i32 to vector<16xi32>
      %and3A_262 = arith.andi %get3A_259, %and3A_261 : vector<16xi32>
      %add3A_263 = arith.constant 0 : i32
      %add3A_264 = vector.broadcast %add3A_263 : i32 to vector<16xi32>
      %add3A_265 = arith.addi %iota3A, %add3A_264 : vector<16xi32>
      tpu.vector_store_idx %arg24[%add3A_265, %and3A_262], %broadcast_in_dim3A_3 : memref<64x128xf32, #tpu.memory_space<vmem>>[vector<16xi32>, vector<16xi32>], vector<16xf32>,
      %get3A_266 = arith.constant 1872 : index
      %get3A_267 = tpu.vector_load %arg11[%get3A_266] {strides = array<i32>} : memref<2048xi32, #tpu.memory_space<vmem>>, vector<16xi32>,
      %and3A_268 = arith.constant 127 : i32
      %and3A_269 = vector.broadcast %and3A_268 : i32 to vector<16xi32>
      %and3A_270 = arith.andi %get3A_267, %and3A_269 : vector<16xi32>
      %add3A_271 = arith.constant 16 : i32
      %add3A_272 = vector.broadcast %add3A_271 : i32 to vector<16xi32>
      %add3A_273 = arith.addi %iota3A, %add3A_272 : vector<16xi32>
      tpu.vector_store_idx %arg24[%add3A_273, %and3A_270], %broadcast_in_dim3A_3 : memref<64x128xf32, #tpu.memory_space<vmem>>[vector<16xi32>, vector<16xi32>], vector<16xf32>,
      %get3A_274 = arith.constant 1888 : index
      %get3A_275 = tpu.vector_load %arg11[%get3A_274] {strides = array<i32>} : memref<2048xi32, #tpu.memory_space<vmem>>, vector<16xi32>,
      %and3A_276 = arith.constant 127 : i32
      %and3A_277 = vector.broadcast %and3A_276 : i32 to vector<16xi32>
      %and3A_278 = arith.andi %get3A_275, %and3A_277 : vector<16xi32>
      %add3A_279 = arith.constant 32 : i32
      %add3A_280 = vector.broadcast %add3A_279 : i32 to vector<16xi32>
      %add3A_281 = arith.addi %iota3A, %add3A_280 : vector<16xi32>
      tpu.vector_store_idx %arg24[%add3A_281, %and3A_278], %broadcast_in_dim3A_3 : memref<64x128xf32, #tpu.memory_space<vmem>>[vector<16xi32>, vector<16xi32>], vector<16xf32>,
      %get3A_282 = arith.constant 1904 : index
      %get3A_283 = tpu.vector_load %arg11[%get3A_282] {strides = array<i32>} : memref<2048xi32, #tpu.memory_space<vmem>>, vector<16xi32>,
      %and3A_284 = arith.constant 127 : i32
      %and3A_285 = vector.broadcast %and3A_284 : i32 to vector<16xi32>
      %and3A_286 = arith.andi %get3A_283, %and3A_285 : vector<16xi32>
      %add3A_287 = arith.constant 48 : i32
      %add3A_288 = vector.broadcast %add3A_287 : i32 to vector<16xi32>
      %add3A_289 = arith.addi %iota3A, %add3A_288 : vector<16xi32>
      tpu.vector_store_idx %arg24[%add3A_289, %and3A_286], %broadcast_in_dim3A_3 : memref<64x128xf32, #tpu.memory_space<vmem>>[vector<16xi32>, vector<16xi32>], vector<16xf32>,
      %dma_wait3A_290 = arith.constant 0 : i32
      %dma_wait3A_291 = tpu.memref_slice %arg10[%dma_wait3A_290] : memref<2048xi32, #tpu.memory_space<vmem>> -> memref<64xi32, #tpu.memory_space<vmem>>
      %dma_wait3A_292 = arith.constant 0 : i32
      %dma_wait3A_293 = arith.constant 0 : i32
      %dma_wait3A_294 = tpu.memref_slice %arg2[%dma_wait3A_292, %dma_wait3A_293] : memref<10240x128xf32, #tpu.memory_space<hbm>> -> memref<10240x128xf32, #tpu.memory_space<hbm>>
      tpu.wait_indirect_dma semaphore(%arg20 : memref<!tpu.dma_semaphore, #tpu.memory_space<semaphore_mem>>) src(%dma_wait3A_294 : memref<10240x128xf32, #tpu.memory_space<hbm>>) dst(%arg14 : memref<64x128xf32, #tpu.memory_space<vmem>>)
      %get3A_295 = arith.constant 1920 : index
      %get3A_296 = tpu.vector_load %arg11[%get3A_295] {strides = array<i32>} : memref<2048xi32, #tpu.memory_space<vmem>>, vector<16xi32>,
      %swap3A_297 = arith.constant 0 : index
      %swap3A_298 = tpu.vector_load %arg16[%swap3A_297] {strides = array<i32>} : memref<64xi32, #tpu.memory_space<vmem>>, vector<16xi32>,
      tpu.vector_store %arg16[%swap3A_297], %get3A_296 {strides = array<i32>} : memref<64xi32, #tpu.memory_space<vmem>>, vector<16xi32>,
      %and3A_299 = arith.constant 127 : i32
      %and3A_300 = vector.broadcast %and3A_299 : i32 to vector<16xi32>
      %and3A_301 = arith.andi %get3A_296, %and3A_300 : vector<16xi32>
      %add3A_302 = arith.constant 0 : i32
      %add3A_303 = vector.broadcast %add3A_302 : i32 to vector<16xi32>
      %add3A_304 = arith.addi %iota3A, %add3A_303 : vector<16xi32>
      tpu.vector_store_idx %arg24[%add3A_304, %and3A_301], %broadcast_in_dim3A_1 : memref<64x128xf32, #tpu.memory_space<vmem>>[vector<16xi32>, vector<16xi32>], vector<16xf32>,
      %shift_right_logical3A_305 = arith.constant 7 : i32
      %shift_right_logical3A_306 = vector.broadcast %shift_right_logical3A_305 : i32 to vector<16xi32>
      %shift_right_logical3A_307 = arith.shrui %get3A_296, %shift_right_logical3A_306 : vector<16xi32>
      %swap3A_308 = arith.constant 0 : index
      %swap3A_309 = tpu.vector_load %arg25[%swap3A_308] {strides = array<i32>} : memref<64xi32, #tpu.memory_space<vmem>>, vector<16xi32>,
      tpu.vector_store %arg25[%swap3A_308], %shift_right_logical3A_307 {strides = array<i32>} : memref<64xi32, #tpu.memory_space<vmem>>, vector<16xi32>,
      %get3A_310 = arith.constant 1936 : index
      %get3A_311 = tpu.vector_load %arg11[%get3A_310] {strides = array<i32>} : memref<2048xi32, #tpu.memory_space<vmem>>, vector<16xi32>,
      %swap3A_312 = arith.constant 16 : index
      %swap3A_313 = tpu.vector_load %arg16[%swap3A_312] {strides = array<i32>} : memref<64xi32, #tpu.memory_space<vmem>>, vector<16xi32>,
      tpu.vector_store %arg16[%swap3A_312], %get3A_311 {strides = array<i32>} : memref<64xi32, #tpu.memory_space<vmem>>, vector<16xi32>,
      %and3A_314 = arith.constant 127 : i32
      %and3A_315 = vector.broadcast %and3A_314 : i32 to vector<16xi32>
      %and3A_316 = arith.andi %get3A_311, %and3A_315 : vector<16xi32>
      %add3A_317 = arith.constant 16 : i32
      %add3A_318 = vector.broadcast %add3A_317 : i32 to vector<16xi32>
      %add3A_319 = arith.addi %iota3A, %add3A_318 : vector<16xi32>
      tpu.vector_store_idx %arg24[%add3A_319, %and3A_316], %broadcast_in_dim3A_1 : memref<64x128xf32, #tpu.memory_space<vmem>>[vector<16xi32>, vector<16xi32>], vector<16xf32>,
      %shift_right_logical3A_320 = arith.constant 7 : i32
      %shift_right_logical3A_321 = vector.broadcast %shift_right_logical3A_320 : i32 to vector<16xi32>
      %shift_right_logical3A_322 = arith.shrui %get3A_311, %shift_right_logical3A_321 : vector<16xi32>
      %swap3A_323 = arith.constant 16 : index
      %swap3A_324 = tpu.vector_load %arg25[%swap3A_323] {strides = array<i32>} : memref<64xi32, #tpu.memory_space<vmem>>, vector<16xi32>,
      tpu.vector_store %arg25[%swap3A_323], %shift_right_logical3A_322 {strides = array<i32>} : memref<64xi32, #tpu.memory_space<vmem>>, vector<16xi32>,
      %get3A_325 = arith.constant 1952 : index
      %get3A_326 = tpu.vector_load %arg11[%get3A_325] {strides = array<i32>} : memref<2048xi32, #tpu.memory_space<vmem>>, vector<16xi32>,
      %swap3A_327 = arith.constant 32 : index
      %swap3A_328 = tpu.vector_load %arg16[%swap3A_327] {strides = array<i32>} : memref<64xi32, #tpu.memory_space<vmem>>, vector<16xi32>,
      tpu.vector_store %arg16[%swap3A_327], %get3A_326 {strides = array<i32>} : memref<64xi32, #tpu.memory_space<vmem>>, vector<16xi32>,
      %and3A_329 = arith.constant 127 : i32
      %and3A_330 = vector.broadcast %and3A_329 : i32 to vector<16xi32>
      %and3A_331 = arith.andi %get3A_326, %and3A_330 : vector<16xi32>
      %add3A_332 = arith.constant 32 : i32
      %add3A_333 = vector.broadcast %add3A_332 : i32 to vector<16xi32>
      %add3A_334 = arith.addi %iota3A, %add3A_333 : vector<16xi32>
      tpu.vector_store_idx %arg24[%add3A_334, %and3A_331], %broadcast_in_dim3A_1 : memref<64x128xf32, #tpu.memory_space<vmem>>[vector<16xi32>, vector<16xi32>], vector<16xf32>,
      %shift_right_logical3A_335 = arith.constant 7 : i32
      %shift_right_logical3A_336 = vector.broadcast %shift_right_logical3A_335 : i32 to vector<16xi32>
      %shift_right_logical3A_337 = arith.shrui %get3A_326, %shift_right_logical3A_336 : vector<16xi32>
      %swap3A_338 = arith.constant 32 : index
      %swap3A_339 = tpu.vector_load %arg25[%swap3A_338] {strides = array<i32>} : memref<64xi32, #tpu.memory_space<vmem>>, vector<16xi32>,
      tpu.vector_store %arg25[%swap3A_338], %shift_right_logical3A_337 {strides = array<i32>} : memref<64xi32, #tpu.memory_space<vmem>>, vector<16xi32>,
      %get3A_340 = arith.constant 1968 : index
      %get3A_341 = tpu.vector_load %arg11[%get3A_340] {strides = array<i32>} : memref<2048xi32, #tpu.memory_space<vmem>>, vector<16xi32>,
      %swap3A_342 = arith.constant 48 : index
      %swap3A_343 = tpu.vector_load %arg16[%swap3A_342] {strides = array<i32>} : memref<64xi32, #tpu.memory_space<vmem>>, vector<16xi32>,
      tpu.vector_store %arg16[%swap3A_342], %get3A_341 {strides = array<i32>} : memref<64xi32, #tpu.memory_space<vmem>>, vector<16xi32>,
      %and3A_344 = arith.constant 127 : i32
      %and3A_345 = vector.broadcast %and3A_344 : i32 to vector<16xi32>
      %and3A_346 = arith.andi %get3A_341, %and3A_345 : vector<16xi32>
      %add3A_347 = arith.constant 48 : i32
      %add3A_348 = vector.broadcast %add3A_347 : i32 to vector<16xi32>
      %add3A_349 = arith.addi %iota3A, %add3A_348 : vector<16xi32>
      tpu.vector_store_idx %arg24[%add3A_349, %and3A_346], %broadcast_in_dim3A_1 : memref<64x128xf32, #tpu.memory_space<vmem>>[vector<16xi32>, vector<16xi32>], vector<16xf32>,
      %shift_right_logical3A_350 = arith.constant 7 : i32
      %shift_right_logical3A_351 = vector.broadcast %shift_right_logical3A_350 : i32 to vector<16xi32>
      %shift_right_logical3A_352 = arith.shrui %get3A_341, %shift_right_logical3A_351 : vector<16xi32>
      %swap3A_353 = arith.constant 48 : index
      %swap3A_354 = tpu.vector_load %arg25[%swap3A_353] {strides = array<i32>} : memref<64xi32, #tpu.memory_space<vmem>>, vector<16xi32>,
      tpu.vector_store %arg25[%swap3A_353], %shift_right_logical3A_352 {strides = array<i32>} : memref<64xi32, #tpu.memory_space<vmem>>, vector<16xi32>,
      %dma_wait3A_355 = arith.constant 0 : i32
      %dma_wait3A_356 = arith.constant 0 : i32
      %dma_wait3A_357 = tpu.memref_slice %arg9[%dma_wait3A_355, %dma_wait3A_356] : memref<10240x128xf32, #tpu.memory_space<vmem_shared>> -> memref<10240x128xf32, #tpu.memory_space<vmem_shared>>
      tpu.wait_indirect_dma semaphore(%arg22 : memref<!tpu.dma_semaphore, #tpu.memory_space<semaphore_mem>>) src(%arg12 : memref<64x128xf32, #tpu.memory_space<vmem>>) dst(%dma_wait3A_357 : memref<10240x128xf32, #tpu.memory_space<vmem_shared>>)
      %dma_start3A_358 = arith.constant 0 : i32
      %dma_start3A_359 = arith.constant 0 : i32
      %dma_start3A_360 = tpu.memref_slice %arg9[%dma_start3A_358, %dma_start3A_359] : memref<10240x128xf32, #tpu.memory_space<vmem_shared>> -> memref<10240x128xf32, #tpu.memory_space<vmem_shared>>
      tpu.enqueue_indirect_dma source(%arg14 : memref<64x128xf32, #tpu.memory_space<vmem>>) target(%dma_start3A_360 : memref<10240x128xf32, #tpu.memory_space<vmem_shared>>) offsets(%arg16 : memref<64xi32, #tpu.memory_space<vmem>>) semaphore(%arg22 : memref<!tpu.dma_semaphore, #tpu.memory_space<semaphore_mem>>) {add = true}
      "tpu.region"() ({
        %run_scoped3A = tpu.sem_alloc : memref<!tpu.dma_semaphore, #tpu.memory_space<semaphore_mem>>
        %dma_start3A_496 = arith.constant 0 : i32
        %dma_start3A_497 = arith.constant 0 : i32
        %dma_start3A_498 = tpu.memref_slice %arg23[%dma_start3A_496, %dma_start3A_497] : memref<80x128xf32, #tpu.memory_space<vmem_shared>> -> memref<80x128xf32, #tpu.memory_space<vmem_shared>>
        tpu.enqueue_indirect_dma source(%arg24 : memref<64x128xf32, #tpu.memory_space<vmem>>) target(%dma_start3A_498 : memref<80x128xf32, #tpu.memory_space<vmem_shared>>) offsets(%arg25 : memref<64xi32, #tpu.memory_space<vmem>>) semaphore(%run_scoped3A : memref<!tpu.dma_semaphore, #tpu.memory_space<semaphore_mem>>) {add = true}
        %dma_wait3A_499 = arith.constant 0 : i32
        %dma_wait3A_500 = arith.constant 0 : i32
        %dma_wait3A_501 = tpu.memref_slice %arg23[%dma_wait3A_499, %dma_wait3A_500] : memref<80x128xf32, #tpu.memory_space<vmem_shared>> -> memref<80x128xf32, #tpu.memory_space<vmem_shared>>
        tpu.wait_indirect_dma semaphore(%run_scoped3A : memref<!tpu.dma_semaphore, #tpu.memory_space<semaphore_mem>>) src(%arg24 : memref<64x128xf32, #tpu.memory_space<vmem>>) dst(%dma_wait3A_501 : memref<80x128xf32, #tpu.memory_space<vmem_shared>>)
        tpu.yield
      }) : () -> ()
      %get3A_361 = arith.constant 1920 : index
      %get3A_362 = tpu.vector_load %arg11[%get3A_361] {strides = array<i32>} : memref<2048xi32, #tpu.memory_space<vmem>>, vector<16xi32>,
      %and3A_363 = arith.constant 127 : i32
      %and3A_364 = vector.broadcast %and3A_363 : i32 to vector<16xi32>
      %and3A_365 = arith.andi %get3A_362, %and3A_364 : vector<16xi32>
      %add3A_366 = arith.constant 0 : i32
      %add3A_367 = vector.broadcast %add3A_366 : i32 to vector<16xi32>
      %add3A_368 = arith.addi %iota3A, %add3A_367 : vector<16xi32>
      tpu.vector_store_idx %arg24[%add3A_368, %and3A_365], %broadcast_in_dim3A_3 : memref<64x128xf32, #tpu.memory_space<vmem>>[vector<16xi32>, vector<16xi32>], vector<16xf32>,
      %get3A_369 = arith.constant 1936 : index
      %get3A_370 = tpu.vector_load %arg11[%get3A_369] {strides = array<i32>} : memref<2048xi32, #tpu.memory_space<vmem>>, vector<16xi32>,
      %and3A_371 = arith.constant 127 : i32
      %and3A_372 = vector.broadcast %and3A_371 : i32 to vector<16xi32>
      %and3A_373 = arith.andi %get3A_370, %and3A_372 : vector<16xi32>
      %add3A_374 = arith.constant 16 : i32
      %add3A_375 = vector.broadcast %add3A_374 : i32 to vector<16xi32>
      %add3A_376 = arith.addi %iota3A, %add3A_375 : vector<16xi32>
      tpu.vector_store_idx %arg24[%add3A_376, %and3A_373], %broadcast_in_dim3A_3 : memref<64x128xf32, #tpu.memory_space<vmem>>[vector<16xi32>, vector<16xi32>], vector<16xf32>,
      %get3A_377 = arith.constant 1952 : index
      %get3A_378 = tpu.vector_load %arg11[%get3A_377] {strides = array<i32>} : memref<2048xi32, #tpu.memory_space<vmem>>, vector<16xi32>,
      %and3A_379 = arith.constant 127 : i32
      %and3A_380 = vector.broadcast %and3A_379 : i32 to vector<16xi32>
      %and3A_381 = arith.andi %get3A_378, %and3A_380 : vector<16xi32>
      %add3A_382 = arith.constant 32 : i32
      %add3A_383 = vector.broadcast %add3A_382 : i32 to vector<16xi32>
      %add3A_384 = arith.addi %iota3A, %add3A_383 : vector<16xi32>
      tpu.vector_store_idx %arg24[%add3A_384, %and3A_381], %broadcast_in_dim3A_3 : memref<64x128xf32, #tpu.memory_space<vmem>>[vector<16xi32>, vector<16xi32>], vector<16xf32>,
      %get3A_385 = arith.constant 1968 : index
      %get3A_386 = tpu.vector_load %arg11[%get3A_385] {strides = array<i32>} : memref<2048xi32, #tpu.memory_space<vmem>>, vector<16xi32>,
      %and3A_387 = arith.constant 127 : i32
      %and3A_388 = vector.broadcast %and3A_387 : i32 to vector<16xi32>
      %and3A_389 = arith.andi %get3A_386, %and3A_388 : vector<16xi32>
      %add3A_390 = arith.constant 48 : i32
      %add3A_391 = vector.broadcast %add3A_390 : i32 to vector<16xi32>
      %add3A_392 = arith.addi %iota3A, %add3A_391 : vector<16xi32>
      tpu.vector_store_idx %arg24[%add3A_392, %and3A_389], %broadcast_in_dim3A_3 : memref<64x128xf32, #tpu.memory_space<vmem>>[vector<16xi32>, vector<16xi32>], vector<16xf32>,
      %dma_wait3A_393 = arith.constant 0 : i32
      %dma_wait3A_394 = tpu.memref_slice %arg10[%dma_wait3A_393] : memref<2048xi32, #tpu.memory_space<vmem>> -> memref<64xi32, #tpu.memory_space<vmem>>
      %dma_wait3A_395 = arith.constant 0 : i32
      %dma_wait3A_396 = arith.constant 0 : i32
      %dma_wait3A_397 = tpu.memref_slice %arg2[%dma_wait3A_395, %dma_wait3A_396] : memref<10240x128xf32, #tpu.memory_space<hbm>> -> memref<10240x128xf32, #tpu.memory_space<hbm>>
      tpu.wait_indirect_dma semaphore(%arg21 : memref<!tpu.dma_semaphore, #tpu.memory_space<semaphore_mem>>) src(%dma_wait3A_397 : memref<10240x128xf32, #tpu.memory_space<hbm>>) dst(%arg15 : memref<64x128xf32, #tpu.memory_space<vmem>>)
      %get3A_398 = arith.constant 1984 : index
      %get3A_399 = tpu.vector_load %arg11[%get3A_398] {strides = array<i32>} : memref<2048xi32, #tpu.memory_space<vmem>>, vector<16xi32>,
      %swap3A_400 = arith.constant 0 : index
      %swap3A_401 = tpu.vector_load %arg17[%swap3A_400] {strides = array<i32>} : memref<64xi32, #tpu.memory_space<vmem>>, vector<16xi32>,
      tpu.vector_store %arg17[%swap3A_400], %get3A_399 {strides = array<i32>} : memref<64xi32, #tpu.memory_space<vmem>>, vector<16xi32>,
      %and3A_402 = arith.constant 127 : i32
      %and3A_403 = vector.broadcast %and3A_402 : i32 to vector<16xi32>
      %and3A_404 = arith.andi %get3A_399, %and3A_403 : vector<16xi32>
      %add3A_405 = arith.constant 0 : i32
      %add3A_406 = vector.broadcast %add3A_405 : i32 to vector<16xi32>
      %add3A_407 = arith.addi %iota3A, %add3A_406 : vector<16xi32>
      tpu.vector_store_idx %arg24[%add3A_407, %and3A_404], %broadcast_in_dim3A_1 : memref<64x128xf32, #tpu.memory_space<vmem>>[vector<16xi32>, vector<16xi32>], vector<16xf32>,
      %shift_right_logical3A_408 = arith.constant 7 : i32
      %shift_right_logical3A_409 = vector.broadcast %shift_right_logical3A_408 : i32 to vector<16xi32>
      %shift_right_logical3A_410 = arith.shrui %get3A_399, %shift_right_logical3A_409 : vector<16xi32>
      %swap3A_411 = arith.constant 0 : index
      %swap3A_412 = tpu.vector_load %arg25[%swap3A_411] {strides = array<i32>} : memref<64xi32, #tpu.memory_space<vmem>>, vector<16xi32>,
      tpu.vector_store %arg25[%swap3A_411], %shift_right_logical3A_410 {strides = array<i32>} : memref<64xi32, #tpu.memory_space<vmem>>, vector<16xi32>,
      %get3A_413 = arith.constant 2000 : index
      %get3A_414 = tpu.vector_load %arg11[%get3A_413] {strides = array<i32>} : memref<2048xi32, #tpu.memory_space<vmem>>, vector<16xi32>,
      %swap3A_415 = arith.constant 16 : index
      %swap3A_416 = tpu.vector_load %arg17[%swap3A_415] {strides = array<i32>} : memref<64xi32, #tpu.memory_space<vmem>>, vector<16xi32>,
      tpu.vector_store %arg17[%swap3A_415], %get3A_414 {strides = array<i32>} : memref<64xi32, #tpu.memory_space<vmem>>, vector<16xi32>,
      %and3A_417 = arith.constant 127 : i32
      %and3A_418 = vector.broadcast %and3A_417 : i32 to vector<16xi32>
      %and3A_419 = arith.andi %get3A_414, %and3A_418 : vector<16xi32>
      %add3A_420 = arith.constant 16 : i32
      %add3A_421 = vector.broadcast %add3A_420 : i32 to vector<16xi32>
      %add3A_422 = arith.addi %iota3A, %add3A_421 : vector<16xi32>
      tpu.vector_store_idx %arg24[%add3A_422, %and3A_419], %broadcast_in_dim3A_1 : memref<64x128xf32, #tpu.memory_space<vmem>>[vector<16xi32>, vector<16xi32>], vector<16xf32>,
      %shift_right_logical3A_423 = arith.constant 7 : i32
      %shift_right_logical3A_424 = vector.broadcast %shift_right_logical3A_423 : i32 to vector<16xi32>
      %shift_right_logical3A_425 = arith.shrui %get3A_414, %shift_right_logical3A_424 : vector<16xi32>
      %swap3A_426 = arith.constant 16 : index
      %swap3A_427 = tpu.vector_load %arg25[%swap3A_426] {strides = array<i32>} : memref<64xi32, #tpu.memory_space<vmem>>, vector<16xi32>,
      tpu.vector_store %arg25[%swap3A_426], %shift_right_logical3A_425 {strides = array<i32>} : memref<64xi32, #tpu.memory_space<vmem>>, vector<16xi32>,
      %get3A_428 = arith.constant 2016 : index
      %get3A_429 = tpu.vector_load %arg11[%get3A_428] {strides = array<i32>} : memref<2048xi32, #tpu.memory_space<vmem>>, vector<16xi32>,
      %swap3A_430 = arith.constant 32 : index
      %swap3A_431 = tpu.vector_load %arg17[%swap3A_430] {strides = array<i32>} : memref<64xi32, #tpu.memory_space<vmem>>, vector<16xi32>,
      tpu.vector_store %arg17[%swap3A_430], %get3A_429 {strides = array<i32>} : memref<64xi32, #tpu.memory_space<vmem>>, vector<16xi32>,
      %and3A_432 = arith.constant 127 : i32
      %and3A_433 = vector.broadcast %and3A_432 : i32 to vector<16xi32>
      %and3A_434 = arith.andi %get3A_429, %and3A_433 : vector<16xi32>
      %add3A_435 = arith.constant 32 : i32
      %add3A_436 = vector.broadcast %add3A_435 : i32 to vector<16xi32>
      %add3A_437 = arith.addi %iota3A, %add3A_436 : vector<16xi32>
      tpu.vector_store_idx %arg24[%add3A_437, %and3A_434], %broadcast_in_dim3A_1 : memref<64x128xf32, #tpu.memory_space<vmem>>[vector<16xi32>, vector<16xi32>], vector<16xf32>,
      %shift_right_logical3A_438 = arith.constant 7 : i32
      %shift_right_logical3A_439 = vector.broadcast %shift_right_logical3A_438 : i32 to vector<16xi32>
      %shift_right_logical3A_440 = arith.shrui %get3A_429, %shift_right_logical3A_439 : vector<16xi32>
      %swap3A_441 = arith.constant 32 : index
      %swap3A_442 = tpu.vector_load %arg25[%swap3A_441] {strides = array<i32>} : memref<64xi32, #tpu.memory_space<vmem>>, vector<16xi32>,
      tpu.vector_store %arg25[%swap3A_441], %shift_right_logical3A_440 {strides = array<i32>} : memref<64xi32, #tpu.memory_space<vmem>>, vector<16xi32>,
      %get3A_443 = arith.constant 2032 : index
      %get3A_444 = tpu.vector_load %arg11[%get3A_443] {strides = array<i32>} : memref<2048xi32, #tpu.memory_space<vmem>>, vector<16xi32>,
      %swap3A_445 = arith.constant 48 : index
      %swap3A_446 = tpu.vector_load %arg17[%swap3A_445] {strides = array<i32>} : memref<64xi32, #tpu.memory_space<vmem>>, vector<16xi32>,
      tpu.vector_store %arg17[%swap3A_445], %get3A_444 {strides = array<i32>} : memref<64xi32, #tpu.memory_space<vmem>>, vector<16xi32>,
      %and3A_447 = arith.constant 127 : i32
      %and3A_448 = vector.broadcast %and3A_447 : i32 to vector<16xi32>
      %and3A_449 = arith.andi %get3A_444, %and3A_448 : vector<16xi32>
      %add3A_450 = arith.constant 48 : i32
      %add3A_451 = vector.broadcast %add3A_450 : i32 to vector<16xi32>
      %add3A_452 = arith.addi %iota3A, %add3A_451 : vector<16xi32>
      tpu.vector_store_idx %arg24[%add3A_452, %and3A_449], %broadcast_in_dim3A_1 : memref<64x128xf32, #tpu.memory_space<vmem>>[vector<16xi32>, vector<16xi32>], vector<16xf32>,
      %shift_right_logical3A_453 = arith.constant 7 : i32
      %shift_right_logical3A_454 = vector.broadcast %shift_right_logical3A_453 : i32 to vector<16xi32>
      %shift_right_logical3A_455 = arith.shrui %get3A_444, %shift_right_logical3A_454 : vector<16xi32>
      %swap3A_456 = arith.constant 48 : index
      %swap3A_457 = tpu.vector_load %arg25[%swap3A_456] {strides = array<i32>} : memref<64xi32, #tpu.memory_space<vmem>>, vector<16xi32>,
      tpu.vector_store %arg25[%swap3A_456], %shift_right_logical3A_455 {strides = array<i32>} : memref<64xi32, #tpu.memory_space<vmem>>, vector<16xi32>,
      %dma_wait3A_458 = arith.constant 0 : i32
      %dma_wait3A_459 = arith.constant 0 : i32
      %dma_wait3A_460 = tpu.memref_slice %arg9[%dma_wait3A_458, %dma_wait3A_459] : memref<10240x128xf32, #tpu.memory_space<vmem_shared>> -> memref<10240x128xf32, #tpu.memory_space<vmem_shared>>
      tpu.wait_indirect_dma semaphore(%arg22 : memref<!tpu.dma_semaphore, #tpu.memory_space<semaphore_mem>>) src(%arg12 : memref<64x128xf32, #tpu.memory_space<vmem>>) dst(%dma_wait3A_460 : memref<10240x128xf32, #tpu.memory_space<vmem_shared>>)
      %dma_start3A_461 = arith.constant 0 : i32
      %dma_start3A_462 = arith.constant 0 : i32
      %dma_start3A_463 = tpu.memref_slice %arg9[%dma_start3A_461, %dma_start3A_462] : memref<10240x128xf32, #tpu.memory_space<vmem_shared>> -> memref<10240x128xf32, #tpu.memory_space<vmem_shared>>
      tpu.enqueue_indirect_dma source(%arg15 : memref<64x128xf32, #tpu.memory_space<vmem>>) target(%dma_start3A_463 : memref<10240x128xf32, #tpu.memory_space<vmem_shared>>) offsets(%arg17 : memref<64xi32, #tpu.memory_space<vmem>>) semaphore(%arg22 : memref<!tpu.dma_semaphore, #tpu.memory_space<semaphore_mem>>) {add = true}
      "tpu.region"() ({
        %run_scoped3A = tpu.sem_alloc : memref<!tpu.dma_semaphore, #tpu.memory_space<semaphore_mem>>
        %dma_start3A_496 = arith.constant 0 : i32
        %dma_start3A_497 = arith.constant 0 : i32
        %dma_start3A_498 = tpu.memref_slice %arg23[%dma_start3A_496, %dma_start3A_497] : memref<80x128xf32, #tpu.memory_space<vmem_shared>> -> memref<80x128xf32, #tpu.memory_space<vmem_shared>>
        tpu.enqueue_indirect_dma source(%arg24 : memref<64x128xf32, #tpu.memory_space<vmem>>) target(%dma_start3A_498 : memref<80x128xf32, #tpu.memory_space<vmem_shared>>) offsets(%arg25 : memref<64xi32, #tpu.memory_space<vmem>>) semaphore(%run_scoped3A : memref<!tpu.dma_semaphore, #tpu.memory_space<semaphore_mem>>) {add = true}
        %dma_wait3A_499 = arith.constant 0 : i32
        %dma_wait3A_500 = arith.constant 0 : i32
        %dma_wait3A_501 = tpu.memref_slice %arg23[%dma_wait3A_499, %dma_wait3A_500] : memref<80x128xf32, #tpu.memory_space<vmem_shared>> -> memref<80x128xf32, #tpu.memory_space<vmem_shared>>
        tpu.wait_indirect_dma semaphore(%run_scoped3A : memref<!tpu.dma_semaphore, #tpu.memory_space<semaphore_mem>>) src(%arg24 : memref<64x128xf32, #tpu.memory_space<vmem>>) dst(%dma_wait3A_501 : memref<80x128xf32, #tpu.memory_space<vmem_shared>>)
        tpu.yield
      }) : () -> ()
      %get3A_464 = arith.constant 1984 : index
      %get3A_465 = tpu.vector_load %arg11[%get3A_464] {strides = array<i32>} : memref<2048xi32, #tpu.memory_space<vmem>>, vector<16xi32>,
      %and3A_466 = arith.constant 127 : i32
      %and3A_467 = vector.broadcast %and3A_466 : i32 to vector<16xi32>
      %and3A_468 = arith.andi %get3A_465, %and3A_467 : vector<16xi32>
      %add3A_469 = arith.constant 0 : i32
      %add3A_470 = vector.broadcast %add3A_469 : i32 to vector<16xi32>
      %add3A_471 = arith.addi %iota3A, %add3A_470 : vector<16xi32>
      tpu.vector_store_idx %arg24[%add3A_471, %and3A_468], %broadcast_in_dim3A_3 : memref<64x128xf32, #tpu.memory_space<vmem>>[vector<16xi32>, vector<16xi32>], vector<16xf32>,
      %get3A_472 = arith.constant 2000 : index
      %get3A_473 = tpu.vector_load %arg11[%get3A_472] {strides = array<i32>} : memref<2048xi32, #tpu.memory_space<vmem>>, vector<16xi32>,
      %and3A_474 = arith.constant 127 : i32
      %and3A_475 = vector.broadcast %and3A_474 : i32 to vector<16xi32>
      %and3A_476 = arith.andi %get3A_473, %and3A_475 : vector<16xi32>
      %add3A_477 = arith.constant 16 : i32
      %add3A_478 = vector.broadcast %add3A_477 : i32 to vector<16xi32>
      %add3A_479 = arith.addi %iota3A, %add3A_478 : vector<16xi32>
      tpu.vector_store_idx %arg24[%add3A_479, %and3A_476], %broadcast_in_dim3A_3 : memref<64x128xf32, #tpu.memory_space<vmem>>[vector<16xi32>, vector<16xi32>], vector<16xf32>,
      %get3A_480 = arith.constant 2016 : index
      %get3A_481 = tpu.vector_load %arg11[%get3A_480] {strides = array<i32>} : memref<2048xi32, #tpu.memory_space<vmem>>, vector<16xi32>,
      %and3A_482 = arith.constant 127 : i32
      %and3A_483 = vector.broadcast %and3A_482 : i32 to vector<16xi32>
      %and3A_484 = arith.andi %get3A_481, %and3A_483 : vector<16xi32>
      %add3A_485 = arith.constant 32 : i32
      %add3A_486 = vector.broadcast %add3A_485 : i32 to vector<16xi32>
      %add3A_487 = arith.addi %iota3A, %add3A_486 : vector<16xi32>
      tpu.vector_store_idx %arg24[%add3A_487, %and3A_484], %broadcast_in_dim3A_3 : memref<64x128xf32, #tpu.memory_space<vmem>>[vector<16xi32>, vector<16xi32>], vector<16xf32>,
      %get3A_488 = arith.constant 2032 : index
      %get3A_489 = tpu.vector_load %arg11[%get3A_488] {strides = array<i32>} : memref<2048xi32, #tpu.memory_space<vmem>>, vector<16xi32>,
      %and3A_490 = arith.constant 127 : i32
      %and3A_491 = vector.broadcast %and3A_490 : i32 to vector<16xi32>
      %and3A_492 = arith.andi %get3A_489, %and3A_491 : vector<16xi32>
      %add3A_493 = arith.constant 48 : i32
      %add3A_494 = vector.broadcast %add3A_493 : i32 to vector<16xi32>
      %add3A_495 = arith.addi %iota3A, %add3A_494 : vector<16xi32>
      tpu.vector_store_idx %arg24[%add3A_495, %and3A_492], %broadcast_in_dim3A_3 : memref<64x128xf32, #tpu.memory_space<vmem>>[vector<16xi32>, vector<16xi32>], vector<16xf32>,
    }
    %dma_wait3A = arith.constant 0 : i32
    %dma_wait3A_41 = arith.constant 0 : i32
    %dma_wait3A_42 = tpu.memref_slice %arg9[%dma_wait3A, %dma_wait3A_41] : memref<10240x128xf32, #tpu.memory_space<vmem_shared>> -> memref<10240x128xf32, #tpu.memory_space<vmem_shared>>
    tpu.wait_indirect_dma semaphore(%arg22 : memref<!tpu.dma_semaphore, #tpu.memory_space<semaphore_mem>>) src(%arg12 : memref<64x128xf32, #tpu.memory_space<vmem>>) dst(%dma_wait3A_42 : memref<10240x128xf32, #tpu.memory_space<vmem_shared>>)
    %barrier3A_43 = arith.constant 0 : index
    tpu.barrier barrier_id(%barrier3A_43)
    %mul3A_44 = arith.constant 10240 : i32
    %mul3A_45 = arith.muli %arg0, %mul3A_44 : i32
    %add3A_46 = arith.addi %mul3A_45, %mul3A_5 : i32
    %scan3A_47 = arith.constant 0 : i32
    %scan3A_48 = arith.constant 10 : i32
    %scan3A_49 = arith.addi %scan3A_47, %scan3A_48 : i32
    %scan3A_50 = arith.constant 1 : i32
    scf.for %scan3A_57 = %scan3A_47 to %scan3A_49 step %scan3A_50  : i32 {
      %mul3A_58 = arith.constant 64 : i32
      %mul3A_59 = arith.muli %scan3A_57, %mul3A_58 : i32
      %add3A_60 = arith.constant 0 : i32
      %add3A_61 = arith.addi %add3A_60, %mul3A_59 : i32
      %add3A_62 = arith.addi %mul3A_5, %add3A_61 : i32
      %add3A_63 = arith.addi %add3A_46, %add3A_61 : i32
      "tpu.region"() ({
        %run_scoped3A = tpu.sem_alloc : memref<!tpu.dma_semaphore, #tpu.memory_space<semaphore_mem>>
        %dma_start3A_64 = arith.constant 0 : i32
        %dma_start3A_65 = tpu.memref_slice %arg7[%add3A_63, %dma_start3A_64] : memref<20480x128xf32, #tpu.memory_space<hbm>> -> memref<64x128xf32, #tpu.memory_space<hbm>>
        %dma_start3A_66 = arith.constant 0 : i32
        %dma_start3A_67 = tpu.memref_slice %arg9[%add3A_62, %dma_start3A_66] : memref<10240x128xf32, #tpu.memory_space<vmem_shared>> -> memref<64x128xf32, #tpu.memory_space<vmem_shared>>
        tpu.enqueue_dma source(%dma_start3A_67 : memref<64x128xf32, #tpu.memory_space<vmem_shared>>) target(%dma_start3A_65 : memref<64x128xf32, #tpu.memory_space<hbm>>) target_semaphore(%run_scoped3A : memref<!tpu.dma_semaphore, #tpu.memory_space<semaphore_mem>>)
        %dma_wait3A_68 = arith.constant 0 : i32
        %dma_wait3A_69 = tpu.memref_slice %arg7[%add3A_63, %dma_wait3A_68] : memref<20480x128xf32, #tpu.memory_space<hbm>> -> memref<64x128xf32, #tpu.memory_space<hbm>>
        %dma_wait3A_70 = arith.constant 0 : i32
        %dma_wait3A_71 = tpu.memref_slice %arg9[%add3A_62, %dma_wait3A_70] : memref<10240x128xf32, #tpu.memory_space<vmem_shared>> -> memref<64x128xf32, #tpu.memory_space<vmem_shared>>
        tpu.wait_dma2 semaphore(%run_scoped3A : memref<!tpu.dma_semaphore, #tpu.memory_space<semaphore_mem>>) src(%dma_wait3A_71 : memref<64x128xf32, #tpu.memory_space<vmem_shared>>) dst(%dma_wait3A_69 : memref<64x128xf32, #tpu.memory_space<hbm>>)
        tpu.yield
      }) : () -> ()
    }
    %scan3A_51 = arith.constant 10 : i32
    %lt3A_52 = arith.constant 10 : i32
    %lt3A_53 = arith.cmpi slt, %arg1, %lt3A_52 : i32
    %convert_element_type3A_54 = arith.extui %lt3A_53 : i1 to i32
    %cond3A_55 = arith.constant 0 : i32
    %cond3A_56 = arith.cmpi ne, %convert_element_type3A_54, %cond3A_55 : i32
    scf.if %cond3A_56 {
      %mul3A_57 = arith.constant 8 : i32
      %mul3A_58 = arith.muli %arg1, %mul3A_57 : i32
      %mul3A_59 = arith.constant 80 : i32
      %mul3A_60 = arith.muli %arg0, %mul3A_59 : i32
      %mul3A_61 = arith.constant 8 : i32
      %mul3A_62 = arith.muli %arg1, %mul3A_61 : i32
      %add3A_63 = arith.addi %mul3A_60, %mul3A_62 : i32
      "tpu.region"() ({
        %run_scoped3A = tpu.sem_alloc : memref<!tpu.dma_semaphore, #tpu.memory_space<semaphore_mem>>
        %dma_start3A_64 = arith.constant 0 : i32
        %dma_start3A_65 = tpu.memref_slice %arg8[%add3A_63, %dma_start3A_64] : memref<160x128xf32, #tpu.memory_space<hbm>> -> memref<8x128xf32, #tpu.memory_space<hbm>>
        %dma_start3A_66 = arith.constant 0 : i32
        %dma_start3A_67 = tpu.memref_slice %arg23[%mul3A_58, %dma_start3A_66] : memref<80x128xf32, #tpu.memory_space<vmem_shared>> -> memref<8x128xf32, #tpu.memory_space<vmem_shared>>
        tpu.enqueue_dma source(%dma_start3A_67 : memref<8x128xf32, #tpu.memory_space<vmem_shared>>) target(%dma_start3A_65 : memref<8x128xf32, #tpu.memory_space<hbm>>) target_semaphore(%run_scoped3A : memref<!tpu.dma_semaphore, #tpu.memory_space<semaphore_mem>>)
        %dma_wait3A_68 = arith.constant 0 : i32
        %dma_wait3A_69 = tpu.memref_slice %arg8[%add3A_63, %dma_wait3A_68] : memref<160x128xf32, #tpu.memory_space<hbm>> -> memref<8x128xf32, #tpu.memory_space<hbm>>
        %dma_wait3A_70 = arith.constant 0 : i32
        %dma_wait3A_71 = tpu.memref_slice %arg23[%mul3A_58, %dma_wait3A_70] : memref<80x128xf32, #tpu.memory_space<vmem_shared>> -> memref<8x128xf32, #tpu.memory_space<vmem_shared>>
        tpu.wait_dma2 semaphore(%run_scoped3A : memref<!tpu.dma_semaphore, #tpu.memory_space<semaphore_mem>>) src(%dma_wait3A_71 : memref<8x128xf32, #tpu.memory_space<vmem_shared>>) dst(%dma_wait3A_69 : memref<8x128xf32, #tpu.memory_space<hbm>>)
        tpu.yield
      }) : () -> ()
    } else {
    }
    return
  }
}

module attributes {stable_mosaic.version = 14 : i64} {
  func.func @body(%arg0: i32, %arg1: memref<512x128xf32, #tpu.memory_space<vmem>>, %arg2: memref<512x128xf32, #tpu.memory_space<vmem>>, %arg3: memref<512x1xf32, #tpu.memory_space<vmem>>, %arg4: memref<512x1xf32, #tpu.memory_space<vmem>>, %arg5: memref<512x128xf32, #tpu.memory_space<vmem>>, %arg6: memref<128x128xf32, #tpu.memory_space<vmem>>, %arg7: memref<128x128xf32, #tpu.memory_space<vmem>>, %arg8: memref<1x128xf32, #tpu.memory_space<vmem>>, %arg9: memref<1x128xf32, #tpu.memory_space<vmem>>, %arg10: memref<1x128xf32, #tpu.memory_space<vmem>>, %arg11: memref<512x128xf32, #tpu.memory_space<vmem>>) attributes {dimension_semantics = [#tpu.dimension_semantics<arbitrary>], iteration_bounds = array<i64: 20>, scalar_prefetch = 0 : i64, scratch_operands = 0 : i64, tpu.core_type = #tpu.core_type<tc>, window_params = [{transform_indices = @transform_0, window_bounds = array<i64: 512, 128>}, {transform_indices = @transform_1, window_bounds = array<i64: 512, 128>}, {transform_indices = @transform_2, window_bounds = array<i64: 512, 1>}, {transform_indices = @transform_3, window_bounds = array<i64: 512, 1>}, {transform_indices = @transform_4, window_bounds = array<i64: 512, 128>}, {pipeline_mode = #tpu.pipeline_mode<synchronous>, transform_indices = @transform_5, window_bounds = array<i64: 128, 128>}, {pipeline_mode = #tpu.pipeline_mode<synchronous>, transform_indices = @transform_6, window_bounds = array<i64: 128, 128>}, {pipeline_mode = #tpu.pipeline_mode<synchronous>, transform_indices = @transform_7, window_bounds = array<i64: 1, 128>}, {pipeline_mode = #tpu.pipeline_mode<synchronous>, transform_indices = @transform_8, window_bounds = array<i64: 1, 128>}, {pipeline_mode = #tpu.pipeline_mode<synchronous>, transform_indices = @transform_9, window_bounds = array<i64: 1, 128>}, {transform_indices = @transform_10, window_bounds = array<i64: 512, 128>}]} {
    %get3A = arith.constant 0 : index
    %get3A_0 = arith.constant 0 : index
    %get3A_1 = vector.load %arg1[%get3A, %get3A_0] : memref<512x128xf32, #tpu.memory_space<vmem>>, vector<512x128xf32>
    %get3A_2 = arith.constant 0 : index
    %get3A_3 = arith.constant 0 : index
    %get3A_4 = vector.load %arg2[%get3A_2, %get3A_3] : memref<512x128xf32, #tpu.memory_space<vmem>>, vector<512x128xf32>
    %add3A = arith.addf %get3A_1, %get3A_4 : vector<512x128xf32>
    %get3A_5 = arith.constant 0 : index
    %get3A_6 = arith.constant 0 : index
    %get3A_7 = vector.load %arg3[%get3A_5, %get3A_6] : memref<512x1xf32, #tpu.memory_space<vmem>>, vector<512x1xf32>
    %get3A_8 = arith.constant 0 : index
    %get3A_9 = arith.constant 0 : index
    %get3A_10 = vector.load %arg4[%get3A_8, %get3A_9] : memref<512x1xf32, #tpu.memory_space<vmem>>, vector<512x1xf32>
    %add3A_11 = arith.addf %get3A_7, %get3A_10 : vector<512x1xf32>
    %max3A = arith.constant 1.000000e+00 : f32
    %max3A_12 = vector.broadcast %max3A : f32 to vector<512x1xf32>
    %max3A_13 = arith.maximumf %add3A_11, %max3A_12 : vector<512x1xf32>
    %div3A = vector.broadcast %max3A_13 : vector<512x1xf32> to vector<512x128xf32>
    %div3A_14 = arith.divf %add3A, %div3A : vector<512x128xf32>
    %get3A_15 = arith.constant 0 : index
    %get3A_16 = arith.constant 0 : index
    %get3A_17 = vector.load %arg6[%get3A_15, %get3A_16] : memref<128x128xf32, #tpu.memory_space<vmem>>, vector<128x128xf32>
    %dot_general3A = arith.constant dense<0.000000e+00> : vector<512x128xf32>
    %dot_general3A_18 = tpu.matmul %div3A_14, %get3A_17, %dot_general3A {dimension_numbers = #tpu.dot_dimension_numbers<[1], [1], [0], [0], [0, 0, 1, 0], [], []>, precision = #tpu.contract_precision<fp32>, transpose_lhs_hint = false} : vector<512x128xf32>, vector<128x128xf32>, vector<512x128xf32> -> vector<512x128xf32>
    %get3A_19 = arith.constant 0 : index
    %get3A_20 = arith.constant 0 : index
    %get3A_21 = vector.load %arg5[%get3A_19, %get3A_20] : memref<512x128xf32, #tpu.memory_space<vmem>>, vector<512x128xf32>
    %get3A_22 = arith.constant 0 : index
    %get3A_23 = arith.constant 0 : index
    %get3A_24 = vector.load %arg7[%get3A_22, %get3A_23] : memref<128x128xf32, #tpu.memory_space<vmem>>, vector<128x128xf32>
    %dot_general3A_25 = arith.constant dense<0.000000e+00> : vector<512x128xf32>
    %dot_general3A_26 = tpu.matmul %get3A_21, %get3A_24, %dot_general3A_25 {dimension_numbers = #tpu.dot_dimension_numbers<[1], [1], [0], [0], [0, 0, 1, 0], [], []>, precision = #tpu.contract_precision<fp32>, transpose_lhs_hint = false} : vector<512x128xf32>, vector<128x128xf32>, vector<512x128xf32> -> vector<512x128xf32>
    %add3A_27 = arith.addf %dot_general3A_18, %dot_general3A_26 : vector<512x128xf32>
    %get3A_28 = arith.constant 0 : index
    %get3A_29 = arith.constant 0 : index
    %get3A_30 = vector.load %arg8[%get3A_28, %get3A_29] : memref<1x128xf32, #tpu.memory_space<vmem>>, vector<1x128xf32>
    %add3A_31 = vector.broadcast %get3A_30 : vector<1x128xf32> to vector<512x128xf32>
    %add3A_32 = arith.addf %add3A_27, %add3A_31 : vector<512x128xf32>
    %reduce_sum3A = arith.constant dense<0.000000e+00> : vector<512xf32>
    %reduce_sum3A_33 = vector.multi_reduction <add>, %add3A_32, %reduce_sum3A [1] : vector<512x128xf32> to vector<512xf32>
    %broadcast_in_dim3A = vector.shape_cast %reduce_sum3A_33 : vector<512xf32> to vector<512x1xf32>
    %div3A_34 = arith.constant 1.280000e+02 : f32
    %div3A_35 = vector.broadcast %div3A_34 : f32 to vector<512x1xf32>
    %div3A_36 = arith.divf %broadcast_in_dim3A, %div3A_35 : vector<512x1xf32>
    %sub3A = vector.broadcast %div3A_36 : vector<512x1xf32> to vector<512x128xf32>
    %sub3A_37 = arith.subf %add3A_32, %sub3A : vector<512x128xf32>
    %sub3A_38 = vector.broadcast %div3A_36 : vector<512x1xf32> to vector<512x128xf32>
    %sub3A_39 = arith.subf %add3A_32, %sub3A_38 : vector<512x128xf32>
    %mul3A = arith.mulf %sub3A_37, %sub3A_39 : vector<512x128xf32>
    %reduce_sum3A_40 = arith.constant dense<0.000000e+00> : vector<512xf32>
    %reduce_sum3A_41 = vector.multi_reduction <add>, %mul3A, %reduce_sum3A_40 [1] : vector<512x128xf32> to vector<512xf32>
    %broadcast_in_dim3A_42 = vector.shape_cast %reduce_sum3A_41 : vector<512xf32> to vector<512x1xf32>
    %div3A_43 = arith.constant 1.280000e+02 : f32
    %div3A_44 = vector.broadcast %div3A_43 : f32 to vector<512x1xf32>
    %div3A_45 = arith.divf %broadcast_in_dim3A_42, %div3A_44 : vector<512x1xf32>
    %sub3A_46 = vector.broadcast %div3A_36 : vector<512x1xf32> to vector<512x128xf32>
    %sub3A_47 = arith.subf %add3A_32, %sub3A_46 : vector<512x128xf32>
    %add3A_48 = arith.constant 9.99999974E-6 : f32
    %add3A_49 = vector.broadcast %add3A_48 : f32 to vector<512x1xf32>
    %add3A_50 = arith.addf %div3A_45, %add3A_49 : vector<512x1xf32>
    %rsqrt3A = math.rsqrt %add3A_50 : vector<512x1xf32>
    %mul3A_51 = vector.broadcast %rsqrt3A : vector<512x1xf32> to vector<512x128xf32>
    %mul3A_52 = arith.mulf %sub3A_47, %mul3A_51 : vector<512x128xf32>
    %get3A_53 = arith.constant 0 : index
    %get3A_54 = arith.constant 0 : index
    %get3A_55 = vector.load %arg9[%get3A_53, %get3A_54] : memref<1x128xf32, #tpu.memory_space<vmem>>, vector<1x128xf32>
    %mul3A_56 = vector.broadcast %get3A_55 : vector<1x128xf32> to vector<512x128xf32>
    %mul3A_57 = arith.mulf %mul3A_52, %mul3A_56 : vector<512x128xf32>
    %get3A_58 = arith.constant 0 : index
    %get3A_59 = arith.constant 0 : index
    %get3A_60 = vector.load %arg10[%get3A_58, %get3A_59] : memref<1x128xf32, #tpu.memory_space<vmem>>, vector<1x128xf32>
    %add3A_61 = vector.broadcast %get3A_60 : vector<1x128xf32> to vector<512x128xf32>
    %add3A_62 = arith.addf %mul3A_57, %add3A_61 : vector<512x128xf32>
    %max3A_63 = arith.constant 0.000000e+00 : f32
    %max3A_64 = vector.broadcast %max3A_63 : f32 to vector<512x128xf32>
    %max3A_65 = arith.maximumf %add3A_62, %max3A_64 : vector<512x128xf32>
    %swap3A = arith.constant 0 : index
    %swap3A_66 = arith.constant 0 : index
    %swap3A_67 = vector.load %arg11[%swap3A, %swap3A_66] : memref<512x128xf32, #tpu.memory_space<vmem>>, vector<512x128xf32>
    tpu.vector_store %arg11[%swap3A, %swap3A_66], %max3A_65 {strides = array<i32>} : memref<512x128xf32, #tpu.memory_space<vmem>>, vector<512x128xf32>,
    return
  }
  func.func @transform_0(%arg0: i32) -> (i32, i32) {
    %c0_i32 = arith.constant 0 : i32
    %c0_i32_0 = arith.constant 0 : i32
    return %arg0, %c0_i32 : i32, i32
  }
  func.func @transform_1(%arg0: i32) -> (i32, i32) {
    %add3A = arith.constant 20 : i32
    %add3A_0 = arith.addi %arg0, %add3A : i32
    %c0_i32 = arith.constant 0 : i32
    %c0_i32_1 = arith.constant 0 : i32
    return %add3A_0, %c0_i32 : i32, i32
  }
  func.func @transform_2(%arg0: i32) -> (i32, i32) {
    %c0_i32 = arith.constant 0 : i32
    %c0_i32_0 = arith.constant 0 : i32
    return %arg0, %c0_i32 : i32, i32
  }
  func.func @transform_3(%arg0: i32) -> (i32, i32) {
    %add3A = arith.constant 20 : i32
    %add3A_0 = arith.addi %arg0, %add3A : i32
    %c0_i32 = arith.constant 0 : i32
    %c0_i32_1 = arith.constant 0 : i32
    return %add3A_0, %c0_i32 : i32, i32
  }
  func.func @transform_4(%arg0: i32) -> (i32, i32) {
    %c0_i32 = arith.constant 0 : i32
    %c0_i32_0 = arith.constant 0 : i32
    return %arg0, %c0_i32 : i32, i32
  }
  func.func @transform_5(%arg0: i32) -> (i32, i32) {
    %c0_i32 = arith.constant 0 : i32
    %c0_i32_0 = arith.constant 0 : i32
    %c0_i32_1 = arith.constant 0 : i32
    return %c0_i32, %c0_i32_0 : i32, i32
  }
  func.func @transform_6(%arg0: i32) -> (i32, i32) {
    %c0_i32 = arith.constant 0 : i32
    %c0_i32_0 = arith.constant 0 : i32
    %c0_i32_1 = arith.constant 0 : i32
    return %c0_i32, %c0_i32_0 : i32, i32
  }
  func.func @transform_7(%arg0: i32) -> (i32, i32) {
    %c0_i32 = arith.constant 0 : i32
    %c0_i32_0 = arith.constant 0 : i32
    %c0_i32_1 = arith.constant 0 : i32
    return %c0_i32, %c0_i32_0 : i32, i32
  }
  func.func @transform_8(%arg0: i32) -> (i32, i32) {
    %c0_i32 = arith.constant 0 : i32
    %c0_i32_0 = arith.constant 0 : i32
    %c0_i32_1 = arith.constant 0 : i32
    return %c0_i32, %c0_i32_0 : i32, i32
  }
  func.func @transform_9(%arg0: i32) -> (i32, i32) {
    %c0_i32 = arith.constant 0 : i32
    %c0_i32_0 = arith.constant 0 : i32
    %c0_i32_1 = arith.constant 0 : i32
    return %c0_i32, %c0_i32_0 : i32, i32
  }
  func.func @transform_10(%arg0: i32) -> (i32, i32) {
    %c0_i32 = arith.constant 0 : i32
    %c0_i32_0 = arith.constant 0 : i32
    return %arg0, %c0_i32 : i32, i32
  }
}

module attributes {stable_mosaic.version = 14 : i64} {
  func.func @body(%arg0: i32, %arg1: memref<512x128xf32, #tpu.memory_space<vmem>>, %arg2: memref<512x128xf32, #tpu.memory_space<vmem>>, %arg3: memref<512x1xf32, #tpu.memory_space<vmem>>, %arg4: memref<512x1xf32, #tpu.memory_space<vmem>>, %arg5: memref<512x128xf32, #tpu.memory_space<vmem>>, %arg6: memref<128x128xf32, #tpu.memory_space<vmem>>, %arg7: memref<128x128xf32, #tpu.memory_space<vmem>>, %arg8: memref<1x128xf32, #tpu.memory_space<vmem>>, %arg9: memref<1x128xf32, #tpu.memory_space<vmem>>, %arg10: memref<1x128xf32, #tpu.memory_space<vmem>>, %arg11: memref<128x128xf32, #tpu.memory_space<vmem>>, %arg12: memref<1x128xf32, #tpu.memory_space<vmem>>, %arg13: memref<512x128xf32, #tpu.memory_space<vmem>>) attributes {dimension_semantics = [#tpu.dimension_semantics<arbitrary>], iteration_bounds = array<i64: 20>, scalar_prefetch = 0 : i64, scratch_operands = 0 : i64, tpu.core_type = #tpu.core_type<tc>, window_params = [{transform_indices = @transform_0, window_bounds = array<i64: 512, 128>}, {transform_indices = @transform_1, window_bounds = array<i64: 512, 128>}, {transform_indices = @transform_2, window_bounds = array<i64: 512, 1>}, {transform_indices = @transform_3, window_bounds = array<i64: 512, 1>}, {transform_indices = @transform_4, window_bounds = array<i64: 512, 128>}, {pipeline_mode = #tpu.pipeline_mode<synchronous>, transform_indices = @transform_5, window_bounds = array<i64: 128, 128>}, {pipeline_mode = #tpu.pipeline_mode<synchronous>, transform_indices = @transform_6, window_bounds = array<i64: 128, 128>}, {pipeline_mode = #tpu.pipeline_mode<synchronous>, transform_indices = @transform_7, window_bounds = array<i64: 1, 128>}, {pipeline_mode = #tpu.pipeline_mode<synchronous>, transform_indices = @transform_8, window_bounds = array<i64: 1, 128>}, {pipeline_mode = #tpu.pipeline_mode<synchronous>, transform_indices = @transform_9, window_bounds = array<i64: 1, 128>}, {pipeline_mode = #tpu.pipeline_mode<synchronous>, transform_indices = @transform_10, window_bounds = array<i64: 128, 128>}, {pipeline_mode = #tpu.pipeline_mode<synchronous>, transform_indices = @transform_11, window_bounds = array<i64: 1, 128>}, {transform_indices = @transform_12, window_bounds = array<i64: 512, 128>}]} {
    %get3A = arith.constant 0 : index
    %get3A_0 = arith.constant 0 : index
    %get3A_1 = vector.load %arg1[%get3A, %get3A_0] : memref<512x128xf32, #tpu.memory_space<vmem>>, vector<512x128xf32>
    %get3A_2 = arith.constant 0 : index
    %get3A_3 = arith.constant 0 : index
    %get3A_4 = vector.load %arg2[%get3A_2, %get3A_3] : memref<512x128xf32, #tpu.memory_space<vmem>>, vector<512x128xf32>
    %add3A = arith.addf %get3A_1, %get3A_4 : vector<512x128xf32>
    %get3A_5 = arith.constant 0 : index
    %get3A_6 = arith.constant 0 : index
    %get3A_7 = vector.load %arg3[%get3A_5, %get3A_6] : memref<512x1xf32, #tpu.memory_space<vmem>>, vector<512x1xf32>
    %get3A_8 = arith.constant 0 : index
    %get3A_9 = arith.constant 0 : index
    %get3A_10 = vector.load %arg4[%get3A_8, %get3A_9] : memref<512x1xf32, #tpu.memory_space<vmem>>, vector<512x1xf32>
    %add3A_11 = arith.addf %get3A_7, %get3A_10 : vector<512x1xf32>
    %max3A = arith.constant 1.000000e+00 : f32
    %max3A_12 = vector.broadcast %max3A : f32 to vector<512x1xf32>
    %max3A_13 = arith.maximumf %add3A_11, %max3A_12 : vector<512x1xf32>
    %div3A = vector.broadcast %max3A_13 : vector<512x1xf32> to vector<512x128xf32>
    %div3A_14 = arith.divf %add3A, %div3A : vector<512x128xf32>
    %get3A_15 = arith.constant 0 : index
    %get3A_16 = arith.constant 0 : index
    %get3A_17 = vector.load %arg6[%get3A_15, %get3A_16] : memref<128x128xf32, #tpu.memory_space<vmem>>, vector<128x128xf32>
    %dot_general3A = arith.constant dense<0.000000e+00> : vector<512x128xf32>
    %dot_general3A_18 = tpu.matmul %div3A_14, %get3A_17, %dot_general3A {dimension_numbers = #tpu.dot_dimension_numbers<[1], [1], [0], [0], [0, 0, 1, 0], [], []>, precision = #tpu.contract_precision<fp32>, transpose_lhs_hint = false} : vector<512x128xf32>, vector<128x128xf32>, vector<512x128xf32> -> vector<512x128xf32>
    %get3A_19 = arith.constant 0 : index
    %get3A_20 = arith.constant 0 : index
    %get3A_21 = vector.load %arg5[%get3A_19, %get3A_20] : memref<512x128xf32, #tpu.memory_space<vmem>>, vector<512x128xf32>
    %get3A_22 = arith.constant 0 : index
    %get3A_23 = arith.constant 0 : index
    %get3A_24 = vector.load %arg7[%get3A_22, %get3A_23] : memref<128x128xf32, #tpu.memory_space<vmem>>, vector<128x128xf32>
    %dot_general3A_25 = arith.constant dense<0.000000e+00> : vector<512x128xf32>
    %dot_general3A_26 = tpu.matmul %get3A_21, %get3A_24, %dot_general3A_25 {dimension_numbers = #tpu.dot_dimension_numbers<[1], [1], [0], [0], [0, 0, 1, 0], [], []>, precision = #tpu.contract_precision<fp32>, transpose_lhs_hint = false} : vector<512x128xf32>, vector<128x128xf32>, vector<512x128xf32> -> vector<512x128xf32>
    %add3A_27 = arith.addf %dot_general3A_18, %dot_general3A_26 : vector<512x128xf32>
    %get3A_28 = arith.constant 0 : index
    %get3A_29 = arith.constant 0 : index
    %get3A_30 = vector.load %arg8[%get3A_28, %get3A_29] : memref<1x128xf32, #tpu.memory_space<vmem>>, vector<1x128xf32>
    %add3A_31 = vector.broadcast %get3A_30 : vector<1x128xf32> to vector<512x128xf32>
    %add3A_32 = arith.addf %add3A_27, %add3A_31 : vector<512x128xf32>
    %reduce_sum3A = arith.constant dense<0.000000e+00> : vector<512xf32>
    %reduce_sum3A_33 = vector.multi_reduction <add>, %add3A_32, %reduce_sum3A [1] : vector<512x128xf32> to vector<512xf32>
    %broadcast_in_dim3A = vector.shape_cast %reduce_sum3A_33 : vector<512xf32> to vector<512x1xf32>
    %div3A_34 = arith.constant 1.280000e+02 : f32
    %div3A_35 = vector.broadcast %div3A_34 : f32 to vector<512x1xf32>
    %div3A_36 = arith.divf %broadcast_in_dim3A, %div3A_35 : vector<512x1xf32>
    %sub3A = vector.broadcast %div3A_36 : vector<512x1xf32> to vector<512x128xf32>
    %sub3A_37 = arith.subf %add3A_32, %sub3A : vector<512x128xf32>
    %sub3A_38 = vector.broadcast %div3A_36 : vector<512x1xf32> to vector<512x128xf32>
    %sub3A_39 = arith.subf %add3A_32, %sub3A_38 : vector<512x128xf32>
    %mul3A = arith.mulf %sub3A_37, %sub3A_39 : vector<512x128xf32>
    %reduce_sum3A_40 = arith.constant dense<0.000000e+00> : vector<512xf32>
    %reduce_sum3A_41 = vector.multi_reduction <add>, %mul3A, %reduce_sum3A_40 [1] : vector<512x128xf32> to vector<512xf32>
    %broadcast_in_dim3A_42 = vector.shape_cast %reduce_sum3A_41 : vector<512xf32> to vector<512x1xf32>
    %div3A_43 = arith.constant 1.280000e+02 : f32
    %div3A_44 = vector.broadcast %div3A_43 : f32 to vector<512x1xf32>
    %div3A_45 = arith.divf %broadcast_in_dim3A_42, %div3A_44 : vector<512x1xf32>
    %sub3A_46 = vector.broadcast %div3A_36 : vector<512x1xf32> to vector<512x128xf32>
    %sub3A_47 = arith.subf %add3A_32, %sub3A_46 : vector<512x128xf32>
    %add3A_48 = arith.constant 9.99999974E-6 : f32
    %add3A_49 = vector.broadcast %add3A_48 : f32 to vector<512x1xf32>
    %add3A_50 = arith.addf %div3A_45, %add3A_49 : vector<512x1xf32>
    %rsqrt3A = math.rsqrt %add3A_50 : vector<512x1xf32>
    %mul3A_51 = vector.broadcast %rsqrt3A : vector<512x1xf32> to vector<512x128xf32>
    %mul3A_52 = arith.mulf %sub3A_47, %mul3A_51 : vector<512x128xf32>
    %get3A_53 = arith.constant 0 : index
    %get3A_54 = arith.constant 0 : index
    %get3A_55 = vector.load %arg9[%get3A_53, %get3A_54] : memref<1x128xf32, #tpu.memory_space<vmem>>, vector<1x128xf32>
    %mul3A_56 = vector.broadcast %get3A_55 : vector<1x128xf32> to vector<512x128xf32>
    %mul3A_57 = arith.mulf %mul3A_52, %mul3A_56 : vector<512x128xf32>
    %get3A_58 = arith.constant 0 : index
    %get3A_59 = arith.constant 0 : index
    %get3A_60 = vector.load %arg10[%get3A_58, %get3A_59] : memref<1x128xf32, #tpu.memory_space<vmem>>, vector<1x128xf32>
    %add3A_61 = vector.broadcast %get3A_60 : vector<1x128xf32> to vector<512x128xf32>
    %add3A_62 = arith.addf %mul3A_57, %add3A_61 : vector<512x128xf32>
    %max3A_63 = arith.constant 0.000000e+00 : f32
    %max3A_64 = vector.broadcast %max3A_63 : f32 to vector<512x128xf32>
    %max3A_65 = arith.maximumf %add3A_62, %max3A_64 : vector<512x128xf32>
    %get3A_66 = arith.constant 0 : index
    %get3A_67 = arith.constant 0 : index
    %get3A_68 = vector.load %arg11[%get3A_66, %get3A_67] : memref<128x128xf32, #tpu.memory_space<vmem>>, vector<128x128xf32>
    %dot_general3A_69 = arith.constant dense<0.000000e+00> : vector<512x128xf32>
    %dot_general3A_70 = tpu.matmul %max3A_65, %get3A_68, %dot_general3A_69 {dimension_numbers = #tpu.dot_dimension_numbers<[1], [1], [0], [0], [0, 0, 1, 0], [], []>, precision = #tpu.contract_precision<fp32>, transpose_lhs_hint = false} : vector<512x128xf32>, vector<128x128xf32>, vector<512x128xf32> -> vector<512x128xf32>
    %get3A_71 = arith.constant 0 : index
    %get3A_72 = arith.constant 0 : index
    %get3A_73 = vector.load %arg12[%get3A_71, %get3A_72] : memref<1x128xf32, #tpu.memory_space<vmem>>, vector<1x128xf32>
    %add3A_74 = vector.broadcast %get3A_73 : vector<1x128xf32> to vector<512x128xf32>
    %add3A_75 = arith.addf %dot_general3A_70, %add3A_74 : vector<512x128xf32>
    %swap3A = arith.constant 0 : index
    %swap3A_76 = arith.constant 0 : index
    %swap3A_77 = vector.load %arg13[%swap3A, %swap3A_76] : memref<512x128xf32, #tpu.memory_space<vmem>>, vector<512x128xf32>
    tpu.vector_store %arg13[%swap3A, %swap3A_76], %add3A_75 {strides = array<i32>} : memref<512x128xf32, #tpu.memory_space<vmem>>, vector<512x128xf32>,
    return
  }
  func.func @transform_0(%arg0: i32) -> (i32, i32) {
    %c0_i32 = arith.constant 0 : i32
    %c0_i32_0 = arith.constant 0 : i32
    return %arg0, %c0_i32 : i32, i32
  }
  func.func @transform_1(%arg0: i32) -> (i32, i32) {
    %add3A = arith.constant 20 : i32
    %add3A_0 = arith.addi %arg0, %add3A : i32
    %c0_i32 = arith.constant 0 : i32
    %c0_i32_1 = arith.constant 0 : i32
    return %add3A_0, %c0_i32 : i32, i32
  }
  func.func @transform_2(%arg0: i32) -> (i32, i32) {
    %c0_i32 = arith.constant 0 : i32
    %c0_i32_0 = arith.constant 0 : i32
    return %arg0, %c0_i32 : i32, i32
  }
  func.func @transform_3(%arg0: i32) -> (i32, i32) {
    %add3A = arith.constant 20 : i32
    %add3A_0 = arith.addi %arg0, %add3A : i32
    %c0_i32 = arith.constant 0 : i32
    %c0_i32_1 = arith.constant 0 : i32
    return %add3A_0, %c0_i32 : i32, i32
  }
  func.func @transform_4(%arg0: i32) -> (i32, i32) {
    %c0_i32 = arith.constant 0 : i32
    %c0_i32_0 = arith.constant 0 : i32
    return %arg0, %c0_i32 : i32, i32
  }
  func.func @transform_5(%arg0: i32) -> (i32, i32) {
    %c0_i32 = arith.constant 0 : i32
    %c0_i32_0 = arith.constant 0 : i32
    %c0_i32_1 = arith.constant 0 : i32
    return %c0_i32, %c0_i32_0 : i32, i32
  }
  func.func @transform_6(%arg0: i32) -> (i32, i32) {
    %c0_i32 = arith.constant 0 : i32
    %c0_i32_0 = arith.constant 0 : i32
    %c0_i32_1 = arith.constant 0 : i32
    return %c0_i32, %c0_i32_0 : i32, i32
  }
  func.func @transform_7(%arg0: i32) -> (i32, i32) {
    %c0_i32 = arith.constant 0 : i32
    %c0_i32_0 = arith.constant 0 : i32
    %c0_i32_1 = arith.constant 0 : i32
    return %c0_i32, %c0_i32_0 : i32, i32
  }
  func.func @transform_8(%arg0: i32) -> (i32, i32) {
    %c0_i32 = arith.constant 0 : i32
    %c0_i32_0 = arith.constant 0 : i32
    %c0_i32_1 = arith.constant 0 : i32
    return %c0_i32, %c0_i32_0 : i32, i32
  }
  func.func @transform_9(%arg0: i32) -> (i32, i32) {
    %c0_i32 = arith.constant 0 : i32
    %c0_i32_0 = arith.constant 0 : i32
    %c0_i32_1 = arith.constant 0 : i32
    return %c0_i32, %c0_i32_0 : i32, i32
  }
  func.func @transform_10(%arg0: i32) -> (i32, i32) {
    %c0_i32 = arith.constant 0 : i32
    %c0_i32_0 = arith.constant 0 : i32
    %c0_i32_1 = arith.constant 0 : i32
    return %c0_i32, %c0_i32_0 : i32, i32
  }
  func.func @transform_11(%arg0: i32) -> (i32, i32) {
    %c0_i32 = arith.constant 0 : i32
    %c0_i32_0 = arith.constant 0 : i32
    %c0_i32_1 = arith.constant 0 : i32
    return %c0_i32, %c0_i32_0 : i32, i32
  }
  func.func @transform_12(%arg0: i32) -> (i32, i32) {
    %c0_i32 = arith.constant 0 : i32
    %c0_i32_0 = arith.constant 0 : i32
    return %arg0, %c0_i32 : i32, i32
  }
}

</mosaic_0001>

<sc_bundles>
// kernel: kernel.6.cloned.1.call-start
scs
__scs_entry_jumppad:
0x0: {  	(pc) =	sbr.rel $0x88, $3  }
0x1: {  	(tag) =	ssettag $0x0;
	lr =	simm.s32 $0x1  }
0x2: {  	[smem:$0x3F93] =	sst lr;
	_ =	strace $0xD0000000  }
0x3: {  	_ = 	snop  }
0x4: {  	_ = 	snop  }
0x5: {  	_ = 	snop  }
0x6: {  	_ = 	snop  }
0x7: {  	_ = 	snop  }
__scs_overlays_trampoline_lowered:
0x8: {  	[smem:$0x3FA2] =	sst s0  }
0x9: {  	[smem:$0x3FA3] =	sst s1  }
0xa: {  	[smem:$0x3FA4] =	sst s2  }
0xb: {  	[smem:$0x3FA5] =	sst s3  }
0xc: {  	[smem:$0x3FA6] =	sst s4  }
0xd: {  	[smem:$0x3FA7] =	sst s5  }
0xe: {  	[smem:$0x3FA8] =	sst s6  }
0xf: {  	[smem:$0x3FA9] =	sst s7  }
0x10: {  	[smem:$0x3FAA] =	sst s8  }
0x11: {  	[smem:$0x3FAB] =	sst s9;
	s0 =	simm.s32 @!p0 $0x0  }
0x12: {  	s1 =	sld [smem:$0x3F91];
	s0 =	simm.s32 @p0 $0x1  }
0x13: {  	[smem:$0x3FAC] =	sst s0;
	s0 =	simm.s32 @!p1 $0x0  }
0x14: {  	s2 =	sld [smem:$0x3F90];
	s0 =	simm.s32 @p1 $0x1  }
0x15: {  	[smem:$0x3FAD] =	sst s0;
	s0 =	simm.s32 @!p2 $0x0  }
0x16: {  	s3 =	sld [smem:$0x3FDB];
	s0 =	simm.s32 @p2 $0x1  }
0x17: {  	s4 =	simm.s32 $0x1BF5;
	[smem:$0x3FAF] =	sst s0  }
0x18: {  	s0 =	sld [smem:$0x3F92];
	_ =	swait.ge [sflag:s4], $0x0  }
0x19: {  	s7 =	sld [smem:$0x3F93]  }
0x1a: {  	s8 =	sadd.s32 $0xFFFFE003, lr  }
0x1b: {  	s9 =	sadd.s32 $0xFFFFFEF7, lr;
	s5 =	simm.s32 $0xFFFFFFFF;
	p2 =	slt.u32 s8, $0xFFFFF086  }
0x1c: {  	p1 =	slt.u32 s9, $0xF7A;
	s5 =	simm.s32 @!p2 $0x0  }
0x1d: {  	s5 =	simm.s32 @p1 $0x1;
	p0 =	seq.s32 s7, s2  }
0x1e: {  	s7 =	smul.u32 @!p0 $0xF7A, s2;
	p2 =	seq.s32 @!p0 s5, $0x0  }
0x1f: {  	s9 =	smul.u32 $0xF7A, s1;
	s8 =	simm.s32 @!p0 $0x1BF5;
	p2 =	por !p2, p0  }
0x20: {  	[sflag:s8] =	ssyncset.s32 @!p0 $0xFFFFF086;
	s6 =	sadd.s32 @!p0 s3, s7;
	s7 =	simm.s32 @!p0 $0x108  }
0x21: {  	s3 =	sadd.s32 s3, s9;
	s6 =	sadd.s32 @!p0 $0x88, s6;
	s7 =	simm.s32 @p2 $0x1082  }
0x22: {  	[simem:s7], [sflag:s8] =	dma.local @!p0 [hbm:s6], $0xF7A  }
0x23: {  	s9 =	sor.u32 $0xD0000000, s2;
	s6 =	simm.s32 $0x108;
	_ =	swait.ge @!p0 [sflag:s8], $0x0  }
0x24: {  	s3 =	sadd.s32 $0x88, s3;
	s6 =	simm.s32 @!p1 $0x1082;
	[sflag:s4] =	ssyncset.s32 $0xFFFFF086  }
0x25: {  	[simem:s6], [sflag:s4] =	dma.local [hbm:s3], $0xF7A  }
0x26: {  	[smem:$0x3F93] =	sst s1;
	(tag) =	ssettag s2;
	_ =	strace s9  }
0x27: {  	s1 =	sld [smem:$0x3FA3]  }
0x28: {  	s2 =	sld [smem:$0x3FA4]  }
0x29: {  	s4 =	sld [smem:$0x3FA6]  }
0x2a: {  	p0 =	seq.s32 s5, $0x0;
	s5 =	sld [smem:$0x3FA7]  }
0x2b: {  	s6 =	sld [smem:$0x3FA8]  }
0x2c: {  	s7 =	sld [smem:$0x3FA9]  }
0x2d: {  	s3 =	simm.s32 $0x108;
	s8 =	sld [smem:$0x3FAA]  }
0x2e: {  	s3 =	simm.s32 @!p0 $0x1082;
	s9 =	sld [smem:$0x3FAB]  }
0x2f: {  	lr =	sadd.s32 s0, s3;
	s0 =	sld [smem:$0x3FA2]  }
0x30: {  	s3 =	sld [smem:$0x3FA5]  }
0x31: {  	[smem:$0x3FAE] =	sst s10  }
0x32: {  	s10 =	sld [smem:$0x3FAC];
	_ =	sdelay $0x3  }
0x33: {  	p0 =	seq.s32 s10, $0x1;
	s10 =	sld [smem:$0x3FAE];
	_ =	sdelay $0x3  }
0x34: {  	[smem:$0x3FAE] =	sst s10  }
0x35: {  	s10 =	sld [smem:$0x3FAD];
	_ =	sdelay $0x3  }
0x36: {  	p1 =	seq.s32 s10, $0x1;
	s10 =	sld [smem:$0x3FAE];
	_ =	sdelay $0x3  }
0x37: {  	[smem:$0x3FAE] =	sst s10  }
0x38: {  	s10 =	sld [smem:$0x3FAF]  }
0x39: {  	_ = 	snop;
	(pc) =	sbr.ind lr, $3  }
0x3a: {  	_ = 	snop  }
0x3b: {  	_ = 	snop  }
0x3c: {  	p2 =	seq.s32 s10, $0x1;
	s10 =	sld [smem:$0x3FAE]  }
0x3d: {  	_ =	shalt  }
0x3e: {  	_ =	shalt  }
0x3f: {  	_ =	shalt  }
0x40: {  	_ =	shalt  }
0x41: {  	_ =	shalt  }
0x42: {  	_ =	shalt  }
0x43: {  	_ =	shalt  }
0x44: {  	_ =	shalt  }
0x45: {  	_ =	shalt  }
0x46: {  	_ =	shalt  }
0x47: {  	_ =	shalt  }
0x48: {  	_ =	shalt  }
0x49: {  	_ =	shalt  }
0x4a: {  	_ =	shalt  }
0x4b: {  	_ =	shalt  }
0x4c: {  	_ =	shalt  }
0x4d: {  	_ =	shalt  }
0x4e: {  	_ =	shalt  }
0x4f: {  	_ =	shalt  }
0x50: {  	_ =	shalt  }
0x51: {  	_ =	shalt  }
0x52: {  	_ =	shalt  }
0x53: {  	_ =	shalt  }
0x54: {  	_ =	shalt  }
0x55: {  	_ =	shalt  }
0x56: {  	_ =	shalt  }
0x57: {  	_ =	shalt  }
0x58: {  	_ =	shalt  }
0x59: {  	_ =	shalt  }
0x5a: {  	_ =	shalt  }
0x5b: {  	_ =	shalt  }
0x5c: {  	_ =	shalt  }
0x5d: {  	_ =	shalt  }
0x5e: {  	_ =	shalt  }
0x5f: {  	_ =	shalt  }
0x60: {  	_ =	shalt  }
0x61: {  	_ =	shalt  }
0x62: {  	_ =	shalt  }
0x63: {  	_ =	shalt  }
0x64: {  	_ =	shalt  }
0x65: {  	_ =	shalt  }
0x66: {  	_ =	shalt  }
0x67: {  	_ =	shalt  }
0x68: {  	_ =	shalt  }
0x69: {  	_ =	shalt  }
0x6a: {  	_ =	shalt  }
0x6b: {  	_ =	shalt  }
0x6c: {  	_ =	shalt  }
0x6d: {  	_ =	shalt  }
0x6e: {  	_ =	shalt  }
0x6f: {  	_ =	shalt  }
0x70: {  	_ =	shalt  }
0x71: {  	_ =	shalt  }
0x72: {  	_ =	shalt  }
0x73: {  	_ =	shalt  }
0x74: {  	_ =	shalt  }
0x75: {  	_ =	shalt  }
0x76: {  	_ =	shalt  }
0x77: {  	_ =	shalt  }
0x78: {  	_ =	shalt  }
0x79: {  	_ =	shalt  }
0x7a: {  	_ =	shalt  }
0x7b: {  	_ =	shalt  }
0x7c: {  	_ =	shalt  }
0x7d: {  	_ =	shalt  }
0x7e: {  	_ =	shalt  }
0x7f: {  	_ =	shalt  }
0x80: {  	_ =	shalt  }
0x81: {  	_ =	shalt  }
0x82: {  	_ =	shalt  }
0x83: {  	_ =	shalt  }
0x84: {  	_ =	shalt  }
0x85: {  	_ =	shalt  }
0x86: {  	_ =	shalt  }
0x87: {  	_ =	shalt  }
.Lfunc_end0:
.L_simem_size_0:
called_computation_lowered:
.L_overlay_start_0:
0x88: {  	s2 =	sld [smem:$0x3FD9]  }
0x89: {  	s3 =	sld [smem:$0x3FFE];
	_ =	sdelay $0x1  }
0x8a: {  	s1 =	srdreg.scid  }
0x8b: {  	s0 =	sand.u32 $0x1, s1  }
0x8c: {  	s17 =	sshll.u32 s0, $0xA;
	s2 =	sadd.s32 s3, s2  }
0x8d: {  	s2 =	sadd.s32 s2, s17  }
0x8e: {  	[smem:$0x3FBA] =	sst s2  }
0x8f: {  	_ = 	snop  }
0x90: {  	s2 =	sld [smem:$0x3FD0];
	(tm) =	ssettm $0x1  }
0x91: {  	s18 =	sld [smem:$0x3FFB];
	_ =	sdelay $0x3  }
0x92: {  	_ =	strace s18  }
0x93: {  	s3 =	sld [smem:$0x3FFC];
	_ =	sdelay $0x3  }
0x94: {  	_ =	strace s3  }
0x95: {  	s3 =	sld [smem:$0x3FFD];
	_ =	sdelay $0x3  }
0x96: {  	_ =	strace s3  }
0x97: {  	_ =	strace $0x8FFFFFFF  }
0x98: {  	s19 =	sld [smem:$0x3FDB];
	_ =	sdelay $0x1  }
0x99: {  	s4 =	simm.s32 $_scs_section_size  }
0x9a: {  	s5 =	simm.s32 $_size__tile_overlayer_lowered;
	s6 =	simm.s32 $_tile_overlayer_lowered  }
0x9b: {  	s22 =	simm.s32 $0x1BFF;
	s21 =	sshll.u32 s6, $0x1;
	s3 =	sadd.s32 s4, s19  }
0x9c: {  	s7 =	simm.s32 $0x0;
	s20 =	sshll.u32 s5, $0x1;
	s5 =	sadd.s32 s21, s3  }
0x9d: {  	[timem:s7], [sflag:s22] =	dma.local [hbm:s5], s20  }
0x9e: {  	_ =	swait.ge [sflag:s22], s20  }
0x9f: {  	s4 =	ssub.s32 $0x0, s20;
	[sflag:s22] =	ssyncset.done $0x0  }
0xa0: {  	[sflag:s22] =	ssyncadd.s32 s4;
	_ =	sdelay $0x1  }
0xa1: {  	s23 =	simm.s32 $0x1B8B  }
0xa2: {  	_ =	swait.ge [sflag:s23], $0x1  }
0xa3: {  	[sflag:s23] =	ssyncset.done $0x0  }
0xa4: {  	s25 =	simm.s32 $0x1B8E;
	s24 =	sld [smem:$0x3FFE];
	[sflag:s23] =	ssyncadd.s32 $0xFFFFFFFF  }
0xa5: {  	s26 =	simm.s32 $execute0_lowered;
	[smem:$0x3FD2] =	sst s25  }
0xa6: {  	s5 =	sshll.u32 s26, $0x1;
	_ =	strace $0x80000046;
	[dreg:$0x1] =	wrdreg $0xFFFFFFFF  }
0xa7: {  	s28 =	simm.s32 $_size_execute0_lowered;
	s3 =	sadd.s32 s3, s5;
	[dreg:$0x0] =	wrdreg $0x0  }
0xa8: {  	s5 =	sshll.u32 s28, $0x1;
	[dreg:$0x2] =	wrdreg s3  }
0xa9: {  	[dreg:$0x3] =	wrdreg s5  }
0xaa: {  	[dreg:$0x4] =	wrdreg $0xC0  }
0xab: {  	_ =	task [dreg:s7], $0x5FFFF  }
0xac: {  	[dreg:$0x1] =	wrdreg $0xFFFFFFFF  }
0xad: {  	[dreg:$0x0] =	wrdreg $0x60  }
0xae: {  	[dreg:$0x2] =	wrdreg s24  }
0xaf: {  	[dreg:$0x3] =	wrdreg s2  }
0xb0: {  	[dreg:$0x4] =	wrdreg $0x0  }
0xb1: {  	[dreg:$0x5] =	wrdreg $0x1D1000  }
0xb2: {  	[dreg:$0x6] =	wrdreg $0x9  }
0xb3: {  	_ =	task.clear_ibuf [dreg:s7], $0x7FFFF;
	_ =	strace $0x90000046  }
0xb4: {  	s29 =	simm.s32 $0x9;
	_ =	strace $0x80000048  }
0xb5: {  	_ =	swait.ge [sflag:s29], $0x1  }
0xb6: {  	[sflag:s29] =	ssyncadd.s32 $0xFFFFFFFF  }
0xb7: {  	_ =	strace $0x90000048  }
0xb8: {  	_ =	sfence  }
0xb9: {  	s30 =	sld [smem:$0x0];
	_ =	sdelay $0x2  }
0xba: {  	s31 =	sshll.u32 s1, $0xD;
	s1 =	sshrl.u32 s1, $0x2  }
0xbb: {  	s3 =	sand.u32 $0x4000, s31;
	s1 =	sadd.s32 s1, s30  }
0xbc: {  	s0 =	sor.u32 s3, s0;
	s1 =	sshll.u32 s1, $0x11  }
0xbd: {  	s0 =	sor.u32 s1, s0  }
0xbe: {  	s0 =	sadd.s32 $0x8F2B, s0  }
0xbf: {  	[sflag:s0] =	ssyncadd.remote.s32 $0x1  }
0xc0: {  	_ =	sfence.sel $0xFFFF  }
0xc1: {  	[dreg:$0x0] =	wrdreg $0xFFFFFFFF;
	(pc) =	sbr.abs _section_cstart, $3  }
0xc2: {  	[dreg:$0x1] =	wrdreg $0xFFFFFFFF  }
0xc3: {  	_ =	task.clear_ibuf [dreg:s7], $0x2FFFF;
	_ =	strace $0x9FFFFFFF  }
0xc4: {  	(tm) =	ssettm $0x7FFFFFFF  }
0xc5: {  	_ =	shalt  }
tec
execute0_lowered:
.L_overlay_start_1:
0x0: {  	(tag) =	ssettag $0x1  }
0x1: {  	s0 =	rddreg [dreg:$0x0]  }
0x2: {  	s1 =	rddreg [dreg:$0x1]  }
0x3: {  	s2 =	rddreg [dreg:$0x2]  }
0x4: {  	s3 =	rddreg [dreg:$0x3];
	s4 =	srdreg.scid  }
0x5: {  	s14 =	stileid.u32;
	s5 =	simm.s32 $0x0;
	s21 =	simm.s32 $0x0  }
0x6: {  	s4 =	sand.u32 $0x1, s4;
	s8 =	smul.u32 $0x280, s14;
	[smem:$0x7FF] =	sst s5  }
0x7: {  	s5 =	sadd.s32 $0x16800, s0;
	s6 =	sadd.s32 $0xC800, s0;
	s7 =	sadd.s32 $0x2800, s0  }
0x8: {  	s10 =	sadd.s32 $0x3E800, s0;
	s11 =	smul.u32 $0x50000, s14;
	s12 =	sadd.s32 $0x3EC00, s0  }
0x9: {  	s25 =	sshll.u32 s14, $0xA;
	_ =	strace $0x80000047;
	[dreg:$0x18] =	wrdreg s7  }
0xa: {  	s26 =	sshll.u32 s14, $0xD;
	s9 =	smul.u32 $0x2800, s4;
	[dreg:$0x5] =	wrdreg s10  }
0xb: {  	s22 =	ssub.s32 $0x2, s4;
	[dreg:$0x6] =	wrdreg s12;
	s16 =	sadd.s32 s25, s3  }
0xc: {  	p0 =	seq.s32 s4, $0x0;
	s4 =	smul.u32 $0x3000, s14;
	[dreg:$0x1e] =	wrdreg s21  }
0xd: {  	s7 =	simm.s32 $0x6;
	s10 =	sadd.s32 $0x30000, s26;
	[dreg:$0x16] =	wrdreg s6  }
0xe: {  	s23 =	sshrl.u32 s22, $0x1;
	s24 =	sshrl.u32 s11, $0x2;
	s7 =	simm.s32 @!p0 $0x4  }
0xf: {  	s8 =	sadd.s32 s8, s9;
	s9 =	sadd.s32 s9, s25;
	[dreg:$0x1a] =	wrdreg s7  }
0x10: {  	s10 =	smov.u32 @p0 s4;
	p0 =	sgt.u32 s14, $0x9;
	s14 =	smov.u32 s16  }
0x11: {  	s8 =	sshll.u32 s8, $0x4;
	s9 =	sshrl.u32 s9, $0x3;
	[dreg:$0x1c] =	wrdreg s10  }
0x12: {  	[dreg:$0x8] =	wrdreg s14;
	s0 =	sadd.s32 s8, s0;
	s1 =	sadd.s32 s1, s9  }
0x13: {  	s8 =	ssub.s32 s22, s23;
	s22 =	sadd.s32 s24, s2;
	[dreg:$0x9] =	wrdreg s1  }
0x14: {  	s7 =	smax.u32 s8, $0x1;
	[dreg:$0x7] =	wrdreg s22  }
0x15: {  	s8 =	sadd.s32 $0x3EE00, s0;
	[dreg:$0xa] =	wrdreg s7  }
0x16: {  	s9 =	sadd.s32 $0x3F200, s0;
	[dreg:$0xb] =	wrdreg s8  }
0x17: {  	s28 =	simm.s32 $0x1B000;
	s10 =	sadd.s32 $0x3F600, s0;
	[dreg:$0xc] =	wrdreg s9  }
0x18: {  	s29 =	simm.s32 $0x2;
	s11 =	sadd.s32 $0x3FA00, s0;
	[dreg:$0xd] =	wrdreg s10  }
0x19: {  	s30 =	simm.s32 $0x1D080;
	s12 =	sadd.s32 $0x3FE00, s0;
	[dreg:$0xe] =	wrdreg s11  }
0x1a: {  	s31 =	simm.s32 $0x3;
	s13 =	sadd.s32 $0x40200, s0;
	[dreg:$0xf] =	wrdreg s12  }
0x1b: {  	s26 =	simm.s32 $0x6;
	s15 =	sadd.s32 $0x40600, s0;
	[dreg:$0x10] =	wrdreg s13  }
0x1c: {  	s16 =	simm.s32 $0x15000;
	s17 =	sadd.s32 $0x40A00, s0;
	[dreg:$0x11] =	wrdreg s15  }
0x1d: {  	s25 =	simm.s32 $0x19000;
	s18 =	sadd.s32 $0x40E00, s0;
	[dreg:$0x12] =	wrdreg s17  }
0x1e: {  	s4 =	simm.s32 $0x1;
	s0 =	sadd.s32 $0x41200, s0;
	[dreg:$0x13] =	wrdreg s18  }
0x1f: {  	s23 =	simm.s32 $0x17000;
	s19 =	sadd.s32 $0x2000, s22;
	[dreg:$0x14] =	wrdreg s0  }
0x20: {  	s20 =	sadd.s32 $0x4000, s22;
	s24 =	sadd.s32 $0x6000, s22;
	[dreg:$0x1f] =	wrdreg s19  }
0x21: {  	s1 =	sadd.s32 $0x8000, s22;
	[smem:$0x7FD] =	sst s20;
	s15 =	sadd.s32 $0xA000, s22  }
0x22: {  	s7 =	sadd.s32 $0xC000, s22;
	s12 =	sadd.s32 $0xE000, s22;
	[dreg:$0x15] =	wrdreg s15  }
0x23: {  	v0 =	vlaneseq.u32;
	s13 =	sadd.s32 $0x10000, s22;
	s20 =	sadd.s32 $0x12000, s22;
	[dreg:$0x17] =	wrdreg s7  }
0x24: {  	v0 =	vmul.u32 $0x80, v0;
	s17 =	simm.s32 $0x1D380;
	s18 =	simm.s32 $0x1D000;
	[dreg:$0x19] =	wrdreg s12  }
0x25: {  	v1 =	vimm.f32 $1.000000000e+00;
	v5 =	vimm.f32 $0.0e+00;
	s19 =	simm.s32 $0x40;
	s8 =	simm.s32 $0x5;
	[dreg:$0x1b] =	wrdreg s13  }
0x26: {  	v2 =	vor.u32 $0x800, v0;
	v3 =	vor.u32 $0x1000, v0;
	v4 =	vor.u32 $0x1800, v0;
	s11 =	simm.s32 $0x1F380;
	s0 =	simm.s32 $0x4;
	[dreg:$0x1d] =	wrdreg s20  }
.LBB2_1:
0x27: {  	s9 =	simm.s32 $0x0;
	s10 =	rddreg [dreg:$0x5]  }
0x28: {  	[tilespmem:s16], [sflag:$0x6] =	stream.linear.gather [hbm4b:s10+s9], $0x2000, $0x38;
	[tilespmem:$0x1F400] =	vst v63  }
0x29: {  	_ =	swait.ge [sflag:s26], $0x2000  }
0x2a: {  	[sflag:s26] =	ssyncset.done $0x0  }
0x2b: {  	[sflag:s26] =	ssyncadd.s32 $0xFFFFE000  }
0x2c: {  	[tilespmem:s17], [sflag:$0x6] =	stream.linear.gather [hbm4b:s10+s9], $0x2000, $0x38;
	[tilespmem:$0x1F400] =	vst v63  }
0x2d: {  	_ =	swait.ge [sflag:s26], $0x2000  }
0x2e: {  	[sflag:s26] =	ssyncset.done $0x0  }
0x2f: {  	[sflag:s26] =	ssyncadd.s32 $0xFFFFE000  }
0x30: {  	[spmem:s22] =	stream.linear.scatter [tilespmem:s16], [sflag:$0x6], $0x2000, $0x38;
	[tilespmem:$0x1F400] =	vst v63  }
0x31: {  	_ =	swait.ge [sflag:s26], $0x2000  }
0x32: {  	[sflag:s26] =	ssyncset.done $0x0  }
0x33: {  	s22 =	rddreg [dreg:$0x1f];
	[sflag:s26] =	ssyncadd.s32 $0xFFFFE000  }
0x34: {  	[spmem:s22] =	stream.linear.scatter [tilespmem:s16], [sflag:$0x6], $0x2000, $0x38;
	[tilespmem:$0x1F400] =	vst v63  }
0x35: {  	_ =	swait.ge [sflag:s26], $0x2000  }
0x36: {  	s21 =	sld [smem:$0x7FD]  }
0x37: {  	[sflag:s26] =	ssyncset.done $0x0  }
0x38: {  	[sflag:s26] =	ssyncadd.s32 $0xFFFFE000  }
0x39: {  	[spmem:s21] =	stream.linear.scatter [tilespmem:s16], [sflag:$0x6], $0x2000, $0x38;
	[tilespmem:$0x1F400] =	vst v63  }
0x3a: {  	_ =	swait.ge [sflag:s26], $0x2000  }
0x3b: {  	[sflag:s26] =	ssyncset.done $0x0  }
0x3c: {  	[sflag:s26] =	ssyncadd.s32 $0xFFFFE000  }
0x3d: {  	[spmem:s24] =	stream.linear.scatter [tilespmem:s16], [sflag:$0x6], $0x2000, $0x38;
	[tilespmem:$0x1F400] =	vst v63  }
0x3e: {  	_ =	swait.ge [sflag:s26], $0x2000  }
0x3f: {  	[sflag:s26] =	ssyncset.done $0x0  }
0x40: {  	[sflag:s26] =	ssyncadd.s32 $0xFFFFE000  }
0x41: {  	[spmem:s1] =	stream.linear.scatter [tilespmem:s16], [sflag:$0x6], $0x2000, $0x38;
	[tilespmem:$0x1F400] =	vst v63  }
0x42: {  	_ =	swait.ge [sflag:s26], $0x2000  }
0x43: {  	[sflag:s26] =	ssyncset.done $0x0  }
0x44: {  	[sflag:s26] =	ssyncadd.s32 $0xFFFFE000  }
0x45: {  	[spmem:s15] =	stream.linear.scatter [tilespmem:s16], [sflag:$0x6], $0x2000, $0x38;
	[tilespmem:$0x1F400] =	vst v63  }
0x46: {  	_ =	swait.ge [sflag:s26], $0x2000  }
0x47: {  	[sflag:s26] =	ssyncset.done $0x0  }
0x48: {  	[sflag:s26] =	ssyncadd.s32 $0xFFFFE000  }
0x49: {  	[spmem:s7] =	stream.linear.scatter [tilespmem:s16], [sflag:$0x6], $0x2000, $0x38;
	[tilespmem:$0x1F400] =	vst v63  }
0x4a: {  	_ =	swait.ge [sflag:s26], $0x2000  }
0x4b: {  	[sflag:s26] =	ssyncset.done $0x0  }
0x4c: {  	[sflag:s26] =	ssyncadd.s32 $0xFFFFE000  }
0x4d: {  	[spmem:s12] =	stream.linear.scatter [tilespmem:s16], [sflag:$0x6], $0x2000, $0x38;
	[tilespmem:$0x1F400] =	vst v63  }
0x4e: {  	_ =	swait.ge [sflag:s26], $0x2000  }
0x4f: {  	[sflag:s26] =	ssyncset.done $0x0  }
0x50: {  	[sflag:s26] =	ssyncadd.s32 $0xFFFFE000  }
0x51: {  	[spmem:s13] =	stream.linear.scatter [tilespmem:s16], [sflag:$0x6], $0x2000, $0x38;
	[tilespmem:$0x1F400] =	vst v63  }
0x52: {  	_ =	swait.ge [sflag:s26], $0x2000  }
0x53: {  	[sflag:s26] =	ssyncset.done $0x0  }
0x54: {  	[sflag:s26] =	ssyncadd.s32 $0xFFFFE000  }
0x55: {  	[spmem:s20] =	stream.linear.scatter [tilespmem:s16], [sflag:$0x6], $0x2000, $0x38;
	[tilespmem:$0x1F400] =	vst v63  }
0x56: {  	_ =	swait.ge [sflag:s26], $0x2000  }
0x57: {  	[sflag:s26] =	ssyncset.done $0x0  }
0x58: {  	s10 =	simm.s32 @!p0 $0x15000;
	[sflag:s26] =	ssyncadd.s32 $0xFFFFE000  }
0x59: {  	[spmem:s14] =	stream.linear.scatter @!p0 [tilespmem:s10], [sflag:$0x6], $0x400, $0x38;
	[tilespmem:$0x1F400] =	vst v63  }
0x5a: {  	s10 =	simm.s32 @!p0 $0x6  }
0x5b: {  	_ =	swait.ge @!p0 [sflag:s10], $0x400  }
0x5c: {  	[sflag:s10] =	ssyncset.done @!p0 $0x0  }
0x5d: {  	[sflag:s10] =	ssyncadd.s32 @!p0 $0xFFFFFC00  }
0x5e: {  	[bflag:$0x0] =	sbarrier.arrive $0xFFFF  }
0x5f: {  	s22 =	rddreg [dreg:$0x6]  }
0x60: {  	[tilespmem:s18], [sflag:$0x6] =	stream.linear.gather [hbm4b:s22+s9], $0x80, $0x38;
	[tilespmem:$0x1F400] =	vst v63  }
0x61: {  	_ =	swait.ge [sflag:s26], $0x80  }
0x62: {  	s7 =	rddreg [dreg:$0x18]  }
0x63: {  	s20 =	simm.s32 $0x14000;
	[sflag:s26] =	ssyncset.done $0x0;
	s12 =	rddreg [dreg:$0x1a]  }
0x64: {  	s14 =	simm.s32 $0x0;
	s13 =	rddreg [dreg:$0x1c];
	[sflag:s26] =	ssyncadd.s32 $0xFFFFFF80  }
0x65: {  	[spmem:s2] =	stream.indirect.scatter.add.f32 [tilespmem:s16], [sflag:$0x5], $0x80, s18, s19, $0xb8;
	[tilespmem:$0x1F400] =	vst v63  }
.LBB2_2:
0x66: {  	s10 =	sshll.u32 s14, $0xB  }
0x67: {  	s10 =	sadd.s32 s13, s10  }
0x68: {  	s10 =	sshrl.u32 s10, $0x3  }
0x69: {  	s15 =	simm.s32 $0x0;
	s9 =	sadd.s32 s6, s10  }
0x6a: {  	[tilespmem:s20], [sflag:$0x6] =	stream.linear.gather [hbm4b:s9+s15], $0x800, $0x38;
	[tilespmem:$0x1F400] =	vst v63  }
0x6b: {  	_ =	swait.ge [sflag:s26], $0x800  }
0x6c: {  	[sflag:s26] =	ssyncset.done $0x0  }
0x6d: {  	s22 =	simm.s32 $0x14800;
	s21 =	sadd.s32 s7, s10;
	[sflag:s26] =	ssyncadd.s32 $0xFFFFF800  }
0x6e: {  	[tilespmem:s22], [sflag:$0x6] =	stream.linear.gather [hbm4b:s21+s15], $0x800, $0x38;
	[tilespmem:$0x1F400] =	vst v63  }
0x6f: {  	_ =	swait.ge [sflag:s26], $0x800  }
0x70: {  	[sflag:s26] =	ssyncset.done $0x0  }
0x71: {  	[sflag:s26] =	ssyncadd.s32 $0xFFFFF800  }
0x72: {  	[tilespmem:s16], [sflag:$0x1] =	stream.indirect.gather [hbm4b:s5+s19], $0x80, s20, s19, $0xb8;
	[tilespmem:$0x1F400] =	vst v63  }
0x73: {  	s21 =	simm.s32 $0x14040  }
0x74: {  	[tilespmem:s23], [sflag:$0x2] =	stream.indirect.gather [hbm4b:s5+s19], $0x80, s21, s19, $0xb8;
	[tilespmem:$0x1F400] =	vst v63  }
0x75: {  	s22 =	simm.s32 $0x14080  }
0x76: {  	[tilespmem:s25], [sflag:$0x3] =	stream.indirect.gather [hbm4b:s5+s19], $0x80, s22, s19, $0xb8;
	[tilespmem:$0x1F400] =	vst v63  }
.LBB2_3:
0x77: {  	_ =	swait.ge [sflag:s4], $0x2000  }
0x78: {  	[sflag:s4] =	ssyncset.done $0x0  }
0x79: {  	s10 =	sshra.s32 s15, $0x2;
	[sflag:s4] =	ssyncadd.s32 $0xFFFFE000  }
0x7a: {  	v6 =	vld [tilespmem:s10+$0x14800];
	_ =	sdelay $0x4  }
0x7b: {  	v7 =	vand.u32 $0x7F, v6  }
0x7c: {  	v7 =	vor.u32 v0, v7;
	_ =	sdelay $0x3  }
0x7d: {  	[tilespmem:$0x1D000] =	vst v6  }
0x7e: {  	v6 =	vshrl.u32 v6, $0x7;
	[tilespmem:v7+s17+$0x0] =	vst.idx.msk $0xffff, v1  }
0x7f: {  	[tilespmem:$0x1F380] =	vst v6  }
0x80: {  	v6 =	vld [tilespmem:s10+$0x14810];
	_ =	sdelay $0x4  }
0x81: {  	v7 =	vand.u32 $0x7F, v6  }
0x82: {  	v7 =	vor.u32 v2, v7;
	_ =	sdelay $0x3  }
0x83: {  	[tilespmem:$0x1D010] =	vst v6  }
0x84: {  	v6 =	vshrl.u32 v6, $0x7;
	[tilespmem:v7+s17+$0x0] =	vst.idx.msk $0xffff, v1  }
0x85: {  	[tilespmem:$0x1F390] =	vst v6  }
0x86: {  	v6 =	vld [tilespmem:s10+$0x14820];
	_ =	sdelay $0x4  }
0x87: {  	v7 =	vand.u32 $0x7F, v6  }
0x88: {  	v7 =	vor.u32 v3, v7;
	_ =	sdelay $0x3  }
0x89: {  	[tilespmem:$0x1D020] =	vst v6  }
0x8a: {  	v6 =	vshrl.u32 v6, $0x7;
	[tilespmem:v7+s17+$0x0] =	vst.idx.msk $0xffff, v1  }
0x8b: {  	[tilespmem:$0x1F3A0] =	vst v6  }
0x8c: {  	v6 =	vld [tilespmem:s10+$0x14830];
	_ =	sdelay $0x4  }
0x8d: {  	v7 =	vand.u32 $0x7F, v6  }
0x8e: {  	v7 =	vor.u32 v4, v7;
	_ =	sdelay $0x3  }
0x8f: {  	[tilespmem:$0x1D030] =	vst v6  }
0x90: {  	v6 =	vshrl.u32 v6, $0x7;
	[tilespmem:v7+s17+$0x0] =	vst.idx.msk $0xffff, v1  }
0x91: {  	[tilespmem:$0x1F3B0] =	vst v6  }
0x92: {  	_ =	swait.ge [sflag:s8], $0x2000  }
0x93: {  	[sflag:s8] =	ssyncset.done $0x0  }
0x94: {  	[sflag:s8] =	ssyncadd.s32 $0xFFFFE000  }
0x95: {  	[spmem:s2] =	stream.indirect.scatter.add.f32 [tilespmem:s16], [sflag:$0x5], $0x80, s18, s19, $0xb8;
	[tilespmem:$0x1F400] =	vst v63  }
0x96: {  	_ = 	snop  }
0x97: {  	[spmem:s3] =	stream.indirect.scatter.add.f32 [tilespmem:s17], [sflag:$0x6], $0x80, s11, s19, $0xb8;
	[tilespmem:$0x1F400] =	vst v63  }
0x98: {  	_ =	swait.ge [sflag:s26], $0x2000  }
0x99: {  	[sflag:s26] =	ssyncset.done $0x0  }
0x9a: {  	[sflag:s26] =	ssyncadd.s32 $0xFFFFE000  }
0x9b: {  	v6 =	vld [tilespmem:s10+$0x14800];
	_ =	sdelay $0x4  }
0x9c: {  	v6 =	vand.u32 $0x7F, v6  }
0x9d: {  	v6 =	vor.u32 v0, v6;
	_ =	sdelay $0x4  }
0x9e: {  	[tilespmem:v6+s17+$0x0] =	vst.idx.msk $0xffff, v5  }
0x9f: {  	v6 =	vld [tilespmem:s10+$0x14810];
	_ =	sdelay $0x4  }
0xa0: {  	v6 =	vand.u32 $0x7F, v6  }
0xa1: {  	v6 =	vor.u32 v2, v6;
	_ =	sdelay $0x4  }
0xa2: {  	[tilespmem:v6+s17+$0x0] =	vst.idx.msk $0xffff, v5  }
0xa3: {  	v6 =	vld [tilespmem:s10+$0x14820];
	_ =	sdelay $0x4  }
0xa4: {  	v6 =	vand.u32 $0x7F, v6  }
0xa5: {  	v6 =	vor.u32 v3, v6;
	_ =	sdelay $0x4  }
0xa6: {  	[tilespmem:v6+s17+$0x0] =	vst.idx.msk $0xffff, v5  }
0xa7: {  	v6 =	vld [tilespmem:s10+$0x14830];
	_ =	sdelay $0x4  }
0xa8: {  	v6 =	vand.u32 $0x7F, v6  }
0xa9: {  	v6 =	vor.u32 v4, v6;
	_ =	sdelay $0x4  }
0xaa: {  	s9 =	sadd.s32 $0x140C0, s10;
	[tilespmem:v6+s17+$0x0] =	vst.idx.msk $0xffff, v5  }
0xab: {  	[tilespmem:s28], [sflag:$0x4] =	stream.indirect.gather [hbm4b:s5+s19], $0x80, s9, s19, $0xb8;
	[tilespmem:$0x1F400] =	vst v63  }
0xac: {  	_ =	swait.ge [sflag:s29], $0x2000  }
0xad: {  	[sflag:s29] =	ssyncset.done $0x0  }
0xae: {  	[sflag:s29] =	ssyncadd.s32 $0xFFFFE000  }
0xaf: {  	v6 =	vld [tilespmem:s10+$0x14840];
	_ =	sdelay $0x4  }
0xb0: {  	v7 =	vand.u32 $0x7F, v6  }
0xb1: {  	v7 =	vor.u32 v0, v7;
	_ =	sdelay $0x3  }
0xb2: {  	[tilespmem:$0x1D080] =	vst v6  }
0xb3: {  	v6 =	vshrl.u32 v6, $0x7;
	[tilespmem:v7+s17+$0x0] =	vst.idx.msk $0xffff, v1  }
0xb4: {  	[tilespmem:$0x1F380] =	vst v6  }
0xb5: {  	v6 =	vld [tilespmem:s10+$0x14850];
	_ =	sdelay $0x4  }
0xb6: {  	v7 =	vand.u32 $0x7F, v6  }
0xb7: {  	v7 =	vor.u32 v2, v7;
	_ =	sdelay $0x3  }
0xb8: {  	[tilespmem:$0x1D090] =	vst v6  }
0xb9: {  	v6 =	vshrl.u32 v6, $0x7;
	[tilespmem:v7+s17+$0x0] =	vst.idx.msk $0xffff, v1  }
0xba: {  	[tilespmem:$0x1F390] =	vst v6  }
0xbb: {  	v6 =	vld [tilespmem:s10+$0x14860];
	_ =	sdelay $0x4  }
0xbc: {  	v7 =	vand.u32 $0x7F, v6  }
0xbd: {  	v7 =	vor.u32 v3, v7;
	_ =	sdelay $0x3  }
0xbe: {  	[tilespmem:$0x1D0A0] =	vst v6  }
0xbf: {  	v6 =	vshrl.u32 v6, $0x7;
	[tilespmem:v7+s17+$0x0] =	vst.idx.msk $0xffff, v1  }
0xc0: {  	[tilespmem:$0x1F3A0] =	vst v6  }
0xc1: {  	v6 =	vld [tilespmem:s10+$0x14870];
	_ =	sdelay $0x4  }
0xc2: {  	v7 =	vand.u32 $0x7F, v6  }
0xc3: {  	v7 =	vor.u32 v4, v7;
	_ =	sdelay $0x3  }
0xc4: {  	[tilespmem:$0x1D0B0] =	vst v6  }
0xc5: {  	v6 =	vshrl.u32 v6, $0x7;
	[tilespmem:v7+s17+$0x0] =	vst.idx.msk $0xffff, v1  }
0xc6: {  	[tilespmem:$0x1F3B0] =	vst v6  }
0xc7: {  	_ =	swait.ge [sflag:s8], $0x2000  }
0xc8: {  	[sflag:s8] =	ssyncset.done $0x0  }
0xc9: {  	[sflag:s8] =	ssyncadd.s32 $0xFFFFE000  }
0xca: {  	[spmem:s2] =	stream.indirect.scatter.add.f32 [tilespmem:s23], [sflag:$0x5], $0x80, s30, s19, $0xb8;
	[tilespmem:$0x1F400] =	vst v63  }
0xcb: {  	_ = 	snop  }
0xcc: {  	[spmem:s3] =	stream.indirect.scatter.add.f32 [tilespmem:s17], [sflag:$0x6], $0x80, s11, s19, $0xb8;
	[tilespmem:$0x1F400] =	vst v63  }
0xcd: {  	_ =	swait.ge [sflag:s26], $0x2000  }
0xce: {  	[sflag:s26] =	ssyncset.done $0x0  }
0xcf: {  	[sflag:s26] =	ssyncadd.s32 $0xFFFFE000  }
0xd0: {  	v6 =	vld [tilespmem:s10+$0x14840];
	_ =	sdelay $0x4  }
0xd1: {  	v6 =	vand.u32 $0x7F, v6  }
0xd2: {  	v6 =	vor.u32 v0, v6;
	_ =	sdelay $0x4  }
0xd3: {  	[tilespmem:v6+s17+$0x0] =	vst.idx.msk $0xffff, v5  }
0xd4: {  	v6 =	vld [tilespmem:s10+$0x14850];
	_ =	sdelay $0x4  }
0xd5: {  	v6 =	vand.u32 $0x7F, v6  }
0xd6: {  	v6 =	vor.u32 v2, v6;
	_ =	sdelay $0x4  }
0xd7: {  	[tilespmem:v6+s17+$0x0] =	vst.idx.msk $0xffff, v5  }
0xd8: {  	v6 =	vld [tilespmem:s10+$0x14860];
	_ =	sdelay $0x4  }
0xd9: {  	v6 =	vand.u32 $0x7F, v6  }
0xda: {  	v6 =	vor.u32 v3, v6;
	_ =	sdelay $0x4  }
0xdb: {  	[tilespmem:v6+s17+$0x0] =	vst.idx.msk $0xffff, v5  }
0xdc: {  	v6 =	vld [tilespmem:s10+$0x14870];
	_ =	sdelay $0x4  }
0xdd: {  	v6 =	vand.u32 $0x7F, v6  }
0xde: {  	v6 =	vor.u32 v4, v6;
	_ =	sdelay $0x4  }
0xdf: {  	s22 =	sadd.s32 $0x14100, s10;
	[tilespmem:v6+s17+$0x0] =	vst.idx.msk $0xffff, v5  }
0xe0: {  	[tilespmem:s16], [sflag:$0x1] =	stream.indirect.gather [hbm4b:s5+s19], $0x80, s22, s19, $0xb8;
	[tilespmem:$0x1F400] =	vst v63  }
0xe1: {  	_ =	swait.ge [sflag:s31], $0x2000  }
0xe2: {  	[sflag:s31] =	ssyncset.done $0x0  }
0xe3: {  	[sflag:s31] =	ssyncadd.s32 $0xFFFFE000  }
0xe4: {  	v6 =	vld [tilespmem:s10+$0x14880];
	_ =	sdelay $0x4  }
0xe5: {  	v7 =	vand.u32 $0x7F, v6  }
0xe6: {  	v7 =	vor.u32 v0, v7;
	_ =	sdelay $0x3  }
0xe7: {  	[tilespmem:$0x1D000] =	vst v6  }
0xe8: {  	v6 =	vshrl.u32 v6, $0x7;
	[tilespmem:v7+s17+$0x0] =	vst.idx.msk $0xffff, v1  }
0xe9: {  	[tilespmem:$0x1F380] =	vst v6  }
0xea: {  	v6 =	vld [tilespmem:s10+$0x14890];
	_ =	sdelay $0x4  }
0xeb: {  	v7 =	vand.u32 $0x7F, v6  }
0xec: {  	v7 =	vor.u32 v2, v7;
	_ =	sdelay $0x3  }
0xed: {  	[tilespmem:$0x1D010] =	vst v6  }
0xee: {  	v6 =	vshrl.u32 v6, $0x7;
	[tilespmem:v7+s17+$0x0] =	vst.idx.msk $0xffff, v1  }
0xef: {  	[tilespmem:$0x1F390] =	vst v6  }
0xf0: {  	v6 =	vld [tilespmem:s10+$0x148A0];
	_ =	sdelay $0x4  }
0xf1: {  	v7 =	vand.u32 $0x7F, v6  }
0xf2: {  	v7 =	vor.u32 v3, v7;
	_ =	sdelay $0x3  }
0xf3: {  	[tilespmem:$0x1D020] =	vst v6  }
0xf4: {  	v6 =	vshrl.u32 v6, $0x7;
	[tilespmem:v7+s17+$0x0] =	vst.idx.msk $0xffff, v1  }
0xf5: {  	[tilespmem:$0x1F3A0] =	vst v6  }
0xf6: {  	v6 =	vld [tilespmem:s10+$0x148B0];
	_ =	sdelay $0x4  }
0xf7: {  	v7 =	vand.u32 $0x7F, v6  }
0xf8: {  	v7 =	vor.u32 v4, v7;
	_ =	sdelay $0x3  }
0xf9: {  	[tilespmem:$0x1D030] =	vst v6  }
0xfa: {  	v6 =	vshrl.u32 v6, $0x7;
	[tilespmem:v7+s17+$0x0] =	vst.idx.msk $0xffff, v1  }
0xfb: {  	[tilespmem:$0x1F3B0] =	vst v6  }
0xfc: {  	_ =	swait.ge [sflag:s8], $0x2000  }
0xfd: {  	[sflag:s8] =	ssyncset.done $0x0  }
0xfe: {  	[sflag:s8] =	ssyncadd.s32 $0xFFFFE000  }
0xff: {  	[spmem:s2] =	stream.indirect.scatter.add.f32 [tilespmem:s25], [sflag:$0x5], $0x80, s18, s19, $0xb8;
	[tilespmem:$0x1F400] =	vst v63  }
0x100: {  	_ = 	snop  }
0x101: {  	[spmem:s3] =	stream.indirect.scatter.add.f32 [tilespmem:s17], [sflag:$0x6], $0x80, s11, s19, $0xb8;
	[tilespmem:$0x1F400] =	vst v63  }
0x102: {  	_ =	swait.ge [sflag:s26], $0x2000  }
0x103: {  	[sflag:s26] =	ssyncset.done $0x0  }
0x104: {  	[sflag:s26] =	ssyncadd.s32 $0xFFFFE000  }
0x105: {  	v6 =	vld [tilespmem:s10+$0x14880];
	_ =	sdelay $0x4  }
0x106: {  	v6 =	vand.u32 $0x7F, v6  }
0x107: {  	v6 =	vor.u32 v0, v6;
	_ =	sdelay $0x4  }
0x108: {  	[tilespmem:v6+s17+$0x0] =	vst.idx.msk $0xffff, v5  }
0x109: {  	v6 =	vld [tilespmem:s10+$0x14890];
	_ =	sdelay $0x4  }
0x10a: {  	v6 =	vand.u32 $0x7F, v6  }
0x10b: {  	v6 =	vor.u32 v2, v6;
	_ =	sdelay $0x4  }
0x10c: {  	[tilespmem:v6+s17+$0x0] =	vst.idx.msk $0xffff, v5  }
0x10d: {  	v6 =	vld [tilespmem:s10+$0x148A0];
	_ =	sdelay $0x4  }
0x10e: {  	v6 =	vand.u32 $0x7F, v6  }
0x10f: {  	v6 =	vor.u32 v3, v6;
	_ =	sdelay $0x4  }
0x110: {  	[tilespmem:v6+s17+$0x0] =	vst.idx.msk $0xffff, v5  }
0x111: {  	v6 =	vld [tilespmem:s10+$0x148B0];
	_ =	sdelay $0x4  }
0x112: {  	v6 =	vand.u32 $0x7F, v6  }
0x113: {  	v6 =	vor.u32 v4, v6;
	_ =	sdelay $0x4  }
0x114: {  	s21 =	sadd.s32 $0x14140, s10;
	[tilespmem:v6+s17+$0x0] =	vst.idx.msk $0xffff, v5  }
0x115: {  	[tilespmem:s23], [sflag:$0x2] =	stream.indirect.gather [hbm4b:s5+s19], $0x80, s21, s19, $0xb8;
	[tilespmem:$0x1F400] =	vst v63  }
0x116: {  	_ =	swait.ge [sflag:s0], $0x2000  }
0x117: {  	[sflag:s0] =	ssyncset.done $0x0  }
0x118: {  	[sflag:s0] =	ssyncadd.s32 $0xFFFFE000  }
0x119: {  	v6 =	vld [tilespmem:s10+$0x148C0];
	_ =	sdelay $0x4  }
0x11a: {  	v7 =	vand.u32 $0x7F, v6  }
0x11b: {  	v7 =	vor.u32 v0, v7;
	_ =	sdelay $0x3  }
0x11c: {  	[tilespmem:$0x1D080] =	vst v6  }
0x11d: {  	v6 =	vshrl.u32 v6, $0x7;
	[tilespmem:v7+s17+$0x0] =	vst.idx.msk $0xffff, v1  }
0x11e: {  	[tilespmem:$0x1F380] =	vst v6  }
0x11f: {  	v6 =	vld [tilespmem:s10+$0x148D0];
	_ =	sdelay $0x4  }
0x120: {  	v7 =	vand.u32 $0x7F, v6  }
0x121: {  	v7 =	vor.u32 v2, v7;
	_ =	sdelay $0x3  }
0x122: {  	[tilespmem:$0x1D090] =	vst v6  }
0x123: {  	v6 =	vshrl.u32 v6, $0x7;
	[tilespmem:v7+s17+$0x0] =	vst.idx.msk $0xffff, v1  }
0x124: {  	[tilespmem:$0x1F390] =	vst v6  }
0x125: {  	v6 =	vld [tilespmem:s10+$0x148E0];
	_ =	sdelay $0x4  }
0x126: {  	v7 =	vand.u32 $0x7F, v6  }
0x127: {  	v7 =	vor.u32 v3, v7;
	_ =	sdelay $0x3  }
0x128: {  	[tilespmem:$0x1D0A0] =	vst v6  }
0x129: {  	v6 =	vshrl.u32 v6, $0x7;
	[tilespmem:v7+s17+$0x0] =	vst.idx.msk $0xffff, v1  }
0x12a: {  	[tilespmem:$0x1F3A0] =	vst v6  }
0x12b: {  	v6 =	vld [tilespmem:s10+$0x148F0];
	_ =	sdelay $0x4  }
0x12c: {  	v7 =	vand.u32 $0x7F, v6  }
0x12d: {  	v7 =	vor.u32 v4, v7;
	_ =	sdelay $0x3  }
0x12e: {  	[tilespmem:$0x1D0B0] =	vst v6  }
0x12f: {  	v6 =	vshrl.u32 v6, $0x7;
	[tilespmem:v7+s17+$0x0] =	vst.idx.msk $0xffff, v1  }
0x130: {  	[tilespmem:$0x1F3B0] =	vst v6  }
0x131: {  	_ =	swait.ge [sflag:s8], $0x2000  }
0x132: {  	[sflag:s8] =	ssyncset.done $0x0  }
0x133: {  	[sflag:s8] =	ssyncadd.s32 $0xFFFFE000  }
0x134: {  	[spmem:s2] =	stream.indirect.scatter.add.f32 [tilespmem:s28], [sflag:$0x5], $0x80, s30, s19, $0xb8;
	[tilespmem:$0x1F400] =	vst v63  }
0x135: {  	_ = 	snop  }
0x136: {  	[spmem:s3] =	stream.indirect.scatter.add.f32 [tilespmem:s17], [sflag:$0x6], $0x80, s11, s19, $0xb8;
	[tilespmem:$0x1F400] =	vst v63  }
0x137: {  	_ =	swait.ge [sflag:s26], $0x2000  }
0x138: {  	[sflag:s26] =	ssyncset.done $0x0  }
0x139: {  	[sflag:s26] =	ssyncadd.s32 $0xFFFFE000  }
0x13a: {  	v6 =	vld [tilespmem:s10+$0x148C0];
	_ =	sdelay $0x4  }
0x13b: {  	v6 =	vand.u32 $0x7F, v6  }
0x13c: {  	v6 =	vor.u32 v0, v6;
	_ =	sdelay $0x4  }
0x13d: {  	[tilespmem:v6+s17+$0x0] =	vst.idx.msk $0xffff, v5  }
0x13e: {  	v6 =	vld [tilespmem:s10+$0x148D0];
	_ =	sdelay $0x4  }
0x13f: {  	v6 =	vand.u32 $0x7F, v6  }
0x140: {  	v6 =	vor.u32 v2, v6;
	_ =	sdelay $0x4  }
0x141: {  	[tilespmem:v6+s17+$0x0] =	vst.idx.msk $0xffff, v5  }
0x142: {  	v6 =	vld [tilespmem:s10+$0x148E0];
	_ =	sdelay $0x4  }
0x143: {  	v6 =	vand.u32 $0x7F, v6  }
0x144: {  	v6 =	vor.u32 v3, v6;
	_ =	sdelay $0x4  }
0x145: {  	[tilespmem:v6+s17+$0x0] =	vst.idx.msk $0xffff, v5  }
0x146: {  	v6 =	vld [tilespmem:s10+$0x148F0];
	_ =	sdelay $0x4  }
0x147: {  	v6 =	vand.u32 $0x7F, v6  }
0x148: {  	v6 =	vor.u32 v4, v6  }
0x149: {  	p1 =	sne.s32 s15, $0x1800  }
.Ltmp0:
0x14a: {  	_ = 	snop;
	(pc) =	sbr.rel @p1 .LBB2_3-.Ltmp0, $3  }
0x14b: {  	_ =	sdelay $0x1  }
0x14c: {  	s15 =	sadd.s32 $0x400, s15;
	s22 =	sadd.s32 $0x14180, s10;
	[tilespmem:v6+s17+$0x0] =	vst.idx.msk $0xffff, v5  }
0x14d: {  	[tilespmem:s25], [sflag:$0x3] =	stream.indirect.gather [hbm4b:s5+s19], $0x80, s22, s19, $0xb8;
	[tilespmem:$0x1F400] =	vst v63  }
0x14e: {  	_ =	swait.ge [sflag:s4], $0x2000  }
0x14f: {  	[sflag:s4] =	ssyncset.done $0x0  }
0x150: {  	[sflag:s4] =	ssyncadd.s32 $0xFFFFE000  }
0x151: {  	v6 =	vld [tilespmem:$0x14F00];
	_ =	sdelay $0x4  }
0x152: {  	v7 =	vand.u32 $0x7F, v6  }
0x153: {  	v7 =	vor.u32 v0, v7;
	_ =	sdelay $0x3  }
0x154: {  	[tilespmem:$0x1D000] =	vst v6  }
0x155: {  	[tilespmem:v7+s17+$0x0] =	vst.idx.msk $0xffff, v1  }
0x156: {  	v7 =	vld [tilespmem:$0x14F10];
	_ =	sdelay $0x4  }
0x157: {  	v8 =	vand.u32 $0x7F, v7  }
0x158: {  	v8 =	vor.u32 v2, v8;
	_ =	sdelay $0x1  }
0x159: {  	v6 =	vshrl.u32 v6, $0x7  }
0x15a: {  	[tilespmem:$0x1F380] =	vst v6  }
0x15b: {  	[tilespmem:$0x1D010] =	vst v7  }
0x15c: {  	[tilespmem:v8+s17+$0x0] =	vst.idx.msk $0xffff, v1  }
0x15d: {  	v6 =	vld [tilespmem:$0x14F20];
	_ =	sdelay $0x4  }
0x15e: {  	v53 =	vand.u32 $0x7F, v6  }
0x15f: {  	v8 =	vor.u32 v3, v53;
	_ =	sdelay $0x1  }
0x160: {  	v7 =	vshrl.u32 v7, $0x7  }
0x161: {  	[tilespmem:$0x1F390] =	vst v7  }
0x162: {  	[tilespmem:$0x1D020] =	vst v6  }
0x163: {  	[tilespmem:v8+s17+$0x0] =	vst.idx.msk $0xffff, v1  }
0x164: {  	v7 =	vld [tilespmem:$0x14F30];
	_ =	sdelay $0x4  }
0x165: {  	v54 =	vand.u32 $0x7F, v7  }
0x166: {  	v8 =	vor.u32 v4, v54;
	_ =	sdelay $0x1  }
0x167: {  	v6 =	vshrl.u32 v6, $0x7  }
0x168: {  	[tilespmem:$0x1F3A0] =	vst v6  }
0x169: {  	[tilespmem:$0x1D030] =	vst v7  }
0x16a: {  	v6 =	vshrl.u32 v7, $0x7;
	[tilespmem:v8+s17+$0x0] =	vst.idx.msk $0xffff, v1  }
0x16b: {  	[tilespmem:$0x1F3B0] =	vst v6  }
0x16c: {  	_ =	swait.ge [sflag:s8], $0x2000  }
0x16d: {  	[sflag:s8] =	ssyncset.done $0x0  }
0x16e: {  	[sflag:s8] =	ssyncadd.s32 $0xFFFFE000  }
0x16f: {  	[spmem:s2] =	stream.indirect.scatter.add.f32 [tilespmem:s16], [sflag:$0x5], $0x80, s18, s19, $0xb8;
	[tilespmem:$0x1F400] =	vst v63  }
0x170: {  	_ = 	snop  }
0x171: {  	[spmem:s3] =	stream.indirect.scatter.add.f32 [tilespmem:s17], [sflag:$0x6], $0x80, s11, s19, $0xb8;
	[tilespmem:$0x1F400] =	vst v63  }
0x172: {  	_ =	swait.ge [sflag:s26], $0x2000  }
0x173: {  	[sflag:s26] =	ssyncset.done $0x0  }
0x174: {  	[sflag:s26] =	ssyncadd.s32 $0xFFFFE000  }
0x175: {  	v6 =	vld [tilespmem:$0x14F00];
	_ =	sdelay $0x4  }
0x176: {  	v6 =	vand.u32 $0x7F, v6  }
0x177: {  	v6 =	vor.u32 v0, v6;
	_ =	sdelay $0x4  }
0x178: {  	[tilespmem:v6+s17+$0x0] =	vst.idx.msk $0xffff, v5  }
0x179: {  	v6 =	vld [tilespmem:$0x14F10];
	_ =	sdelay $0x4  }
0x17a: {  	v6 =	vand.u32 $0x7F, v6  }
0x17b: {  	v6 =	vor.u32 v2, v6;
	_ =	sdelay $0x4  }
0x17c: {  	[tilespmem:v6+s17+$0x0] =	vst.idx.msk $0xffff, v5  }
0x17d: {  	v6 =	vld [tilespmem:$0x14F20];
	_ =	sdelay $0x4  }
0x17e: {  	v6 =	vand.u32 $0x7F, v6  }
0x17f: {  	v6 =	vor.u32 v3, v6;
	_ =	sdelay $0x4  }
0x180: {  	[tilespmem:v6+s17+$0x0] =	vst.idx.msk $0xffff, v5  }
0x181: {  	v6 =	vld [tilespmem:$0x14F30];
	_ =	sdelay $0x4  }
0x182: {  	v6 =	vand.u32 $0x7F, v6  }
0x183: {  	v6 =	vor.u32 v4, v6;
	_ =	sdelay $0x4  }
0x184: {  	s9 =	simm.s32 $0x147C0;
	[tilespmem:v6+s17+$0x0] =	vst.idx.msk $0xffff, v5  }
0x185: {  	[tilespmem:s28], [sflag:$0x4] =	stream.indirect.gather [hbm4b:s5+s19], $0x80, s9, s19, $0xb8;
	[tilespmem:$0x1F400] =	vst v63  }
0x186: {  	_ =	swait.ge [sflag:s29], $0x2000  }
0x187: {  	[sflag:s29] =	ssyncset.done $0x0  }
0x188: {  	[sflag:s29] =	ssyncadd.s32 $0xFFFFE000  }
0x189: {  	v6 =	vld [tilespmem:$0x14F40];
	_ =	sdelay $0x4  }
0x18a: {  	v7 =	vand.u32 $0x7F, v6  }
0x18b: {  	v7 =	vor.u32 v0, v7;
	_ =	sdelay $0x3  }
0x18c: {  	[tilespmem:$0x1D080] =	vst v6  }
0x18d: {  	[tilespmem:v7+s17+$0x0] =	vst.idx.msk $0xffff, v1  }
0x18e: {  	v7 =	vld [tilespmem:$0x14F50];
	_ =	sdelay $0x4  }
0x18f: {  	v55 =	vand.u32 $0x7F, v7  }
0x190: {  	v8 =	vor.u32 v2, v55;
	_ =	sdelay $0x1  }
0x191: {  	v6 =	vshrl.u32 v6, $0x7  }
0x192: {  	[tilespmem:$0x1F380] =	vst v6  }
0x193: {  	[tilespmem:$0x1D090] =	vst v7  }
0x194: {  	[tilespmem:v8+s17+$0x0] =	vst.idx.msk $0xffff, v1  }
0x195: {  	v6 =	vld [tilespmem:$0x14F60];
	_ =	sdelay $0x4  }
0x196: {  	v56 =	vand.u32 $0x7F, v6  }
0x197: {  	v8 =	vor.u32 v3, v56;
	_ =	sdelay $0x1  }
0x198: {  	v7 =	vshrl.u32 v7, $0x7  }
0x199: {  	[tilespmem:$0x1F390] =	vst v7  }
0x19a: {  	[tilespmem:$0x1D0A0] =	vst v6  }
0x19b: {  	[tilespmem:v8+s17+$0x0] =	vst.idx.msk $0xffff, v1  }
0x19c: {  	v7 =	vld [tilespmem:$0x14F70];
	_ =	sdelay $0x4  }
0x19d: {  	v57 =	vand.u32 $0x7F, v7  }
0x19e: {  	v8 =	vor.u32 v4, v57;
	_ =	sdelay $0x1  }
0x19f: {  	v6 =	vshrl.u32 v6, $0x7  }
0x1a0: {  	[tilespmem:$0x1F3A0] =	vst v6  }
0x1a1: {  	[tilespmem:$0x1D0B0] =	vst v7  }
0x1a2: {  	v6 =	vshrl.u32 v7, $0x7;
	[tilespmem:v8+s17+$0x0] =	vst.idx.msk $0xffff, v1  }
0x1a3: {  	[tilespmem:$0x1F3B0] =	vst v6  }
0x1a4: {  	_ =	swait.ge [sflag:s8], $0x2000  }
0x1a5: {  	[sflag:s8] =	ssyncset.done $0x0  }
0x1a6: {  	[sflag:s8] =	ssyncadd.s32 $0xFFFFE000  }
0x1a7: {  	[spmem:s2] =	stream.indirect.scatter.add.f32 [tilespmem:s23], [sflag:$0x5], $0x80, s30, s19, $0xb8;
	[tilespmem:$0x1F400] =	vst v63  }
0x1a8: {  	_ = 	snop  }
0x1a9: {  	[spmem:s3] =	stream.indirect.scatter.add.f32 [tilespmem:s17], [sflag:$0x6], $0x80, s11, s19, $0xb8;
	[tilespmem:$0x1F400] =	vst v63  }
0x1aa: {  	_ =	swait.ge [sflag:s26], $0x2000  }
0x1ab: {  	[sflag:s26] =	ssyncset.done $0x0  }
0x1ac: {  	[sflag:s26] =	ssyncadd.s32 $0xFFFFE000  }
0x1ad: {  	v6 =	vld [tilespmem:$0x14F40];
	_ =	sdelay $0x4  }
0x1ae: {  	v6 =	vand.u32 $0x7F, v6  }
0x1af: {  	v6 =	vor.u32 v0, v6;
	_ =	sdelay $0x4  }
0x1b0: {  	[tilespmem:v6+s17+$0x0] =	vst.idx.msk $0xffff, v5  }
0x1b1: {  	v6 =	vld [tilespmem:$0x14F50];
	_ =	sdelay $0x4  }
0x1b2: {  	v6 =	vand.u32 $0x7F, v6  }
0x1b3: {  	v6 =	vor.u32 v2, v6;
	_ =	sdelay $0x4  }
0x1b4: {  	[tilespmem:v6+s17+$0x0] =	vst.idx.msk $0xffff, v5  }
0x1b5: {  	v6 =	vld [tilespmem:$0x14F60];
	_ =	sdelay $0x4  }
0x1b6: {  	v6 =	vand.u32 $0x7F, v6  }
0x1b7: {  	v6 =	vor.u32 v3, v6;
	_ =	sdelay $0x4  }
0x1b8: {  	[tilespmem:v6+s17+$0x0] =	vst.idx.msk $0xffff, v5  }
0x1b9: {  	v6 =	vld [tilespmem:$0x14F70];
	_ =	sdelay $0x4  }
0x1ba: {  	v6 =	vand.u32 $0x7F, v6  }
0x1bb: {  	v6 =	vor.u32 v4, v6;
	_ =	sdelay $0x4  }
0x1bc: {  	[tilespmem:v6+s17+$0x0] =	vst.idx.msk $0xffff, v5  }
0x1bd: {  	_ =	swait.ge [sflag:s31], $0x2000  }
0x1be: {  	[sflag:s31] =	ssyncset.done $0x0  }
0x1bf: {  	[sflag:s31] =	ssyncadd.s32 $0xFFFFE000  }
0x1c0: {  	v6 =	vld [tilespmem:$0x14F80];
	_ =	sdelay $0x4  }
0x1c1: {  	v7 =	vand.u32 $0x7F, v6  }
0x1c2: {  	v7 =	vor.u32 v0, v7;
	_ =	sdelay $0x3  }
0x1c3: {  	[tilespmem:$0x1D000] =	vst v6  }
0x1c4: {  	[tilespmem:v7+s17+$0x0] =	vst.idx.msk $0xffff, v1  }
0x1c5: {  	v7 =	vld [tilespmem:$0x14F90];
	_ =	sdelay $0x4  }
0x1c6: {  	v58 =	vand.u32 $0x7F, v7  }
0x1c7: {  	v8 =	vor.u32 v2, v58;
	_ =	sdelay $0x1  }
0x1c8: {  	v6 =	vshrl.u32 v6, $0x7  }
0x1c9: {  	[tilespmem:$0x1F380] =	vst v6  }
0x1ca: {  	[tilespmem:$0x1D010] =	vst v7  }
0x1cb: {  	[tilespmem:v8+s17+$0x0] =	vst.idx.msk $0xffff, v1  }
0x1cc: {  	v6 =	vld [tilespmem:$0x14FA0];
	_ =	sdelay $0x4  }
0x1cd: {  	v59 =	vand.u32 $0x7F, v6  }
0x1ce: {  	v8 =	vor.u32 v3, v59;
	_ =	sdelay $0x1  }
0x1cf: {  	v7 =	vshrl.u32 v7, $0x7  }
0x1d0: {  	[tilespmem:$0x1F390] =	vst v7  }
0x1d1: {  	[tilespmem:$0x1D020] =	vst v6  }
0x1d2: {  	[tilespmem:v8+s17+$0x0] =	vst.idx.msk $0xffff, v1  }
0x1d3: {  	v7 =	vld [tilespmem:$0x14FB0];
	_ =	sdelay $0x4  }
0x1d4: {  	v60 =	vand.u32 $0x7F, v7  }
0x1d5: {  	v8 =	vor.u32 v4, v60;
	_ =	sdelay $0x1  }
0x1d6: {  	v6 =	vshrl.u32 v6, $0x7  }
0x1d7: {  	[tilespmem:$0x1F3A0] =	vst v6  }
0x1d8: {  	[tilespmem:$0x1D030] =	vst v7  }
0x1d9: {  	v6 =	vshrl.u32 v7, $0x7;
	[tilespmem:v8+s17+$0x0] =	vst.idx.msk $0xffff, v1  }
0x1da: {  	[tilespmem:$0x1F3B0] =	vst v6  }
0x1db: {  	_ =	swait.ge [sflag:s8], $0x2000  }
0x1dc: {  	[sflag:s8] =	ssyncset.done $0x0  }
0x1dd: {  	[sflag:s8] =	ssyncadd.s32 $0xFFFFE000  }
0x1de: {  	[spmem:s2] =	stream.indirect.scatter.add.f32 [tilespmem:s25], [sflag:$0x5], $0x80, s18, s19, $0xb8;
	[tilespmem:$0x1F400] =	vst v63  }
0x1df: {  	_ = 	snop  }
0x1e0: {  	[spmem:s3] =	stream.indirect.scatter.add.f32 [tilespmem:s17], [sflag:$0x6], $0x80, s11, s19, $0xb8;
	[tilespmem:$0x1F400] =	vst v63  }
0x1e1: {  	_ =	swait.ge [sflag:s26], $0x2000  }
0x1e2: {  	[sflag:s26] =	ssyncset.done $0x0  }
0x1e3: {  	[sflag:s26] =	ssyncadd.s32 $0xFFFFE000  }
0x1e4: {  	v6 =	vld [tilespmem:$0x14F80];
	_ =	sdelay $0x4  }
0x1e5: {  	v6 =	vand.u32 $0x7F, v6  }
0x1e6: {  	v6 =	vor.u32 v0, v6;
	_ =	sdelay $0x4  }
0x1e7: {  	[tilespmem:v6+s17+$0x0] =	vst.idx.msk $0xffff, v5  }
0x1e8: {  	v6 =	vld [tilespmem:$0x14F90];
	_ =	sdelay $0x4  }
0x1e9: {  	v6 =	vand.u32 $0x7F, v6  }
0x1ea: {  	v6 =	vor.u32 v2, v6;
	_ =	sdelay $0x4  }
0x1eb: {  	[tilespmem:v6+s17+$0x0] =	vst.idx.msk $0xffff, v5  }
0x1ec: {  	v6 =	vld [tilespmem:$0x14FA0];
	_ =	sdelay $0x4  }
0x1ed: {  	v6 =	vand.u32 $0x7F, v6  }
0x1ee: {  	v6 =	vor.u32 v3, v6;
	_ =	sdelay $0x4  }
0x1ef: {  	[tilespmem:v6+s17+$0x0] =	vst.idx.msk $0xffff, v5  }
0x1f0: {  	v6 =	vld [tilespmem:$0x14FB0];
	_ =	sdelay $0x4  }
0x1f1: {  	v6 =	vand.u32 $0x7F, v6  }
0x1f2: {  	v6 =	vor.u32 v4, v6;
	_ =	sdelay $0x4  }
0x1f3: {  	[tilespmem:v6+s17+$0x0] =	vst.idx.msk $0xffff, v5  }
0x1f4: {  	_ =	swait.ge [sflag:s0], $0x2000  }
0x1f5: {  	[sflag:s0] =	ssyncset.done $0x0  }
0x1f6: {  	[sflag:s0] =	ssyncadd.s32 $0xFFFFE000  }
0x1f7: {  	v6 =	vld [tilespmem:$0x14FC0];
	_ =	sdelay $0x4  }
0x1f8: {  	v7 =	vand.u32 $0x7F, v6  }
0x1f9: {  	v7 =	vor.u32 v0, v7;
	_ =	sdelay $0x3  }
0x1fa: {  	[tilespmem:$0x1D080] =	vst v6  }
0x1fb: {  	[tilespmem:v7+s17+$0x0] =	vst.idx.msk $0xffff, v1  }
0x1fc: {  	v7 =	vld [tilespmem:$0x14FD0];
	_ =	sdelay $0x4  }
0x1fd: {  	v61 =	vand.u32 $0x7F, v7  }
0x1fe: {  	v8 =	vor.u32 v2, v61;
	_ =	sdelay $0x1  }
0x1ff: {  	v6 =	vshrl.u32 v6, $0x7  }
0x200: {  	[tilespmem:$0x1F380] =	vst v6  }
0x201: {  	[tilespmem:$0x1D090] =	vst v7  }
0x202: {  	[tilespmem:v8+s17+$0x0] =	vst.idx.msk $0xffff, v1  }
0x203: {  	v6 =	vld [tilespmem:$0x14FE0];
	_ =	sdelay $0x4  }
0x204: {  	v62 =	vand.u32 $0x7F, v6  }
0x205: {  	v8 =	vor.u32 v3, v62;
	_ =	sdelay $0x1  }
0x206: {  	v7 =	vshrl.u32 v7, $0x7  }
0x207: {  	[tilespmem:$0x1F390] =	vst v7  }
0x208: {  	[tilespmem:$0x1D0A0] =	vst v6  }
0x209: {  	[tilespmem:v8+s17+$0x0] =	vst.idx.msk $0xffff, v1  }
0x20a: {  	v7 =	vld [tilespmem:$0x14FF0];
	_ =	sdelay $0x4  }
0x20b: {  	v63 =	vand.u32 $0x7F, v7  }
0x20c: {  	v8 =	vor.u32 v4, v63;
	_ =	sdelay $0x1  }
0x20d: {  	v6 =	vshrl.u32 v6, $0x7  }
0x20e: {  	[tilespmem:$0x1F3A0] =	vst v6  }
0x20f: {  	[tilespmem:$0x1D0B0] =	vst v7  }
0x210: {  	v6 =	vshrl.u32 v7, $0x7;
	[tilespmem:v8+s17+$0x0] =	vst.idx.msk $0xffff, v1  }
0x211: {  	[tilespmem:$0x1F3B0] =	vst v6  }
0x212: {  	_ =	swait.ge [sflag:s8], $0x2000  }
0x213: {  	[sflag:s8] =	ssyncset.done $0x0  }
0x214: {  	[sflag:s8] =	ssyncadd.s32 $0xFFFFE000  }
0x215: {  	[spmem:s2] =	stream.indirect.scatter.add.f32 [tilespmem:s28], [sflag:$0x5], $0x80, s30, s19, $0xb8;
	[tilespmem:$0x1F400] =	vst v63  }
0x216: {  	_ = 	snop  }
0x217: {  	[spmem:s3] =	stream.indirect.scatter.add.f32 [tilespmem:s17], [sflag:$0x6], $0x80, s11, s19, $0xb8;
	[tilespmem:$0x1F400] =	vst v63  }
0x218: {  	_ =	swait.ge [sflag:s26], $0x2000  }
0x219: {  	[sflag:s26] =	ssyncset.done $0x0  }
0x21a: {  	[sflag:s26] =	ssyncadd.s32 $0xFFFFE000  }
0x21b: {  	v6 =	vld [tilespmem:$0x14FC0];
	_ =	sdelay $0x4  }
0x21c: {  	v6 =	vand.u32 $0x7F, v6  }
0x21d: {  	v6 =	vor.u32 v0, v6;
	_ =	sdelay $0x4  }
0x21e: {  	[tilespmem:v6+s17+$0x0] =	vst.idx.msk $0xffff, v5  }
0x21f: {  	v6 =	vld [tilespmem:$0x14FD0];
	_ =	sdelay $0x4  }
0x220: {  	v6 =	vand.u32 $0x7F, v6  }
0x221: {  	v6 =	vor.u32 v2, v6;
	_ =	sdelay $0x4  }
0x222: {  	[tilespmem:v6+s17+$0x0] =	vst.idx.msk $0xffff, v5  }
0x223: {  	v6 =	vld [tilespmem:$0x14FE0];
	_ =	sdelay $0x4  }
0x224: {  	v6 =	vand.u32 $0x7F, v6  }
0x225: {  	v6 =	vor.u32 v3, v6;
	_ =	sdelay $0x4  }
0x226: {  	[tilespmem:v6+s17+$0x0] =	vst.idx.msk $0xffff, v5  }
0x227: {  	v6 =	vld [tilespmem:$0x14FF0];
	_ =	sdelay $0x4  }
0x228: {  	s14 =	sadd.s32 $0x1, s14;
	v6 =	vand.u32 $0x7F, v6  }
0x229: {  	p1 =	sne.s32 s14, s12;
	v6 =	vor.u32 v4, v6  }
.Ltmp1:
0x22a: {  	_ = 	snop;
	(pc) =	sbr.rel @p1 .LBB2_2-.Ltmp1, $2  }
0x22b: {  	_ =	sdelay $0x2  }
0x22c: {  	[tilespmem:v6+s17+$0x0] =	vst.idx.msk $0xffff, v5  }
0x22d: {  	_ =	swait.ge [sflag:s8], $0x2000  }
0x22e: {  	[sflag:s8] =	ssyncset.done $0x0  }
0x22f: {  	[sflag:s8] =	ssyncadd.s32 $0xFFFFE000  }
0x230: {  	s9 =	stileid.u32;
	[bflag:$0x0] =	sbarrier.arrive $0xFFFF  }
0x231: {  	s9 =	sshll.u32 s9, $0x6;
	s22 =	rddreg [dreg:$0x7]  }
0x232: {  	s9 =	sor.u32 $0x1C06, s9;
	s14 =	rddreg [dreg:$0xb];
	s10 =	sshrl.u32 s22, $0x3  }
0x233: {  	[hbm:s14], [sflag:s9] =	dma.local [spmem:s10], $0x400  }
0x234: {  	_ =	swait.ge [sflag:s26], $0x400  }
0x235: {  	[sflag:s26] =	ssyncset.done $0x0;
	s7 =	rddreg [dreg:$0x1f]  }
0x236: {  	s20 =	rddreg [dreg:$0xc];
	[sflag:s26] =	ssyncadd.s32 $0xFFFFFC00;
	s15 =	sshrl.u32 s7, $0x3  }
0x237: {  	[hbm:s20], [sflag:s9] =	dma.local [spmem:s15], $0x400  }
0x238: {  	_ =	swait.ge [sflag:s26], $0x400  }
0x239: {  	s21 =	sld [smem:$0x7FD];
	_ =	sdelay $0x1  }
0x23a: {  	[sflag:s26] =	ssyncset.done $0x0  }
0x23b: {  	s7 =	rddreg [dreg:$0xd];
	[sflag:s26] =	ssyncadd.s32 $0xFFFFFC00;
	s6 =	sshrl.u32 s21, $0x3  }
0x23c: {  	[hbm:s7], [sflag:s9] =	dma.local [spmem:s6], $0x400  }
0x23d: {  	_ =	swait.ge [sflag:s26], $0x400  }
0x23e: {  	[sflag:s26] =	ssyncset.done $0x0  }
0x23f: {  	s12 =	sshrl.u32 s24, $0x3;
	s13 =	rddreg [dreg:$0xe];
	[sflag:s26] =	ssyncadd.s32 $0xFFFFFC00  }
0x240: {  	[hbm:s13], [sflag:s9] =	dma.local [spmem:s12], $0x400  }
0x241: {  	_ =	swait.ge [sflag:s26], $0x400  }
0x242: {  	[sflag:s26] =	ssyncset.done $0x0  }
0x243: {  	s15 =	sshrl.u32 s1, $0x3;
	s20 =	rddreg [dreg:$0xf];
	[sflag:s26] =	ssyncadd.s32 $0xFFFFFC00  }
0x244: {  	[hbm:s20], [sflag:s9] =	dma.local [spmem:s15], $0x400  }
0x245: {  	_ =	swait.ge [sflag:s26], $0x400  }
0x246: {  	[sflag:s26] =	ssyncset.done $0x0;
	s6 =	rddreg [dreg:$0x15]  }
0x247: {  	s7 =	rddreg [dreg:$0x10];
	[sflag:s26] =	ssyncadd.s32 $0xFFFFFC00;
	s21 =	sshrl.u32 s6, $0x3  }
0x248: {  	[hbm:s7], [sflag:s9] =	dma.local [spmem:s21], $0x400  }
0x249: {  	_ =	swait.ge [sflag:s26], $0x400  }
0x24a: {  	[sflag:s26] =	ssyncset.done $0x0;
	s7 =	rddreg [dreg:$0x17]  }
0x24b: {  	s13 =	rddreg [dreg:$0x11];
	[sflag:s26] =	ssyncadd.s32 $0xFFFFFC00;
	s12 =	sshrl.u32 s7, $0x3  }
0x24c: {  	[hbm:s13], [sflag:s9] =	dma.local [spmem:s12], $0x400  }
0x24d: {  	_ =	swait.ge [sflag:s26], $0x400  }
0x24e: {  	[sflag:s26] =	ssyncset.done $0x0;
	s12 =	rddreg [dreg:$0x19]  }
0x24f: {  	s15 =	rddreg [dreg:$0x12];
	[sflag:s26] =	ssyncadd.s32 $0xFFFFFC00;
	s14 =	sshrl.u32 s12, $0x3  }
0x250: {  	[hbm:s15], [sflag:s9] =	dma.local [spmem:s14], $0x400  }
0x251: {  	_ =	swait.ge [sflag:s26], $0x400  }
0x252: {  	[sflag:s26] =	ssyncset.done $0x0;
	s13 =	rddreg [dreg:$0x1b]  }
0x253: {  	s21 =	rddreg [dreg:$0x13];
	[sflag:s26] =	ssyncadd.s32 $0xFFFFFC00;
	s20 =	sshrl.u32 s13, $0x3  }
0x254: {  	[hbm:s21], [sflag:s9] =	dma.local [spmem:s20], $0x400  }
0x255: {  	_ =	swait.ge [sflag:s26], $0x400  }
0x256: {  	[sflag:s26] =	ssyncset.done $0x0;
	s20 =	rddreg [dreg:$0x1d]  }
0x257: {  	s21 =	rddreg [dreg:$0x14];
	[sflag:s26] =	ssyncadd.s32 $0xFFFFFC00;
	s15 =	sshrl.u32 s20, $0x3  }
0x258: {  	[hbm:s21], [sflag:s9] =	dma.local [spmem:s15], $0x400  }
0x259: {  	_ =	swait.ge [sflag:s26], $0x400  }
0x25a: {  	[sflag:s26] =	ssyncset.done $0x0;
	s14 =	rddreg [dreg:$0x8]  }
0x25b: {  	s21 =	rddreg [dreg:$0x9];
	[sflag:s26] =	ssyncadd.s32 $0xFFFFFC00;
	s10 =	sshrl.u32 @!p0 s14, $0x3  }
0x25c: {  	[hbm:s21], [sflag:s9] =	dma.local @!p0 [spmem:s10], $0x80  }
0x25d: {  	s9 =	simm.s32 @!p0 $0x6  }
0x25e: {  	s15 =	smov.u32 s6;
	s6 =	rddreg [dreg:$0x16];
	_ =	swait.ge @!p0 [sflag:s9], $0x80  }
0x25f: {  	s10 =	rddreg [dreg:$0x1e]  }
0x260: {  	s21 =	sadd.s32 $0x1, s10;
	s10 =	rddreg [dreg:$0xa]  }
0x261: {  	p1 =	sne.s32 s21, s10  }
.Ltmp2:
0x262: {  	_ = 	snop;
	(pc) =	sbr.rel @p1 .LBB2_1-.Ltmp2, $3  }
0x263: {  	_ =	sdelay $0x1  }
0x264: {  	[sflag:s9] =	ssyncset.done @!p0 $0x0  }
0x265: {  	[sflag:s9] =	ssyncadd.s32 @!p0 $0xFFFFFF80;
	[dreg:$0x1e] =	wrdreg s21  }
0x266: {  	_ =	sfence.sel $0x180000  }
0x267: {  	[bflag:$0x0] =	sbarrier.arrive $0xFFFF  }
0x268: {  	_ =	strace $0x90000047  }
0x269: {  	s0 =	stileid.u32;
	[bflag:$0x2] =	sbarrier.arrive $0xFFFF  }
0x26a: {  	p0 =	sne.s32 s0, $0x0;
	s0 =	rddreg [dreg:$0x4]  }
0x26b: {  	s0 =	sadd.s32 @!p0 $0x100000, s0  }
0x26c: {  	[sflag:s0] =	ssyncadd.tile.s32 @!p0 $0x1;
	_ =	shalt  }
.Lfunc_end2:
_tile_overlayer_lowered:
.L_overlay_start_2:
0x26d: {  	(tag) =	ssettag $0x2  }
0x26e: {  	s0 =	rddreg [dreg:$0x0];
	s2 =	stileid.u32  }
0x26f: {  	s1 =	rddreg [dreg:$0x1];
	p0 =	sne.s32 s2, $0x0  }
0x270: {  	s3 =	rddreg [dreg:$0x2];
	[bflag:$0x3] =	sbarrier.arrive $0xFFFF;
	s2 =	simm.s32 @!p0 $0x1C06  }
0x271: {  	[timem:s3], [sflag:s2] =	dma.local @!p0 [hbm:s0], s1  }
0x272: {  	s0 =	simm.s32 @!p0 $0x6  }
0x273: {  	_ =	swait.ge @!p0 [sflag:s0], s1  }
0x274: {  	s1 =	ssub.s32 @!p0 $0x0, s1;
	[sflag:s0] =	ssyncset.done @!p0 $0x0  }
0x275: {  	[sflag:s0] =	ssyncadd.s32 @!p0 s1  }
0x276: {  	[bflag:$0x3] =	sbarrier.arrive $0xFFFF  }
0x277: {  	_ =	shalt  }

// kernel: kernel.9.cloned.1.call-start
scs
__scs_entry_jumppad:
0x0: {  	(pc) =	sbr.rel $0x88, $3  }
0x1: {  	(tag) =	ssettag $0x0;
	lr =	simm.s32 $0x1  }
0x2: {  	[smem:$0x3F93] =	sst lr;
	_ =	strace $0xD0000000  }
0x3: {  	_ = 	snop  }
0x4: {  	_ = 	snop  }
0x5: {  	_ = 	snop  }
0x6: {  	_ = 	snop  }
0x7: {  	_ = 	snop  }
__scs_overlays_trampoline_lowered:
0x8: {  	[smem:$0x3FA2] =	sst s0  }
0x9: {  	[smem:$0x3FA3] =	sst s1  }
0xa: {  	[smem:$0x3FA4] =	sst s2  }
0xb: {  	[smem:$0x3FA5] =	sst s3  }
0xc: {  	[smem:$0x3FA6] =	sst s4  }
0xd: {  	[smem:$0x3FA7] =	sst s5  }
0xe: {  	[smem:$0x3FA8] =	sst s6  }
0xf: {  	[smem:$0x3FA9] =	sst s7  }
0x10: {  	[smem:$0x3FAA] =	sst s8  }
0x11: {  	[smem:$0x3FAB] =	sst s9;
	s0 =	simm.s32 @!p0 $0x0  }
0x12: {  	s1 =	sld [smem:$0x3F91];
	s0 =	simm.s32 @p0 $0x1  }
0x13: {  	[smem:$0x3FAC] =	sst s0;
	s0 =	simm.s32 @!p1 $0x0  }
0x14: {  	s2 =	sld [smem:$0x3F90];
	s0 =	simm.s32 @p1 $0x1  }
0x15: {  	[smem:$0x3FAD] =	sst s0;
	s0 =	simm.s32 @!p2 $0x0  }
0x16: {  	s3 =	sld [smem:$0x3FDB];
	s0 =	simm.s32 @p2 $0x1  }
0x17: {  	s4 =	simm.s32 $0x1BF5;
	[smem:$0x3FAF] =	sst s0  }
0x18: {  	s0 =	sld [smem:$0x3F92];
	_ =	swait.ge [sflag:s4], $0x0  }
0x19: {  	s7 =	sld [smem:$0x3F93]  }
0x1a: {  	s8 =	sadd.s32 $0xFFFFE003, lr  }
0x1b: {  	s9 =	sadd.s32 $0xFFFFFEF7, lr;
	s5 =	simm.s32 $0xFFFFFFFF;
	p2 =	slt.u32 s8, $0xFFFFF086  }
0x1c: {  	p1 =	slt.u32 s9, $0xF7A;
	s5 =	simm.s32 @!p2 $0x0  }
0x1d: {  	s5 =	simm.s32 @p1 $0x1;
	p0 =	seq.s32 s7, s2  }
0x1e: {  	s7 =	smul.u32 @!p0 $0xF7A, s2;
	p2 =	seq.s32 @!p0 s5, $0x0  }
0x1f: {  	s9 =	smul.u32 $0xF7A, s1;
	s8 =	simm.s32 @!p0 $0x1BF5;
	p2 =	por !p2, p0  }
0x20: {  	[sflag:s8] =	ssyncset.s32 @!p0 $0xFFFFF086;
	s6 =	sadd.s32 @!p0 s3, s7;
	s7 =	simm.s32 @!p0 $0x108  }
0x21: {  	s3 =	sadd.s32 s3, s9;
	s6 =	sadd.s32 @!p0 $0x88, s6;
	s7 =	simm.s32 @p2 $0x1082  }
0x22: {  	[simem:s7], [sflag:s8] =	dma.local @!p0 [hbm:s6], $0xF7A  }
0x23: {  	s9 =	sor.u32 $0xD0000000, s2;
	s6 =	simm.s32 $0x108;
	_ =	swait.ge @!p0 [sflag:s8], $0x0  }
0x24: {  	s3 =	sadd.s32 $0x88, s3;
	s6 =	simm.s32 @!p1 $0x1082;
	[sflag:s4] =	ssyncset.s32 $0xFFFFF086  }
0x25: {  	[simem:s6], [sflag:s4] =	dma.local [hbm:s3], $0xF7A  }
0x26: {  	[smem:$0x3F93] =	sst s1;
	(tag) =	ssettag s2;
	_ =	strace s9  }
0x27: {  	s1 =	sld [smem:$0x3FA3]  }
0x28: {  	s2 =	sld [smem:$0x3FA4]  }
0x29: {  	s4 =	sld [smem:$0x3FA6]  }
0x2a: {  	p0 =	seq.s32 s5, $0x0;
	s5 =	sld [smem:$0x3FA7]  }
0x2b: {  	s6 =	sld [smem:$0x3FA8]  }
0x2c: {  	s7 =	sld [smem:$0x3FA9]  }
0x2d: {  	s3 =	simm.s32 $0x108;
	s8 =	sld [smem:$0x3FAA]  }
0x2e: {  	s3 =	simm.s32 @!p0 $0x1082;
	s9 =	sld [smem:$0x3FAB]  }
0x2f: {  	lr =	sadd.s32 s0, s3;
	s0 =	sld [smem:$0x3FA2]  }
0x30: {  	s3 =	sld [smem:$0x3FA5]  }
0x31: {  	[smem:$0x3FAE] =	sst s10  }
0x32: {  	s10 =	sld [smem:$0x3FAC];
	_ =	sdelay $0x3  }
0x33: {  	p0 =	seq.s32 s10, $0x1;
	s10 =	sld [smem:$0x3FAE];
	_ =	sdelay $0x3  }
0x34: {  	[smem:$0x3FAE] =	sst s10  }
0x35: {  	s10 =	sld [smem:$0x3FAD];
	_ =	sdelay $0x3  }
0x36: {  	p1 =	seq.s32 s10, $0x1;
	s10 =	sld [smem:$0x3FAE];
	_ =	sdelay $0x3  }
0x37: {  	[smem:$0x3FAE] =	sst s10  }
0x38: {  	s10 =	sld [smem:$0x3FAF]  }
0x39: {  	_ = 	snop;
	(pc) =	sbr.ind lr, $3  }
0x3a: {  	_ = 	snop  }
0x3b: {  	_ = 	snop  }
0x3c: {  	p2 =	seq.s32 s10, $0x1;
	s10 =	sld [smem:$0x3FAE]  }
0x3d: {  	_ =	shalt  }
0x3e: {  	_ =	shalt  }
0x3f: {  	_ =	shalt  }
0x40: {  	_ =	shalt  }
0x41: {  	_ =	shalt  }
0x42: {  	_ =	shalt  }
0x43: {  	_ =	shalt  }
0x44: {  	_ =	shalt  }
0x45: {  	_ =	shalt  }
0x46: {  	_ =	shalt  }
0x47: {  	_ =	shalt  }
0x48: {  	_ =	shalt  }
0x49: {  	_ =	shalt  }
0x4a: {  	_ =	shalt  }
0x4b: {  	_ =	shalt  }
0x4c: {  	_ =	shalt  }
0x4d: {  	_ =	shalt  }
0x4e: {  	_ =	shalt  }
0x4f: {  	_ =	shalt  }
0x50: {  	_ =	shalt  }
0x51: {  	_ =	shalt  }
0x52: {  	_ =	shalt  }
0x53: {  	_ =	shalt  }
0x54: {  	_ =	shalt  }
0x55: {  	_ =	shalt  }
0x56: {  	_ =	shalt  }
0x57: {  	_ =	shalt  }
0x58: {  	_ =	shalt  }
0x59: {  	_ =	shalt  }
0x5a: {  	_ =	shalt  }
0x5b: {  	_ =	shalt  }
0x5c: {  	_ =	shalt  }
0x5d: {  	_ =	shalt  }
0x5e: {  	_ =	shalt  }
0x5f: {  	_ =	shalt  }
0x60: {  	_ =	shalt  }
0x61: {  	_ =	shalt  }
0x62: {  	_ =	shalt  }
0x63: {  	_ =	shalt  }
0x64: {  	_ =	shalt  }
0x65: {  	_ =	shalt  }
0x66: {  	_ =	shalt  }
0x67: {  	_ =	shalt  }
0x68: {  	_ =	shalt  }
0x69: {  	_ =	shalt  }
0x6a: {  	_ =	shalt  }
0x6b: {  	_ =	shalt  }
0x6c: {  	_ =	shalt  }
0x6d: {  	_ =	shalt  }
0x6e: {  	_ =	shalt  }
0x6f: {  	_ =	shalt  }
0x70: {  	_ =	shalt  }
0x71: {  	_ =	shalt  }
0x72: {  	_ =	shalt  }
0x73: {  	_ =	shalt  }
0x74: {  	_ =	shalt  }
0x75: {  	_ =	shalt  }
0x76: {  	_ =	shalt  }
0x77: {  	_ =	shalt  }
0x78: {  	_ =	shalt  }
0x79: {  	_ =	shalt  }
0x7a: {  	_ =	shalt  }
0x7b: {  	_ =	shalt  }
0x7c: {  	_ =	shalt  }
0x7d: {  	_ =	shalt  }
0x7e: {  	_ =	shalt  }
0x7f: {  	_ =	shalt  }
0x80: {  	_ =	shalt  }
0x81: {  	_ =	shalt  }
0x82: {  	_ =	shalt  }
0x83: {  	_ =	shalt  }
0x84: {  	_ =	shalt  }
0x85: {  	_ =	shalt  }
0x86: {  	_ =	shalt  }
0x87: {  	_ =	shalt  }
.Lfunc_end0:
.L_simem_size_0:
called_computation.1_lowered:
.L_overlay_start_0:
0x88: {  	s2 =	sld [smem:$0x3FD9]  }
0x89: {  	s3 =	sld [smem:$0x3FFE];
	_ =	sdelay $0x1  }
0x8a: {  	s1 =	srdreg.scid  }
0x8b: {  	s0 =	sand.u32 $0x1, s1  }
0x8c: {  	s16 =	sshll.u32 s0, $0xA;
	s2 =	sadd.s32 s3, s2  }
0x8d: {  	s2 =	sadd.s32 s2, s16  }
0x8e: {  	[smem:$0x3FBA] =	sst s2  }
0x8f: {  	_ = 	snop  }
0x90: {  	(tm) =	ssettm $0x1  }
0x91: {  	s17 =	sld [smem:$0x3FFB];
	_ =	sdelay $0x3  }
0x92: {  	_ =	strace s17  }
0x93: {  	s2 =	sld [smem:$0x3FFC];
	_ =	sdelay $0x3  }
0x94: {  	_ =	strace s2  }
0x95: {  	s2 =	sld [smem:$0x3FFD];
	_ =	sdelay $0x3  }
0x96: {  	_ =	strace s2  }
0x97: {  	_ =	strace $0x8FFFFFFF  }
0x98: {  	s18 =	sld [smem:$0x3FDB];
	_ =	sdelay $0x1  }
0x99: {  	s19 =	simm.s32 $_scs_section_size  }
0x9a: {  	s4 =	simm.s32 $_size__tile_overlayer_lowered;
	s5 =	simm.s32 $_tile_overlayer_lowered  }
0x9b: {  	s22 =	simm.s32 $0x1BFF;
	s21 =	sshll.u32 s5, $0x1;
	s2 =	sadd.s32 s19, s18  }
0x9c: {  	s6 =	simm.s32 $0x0;
	s20 =	sshll.u32 s4, $0x1;
	s4 =	sadd.s32 s21, s2  }
0x9d: {  	[timem:s6], [sflag:s22] =	dma.local [hbm:s4], s20  }
0x9e: {  	_ =	swait.ge [sflag:s22], s20  }
0x9f: {  	s3 =	ssub.s32 $0x0, s20;
	[sflag:s22] =	ssyncset.done $0x0  }
0xa0: {  	[sflag:s22] =	ssyncadd.s32 s3;
	_ =	sdelay $0x1  }
0xa1: {  	s23 =	simm.s32 $0x1B8B  }
0xa2: {  	_ =	swait.ge [sflag:s23], $0x1  }
0xa3: {  	[sflag:s23] =	ssyncset.done $0x0  }
0xa4: {  	s25 =	simm.s32 $0x1B8E;
	s24 =	sld [smem:$0x3FFE];
	[sflag:s23] =	ssyncadd.s32 $0xFFFFFFFF  }
0xa5: {  	s26 =	simm.s32 $execute0_lowered;
	[smem:$0x3FD2] =	sst s25  }
0xa6: {  	s4 =	sshll.u32 s26, $0x1;
	_ =	strace $0x80000049;
	[dreg:$0x1] =	wrdreg $0xFFFFFFFF  }
0xa7: {  	s28 =	simm.s32 $_size_execute0_lowered;
	s2 =	sadd.s32 s2, s4;
	[dreg:$0x0] =	wrdreg $0x0  }
0xa8: {  	s4 =	sshll.u32 s28, $0x1;
	[dreg:$0x2] =	wrdreg s2  }
0xa9: {  	[dreg:$0x3] =	wrdreg s4  }
0xaa: {  	[dreg:$0x4] =	wrdreg $0xC0  }
0xab: {  	_ =	task [dreg:s6], $0x5FFFF  }
0xac: {  	[dreg:$0x1] =	wrdreg $0xFFFFFFFF  }
0xad: {  	[dreg:$0x0] =	wrdreg $0x60  }
0xae: {  	[dreg:$0x2] =	wrdreg s24  }
0xaf: {  	[dreg:$0x3] =	wrdreg $0x0  }
0xb0: {  	[dreg:$0x4] =	wrdreg $0x9  }
0xb1: {  	_ =	task.clear_ibuf [dreg:s6], $0x5FFFF;
	_ =	strace $0x90000049  }
0xb2: {  	s29 =	simm.s32 $0x9;
	_ =	strace $0x8000004B  }
0xb3: {  	_ =	swait.ge [sflag:s29], $0x1  }
0xb4: {  	[sflag:s29] =	ssyncadd.s32 $0xFFFFFFFF  }
0xb5: {  	_ =	strace $0x9000004B  }
0xb6: {  	_ =	sfence  }
0xb7: {  	s30 =	sld [smem:$0x0];
	_ =	sdelay $0x2  }
0xb8: {  	s31 =	sshll.u32 s1, $0xD;
	s1 =	sshrl.u32 s1, $0x2  }
0xb9: {  	s3 =	sand.u32 $0x4000, s31;
	s1 =	sadd.s32 s1, s30  }
0xba: {  	s0 =	sor.u32 s3, s0;
	s1 =	sshll.u32 s1, $0x11  }
0xbb: {  	s0 =	sor.u32 s1, s0  }
0xbc: {  	s0 =	sadd.s32 $0x8F2B, s0  }
0xbd: {  	[sflag:s0] =	ssyncadd.remote.s32 $0x1  }
0xbe: {  	_ =	sfence.sel $0xFFFF  }
0xbf: {  	[dreg:$0x0] =	wrdreg $0xFFFFFFFF;
	(pc) =	sbr.abs _section_cstart, $3  }
0xc0: {  	[dreg:$0x1] =	wrdreg $0xFFFFFFFF  }
0xc1: {  	_ =	task.clear_ibuf [dreg:s6], $0x2FFFF;
	_ =	strace $0x9FFFFFFF  }
0xc2: {  	(tm) =	ssettm $0x7FFFFFFF  }
0xc3: {  	_ =	shalt  }
tec
execute0_lowered:
.L_overlay_start_1:
0x0: {  	(tag) =	ssettag $0x1  }
0x1: {  	s0 =	rddreg [dreg:$0x0]  }
0x2: {  	s2 =	rddreg [dreg:$0x1]  }
0x3: {  	s3 =	simm.s32 $0x0;
	s1 =	srdreg.scid;
	s11 =	stileid.u32  }
0x4: {  	[smem:$0x7FF] =	sst s3;
	s1 =	sand.u32 $0x1, s1;
	s9 =	smul.u32 $0x280, s11  }
0x5: {  	s4 =	sadd.s32 $0x16800, s0;
	s5 =	sadd.s32 $0xC800, s0;
	s10 =	smul.u32 $0x50000, s11  }
0x6: {  	s6 =	sadd.s32 $0x2800, s0;
	s8 =	sadd.s32 $0x3E800, s0;
	s7 =	smul.u32 $0x2800, s1  }
0x7: {  	s12 =	sadd.s32 $0x3EC00, s0;
	s16 =	sshll.u32 s11, $0xD;
	_ =	strace $0x8000004A  }
0x8: {  	[dreg:$0x3] =	wrdreg s8;
	s3 =	sadd.s32 s9, s7;
	s7 =	sshrl.u32 s10, $0x2  }
0x9: {  	[dreg:$0x4] =	wrdreg s12;
	s13 =	ssub.s32 $0x2, s1;
	s15 =	sadd.s32 s7, s2  }
0xa: {  	s14 =	sshrl.u32 s13, $0x1;
	s19 =	sadd.s32 $0x2000, s15;
	[dreg:$0x1a] =	wrdreg s15  }
0xb: {  	s3 =	sshll.u32 s3, $0x4;
	s31 =	sadd.s32 $0x4000, s15;
	[dreg:$0x17] =	wrdreg s19  }
0xc: {  	s0 =	sadd.s32 s3, s0;
	s28 =	sadd.s32 $0x6000, s15;
	[dreg:$0x7] =	wrdreg s31  }
0xd: {  	s3 =	ssub.s32 s13, s14;
	s14 =	sadd.s32 $0x8000, s15;
	[dreg:$0x11] =	wrdreg s28  }
0xe: {  	p0 =	seq.s32 s1, $0x0;
	s9 =	sadd.s32 $0x10000, s15;
	[dreg:$0x12] =	wrdreg s14  }
0xf: {  	s1 =	smul.u32 $0x3000, s11;
	s30 =	sadd.s32 $0x12000, s15;
	[dreg:$0x16] =	wrdreg s9  }
0x10: {  	s11 =	simm.s32 $0x6;
	s17 =	sadd.s32 $0x3EE00, s0;
	[dreg:$0x18] =	wrdreg s30  }
0x11: {  	s12 =	sadd.s32 $0x30000, s16;
	s18 =	smax.u32 s3, $0x1;
	[dreg:$0x5] =	wrdreg s17  }
0x12: {  	s8 =	simm.s32 $0x40;
	s20 =	sadd.s32 $0x3F200, s0;
	[dreg:$0x6] =	wrdreg s18  }
0x13: {  	s16 =	simm.s32 $0x4;
	s21 =	sadd.s32 $0x3F600, s0;
	[dreg:$0x8] =	wrdreg s20  }
0x14: {  	s10 =	simm.s32 $0x6;
	s22 =	sadd.s32 $0x3FA00, s0;
	[dreg:$0x9] =	wrdreg s21  }
0x15: {  	s12 =	smov.u32 @p0 s1;
	s23 =	sadd.s32 $0x3FE00, s0;
	[dreg:$0xa] =	wrdreg s22  }
0x16: {  	s1 =	simm.s32 $0x0;
	s24 =	sadd.s32 $0x40200, s0;
	[dreg:$0xb] =	wrdreg s23  }
0x17: {  	s10 =	simm.s32 @!p0 $0x4;
	s25 =	sadd.s32 $0x40600, s0;
	[dreg:$0xc] =	wrdreg s24  }
0x18: {  	s7 =	simm.s32 $0x1D000;
	s26 =	sadd.s32 $0x40A00, s0;
	[dreg:$0xd] =	wrdreg s25  }
0x19: {  	s13 =	simm.s32 $0x14000;
	s29 =	sadd.s32 $0x40E00, s0;
	[dreg:$0xe] =	wrdreg s26  }
0x1a: {  	s0 =	sadd.s32 $0x41200, s0;
	s19 =	sadd.s32 $0xC000, s15;
	[dreg:$0xf] =	wrdreg s29  }
0x1b: {  	s3 =	simm.s32 $0x15000;
	[dreg:$0x10] =	wrdreg s0;
	s17 =	sadd.s32 $0xA000, s15  }
0x1c: {  	s26 =	sadd.s32 $0xE000, s15;
	s18 =	simm.s32 $0x17000;
	s20 =	simm.s32 $0x19000  }
0x1d: {  	s21 =	simm.s32 $0x1;
	s22 =	simm.s32 $0x5;
	[dreg:$0x14] =	wrdreg s19  }
0x1e: {  	s23 =	simm.s32 $0x1B000;
	s24 =	simm.s32 $0x2;
	[dreg:$0x13] =	wrdreg s17  }
0x1f: {  	s25 =	simm.s32 $0x1D080;
	s15 =	simm.s32 $0x3;
	[dreg:$0x15] =	wrdreg s26  }
.LBB2_1:
0x20: {  	[dreg:$0x19] =	wrdreg s1  }
0x21: {  	s0 =	simm.s32 $0x0;
	s29 =	rddreg [dreg:$0x3]  }
0x22: {  	[tilespmem:s3], [sflag:$0x6] =	stream.linear.gather [hbm4b:s29+s0], $0x2000, $0x38;
	[tilespmem:$0x1D100] =	vst v63  }
0x23: {  	_ =	swait.ge [sflag:s11], $0x2000  }
0x24: {  	[sflag:s11] =	ssyncset.done $0x0  }
0x25: {  	s29 =	rddreg [dreg:$0x1a];
	[sflag:s11] =	ssyncadd.s32 $0xFFFFE000  }
0x26: {  	[spmem:s29] =	stream.linear.scatter [tilespmem:s3], [sflag:$0x6], $0x2000, $0x38;
	[tilespmem:$0x1D100] =	vst v63  }
0x27: {  	_ =	swait.ge [sflag:s11], $0x2000  }
0x28: {  	[sflag:s11] =	ssyncset.done $0x0  }
0x29: {  	s1 =	smov.u32 s29;
	s29 =	rddreg [dreg:$0x17];
	[sflag:s11] =	ssyncadd.s32 $0xFFFFE000  }
0x2a: {  	[spmem:s29] =	stream.linear.scatter [tilespmem:s3], [sflag:$0x6], $0x2000, $0x38;
	[tilespmem:$0x1D100] =	vst v63  }
0x2b: {  	_ =	swait.ge [sflag:s11], $0x2000  }
0x2c: {  	[sflag:s11] =	ssyncset.done $0x0  }
0x2d: {  	[sflag:s11] =	ssyncadd.s32 $0xFFFFE000  }
0x2e: {  	[spmem:s31] =	stream.linear.scatter [tilespmem:s3], [sflag:$0x6], $0x2000, $0x38;
	[tilespmem:$0x1D100] =	vst v63  }
0x2f: {  	_ =	swait.ge [sflag:s11], $0x2000  }
0x30: {  	[sflag:s11] =	ssyncset.done $0x0  }
0x31: {  	[sflag:s11] =	ssyncadd.s32 $0xFFFFE000  }
0x32: {  	[spmem:s28] =	stream.linear.scatter [tilespmem:s3], [sflag:$0x6], $0x2000, $0x38;
	[tilespmem:$0x1D100] =	vst v63  }
0x33: {  	_ =	swait.ge [sflag:s11], $0x2000  }
0x34: {  	[sflag:s11] =	ssyncset.done $0x0  }
0x35: {  	[sflag:s11] =	ssyncadd.s32 $0xFFFFE000  }
0x36: {  	[spmem:s14] =	stream.linear.scatter [tilespmem:s3], [sflag:$0x6], $0x2000, $0x38;
	[tilespmem:$0x1D100] =	vst v63  }
0x37: {  	_ =	swait.ge [sflag:s11], $0x2000  }
0x38: {  	[sflag:s11] =	ssyncset.done $0x0  }
0x39: {  	[sflag:s11] =	ssyncadd.s32 $0xFFFFE000  }
0x3a: {  	[spmem:s17] =	stream.linear.scatter [tilespmem:s3], [sflag:$0x6], $0x2000, $0x38;
	[tilespmem:$0x1D100] =	vst v63  }
0x3b: {  	_ =	swait.ge [sflag:s11], $0x2000  }
0x3c: {  	[sflag:s11] =	ssyncset.done $0x0  }
0x3d: {  	[sflag:s11] =	ssyncadd.s32 $0xFFFFE000  }
0x3e: {  	[spmem:s19] =	stream.linear.scatter [tilespmem:s3], [sflag:$0x6], $0x2000, $0x38;
	[tilespmem:$0x1D100] =	vst v63  }
0x3f: {  	_ =	swait.ge [sflag:s11], $0x2000  }
0x40: {  	[sflag:s11] =	ssyncset.done $0x0  }
0x41: {  	[sflag:s11] =	ssyncadd.s32 $0xFFFFE000  }
0x42: {  	[spmem:s26] =	stream.linear.scatter [tilespmem:s3], [sflag:$0x6], $0x2000, $0x38;
	[tilespmem:$0x1D100] =	vst v63  }
0x43: {  	_ =	swait.ge [sflag:s11], $0x2000  }
0x44: {  	[sflag:s11] =	ssyncset.done $0x0  }
0x45: {  	[sflag:s11] =	ssyncadd.s32 $0xFFFFE000  }
0x46: {  	[spmem:s9] =	stream.linear.scatter [tilespmem:s3], [sflag:$0x6], $0x2000, $0x38;
	[tilespmem:$0x1D100] =	vst v63  }
0x47: {  	_ =	swait.ge [sflag:s11], $0x2000  }
0x48: {  	[sflag:s11] =	ssyncset.done $0x0  }
0x49: {  	[sflag:s11] =	ssyncadd.s32 $0xFFFFE000  }
0x4a: {  	[spmem:s30] =	stream.linear.scatter [tilespmem:s3], [sflag:$0x6], $0x2000, $0x38;
	[tilespmem:$0x1D100] =	vst v63  }
0x4b: {  	_ =	swait.ge [sflag:s11], $0x2000  }
0x4c: {  	[sflag:s11] =	ssyncset.done $0x0  }
0x4d: {  	[sflag:s11] =	ssyncadd.s32 $0xFFFFE000  }
0x4e: {  	[bflag:$0x0] =	sbarrier.arrive $0xFFFF  }
0x4f: {  	s29 =	rddreg [dreg:$0x4]  }
0x50: {  	[tilespmem:s7], [sflag:$0x6] =	stream.linear.gather [hbm4b:s29+s0], $0x80, $0x38;
	[tilespmem:$0x1D100] =	vst v63  }
0x51: {  	s14 =	simm.s32 $0x14040;
	_ =	swait.ge [sflag:s11], $0x80  }
0x52: {  	s17 =	simm.s32 $0x14080;
	s19 =	simm.s32 $0x147C0;
	[sflag:s11] =	ssyncset.done $0x0  }
0x53: {  	s9 =	simm.s32 $0x14800;
	s29 =	simm.s32 $0x0;
	[sflag:s11] =	ssyncadd.s32 $0xFFFFFF80  }
0x54: {  	[spmem:s2] =	stream.indirect.scatter.add.f32 [tilespmem:s3], [sflag:$0x5], $0x80, s7, s8, $0xb8;
	[tilespmem:$0x1D100] =	vst v63  }
.LBB2_2:
0x55: {  	s30 =	sshll.u32 s29, $0xB  }
0x56: {  	s30 =	sadd.s32 s12, s30  }
0x57: {  	s30 =	sshrl.u32 s30, $0x3  }
0x58: {  	s0 =	simm.s32 $0x0;
	s31 =	sadd.s32 s5, s30  }
0x59: {  	[tilespmem:s13], [sflag:$0x6] =	stream.linear.gather [hbm4b:s31+s0], $0x800, $0x38;
	[tilespmem:$0x1D100] =	vst v63  }
0x5a: {  	_ =	swait.ge [sflag:s11], $0x800  }
0x5b: {  	[sflag:s11] =	ssyncset.done $0x0  }
0x5c: {  	s30 =	sadd.s32 s6, s30;
	[sflag:s11] =	ssyncadd.s32 $0xFFFFF800  }
0x5d: {  	[tilespmem:s9], [sflag:$0x6] =	stream.linear.gather [hbm4b:s30+s0], $0x800, $0x38;
	[tilespmem:$0x1D100] =	vst v63  }
0x5e: {  	_ =	swait.ge [sflag:s11], $0x800  }
0x5f: {  	[sflag:s11] =	ssyncset.done $0x0  }
0x60: {  	[sflag:s11] =	ssyncadd.s32 $0xFFFFF800  }
0x61: {  	[tilespmem:s3], [sflag:$0x1] =	stream.indirect.gather [hbm4b:s4+s8], $0x80, s13, s8, $0xb8;
	[tilespmem:$0x1D100] =	vst v63  }
0x62: {  	_ = 	snop  }
0x63: {  	[tilespmem:s18], [sflag:$0x2] =	stream.indirect.gather [hbm4b:s4+s8], $0x80, s14, s8, $0xb8;
	[tilespmem:$0x1D100] =	vst v63  }
0x64: {  	_ = 	snop  }
0x65: {  	[tilespmem:s20], [sflag:$0x3] =	stream.indirect.gather [hbm4b:s4+s8], $0x80, s17, s8, $0xb8;
	[tilespmem:$0x1D100] =	vst v63  }
0x66: {  	_ =	swait.ge [sflag:s21], $0x2000  }
0x67: {  	[sflag:s21] =	ssyncset.done $0x0  }
0x68: {  	s28 =	simm.s32 $0x0;
	[sflag:s21] =	ssyncadd.s32 $0xFFFFE000  }
0x69: {  	v0 =	vld [tilespmem:s28+$0x14800];
	_ =	sdelay $0x4  }
0x6a: {  	[tilespmem:$0x1D000] =	vst v0  }
0x6b: {  	v0 =	vld [tilespmem:s28+$0x14810];
	_ =	sdelay $0x4  }
0x6c: {  	[tilespmem:$0x1D010] =	vst v0  }
0x6d: {  	v0 =	vld [tilespmem:s28+$0x14820];
	_ =	sdelay $0x4  }
0x6e: {  	[tilespmem:$0x1D020] =	vst v0  }
0x6f: {  	v0 =	vld [tilespmem:s28+$0x14830];
	_ =	sdelay $0x4  }
0x70: {  	[tilespmem:$0x1D030] =	vst v0  }
0x71: {  	_ =	swait.ge [sflag:s22], $0x2000  }
0x72: {  	[sflag:s22] =	ssyncset.done $0x0  }
0x73: {  	[sflag:s22] =	ssyncadd.s32 $0xFFFFE000  }
0x74: {  	[spmem:s2] =	stream.indirect.scatter.add.f32 [tilespmem:s3], [sflag:$0x5], $0x80, s7, s8, $0xb8;
	[tilespmem:$0x1D100] =	vst v63  }
0x75: {  	s30 =	simm.s32 $0x140C0  }
0x76: {  	[tilespmem:s23], [sflag:$0x4] =	stream.indirect.gather [hbm4b:s4+s8], $0x80, s30, s8, $0xb8;
	[tilespmem:$0x1D100] =	vst v63  }
0x77: {  	_ =	swait.ge [sflag:s24], $0x2000  }
0x78: {  	[sflag:s24] =	ssyncset.done $0x0  }
0x79: {  	[sflag:s24] =	ssyncadd.s32 $0xFFFFE000  }
0x7a: {  	v61 =	vld [tilespmem:s28+$0x14840];
	_ =	sdelay $0x4  }
0x7b: {  	[tilespmem:$0x1D080] =	vst v61  }
0x7c: {  	v0 =	vld [tilespmem:s28+$0x14850];
	_ =	sdelay $0x4  }
0x7d: {  	[tilespmem:$0x1D090] =	vst v0  }
0x7e: {  	v0 =	vld [tilespmem:s28+$0x14860];
	_ =	sdelay $0x4  }
0x7f: {  	[tilespmem:$0x1D0A0] =	vst v0  }
0x80: {  	v0 =	vld [tilespmem:s28+$0x14870];
	_ =	sdelay $0x4  }
0x81: {  	[tilespmem:$0x1D0B0] =	vst v0  }
0x82: {  	_ =	swait.ge [sflag:s22], $0x2000  }
0x83: {  	[sflag:s22] =	ssyncset.done $0x0  }
0x84: {  	[sflag:s22] =	ssyncadd.s32 $0xFFFFE000  }
0x85: {  	[spmem:s2] =	stream.indirect.scatter.add.f32 [tilespmem:s18], [sflag:$0x5], $0x80, s25, s8, $0xb8;
	[tilespmem:$0x1D100] =	vst v63  }
0x86: {  	s30 =	simm.s32 $0x14100  }
0x87: {  	[tilespmem:s3], [sflag:$0x1] =	stream.indirect.gather [hbm4b:s4+s8], $0x80, s30, s8, $0xb8;
	[tilespmem:$0x1D100] =	vst v63  }
0x88: {  	_ =	swait.ge [sflag:s15], $0x2000  }
0x89: {  	[sflag:s15] =	ssyncset.done $0x0  }
0x8a: {  	[sflag:s15] =	ssyncadd.s32 $0xFFFFE000  }
0x8b: {  	v62 =	vld [tilespmem:s28+$0x14880];
	_ =	sdelay $0x4  }
0x8c: {  	[tilespmem:$0x1D000] =	vst v62  }
0x8d: {  	v0 =	vld [tilespmem:s28+$0x14890];
	_ =	sdelay $0x4  }
0x8e: {  	[tilespmem:$0x1D010] =	vst v0  }
0x8f: {  	v0 =	vld [tilespmem:s28+$0x148A0];
	_ =	sdelay $0x4  }
0x90: {  	[tilespmem:$0x1D020] =	vst v0  }
0x91: {  	v0 =	vld [tilespmem:s28+$0x148B0];
	_ =	sdelay $0x4  }
0x92: {  	[tilespmem:$0x1D030] =	vst v0  }
0x93: {  	_ =	swait.ge [sflag:s22], $0x2000  }
0x94: {  	[sflag:s22] =	ssyncset.done $0x0  }
0x95: {  	[sflag:s22] =	ssyncadd.s32 $0xFFFFE000  }
0x96: {  	[spmem:s2] =	stream.indirect.scatter.add.f32 [tilespmem:s20], [sflag:$0x5], $0x80, s7, s8, $0xb8;
	[tilespmem:$0x1D100] =	vst v63  }
0x97: {  	s30 =	simm.s32 $0x14140  }
0x98: {  	[tilespmem:s18], [sflag:$0x2] =	stream.indirect.gather [hbm4b:s4+s8], $0x80, s30, s8, $0xb8;
	[tilespmem:$0x1D100] =	vst v63  }
0x99: {  	_ =	swait.ge [sflag:s16], $0x2000  }
0x9a: {  	[sflag:s16] =	ssyncset.done $0x0  }
0x9b: {  	[sflag:s16] =	ssyncadd.s32 $0xFFFFE000  }
0x9c: {  	v63 =	vld [tilespmem:s28+$0x148C0];
	_ =	sdelay $0x4  }
0x9d: {  	[tilespmem:$0x1D080] =	vst v63  }
0x9e: {  	v0 =	vld [tilespmem:s28+$0x148D0];
	_ =	sdelay $0x4  }
0x9f: {  	[tilespmem:$0x1D090] =	vst v0  }
0xa0: {  	v0 =	vld [tilespmem:s28+$0x148E0];
	_ =	sdelay $0x4  }
0xa1: {  	[tilespmem:$0x1D0A0] =	vst v0  }
0xa2: {  	v0 =	vld [tilespmem:s28+$0x148F0];
	_ =	sdelay $0x4  }
0xa3: {  	[tilespmem:$0x1D0B0] =	vst v0  }
0xa4: {  	_ =	swait.ge [sflag:s22], $0x2000  }
0xa5: {  	[sflag:s22] =	ssyncset.done $0x0  }
0xa6: {  	s31 =	simm.s32 $0x14180;
	s30 =	simm.s32 $0x400;
	[sflag:s22] =	ssyncadd.s32 $0xFFFFE000  }
0xa7: {  	[spmem:s2] =	stream.indirect.scatter.add.f32 [tilespmem:s23], [sflag:$0x5], $0x80, s25, s8, $0xb8;
	[tilespmem:$0x1D100] =	vst v63  }
.LBB2_3:
0xa8: {  	[tilespmem:s20], [sflag:$0x3] =	stream.indirect.gather [hbm4b:s4+s8], $0x80, s31, s8, $0xb8;
	[tilespmem:$0x1D100] =	vst v63  }
0xa9: {  	s0 =	smov.u32 s30  }
0xaa: {  	p0 =	sne.s32 s30, $0x1800;
	s30 =	sadd.s32 $0x400, s30;
	_ =	swait.ge [sflag:s21], $0x2000  }
0xab: {  	[sflag:s21] =	ssyncset.done $0x0  }
0xac: {  	s31 =	sshra.s32 s0, $0x2;
	[sflag:s21] =	ssyncadd.s32 $0xFFFFE000  }
0xad: {  	v0 =	vld [tilespmem:s31+$0x14800];
	_ =	sdelay $0x4  }
0xae: {  	[tilespmem:$0x1D000] =	vst v0  }
0xaf: {  	v0 =	vld [tilespmem:s31+$0x14810];
	_ =	sdelay $0x4  }
0xb0: {  	[tilespmem:$0x1D010] =	vst v0  }
0xb1: {  	v0 =	vld [tilespmem:s31+$0x14820];
	_ =	sdelay $0x4  }
0xb2: {  	[tilespmem:$0x1D020] =	vst v0  }
0xb3: {  	v0 =	vld [tilespmem:s31+$0x14830];
	_ =	sdelay $0x4  }
0xb4: {  	[tilespmem:$0x1D030] =	vst v0  }
0xb5: {  	_ =	swait.ge [sflag:s22], $0x2000  }
0xb6: {  	[sflag:s22] =	ssyncset.done $0x0  }
0xb7: {  	[sflag:s22] =	ssyncadd.s32 $0xFFFFE000  }
0xb8: {  	[spmem:s2] =	stream.indirect.scatter.add.f32 [tilespmem:s3], [sflag:$0x5], $0x80, s7, s8, $0xb8;
	[tilespmem:$0x1D100] =	vst v63  }
0xb9: {  	s0 =	sadd.s32 $0x140C0, s31  }
0xba: {  	[tilespmem:s23], [sflag:$0x4] =	stream.indirect.gather [hbm4b:s4+s8], $0x80, s0, s8, $0xb8;
	[tilespmem:$0x1D100] =	vst v63  }
0xbb: {  	_ =	swait.ge [sflag:s24], $0x2000  }
0xbc: {  	[sflag:s24] =	ssyncset.done $0x0  }
0xbd: {  	[sflag:s24] =	ssyncadd.s32 $0xFFFFE000  }
0xbe: {  	v0 =	vld [tilespmem:s31+$0x14840];
	_ =	sdelay $0x4  }
0xbf: {  	[tilespmem:$0x1D080] =	vst v0  }
0xc0: {  	v0 =	vld [tilespmem:s31+$0x14850];
	_ =	sdelay $0x4  }
0xc1: {  	[tilespmem:$0x1D090] =	vst v0  }
0xc2: {  	v0 =	vld [tilespmem:s31+$0x14860];
	_ =	sdelay $0x4  }
0xc3: {  	[tilespmem:$0x1D0A0] =	vst v0  }
0xc4: {  	v0 =	vld [tilespmem:s31+$0x14870];
	_ =	sdelay $0x4  }
0xc5: {  	[tilespmem:$0x1D0B0] =	vst v0  }
0xc6: {  	_ =	swait.ge [sflag:s22], $0x2000  }
0xc7: {  	[sflag:s22] =	ssyncset.done $0x0  }
0xc8: {  	[sflag:s22] =	ssyncadd.s32 $0xFFFFE000  }
0xc9: {  	[spmem:s2] =	stream.indirect.scatter.add.f32 [tilespmem:s18], [sflag:$0x5], $0x80, s25, s8, $0xb8;
	[tilespmem:$0x1D100] =	vst v63  }
0xca: {  	s0 =	sadd.s32 $0x14100, s31  }
0xcb: {  	[tilespmem:s3], [sflag:$0x1] =	stream.indirect.gather [hbm4b:s4+s8], $0x80, s0, s8, $0xb8;
	[tilespmem:$0x1D100] =	vst v63  }
0xcc: {  	_ =	swait.ge [sflag:s15], $0x2000  }
0xcd: {  	[sflag:s15] =	ssyncset.done $0x0  }
0xce: {  	[sflag:s15] =	ssyncadd.s32 $0xFFFFE000  }
0xcf: {  	v0 =	vld [tilespmem:s31+$0x14880];
	_ =	sdelay $0x4  }
0xd0: {  	[tilespmem:$0x1D000] =	vst v0  }
0xd1: {  	v0 =	vld [tilespmem:s31+$0x14890];
	_ =	sdelay $0x4  }
0xd2: {  	[tilespmem:$0x1D010] =	vst v0  }
0xd3: {  	v0 =	vld [tilespmem:s31+$0x148A0];
	_ =	sdelay $0x4  }
0xd4: {  	[tilespmem:$0x1D020] =	vst v0  }
0xd5: {  	v0 =	vld [tilespmem:s31+$0x148B0];
	_ =	sdelay $0x4  }
0xd6: {  	[tilespmem:$0x1D030] =	vst v0  }
0xd7: {  	_ =	swait.ge [sflag:s22], $0x2000  }
0xd8: {  	[sflag:s22] =	ssyncset.done $0x0  }
0xd9: {  	[sflag:s22] =	ssyncadd.s32 $0xFFFFE000  }
0xda: {  	[spmem:s2] =	stream.indirect.scatter.add.f32 [tilespmem:s20], [sflag:$0x5], $0x80, s7, s8, $0xb8;
	[tilespmem:$0x1D100] =	vst v63  }
0xdb: {  	s0 =	sadd.s32 $0x14140, s31  }
0xdc: {  	[tilespmem:s18], [sflag:$0x2] =	stream.indirect.gather [hbm4b:s4+s8], $0x80, s0, s8, $0xb8;
	[tilespmem:$0x1D100] =	vst v63  }
0xdd: {  	_ =	swait.ge [sflag:s16], $0x2000  }
0xde: {  	[sflag:s16] =	ssyncset.done $0x0  }
0xdf: {  	[sflag:s16] =	ssyncadd.s32 $0xFFFFE000  }
0xe0: {  	v0 =	vld [tilespmem:s31+$0x148C0];
	_ =	sdelay $0x4  }
0xe1: {  	[tilespmem:$0x1D080] =	vst v0  }
0xe2: {  	v0 =	vld [tilespmem:s31+$0x148D0];
	_ =	sdelay $0x4  }
0xe3: {  	[tilespmem:$0x1D090] =	vst v0  }
0xe4: {  	v0 =	vld [tilespmem:s31+$0x148E0];
	_ =	sdelay $0x4  }
0xe5: {  	[tilespmem:$0x1D0A0] =	vst v0  }
0xe6: {  	v0 =	vld [tilespmem:s31+$0x148F0];
	_ =	sdelay $0x4  }
0xe7: {  	[tilespmem:$0x1D0B0] =	vst v0  }
.Ltmp0:
0xe8: {  	_ =	swait.ge [sflag:s22], $0x2000;
	(pc) =	sbr.rel @p0 .LBB2_3-.Ltmp0, $4  }
0xe9: {  	[sflag:s22] =	ssyncset.done $0x0  }
0xea: {  	[sflag:s22] =	ssyncadd.s32 $0xFFFFE000  }
0xeb: {  	[spmem:s2] =	stream.indirect.scatter.add.f32 [tilespmem:s23], [sflag:$0x5], $0x80, s25, s8, $0xb8;
	[tilespmem:$0x1D100] =	vst v63  }
0xec: {  	s31 =	sadd.s32 $0x14180, s31  }
0xed: {  	[tilespmem:s20], [sflag:$0x3] =	stream.indirect.gather [hbm4b:s4+s8], $0x80, s31, s8, $0xb8;
	[tilespmem:$0x1D100] =	vst v63  }
0xee: {  	_ =	swait.ge [sflag:s21], $0x2000  }
0xef: {  	[sflag:s21] =	ssyncset.done $0x0  }
0xf0: {  	[sflag:s21] =	ssyncadd.s32 $0xFFFFE000  }
0xf1: {  	v0 =	vld [tilespmem:$0x14F00]  }
0xf2: {  	v1 =	vld [tilespmem:$0x14F10]  }
0xf3: {  	v2 =	vld [tilespmem:$0x14F20]  }
0xf4: {  	v3 =	vld [tilespmem:$0x14F30];
	_ =	sdelay $0x1  }
0xf5: {  	[tilespmem:$0x1D000] =	vst v0  }
0xf6: {  	[tilespmem:$0x1D010] =	vst v1  }
0xf7: {  	[tilespmem:$0x1D020] =	vst v2  }
0xf8: {  	[tilespmem:$0x1D030] =	vst v3  }
0xf9: {  	_ =	swait.ge [sflag:s22], $0x2000  }
0xfa: {  	[sflag:s22] =	ssyncset.done $0x0  }
0xfb: {  	[sflag:s22] =	ssyncadd.s32 $0xFFFFE000  }
0xfc: {  	[spmem:s2] =	stream.indirect.scatter.add.f32 [tilespmem:s3], [sflag:$0x5], $0x80, s7, s8, $0xb8;
	[tilespmem:$0x1D100] =	vst v63  }
0xfd: {  	_ = 	snop  }
0xfe: {  	[tilespmem:s23], [sflag:$0x4] =	stream.indirect.gather [hbm4b:s4+s8], $0x80, s19, s8, $0xb8;
	[tilespmem:$0x1D100] =	vst v63  }
0xff: {  	_ =	swait.ge [sflag:s24], $0x2000  }
0x100: {  	[sflag:s24] =	ssyncset.done $0x0  }
0x101: {  	[sflag:s24] =	ssyncadd.s32 $0xFFFFE000  }
0x102: {  	v52 =	vld [tilespmem:$0x14F40]  }
0x103: {  	v53 =	vld [tilespmem:$0x14F50]  }
0x104: {  	v54 =	vld [tilespmem:$0x14F60]  }
0x105: {  	v55 =	vld [tilespmem:$0x14F70];
	_ =	sdelay $0x1  }
0x106: {  	[tilespmem:$0x1D080] =	vst v52  }
0x107: {  	[tilespmem:$0x1D090] =	vst v53  }
0x108: {  	[tilespmem:$0x1D0A0] =	vst v54  }
0x109: {  	[tilespmem:$0x1D0B0] =	vst v55  }
0x10a: {  	_ =	swait.ge [sflag:s22], $0x2000  }
0x10b: {  	[sflag:s22] =	ssyncset.done $0x0  }
0x10c: {  	[sflag:s22] =	ssyncadd.s32 $0xFFFFE000  }
0x10d: {  	[spmem:s2] =	stream.indirect.scatter.add.f32 [tilespmem:s18], [sflag:$0x5], $0x80, s25, s8, $0xb8;
	[tilespmem:$0x1D100] =	vst v63  }
0x10e: {  	_ =	swait.ge [sflag:s15], $0x2000  }
0x10f: {  	[sflag:s15] =	ssyncset.done $0x0  }
0x110: {  	[sflag:s15] =	ssyncadd.s32 $0xFFFFE000  }
0x111: {  	v56 =	vld [tilespmem:$0x14F80]  }
0x112: {  	v57 =	vld [tilespmem:$0x14F90]  }
0x113: {  	v58 =	vld [tilespmem:$0x14FA0]  }
0x114: {  	v59 =	vld [tilespmem:$0x14FB0];
	_ =	sdelay $0x1  }
0x115: {  	[tilespmem:$0x1D000] =	vst v56  }
0x116: {  	[tilespmem:$0x1D010] =	vst v57  }
0x117: {  	[tilespmem:$0x1D020] =	vst v58  }
0x118: {  	[tilespmem:$0x1D030] =	vst v59  }
0x119: {  	_ =	swait.ge [sflag:s22], $0x2000  }
0x11a: {  	[sflag:s22] =	ssyncset.done $0x0  }
0x11b: {  	[sflag:s22] =	ssyncadd.s32 $0xFFFFE000  }
0x11c: {  	[spmem:s2] =	stream.indirect.scatter.add.f32 [tilespmem:s20], [sflag:$0x5], $0x80, s7, s8, $0xb8;
	[tilespmem:$0x1D100] =	vst v63  }
0x11d: {  	_ =	swait.ge [sflag:s16], $0x2000  }
0x11e: {  	[sflag:s16] =	ssyncset.done $0x0  }
0x11f: {  	[sflag:s16] =	ssyncadd.s32 $0xFFFFE000  }
0x120: {  	v60 =	vld [tilespmem:$0x14FC0]  }
0x121: {  	v61 =	vld [tilespmem:$0x14FD0]  }
0x122: {  	v62 =	vld [tilespmem:$0x14FE0]  }
0x123: {  	v63 =	vld [tilespmem:$0x14FF0];
	_ =	sdelay $0x1  }
0x124: {  	[tilespmem:$0x1D080] =	vst v60  }
0x125: {  	s29 =	sadd.s32 $0x1, s29;
	[tilespmem:$0x1D090] =	vst v61  }
0x126: {  	p0 =	sne.s32 s29, s10;
	[tilespmem:$0x1D0A0] =	vst v62  }
.Ltmp1:
0x127: {  	[tilespmem:$0x1D0B0] =	vst v63;
	(pc) =	sbr.rel @p0 .LBB2_2-.Ltmp1, $4  }
0x128: {  	_ =	swait.ge [sflag:s22], $0x2000  }
0x129: {  	[sflag:s22] =	ssyncset.done $0x0  }
0x12a: {  	[sflag:s22] =	ssyncadd.s32 $0xFFFFE000  }
0x12b: {  	[spmem:s2] =	stream.indirect.scatter.add.f32 [tilespmem:s23], [sflag:$0x5], $0x80, s25, s8, $0xb8;
	[tilespmem:$0x1D100] =	vst v63  }
0x12c: {  	_ =	swait.ge [sflag:s22], $0x2000  }
0x12d: {  	[sflag:s22] =	ssyncset.done $0x0  }
0x12e: {  	s0 =	stileid.u32;
	[sflag:s22] =	ssyncadd.s32 $0xFFFFE000  }
0x12f: {  	s0 =	sshll.u32 s0, $0x6;
	[bflag:$0x0] =	sbarrier.arrive $0xFFFF  }
0x130: {  	s29 =	sshrl.u32 s1, $0x3;
	s0 =	sor.u32 $0x1C06, s0;
	s30 =	rddreg [dreg:$0x5]  }
0x131: {  	[hbm:s30], [sflag:s0] =	dma.local [spmem:s29], $0x400  }
0x132: {  	_ =	swait.ge [sflag:s11], $0x400  }
0x133: {  	[sflag:s11] =	ssyncset.done $0x0;
	s29 =	rddreg [dreg:$0x17]  }
0x134: {  	s9 =	rddreg [dreg:$0x8];
	[sflag:s11] =	ssyncadd.s32 $0xFFFFFC00;
	s1 =	sshrl.u32 s29, $0x3  }
0x135: {  	[hbm:s9], [sflag:s0] =	dma.local [spmem:s1], $0x400  }
0x136: {  	_ =	swait.ge [sflag:s11], $0x400  }
0x137: {  	[sflag:s11] =	ssyncset.done $0x0;
	s31 =	rddreg [dreg:$0x7]  }
0x138: {  	s17 =	rddreg [dreg:$0x9];
	[sflag:s11] =	ssyncadd.s32 $0xFFFFFC00;
	s14 =	sshrl.u32 s31, $0x3  }
0x139: {  	[hbm:s17], [sflag:s0] =	dma.local [spmem:s14], $0x400  }
0x13a: {  	_ =	swait.ge [sflag:s11], $0x400  }
0x13b: {  	[sflag:s11] =	ssyncset.done $0x0;
	s28 =	rddreg [dreg:$0x11]  }
0x13c: {  	s26 =	rddreg [dreg:$0xa];
	[sflag:s11] =	ssyncadd.s32 $0xFFFFFC00;
	s19 =	sshrl.u32 s28, $0x3  }
0x13d: {  	[hbm:s26], [sflag:s0] =	dma.local [spmem:s19], $0x400  }
0x13e: {  	_ =	swait.ge [sflag:s11], $0x400  }
0x13f: {  	[sflag:s11] =	ssyncset.done $0x0;
	s14 =	rddreg [dreg:$0x12]  }
0x140: {  	s17 =	rddreg [dreg:$0xb];
	[sflag:s11] =	ssyncadd.s32 $0xFFFFFC00;
	s9 =	sshrl.u32 s14, $0x3  }
0x141: {  	[hbm:s17], [sflag:s0] =	dma.local [spmem:s9], $0x400  }
0x142: {  	_ =	swait.ge [sflag:s11], $0x400  }
0x143: {  	[sflag:s11] =	ssyncset.done $0x0;
	s17 =	rddreg [dreg:$0x13]  }
0x144: {  	s26 =	rddreg [dreg:$0xc];
	[sflag:s11] =	ssyncadd.s32 $0xFFFFFC00;
	s19 =	sshrl.u32 s17, $0x3  }
0x145: {  	[hbm:s26], [sflag:s0] =	dma.local [spmem:s19], $0x400  }
0x146: {  	_ =	swait.ge [sflag:s11], $0x400  }
0x147: {  	[sflag:s11] =	ssyncset.done $0x0;
	s19 =	rddreg [dreg:$0x14]  }
0x148: {  	s26 =	rddreg [dreg:$0xd];
	[sflag:s11] =	ssyncadd.s32 $0xFFFFFC00;
	s9 =	sshrl.u32 s19, $0x3  }
0x149: {  	[hbm:s26], [sflag:s0] =	dma.local [spmem:s9], $0x400  }
0x14a: {  	_ =	swait.ge [sflag:s11], $0x400  }
0x14b: {  	[sflag:s11] =	ssyncset.done $0x0;
	s26 =	rddreg [dreg:$0x15]  }
0x14c: {  	s9 =	rddreg [dreg:$0xe];
	[sflag:s11] =	ssyncadd.s32 $0xFFFFFC00;
	s1 =	sshrl.u32 s26, $0x3  }
0x14d: {  	[hbm:s9], [sflag:s0] =	dma.local [spmem:s1], $0x400  }
0x14e: {  	_ =	swait.ge [sflag:s11], $0x400  }
0x14f: {  	[sflag:s11] =	ssyncset.done $0x0;
	s9 =	rddreg [dreg:$0x16]  }
0x150: {  	s1 =	rddreg [dreg:$0xf];
	[sflag:s11] =	ssyncadd.s32 $0xFFFFFC00;
	s29 =	sshrl.u32 s9, $0x3  }
0x151: {  	[hbm:s1], [sflag:s0] =	dma.local [spmem:s29], $0x400  }
0x152: {  	_ =	swait.ge [sflag:s11], $0x400  }
0x153: {  	[sflag:s11] =	ssyncset.done $0x0;
	s30 =	rddreg [dreg:$0x18]  }
0x154: {  	s1 =	rddreg [dreg:$0x10];
	[sflag:s11] =	ssyncadd.s32 $0xFFFFFC00;
	s29 =	sshrl.u32 s30, $0x3  }
0x155: {  	[hbm:s1], [sflag:s0] =	dma.local [spmem:s29], $0x400  }
0x156: {  	_ =	swait.ge [sflag:s11], $0x400  }
0x157: {  	s0 =	rddreg [dreg:$0x19]  }
0x158: {  	s29 =	rddreg [dreg:$0x6];
	s1 =	sadd.s32 $0x1, s0  }
0x159: {  	p0 =	sne.s32 s1, s29  }
.Ltmp2:
0x15a: {  	_ = 	snop;
	(pc) =	sbr.rel @p0 .LBB2_1-.Ltmp2, $3  }
0x15b: {  	_ =	sdelay $0x1  }
0x15c: {  	[sflag:s11] =	ssyncset.done $0x0  }
0x15d: {  	[sflag:s11] =	ssyncadd.s32 $0xFFFFFC00  }
0x15e: {  	_ =	sfence.sel $0x180000  }
0x15f: {  	[bflag:$0x0] =	sbarrier.arrive $0xFFFF  }
0x160: {  	_ =	strace $0x9000004A  }
0x161: {  	s0 =	stileid.u32;
	[bflag:$0x2] =	sbarrier.arrive $0xFFFF  }
0x162: {  	p0 =	sne.s32 s0, $0x0;
	s0 =	rddreg [dreg:$0x2]  }
0x163: {  	s0 =	sadd.s32 @!p0 $0x100000, s0  }
0x164: {  	[sflag:s0] =	ssyncadd.tile.s32 @!p0 $0x1;
	_ =	shalt  }
.Lfunc_end2:
_tile_overlayer_lowered:
.L_overlay_start_2:
0x165: {  	(tag) =	ssettag $0x2  }
0x166: {  	s0 =	rddreg [dreg:$0x0];
	s2 =	stileid.u32  }
0x167: {  	s1 =	rddreg [dreg:$0x1];
	p0 =	sne.s32 s2, $0x0  }
0x168: {  	s3 =	rddreg [dreg:$0x2];
	[bflag:$0x3] =	sbarrier.arrive $0xFFFF;
	s2 =	simm.s32 @!p0 $0x1C06  }
0x169: {  	[timem:s3], [sflag:s2] =	dma.local @!p0 [hbm:s0], s1  }
0x16a: {  	s0 =	simm.s32 @!p0 $0x6  }
0x16b: {  	_ =	swait.ge @!p0 [sflag:s0], s1  }
0x16c: {  	s1 =	ssub.s32 @!p0 $0x0, s1;
	[sflag:s0] =	ssyncset.done @!p0 $0x0  }
0x16d: {  	[sflag:s0] =	ssyncadd.s32 @!p0 s1  }
0x16e: {  	[bflag:$0x3] =	sbarrier.arrive $0xFFFF  }
0x16f: {  	_ =	shalt  }

</sc_bundles>
